<compile_context>
chip_gen: v7x
topology: tpu7x:2x2x1
jax: 0.10.2.dev20260603
libtpu: 0.0.44.dev20260713+nightly
codegen_flags: <defaults>
</compile_context>

<pallas_src>
import functools

import jax
import jax.numpy as jnp
from jax import lax
from jax.experimental import pallas as pl
from jax.experimental.pallas import tpu as pltpu
from jax.experimental.pallas import tpu_sc as plsc

N = 50000
E = 800000
D = 64
H = D // 2
HA = H

NS = 16
NC = 2
NPAD = 50048
RPT = NPAD // NS
K = 128
EPT = 50048
NCHUNK = EPT // K
EPAD = EPT * NS
BLK = 3128


def _tc_pre(x_ref, o_ref, win_ref, bin_ref, wo_ref, wf_ref, wout_ref, bf_ref,
            tab_ref, wc_ref, bc_ref):
    x = x_ref[...]
    o = o_ref[...]
    r = jnp.dot(x, win_ref[...].T, preferred_element_type=jnp.float32) + bin_ref[...]
    l = jnp.dot(o, wo_ref[...].T, preferred_element_type=jnp.float32)
    tab_ref[0] = r[:, :H]
    tab_ref[1] = r[:, H:]
    tab_ref[2] = l[:, :H]
    tab_ref[3] = l[:, H:]

    @pl.when(pl.program_id(0) == 0)
    def _():
        wo1 = wout_ref[:, :D]
        wc_ref[...] = jnp.dot(wo1, wf_ref[...], preferred_element_type=jnp.float32)
        bc_ref[...] = jnp.dot(bf_ref[...], wo1.T, preferred_element_type=jnp.float32)


def _tc_post(st_ref, deg_ref, x_ref, wc_ref, bc_ref, wout_ref, bout_ref, out_ref):
    s0 = st_ref[0]
    s1 = st_ref[1]
    wc = wc_ref[...]
    out = jnp.dot(s0, wc[:, :H].T, preferred_element_type=jnp.float32)
    out += jnp.dot(s1, wc[:, H:].T, preferred_element_type=jnp.float32)
    out += (deg_ref[0, :, 0:1] + deg_ref[1, :, 0:1]) * bc_ref[...]
    out += jnp.dot(x_ref[...], wout_ref[:, D:].T, preferred_element_type=jnp.float32)
    out_ref[...] = out + bout_ref[...]


_DNUMS = lax.GatherDimensionNumbers(
    offset_dims=(), collapsed_slice_dims=(0,), start_index_map=(0,))


def _sc_body(tab_hbm, pack_hbm, wf_hbm, we_hbm, zs_hbm,
             s_out,
             s_acc, we_v, idxp, sidx, wbuf, rbuf, lbuf, mbuf,
             sem_i, sem_w, sem_gr, sem_gl, sem_s):
    c = lax.axis_index("c")
    s = lax.axis_index("s")

    rows = pl.ds(pl.multiple_of(s * RPT, 8), RPT)
    pltpu.sync_copy(zs_hbm.at[rows], s_acc.at[rows])
    pltpu.sync_copy(we_hbm.at[pl.ds(pl.multiple_of(c * H, 8), H)], we_v)
    plsc.subcore_barrier()

    base_blk = s * NCHUNK

    def issue_idx(g, b):
        pltpu.async_copy(pack_hbm.at[c, base_blk + g], idxp[b], sem_i[b])

    def issue_w(g, b):
        pltpu.async_copy(wf_hbm.at[base_blk + g], wbuf[b], sem_w[b])

    def issue_gathers(b):
        pltpu.async_copy(tab_hbm.at[idxp[b].at[0]], rbuf[b], sem_gr[b])
        pltpu.async_copy(tab_hbm.at[idxp[b].at[1]], lbuf[b], sem_gl[b])

    def wait(src, dst, sem):
        pltpu.make_async_copy(src, dst, sem).wait()

    issue_idx(0, 0)
    issue_w(0, 0)
    wait(pack_hbm.at[c, base_blk], idxp[0], sem_i[0])
    issue_gathers(0)
    issue_idx(1, 1)
    issue_w(1, 1)

    def body(g, b, nb):
        @pl.when(g >= 2)
        def _():
            wait(mbuf[b], s_acc.at[sidx[b]], sem_s[b])

        wait(tab_hbm.at[idxp[b].at[0]], rbuf[b], sem_gr[b])
        wait(tab_hbm.at[idxp[b].at[1]], lbuf[b], sem_gl[b])

        @pl.when(g + 1 < NCHUNK)
        def _():
            wait(pack_hbm.at[c, base_blk], idxp[nb], sem_i[nb])
            issue_gathers(nb)

        roff = c * NPAD
        for j in range(K // 16):
            sl = pl.ds(j * 16, 16)
            sidx[b][sl] = idxp[b][0, sl] - roff

        @pl.when(g + 2 < NCHUNK)
        def _():
            issue_idx(g + 2, b)

        wait(wf_hbm.at[base_blk], wbuf[b], sem_w[b])

        def grp(j, carry):
            w16 = wbuf[b][pl.ds(j * 16, 16)]
            for i in range(16):
                wsp = lax.gather(
                    w16, jnp.full((16, 1), i, jnp.int32), _DNUMS, (1,),
                    mode=lax.GatherScatterMode.PROMISE_IN_BOUNDS)
                e = j * 16 + i
                for h in range(2):
                    slh = pl.ds(h * 16, 16)
                    m = rbuf[b][e, slh] + lbuf[b][e, slh] + wsp * we_v[slh]
                    mbuf[b][e, slh] = jnp.maximum(m, 0.01 * m)
            return carry

        lax.fori_loop(0, K // 16, grp, 0)

        @pl.when(g + 2 < NCHUNK)
        def _():
            issue_w(g + 2, b)

        pltpu.async_copy(mbuf[b], s_acc.at[sidx[b]], sem_s[b], add=True)

    def outer(gg, carry):
        for bb in range(2):
            g = gg * 2 + bb

            @pl.when(g < NCHUNK)
            def _():
                body(g, bb, 1 - bb)

        return carry

    lax.fori_loop(0, (NCHUNK + 1) // 2, outer, 0)

    wait(mbuf[1], s_acc.at[sidx[1]], sem_s[1])
    wait(mbuf[0], s_acc.at[sidx[0]], sem_s[0])
    plsc.subcore_barrier()

    pltpu.sync_copy(s_acc.at[rows], s_out.at[pl.ds(c * NPAD + s * RPT, RPT)])


KD = 128
EPT2 = 25088
NCHUNK2 = EPT2 // KD
EPAD2 = EPT2 * NC * NS


def _sc_deg(rj_hbm, zd_hbm, ones_hbm, deg_out, deg_acc, rj_v, sidx, ones_b,
            sem_i, sem_sc):
    c = lax.axis_index("c")
    s = lax.axis_index("s")
    rows = pl.ds(pl.multiple_of(s * RPT, 8), RPT)
    pltpu.sync_copy(zd_hbm.at[rows], deg_acc.at[rows])
    pltpu.sync_copy(ones_hbm, ones_b)
    plsc.subcore_barrier()

    base = (c * NS + s) * EPT2

    def issue_idx(g, b):
        off = pl.multiple_of(base + g * KD, 8)
        pltpu.async_copy(rj_hbm.at[pl.ds(off, KD)], rj_v[b], sem_i[b])

    def wait(src, dst, sem):
        pltpu.make_async_copy(src, dst, sem).wait()

    issue_idx(0, 0)
    issue_idx(1, 1)

    def body(g, b):
        @pl.when(g >= 2)
        def _():
            wait(ones_b, deg_acc.at[sidx[b]], sem_sc[b])

        wait(rj_hbm.at[pl.ds(base, KD)], rj_v[b], sem_i[b])
        for j in range(KD // 16):
            sl = pl.ds(j * 16, 16)
            sidx[b][sl] = rj_v[b][sl]

        @pl.when(g + 2 < NCHUNK2)
        def _():
            issue_idx(g + 2, b)

        pltpu.async_copy(ones_b, deg_acc.at[sidx[b]], sem_sc[b], add=True)

    def outer(gg, carry):
        for bb in range(2):
            body(gg * 2 + bb, bb)
        return carry

    lax.fori_loop(0, NCHUNK2 // 2, outer, 0)
    wait(ones_b, deg_acc.at[sidx[0]], sem_sc[0])
    wait(ones_b, deg_acc.at[sidx[1]], sem_sc[1])
    plsc.subcore_barrier()
    pltpu.sync_copy(deg_acc.at[rows], deg_out.at[pl.ds(c * NPAD + s * RPT, RPT)])


def kernel(input, other, coupling, weights, W_in, b_in, W_e, W_o, W_f, b_f,
           W_out, b_out):
    f32 = jnp.float32
    i32 = jnp.int32
    xp = jnp.pad(input.astype(f32), ((0, NPAD - N), (0, 0)))
    op = jnp.pad(other.astype(f32), ((0, NPAD - N), (0, 0)))
    pad = EPAD - E
    rjp = jnp.concatenate([coupling[0].astype(i32), jnp.full((pad,), N, i32)])
    ljp = jnp.concatenate([coupling[1].astype(i32), jnp.zeros((pad,), i32)])
    wp = jnp.concatenate([weights[:, 0].astype(f32), jnp.zeros((pad,), f32)])
    we_flat = W_e[:, 0].astype(f32)
    b_in2 = b_in.reshape(1, D).astype(f32)
    b_f2 = b_f.reshape(1, D).astype(f32)
    b_out2 = b_out.reshape(1, D).astype(f32)

    grid = NPAD // BLK
    full = lambda i: (0, 0)
    tab, w_c, b_c = pl.pallas_call(
        _tc_pre,
        grid=(grid,),
        in_specs=[
            pl.BlockSpec((BLK, D), lambda i: (i, 0)),
            pl.BlockSpec((BLK, D), lambda i: (i, 0)),
            pl.BlockSpec((D, D), full),
            pl.BlockSpec((1, D), full),
            pl.BlockSpec((D, D), full),
            pl.BlockSpec((D, D), full),
            pl.BlockSpec((D, 2 * D), full),
            pl.BlockSpec((1, D), full),
        ],
        out_specs=[
            pl.BlockSpec((4, BLK, H), lambda i: (0, i, 0)),
            pl.BlockSpec((D, D), full),
            pl.BlockSpec((1, D), full),
        ],
        out_shape=[
            jax.ShapeDtypeStruct((4, NPAD, H), f32),
            jax.ShapeDtypeStruct((D, D), f32),
            jax.ShapeDtypeStruct((1, D), f32),
        ],
    )(xp, op, W_in.astype(f32), b_in2, W_o.astype(f32), W_f.astype(f32),
      W_out.astype(f32), b_f2)

    tab_flat = tab.reshape(4 * NPAD, H)
    zs = jnp.zeros((NPAD, HA), f32)
    zd = jnp.zeros((NPAD, 8), f32)
    ones = jnp.ones((KD, 8), f32)
    rjp2 = jnp.concatenate([coupling[0].astype(i32),
                            jnp.full((EPAD2 - E,), N, i32)])

    rj3 = rjp.reshape(NS * NCHUNK, 1, K)
    lj3 = ljp.reshape(NS * NCHUNK, 1, K)
    pack = jnp.stack([
        jnp.concatenate([rj3 + c * NPAD, lj3 + (2 + c) * NPAD], axis=1)
        for c in range(NC)])
    wf = wp.reshape(NS * NCHUNK, K)

    mesh = plsc.VectorSubcoreMesh(core_axis_name="c", subcore_axis_name="s",
                                  num_cores=NC, num_subcores=NS)
    pair = lambda t: (t, t)
    s_flat = pl.kernel(
        _sc_body,
        out_type=jax.ShapeDtypeStruct((2 * NPAD, HA), f32),
        mesh=mesh,
        compiler_params=pltpu.CompilerParams(use_tc_tiling_on_sc=False),
        scratch_types=[
            pltpu.VMEM_SHARED((NPAD, HA), f32),
            pltpu.VMEM((H,), f32),
            pair(pltpu.VMEM((2, K), i32)),
            pair(pltpu.VMEM((K,), i32)),
            pair(pltpu.VMEM((K,), f32)),
            pair(pltpu.VMEM((K, H), f32)),
            pair(pltpu.VMEM((K, H), f32)),
            pair(pltpu.VMEM((K, HA), f32)),
            pair(pltpu.SemaphoreType.DMA),
            pair(pltpu.SemaphoreType.DMA),
            pair(pltpu.SemaphoreType.DMA),
            pair(pltpu.SemaphoreType.DMA),
            pair(pltpu.SemaphoreType.DMA),
        ],
    )(tab_flat, pack, wf, we_flat, zs)

    deg_flat = pl.kernel(
        _sc_deg,
        out_type=jax.ShapeDtypeStruct((2 * NPAD, 8), f32),
        mesh=mesh,
        compiler_params=pltpu.CompilerParams(use_tc_tiling_on_sc=False),
        scratch_types=[
            pltpu.VMEM_SHARED((NPAD, 8), f32),
            pair(pltpu.VMEM((KD,), i32)),
            pair(pltpu.VMEM((KD,), i32)),
            pltpu.VMEM((KD, 8), f32),
            pair(pltpu.SemaphoreType.DMA),
            pair(pltpu.SemaphoreType.DMA),
        ],
    )(rjp2, zd, ones)

    s_tab = s_flat.reshape(2, NPAD, HA)
    deg = deg_flat.reshape(2, NPAD, 8)

    out = pl.pallas_call(
        _tc_post,
        grid=(grid,),
        in_specs=[
            pl.BlockSpec((2, BLK, HA), lambda i: (0, i, 0)),
            pl.BlockSpec((2, BLK, 8), lambda i: (0, i, 0)),
            pl.BlockSpec((BLK, D), lambda i: (i, 0)),
            pl.BlockSpec((D, D), full),
            pl.BlockSpec((1, D), full),
            pl.BlockSpec((D, 2 * D), full),
            pl.BlockSpec((1, D), full),
        ],
        out_specs=pl.BlockSpec((BLK, D), lambda i: (i, 0)),
        out_shape=jax.ShapeDtypeStruct((NPAD, D), f32),
    )(s_tab, deg, xp, w_c, b_c, W_out.astype(f32), b_out2)

    return out[:N]

# --- scband reference (transcript-rebuilt; emitter-appended) ---
"""Pipeline reference for scband-bipartite-gconv-85383949844813 (READ-ONLY COPY).

The authoritative reference and input builder live on the scoring server;
editing this copy changes nothing except your own understanding.
"""

import jax, jax.numpy as jnp
import numpy as np

N = 50000
E = 800000
D = 64

def setup_inputs(seed: int = 0) -> dict:
    key = jax.random.key(seed)
    ks = jax.random.split(key, 12)
    inp = {}
    inp['input'] = jax.random.normal(ks[0], (N, D), dtype=jnp.float32)
    inp['other'] = jax.random.normal(ks[1], (N, D), dtype=jnp.float32)
    inp['coupling'] = jax.random.randint(ks[2], (2, E), 0, N, dtype=jnp.int64 if jax.config.jax_enable_x64 else jnp.int32)
    inp['weights'] = jax.random.normal(ks[3], (E, 1), dtype=jnp.float32)
    # learned parameters (torch nn.Linear convention: y = x @ W.T + b)
    inp['W_in'] = jax.random.normal(ks[4], (D, D), dtype=jnp.float32) * (1.0 / np.sqrt(D))
    inp['b_in'] = jax.random.normal(ks[5], (D,), dtype=jnp.float32) * 0.05
    inp['W_e'] = jax.random.normal(ks[6], (D, 1), dtype=jnp.float32)  # Linear(1, D, bias=False)
    inp['W_o'] = jax.random.normal(ks[7], (D, D), dtype=jnp.float32) * (1.0 / np.sqrt(D))
    inp['W_f'] = jax.random.normal(ks[8], (D, D), dtype=jnp.float32) * (1.0 / np.sqrt(D))
    inp['b_f'] = jax.random.normal(ks[9], (D,), dtype=jnp.float32) * 0.05
    inp['W_out'] = jax.random.normal(ks[10], (D, 2 * D), dtype=jnp.float32) * (1.0 / np.sqrt(2 * D))
    inp['b_out'] = jax.random.normal(ks[11], (D,), dtype=jnp.float32) * 0.05
    return inp

def reference(input, other, coupling, weights, W_in, b_in, W_e, W_o, W_f, b_f, W_out, b_out):
    rj = coupling[0]
    lj = coupling[1]
    rhs = input @ W_in.T + b_in                      # self.input(input)
    lhs = other @ W_o.T                              # self.other(other)
    message = rhs[rj] + lhs[lj]                      # gather + add
    message = message + weights @ W_e.T              # self.edges(weights)
    msg = jax.nn.leaky_relu(message, negative_slope=0.01) @ W_f.T + b_f  # self.final
    out = jax.ops.segment_sum(msg, rj, num_segments=input.shape[0])      # scatter_sum
    cat = jnp.concatenate([out, input], axis=-1)
    return cat @ W_out.T + b_out                     # self.output (Linear(2D, D))

if __name__ == "__main__":
    import jax
    _d = setup_inputs()
    print(jax.jit(kernel)(*tuple(_d.values())))

</pallas_src>

<mosaic_0001>
#map = affine_map<(d0, d1) -> (0, 0)>
#map1 = affine_map<(d0, d1) -> (0, 0, 0, 0)>
#map2 = affine_map<(d0, d1) -> (0)>
module attributes {stable_mosaic.version = 14 : i64} {
  func.func @_sc_body(%arg0: i32, %arg1: i32, %arg2: memref<200192x32xf32, #tpu.memory_space<hbm>>, %arg3: memref<2x6256x2x128xi32, #tpu.memory_space<hbm>>, %arg4: memref<6256x128xf32, #tpu.memory_space<hbm>>, %arg5: memref<64xf32, #tpu.memory_space<hbm>>, %arg6: memref<50048x32xf32, #tpu.memory_space<hbm>>, %arg7: memref<100096x32xf32, #tpu.memory_space<hbm>>, %arg8: memref<50048x32xf32, #tpu.memory_space<vmem_shared>>, %arg9: memref<32xf32, #tpu.memory_space<vmem>>, %arg10: memref<2x128xi32, #tpu.memory_space<vmem>>, %arg11: memref<2x128xi32, #tpu.memory_space<vmem>>, %arg12: memref<128xi32, #tpu.memory_space<vmem>>, %arg13: memref<128xi32, #tpu.memory_space<vmem>>, %arg14: memref<128xf32, #tpu.memory_space<vmem>>, %arg15: memref<128xf32, #tpu.memory_space<vmem>>, %arg16: memref<128x32xf32, #tpu.memory_space<vmem>>, %arg17: memref<128x32xf32, #tpu.memory_space<vmem>>, %arg18: memref<128x32xf32, #tpu.memory_space<vmem>>, %arg19: memref<128x32xf32, #tpu.memory_space<vmem>>, %arg20: memref<128x32xf32, #tpu.memory_space<vmem>>, %arg21: memref<128x32xf32, #tpu.memory_space<vmem>>, %arg22: memref<!tpu.dma_semaphore, #tpu.memory_space<semaphore_mem>>, %arg23: memref<!tpu.dma_semaphore, #tpu.memory_space<semaphore_mem>>, %arg24: memref<!tpu.dma_semaphore, #tpu.memory_space<semaphore_mem>>, %arg25: memref<!tpu.dma_semaphore, #tpu.memory_space<semaphore_mem>>, %arg26: memref<!tpu.dma_semaphore, #tpu.memory_space<semaphore_mem>>, %arg27: memref<!tpu.dma_semaphore, #tpu.memory_space<semaphore_mem>>, %arg28: memref<!tpu.dma_semaphore, #tpu.memory_space<semaphore_mem>>, %arg29: memref<!tpu.dma_semaphore, #tpu.memory_space<semaphore_mem>>, %arg30: memref<!tpu.dma_semaphore, #tpu.memory_space<semaphore_mem>>, %arg31: memref<!tpu.dma_semaphore, #tpu.memory_space<semaphore_mem>>) attributes {dimension_semantics = [#tpu.dimension_semantics<core_parallel>, #tpu.dimension_semantics<subcore_parallel>], iteration_bounds = array<i64: 2, 16>, scalar_prefetch = 0 : i64, scratch_operands = 24 : i64, tpu.core_type = #tpu.core_type<sc_vector_subcore>, window_params = [{transform_indices = #map}, {transform_indices = #map1}, {transform_indices = #map}, {transform_indices = #map2}, {transform_indices = #map}, {transform_indices = #map}]} {
    %mul3A = arith.constant 3128 : i32
    %mul3A_0 = arith.muli %arg1, %mul3A : i32
    %multiple_of3A = tpu.assume_multiple %mul3A_0, 8 : i32
    "tpu.region"() ({
      %run_scoped3A = tpu.sem_alloc : memref<!tpu.dma_semaphore, #tpu.memory_space<semaphore_mem>>
      %dma_start3A_78 = arith.constant 0 : i32
      %dma_start3A_79 = tpu.memref_slice %arg8[%multiple_of3A, %dma_start3A_78] : memref<50048x32xf32, #tpu.memory_space<vmem_shared>> -> memref<3128x32xf32, #tpu.memory_space<vmem_shared>>
      %dma_start3A_80 = arith.constant 0 : i32
      %dma_start3A_81 = tpu.memref_slice %arg6[%multiple_of3A, %dma_start3A_80] : memref<50048x32xf32, #tpu.memory_space<hbm>> -> memref<3128x32xf32, #tpu.memory_space<hbm>>
      tpu.enqueue_dma source(%dma_start3A_81 : memref<3128x32xf32, #tpu.memory_space<hbm>>) target(%dma_start3A_79 : memref<3128x32xf32, #tpu.memory_space<vmem_shared>>) target_semaphore(%run_scoped3A : memref<!tpu.dma_semaphore, #tpu.memory_space<semaphore_mem>>)
      %dma_wait3A_82 = arith.constant 0 : i32
      %dma_wait3A_83 = tpu.memref_slice %arg8[%multiple_of3A, %dma_wait3A_82] : memref<50048x32xf32, #tpu.memory_space<vmem_shared>> -> memref<3128x32xf32, #tpu.memory_space<vmem_shared>>
      %dma_wait3A_84 = arith.constant 0 : i32
      %dma_wait3A_85 = tpu.memref_slice %arg6[%multiple_of3A, %dma_wait3A_84] : memref<50048x32xf32, #tpu.memory_space<hbm>> -> memref<3128x32xf32, #tpu.memory_space<hbm>>
      tpu.wait_dma2 semaphore(%run_scoped3A : memref<!tpu.dma_semaphore, #tpu.memory_space<semaphore_mem>>) src(%dma_wait3A_85 : memref<3128x32xf32, #tpu.memory_space<hbm>>) dst(%dma_wait3A_83 : memref<3128x32xf32, #tpu.memory_space<vmem_shared>>)
      tpu.yield
    }) : () -> ()
    %mul3A_1 = arith.constant 32 : i32
    %mul3A_2 = arith.muli %arg0, %mul3A_1 : i32
    %multiple_of3A_3 = tpu.assume_multiple %mul3A_2, 8 : i32
    "tpu.region"() ({
      %run_scoped3A = tpu.sem_alloc : memref<!tpu.dma_semaphore, #tpu.memory_space<semaphore_mem>>
      %dma_start3A_78 = tpu.memref_slice %arg5[%multiple_of3A_3] : memref<64xf32, #tpu.memory_space<hbm>> -> memref<32xf32, #tpu.memory_space<hbm>>
      %dma_start3A_79 = tpu.memref_slice %arg5[%multiple_of3A_3] : memref<64xf32, #tpu.memory_space<hbm>> -> memref<32xf32, #tpu.memory_space<hbm>>
      tpu.enqueue_dma source(%dma_start3A_79 : memref<32xf32, #tpu.memory_space<hbm>>) target(%arg9 : memref<32xf32, #tpu.memory_space<vmem>>) target_semaphore(%run_scoped3A : memref<!tpu.dma_semaphore, #tpu.memory_space<semaphore_mem>>)
      %dma_wait3A_80 = tpu.memref_slice %arg5[%multiple_of3A_3] : memref<64xf32, #tpu.memory_space<hbm>> -> memref<32xf32, #tpu.memory_space<hbm>>
      %dma_wait3A_81 = tpu.memref_slice %arg5[%multiple_of3A_3] : memref<64xf32, #tpu.memory_space<hbm>> -> memref<32xf32, #tpu.memory_space<hbm>>
      tpu.wait_dma2 semaphore(%run_scoped3A : memref<!tpu.dma_semaphore, #tpu.memory_space<semaphore_mem>>) src(%dma_wait3A_81 : memref<32xf32, #tpu.memory_space<hbm>>) dst(%arg9 : memref<32xf32, #tpu.memory_space<vmem>>)
      tpu.yield
    }) : () -> ()
    %barrier3A = arith.constant 0 : index
    tpu.barrier barrier_id(%barrier3A)
    %mul3A_4 = arith.constant 391 : i32
    %mul3A_5 = arith.muli %arg1, %mul3A_4 : i32
    %add3A = arith.constant 0 : i32
    %add3A_6 = arith.addi %mul3A_5, %add3A : i32
    %dma_start3A = arith.constant 0 : i32
    %dma_start3A_7 = arith.constant 0 : i32
    %dma_start3A_8 = tpu.memref_slice %arg3[%arg0, %add3A_6, %dma_start3A, %dma_start3A_7] : memref<2x6256x2x128xi32, #tpu.memory_space<hbm>> -> memref<1x1x2x128xi32, #tpu.memory_space<hbm>>
    %dma_start3A_9 = tpu.memref_squeeze %dma_start3A_8 : memref<1x1x2x128xi32, #tpu.memory_space<hbm>> -> memref<2x128xi32, #tpu.memory_space<hbm>>
    %dma_start3A_10 = arith.constant 0 : i32
    %dma_start3A_11 = arith.constant 0 : i32
    %dma_start3A_12 = tpu.memref_slice %arg3[%arg0, %add3A_6, %dma_start3A_10, %dma_start3A_11] : memref<2x6256x2x128xi32, #tpu.memory_space<hbm>> -> memref<1x1x2x128xi32, #tpu.memory_space<hbm>>
    %dma_start3A_13 = tpu.memref_squeeze %dma_start3A_12 : memref<1x1x2x128xi32, #tpu.memory_space<hbm>> -> memref<2x128xi32, #tpu.memory_space<hbm>>
    tpu.enqueue_dma source(%dma_start3A_13 : memref<2x128xi32, #tpu.memory_space<hbm>>) target(%arg10 : memref<2x128xi32, #tpu.memory_space<vmem>>) target_semaphore(%arg22 : memref<!tpu.dma_semaphore, #tpu.memory_space<semaphore_mem>>)
    %add3A_14 = arith.constant 0 : i32
    %add3A_15 = arith.addi %mul3A_5, %add3A_14 : i32
    %dma_start3A_16 = arith.constant 0 : i32
    %dma_start3A_17 = tpu.memref_slice %arg4[%add3A_15, %dma_start3A_16] : memref<6256x128xf32, #tpu.memory_space<hbm>> -> memref<1x128xf32, #tpu.memory_space<hbm>>
    %dma_start3A_18 = tpu.memref_squeeze %dma_start3A_17 : memref<1x128xf32, #tpu.memory_space<hbm>> -> memref<128xf32, #tpu.memory_space<hbm>>
    %dma_start3A_19 = arith.constant 0 : i32
    %dma_start3A_20 = tpu.memref_slice %arg4[%add3A_15, %dma_start3A_19] : memref<6256x128xf32, #tpu.memory_space<hbm>> -> memref<1x128xf32, #tpu.memory_space<hbm>>
    %dma_start3A_21 = tpu.memref_squeeze %dma_start3A_20 : memref<1x128xf32, #tpu.memory_space<hbm>> -> memref<128xf32, #tpu.memory_space<hbm>>
    tpu.enqueue_dma source(%dma_start3A_21 : memref<128xf32, #tpu.memory_space<hbm>>) target(%arg14 : memref<128xf32, #tpu.memory_space<vmem>>) target_semaphore(%arg24 : memref<!tpu.dma_semaphore, #tpu.memory_space<semaphore_mem>>)
    %dma_wait3A = arith.constant 0 : i32
    %dma_wait3A_22 = arith.constant 0 : i32
    %dma_wait3A_23 = tpu.memref_slice %arg3[%arg0, %mul3A_5, %dma_wait3A, %dma_wait3A_22] : memref<2x6256x2x128xi32, #tpu.memory_space<hbm>> -> memref<1x1x2x128xi32, #tpu.memory_space<hbm>>
    %dma_wait3A_24 = tpu.memref_squeeze %dma_wait3A_23 : memref<1x1x2x128xi32, #tpu.memory_space<hbm>> -> memref<2x128xi32, #tpu.memory_space<hbm>>
    %dma_wait3A_25 = arith.constant 0 : i32
    %dma_wait3A_26 = arith.constant 0 : i32
    %dma_wait3A_27 = tpu.memref_slice %arg3[%arg0, %mul3A_5, %dma_wait3A_25, %dma_wait3A_26] : memref<2x6256x2x128xi32, #tpu.memory_space<hbm>> -> memref<1x1x2x128xi32, #tpu.memory_space<hbm>>
    %dma_wait3A_28 = tpu.memref_squeeze %dma_wait3A_27 : memref<1x1x2x128xi32, #tpu.memory_space<hbm>> -> memref<2x128xi32, #tpu.memory_space<hbm>>
    tpu.wait_dma2 semaphore(%arg22 : memref<!tpu.dma_semaphore, #tpu.memory_space<semaphore_mem>>) src(%dma_wait3A_28 : memref<2x128xi32, #tpu.memory_space<hbm>>) dst(%arg10 : memref<2x128xi32, #tpu.memory_space<vmem>>)
    %dma_start3A_29 = arith.constant 0 : i32
    %dma_start3A_30 = arith.constant 0 : i32
    %dma_start3A_31 = tpu.memref_slice %arg10[%dma_start3A_29, %dma_start3A_30] : memref<2x128xi32, #tpu.memory_space<vmem>> -> memref<1x128xi32, #tpu.memory_space<vmem>>
    %dma_start3A_32 = tpu.memref_squeeze %dma_start3A_31 : memref<1x128xi32, #tpu.memory_space<vmem>> -> memref<128xi32, #tpu.memory_space<vmem>>
    %dma_start3A_33 = arith.constant 0 : i32
    %dma_start3A_34 = arith.constant 0 : i32
    %dma_start3A_35 = tpu.memref_slice %arg2[%dma_start3A_33, %dma_start3A_34] : memref<200192x32xf32, #tpu.memory_space<hbm>> -> memref<200192x32xf32, #tpu.memory_space<hbm>>
    tpu.enqueue_indirect_dma source(%dma_start3A_35 : memref<200192x32xf32, #tpu.memory_space<hbm>>) target(%arg16 : memref<128x32xf32, #tpu.memory_space<vmem>>) offsets(%dma_start3A_32 : memref<128xi32, #tpu.memory_space<vmem>>) semaphore(%arg26 : memref<!tpu.dma_semaphore, #tpu.memory_space<semaphore_mem>>)
    %dma_start3A_36 = arith.constant 1 : i32
    %dma_start3A_37 = arith.constant 0 : i32
    %dma_start3A_38 = tpu.memref_slice %arg10[%dma_start3A_36, %dma_start3A_37] : memref<2x128xi32, #tpu.memory_space<vmem>> -> memref<1x128xi32, #tpu.memory_space<vmem>>
    %dma_start3A_39 = tpu.memref_squeeze %dma_start3A_38 : memref<1x128xi32, #tpu.memory_space<vmem>> -> memref<128xi32, #tpu.memory_space<vmem>>
    %dma_start3A_40 = arith.constant 0 : i32
    %dma_start3A_41 = arith.constant 0 : i32
    %dma_start3A_42 = tpu.memref_slice %arg2[%dma_start3A_40, %dma_start3A_41] : memref<200192x32xf32, #tpu.memory_space<hbm>> -> memref<200192x32xf32, #tpu.memory_space<hbm>>
    tpu.enqueue_indirect_dma source(%dma_start3A_42 : memref<200192x32xf32, #tpu.memory_space<hbm>>) target(%arg18 : memref<128x32xf32, #tpu.memory_space<vmem>>) offsets(%dma_start3A_39 : memref<128xi32, #tpu.memory_space<vmem>>) semaphore(%arg28 : memref<!tpu.dma_semaphore, #tpu.memory_space<semaphore_mem>>)
    %add3A_43 = arith.constant 1 : i32
    %add3A_44 = arith.addi %mul3A_5, %add3A_43 : i32
    %dma_start3A_45 = arith.constant 0 : i32
    %dma_start3A_46 = arith.constant 0 : i32
    %dma_start3A_47 = tpu.memref_slice %arg3[%arg0, %add3A_44, %dma_start3A_45, %dma_start3A_46] : memref<2x6256x2x128xi32, #tpu.memory_space<hbm>> -> memref<1x1x2x128xi32, #tpu.memory_space<hbm>>
    %dma_start3A_48 = tpu.memref_squeeze %dma_start3A_47 : memref<1x1x2x128xi32, #tpu.memory_space<hbm>> -> memref<2x128xi32, #tpu.memory_space<hbm>>
    %dma_start3A_49 = arith.constant 0 : i32
    %dma_start3A_50 = arith.constant 0 : i32
    %dma_start3A_51 = tpu.memref_slice %arg3[%arg0, %add3A_44, %dma_start3A_49, %dma_start3A_50] : memref<2x6256x2x128xi32, #tpu.memory_space<hbm>> -> memref<1x1x2x128xi32, #tpu.memory_space<hbm>>
    %dma_start3A_52 = tpu.memref_squeeze %dma_start3A_51 : memref<1x1x2x128xi32, #tpu.memory_space<hbm>> -> memref<2x128xi32, #tpu.memory_space<hbm>>
    tpu.enqueue_dma source(%dma_start3A_52 : memref<2x128xi32, #tpu.memory_space<hbm>>) target(%arg11 : memref<2x128xi32, #tpu.memory_space<vmem>>) target_semaphore(%arg23 : memref<!tpu.dma_semaphore, #tpu.memory_space<semaphore_mem>>)
    %add3A_53 = arith.constant 1 : i32
    %add3A_54 = arith.addi %mul3A_5, %add3A_53 : i32
    %dma_start3A_55 = arith.constant 0 : i32
    %dma_start3A_56 = tpu.memref_slice %arg4[%add3A_54, %dma_start3A_55] : memref<6256x128xf32, #tpu.memory_space<hbm>> -> memref<1x128xf32, #tpu.memory_space<hbm>>
    %dma_start3A_57 = tpu.memref_squeeze %dma_start3A_56 : memref<1x128xf32, #tpu.memory_space<hbm>> -> memref<128xf32, #tpu.memory_space<hbm>>
    %dma_start3A_58 = arith.constant 0 : i32
    %dma_start3A_59 = tpu.memref_slice %arg4[%add3A_54, %dma_start3A_58] : memref<6256x128xf32, #tpu.memory_space<hbm>> -> memref<1x128xf32, #tpu.memory_space<hbm>>
    %dma_start3A_60 = tpu.memref_squeeze %dma_start3A_59 : memref<1x128xf32, #tpu.memory_space<hbm>> -> memref<128xf32, #tpu.memory_space<hbm>>
    tpu.enqueue_dma source(%dma_start3A_60 : memref<128xf32, #tpu.memory_space<hbm>>) target(%arg15 : memref<128xf32, #tpu.memory_space<vmem>>) target_semaphore(%arg25 : memref<!tpu.dma_semaphore, #tpu.memory_space<semaphore_mem>>)
    %scan3A = arith.constant 0 : i32
    %scan3A_61 = arith.constant 0 : i32
    %scan3A_62 = arith.constant 196 : i32
    %scan3A_63 = arith.addi %scan3A_61, %scan3A_62 : i32
    %scan3A_64 = arith.constant 1 : i32
    scf.for %scan3A_78 = %scan3A_61 to %scan3A_63 step %scan3A_64  : i32 {
      %mul3A_79 = arith.constant 2 : i32
      %mul3A_80 = arith.muli %scan3A_78, %mul3A_79 : i32
      %add3A_81 = arith.constant 0 : i32
      %add3A_82 = arith.addi %mul3A_80, %add3A_81 : i32
      %lt3A = arith.constant 391 : i32
      %lt3A_83 = arith.cmpi slt, %add3A_82, %lt3A : i32
      %convert_element_type3A = arith.extui %lt3A_83 : i1 to i32
      %cond3A = arith.constant 0 : i32
      %cond3A_84 = arith.cmpi ne, %convert_element_type3A, %cond3A : i32
      scf.if %cond3A_84 {
        %ge3A = arith.constant 2 : i32
        %ge3A_94 = arith.cmpi sge, %add3A_82, %ge3A : i32
        %convert_element_type3A_95 = arith.extui %ge3A_94 : i1 to i32
        %cond3A_96 = arith.constant 0 : i32
        %cond3A_97 = arith.cmpi ne, %convert_element_type3A_95, %cond3A_96 : i32
        scf.if %cond3A_97 {
          %dma_wait3A_235 = arith.constant 0 : i32
          %dma_wait3A_236 = arith.constant 0 : i32
          %dma_wait3A_237 = tpu.memref_slice %arg8[%dma_wait3A_235, %dma_wait3A_236] : memref<50048x32xf32, #tpu.memory_space<vmem_shared>> -> memref<50048x32xf32, #tpu.memory_space<vmem_shared>>
          tpu.wait_indirect_dma semaphore(%arg30 : memref<!tpu.dma_semaphore, #tpu.memory_space<semaphore_mem>>) src(%arg20 : memref<128x32xf32, #tpu.memory_space<vmem>>) dst(%dma_wait3A_237 : memref<50048x32xf32, #tpu.memory_space<vmem_shared>>)
        } else {
        }
        %dma_wait3A_98 = arith.constant 0 : i32
        %dma_wait3A_99 = arith.constant 0 : i32
        %dma_wait3A_100 = tpu.memref_slice %arg10[%dma_wait3A_98, %dma_wait3A_99] : memref<2x128xi32, #tpu.memory_space<vmem>> -> memref<1x128xi32, #tpu.memory_space<vmem>>
        %dma_wait3A_101 = tpu.memref_squeeze %dma_wait3A_100 : memref<1x128xi32, #tpu.memory_space<vmem>> -> memref<128xi32, #tpu.memory_space<vmem>>
        %dma_wait3A_102 = arith.constant 0 : i32
        %dma_wait3A_103 = arith.constant 0 : i32
        %dma_wait3A_104 = tpu.memref_slice %arg2[%dma_wait3A_102, %dma_wait3A_103] : memref<200192x32xf32, #tpu.memory_space<hbm>> -> memref<200192x32xf32, #tpu.memory_space<hbm>>
        tpu.wait_indirect_dma semaphore(%arg26 : memref<!tpu.dma_semaphore, #tpu.memory_space<semaphore_mem>>) src(%dma_wait3A_104 : memref<200192x32xf32, #tpu.memory_space<hbm>>) dst(%arg16 : memref<128x32xf32, #tpu.memory_space<vmem>>)
        %dma_wait3A_105 = arith.constant 1 : i32
        %dma_wait3A_106 = arith.constant 0 : i32
        %dma_wait3A_107 = tpu.memref_slice %arg10[%dma_wait3A_105, %dma_wait3A_106] : memref<2x128xi32, #tpu.memory_space<vmem>> -> memref<1x128xi32, #tpu.memory_space<vmem>>
        %dma_wait3A_108 = tpu.memref_squeeze %dma_wait3A_107 : memref<1x128xi32, #tpu.memory_space<vmem>> -> memref<128xi32, #tpu.memory_space<vmem>>
        %dma_wait3A_109 = arith.constant 0 : i32
        %dma_wait3A_110 = arith.constant 0 : i32
        %dma_wait3A_111 = tpu.memref_slice %arg2[%dma_wait3A_109, %dma_wait3A_110] : memref<200192x32xf32, #tpu.memory_space<hbm>> -> memref<200192x32xf32, #tpu.memory_space<hbm>>
        tpu.wait_indirect_dma semaphore(%arg28 : memref<!tpu.dma_semaphore, #tpu.memory_space<semaphore_mem>>) src(%dma_wait3A_111 : memref<200192x32xf32, #tpu.memory_space<hbm>>) dst(%arg18 : memref<128x32xf32, #tpu.memory_space<vmem>>)
        %add3A_112 = arith.constant 1 : i32
        %add3A_113 = arith.addi %add3A_82, %add3A_112 : i32
        %lt3A_114 = arith.constant 391 : i32
        %lt3A_115 = arith.cmpi slt, %add3A_113, %lt3A_114 : i32
        %convert_element_type3A_116 = arith.extui %lt3A_115 : i1 to i32
        %cond3A_117 = arith.constant 0 : i32
        %cond3A_118 = arith.cmpi ne, %convert_element_type3A_116, %cond3A_117 : i32
        scf.if %cond3A_118 {
          %dma_wait3A_235 = arith.constant 0 : i32
          %dma_wait3A_236 = arith.constant 0 : i32
          %dma_wait3A_237 = tpu.memref_slice %arg3[%arg0, %mul3A_5, %dma_wait3A_235, %dma_wait3A_236] : memref<2x6256x2x128xi32, #tpu.memory_space<hbm>> -> memref<1x1x2x128xi32, #tpu.memory_space<hbm>>
          %dma_wait3A_238 = tpu.memref_squeeze %dma_wait3A_237 : memref<1x1x2x128xi32, #tpu.memory_space<hbm>> -> memref<2x128xi32, #tpu.memory_space<hbm>>
          %dma_wait3A_239 = arith.constant 0 : i32
          %dma_wait3A_240 = arith.constant 0 : i32
          %dma_wait3A_241 = tpu.memref_slice %arg3[%arg0, %mul3A_5, %dma_wait3A_239, %dma_wait3A_240] : memref<2x6256x2x128xi32, #tpu.memory_space<hbm>> -> memref<1x1x2x128xi32, #tpu.memory_space<hbm>>
          %dma_wait3A_242 = tpu.memref_squeeze %dma_wait3A_241 : memref<1x1x2x128xi32, #tpu.memory_space<hbm>> -> memref<2x128xi32, #tpu.memory_space<hbm>>
          tpu.wait_dma2 semaphore(%arg23 : memref<!tpu.dma_semaphore, #tpu.memory_space<semaphore_mem>>) src(%dma_wait3A_242 : memref<2x128xi32, #tpu.memory_space<hbm>>) dst(%arg11 : memref<2x128xi32, #tpu.memory_space<vmem>>)
          %dma_start3A_243 = arith.constant 0 : i32
          %dma_start3A_244 = arith.constant 0 : i32
          %dma_start3A_245 = tpu.memref_slice %arg11[%dma_start3A_243, %dma_start3A_244] : memref<2x128xi32, #tpu.memory_space<vmem>> -> memref<1x128xi32, #tpu.memory_space<vmem>>
          %dma_start3A_246 = tpu.memref_squeeze %dma_start3A_245 : memref<1x128xi32, #tpu.memory_space<vmem>> -> memref<128xi32, #tpu.memory_space<vmem>>
          %dma_start3A_247 = arith.constant 0 : i32
          %dma_start3A_248 = arith.constant 0 : i32
          %dma_start3A_249 = tpu.memref_slice %arg2[%dma_start3A_247, %dma_start3A_248] : memref<200192x32xf32, #tpu.memory_space<hbm>> -> memref<200192x32xf32, #tpu.memory_space<hbm>>
          tpu.enqueue_indirect_dma source(%dma_start3A_249 : memref<200192x32xf32, #tpu.memory_space<hbm>>) target(%arg17 : memref<128x32xf32, #tpu.memory_space<vmem>>) offsets(%dma_start3A_246 : memref<128xi32, #tpu.memory_space<vmem>>) semaphore(%arg27 : memref<!tpu.dma_semaphore, #tpu.memory_space<semaphore_mem>>)
          %dma_start3A_250 = arith.constant 1 : i32
          %dma_start3A_251 = arith.constant 0 : i32
          %dma_start3A_252 = tpu.memref_slice %arg11[%dma_start3A_250, %dma_start3A_251] : memref<2x128xi32, #tpu.memory_space<vmem>> -> memref<1x128xi32, #tpu.memory_space<vmem>>
          %dma_start3A_253 = tpu.memref_squeeze %dma_start3A_252 : memref<1x128xi32, #tpu.memory_space<vmem>> -> memref<128xi32, #tpu.memory_space<vmem>>
          %dma_start3A_254 = arith.constant 0 : i32
          %dma_start3A_255 = arith.constant 0 : i32
          %dma_start3A_256 = tpu.memref_slice %arg2[%dma_start3A_254, %dma_start3A_255] : memref<200192x32xf32, #tpu.memory_space<hbm>> -> memref<200192x32xf32, #tpu.memory_space<hbm>>
          tpu.enqueue_indirect_dma source(%dma_start3A_256 : memref<200192x32xf32, #tpu.memory_space<hbm>>) target(%arg19 : memref<128x32xf32, #tpu.memory_space<vmem>>) offsets(%dma_start3A_253 : memref<128xi32, #tpu.memory_space<vmem>>) semaphore(%arg29 : memref<!tpu.dma_semaphore, #tpu.memory_space<semaphore_mem>>)
        } else {
        }
        %mul3A_119 = arith.constant 50048 : i32
        %mul3A_120 = arith.muli %arg0, %mul3A_119 : i32
        %get3A = arith.constant 0 : i32
        %get3A_121 = arith.index_cast %get3A : i32 to index
        %get3A_122 = arith.constant 0 : index
        %get3A_123 = tpu.vector_load %arg10[%get3A_121, %get3A_122] {strides = array<i32>} : memref<2x128xi32, #tpu.memory_space<vmem>>, vector<1x16xi32>,
        %get3A_124 = vector.shape_cast %get3A_123 : vector<1x16xi32> to vector<16xi32>
        %sub3A = vector.broadcast %mul3A_120 : i32 to vector<16xi32>
        %sub3A_125 = arith.subi %get3A_124, %sub3A : vector<16xi32>
        %swap3A = arith.constant 0 : index
        %swap3A_126 = tpu.vector_load %arg12[%swap3A] {strides = array<i32>} : memref<128xi32, #tpu.memory_space<vmem>>, vector<16xi32>,
        %swap3A_127 = vector.shape_cast %swap3A_126 : vector<16xi32> to vector<16xi32>
        %swap3A_128 = vector.shape_cast %sub3A_125 : vector<16xi32> to vector<16xi32>
        tpu.vector_store %arg12[%swap3A], %swap3A_128 {strides = array<i32>} : memref<128xi32, #tpu.memory_space<vmem>>, vector<16xi32>,
        %get3A_129 = arith.constant 0 : i32
        %get3A_130 = arith.index_cast %get3A_129 : i32 to index
        %get3A_131 = arith.constant 16 : index
        %get3A_132 = tpu.vector_load %arg10[%get3A_130, %get3A_131] {strides = array<i32>} : memref<2x128xi32, #tpu.memory_space<vmem>>, vector<1x16xi32>,
        %get3A_133 = vector.shape_cast %get3A_132 : vector<1x16xi32> to vector<16xi32>
        %sub3A_134 = vector.broadcast %mul3A_120 : i32 to vector<16xi32>
        %sub3A_135 = arith.subi %get3A_133, %sub3A_134 : vector<16xi32>
        %swap3A_136 = arith.constant 16 : index
        %swap3A_137 = tpu.vector_load %arg12[%swap3A_136] {strides = array<i32>} : memref<128xi32, #tpu.memory_space<vmem>>, vector<16xi32>,
        %swap3A_138 = vector.shape_cast %swap3A_137 : vector<16xi32> to vector<16xi32>
        %swap3A_139 = vector.shape_cast %sub3A_135 : vector<16xi32> to vector<16xi32>
        tpu.vector_store %arg12[%swap3A_136], %swap3A_139 {strides = array<i32>} : memref<128xi32, #tpu.memory_space<vmem>>, vector<16xi32>,
        %get3A_140 = arith.constant 0 : i32
        %get3A_141 = arith.index_cast %get3A_140 : i32 to index
        %get3A_142 = arith.constant 32 : index
        %get3A_143 = tpu.vector_load %arg10[%get3A_141, %get3A_142] {strides = array<i32>} : memref<2x128xi32, #tpu.memory_space<vmem>>, vector<1x16xi32>,
        %get3A_144 = vector.shape_cast %get3A_143 : vector<1x16xi32> to vector<16xi32>
        %sub3A_145 = vector.broadcast %mul3A_120 : i32 to vector<16xi32>
        %sub3A_146 = arith.subi %get3A_144, %sub3A_145 : vector<16xi32>
        %swap3A_147 = arith.constant 32 : index
        %swap3A_148 = tpu.vector_load %arg12[%swap3A_147] {strides = array<i32>} : memref<128xi32, #tpu.memory_space<vmem>>, vector<16xi32>,
        %swap3A_149 = vector.shape_cast %swap3A_148 : vector<16xi32> to vector<16xi32>
        %swap3A_150 = vector.shape_cast %sub3A_146 : vector<16xi32> to vector<16xi32>
        tpu.vector_store %arg12[%swap3A_147], %swap3A_150 {strides = array<i32>} : memref<128xi32, #tpu.memory_space<vmem>>, vector<16xi32>,
        %get3A_151 = arith.constant 0 : i32
        %get3A_152 = arith.index_cast %get3A_151 : i32 to index
        %get3A_153 = arith.constant 48 : index
        %get3A_154 = tpu.vector_load %arg10[%get3A_152, %get3A_153] {strides = array<i32>} : memref<2x128xi32, #tpu.memory_space<vmem>>, vector<1x16xi32>,
        %get3A_155 = vector.shape_cast %get3A_154 : vector<1x16xi32> to vector<16xi32>
        %sub3A_156 = vector.broadcast %mul3A_120 : i32 to vector<16xi32>
        %sub3A_157 = arith.subi %get3A_155, %sub3A_156 : vector<16xi32>
        %swap3A_158 = arith.constant 48 : index
        %swap3A_159 = tpu.vector_load %arg12[%swap3A_158] {strides = array<i32>} : memref<128xi32, #tpu.memory_space<vmem>>, vector<16xi32>,
        %swap3A_160 = vector.shape_cast %swap3A_159 : vector<16xi32> to vector<16xi32>
        %swap3A_161 = vector.shape_cast %sub3A_157 : vector<16xi32> to vector<16xi32>
        tpu.vector_store %arg12[%swap3A_158], %swap3A_161 {strides = array<i32>} : memref<128xi32, #tpu.memory_space<vmem>>, vector<16xi32>,
        %get3A_162 = arith.constant 0 : i32
        %get3A_163 = arith.index_cast %get3A_162 : i32 to index
        %get3A_164 = arith.constant 64 : index
        %get3A_165 = tpu.vector_load %arg10[%get3A_163, %get3A_164] {strides = array<i32>} : memref<2x128xi32, #tpu.memory_space<vmem>>, vector<1x16xi32>,
        %get3A_166 = vector.shape_cast %get3A_165 : vector<1x16xi32> to vector<16xi32>
        %sub3A_167 = vector.broadcast %mul3A_120 : i32 to vector<16xi32>
        %sub3A_168 = arith.subi %get3A_166, %sub3A_167 : vector<16xi32>
        %swap3A_169 = arith.constant 64 : index
        %swap3A_170 = tpu.vector_load %arg12[%swap3A_169] {strides = array<i32>} : memref<128xi32, #tpu.memory_space<vmem>>, vector<16xi32>,
        %swap3A_171 = vector.shape_cast %swap3A_170 : vector<16xi32> to vector<16xi32>
        %swap3A_172 = vector.shape_cast %sub3A_168 : vector<16xi32> to vector<16xi32>
        tpu.vector_store %arg12[%swap3A_169], %swap3A_172 {strides = array<i32>} : memref<128xi32, #tpu.memory_space<vmem>>, vector<16xi32>,
        %get3A_173 = arith.constant 0 : i32
        %get3A_174 = arith.index_cast %get3A_173 : i32 to index
        %get3A_175 = arith.constant 80 : index
        %get3A_176 = tpu.vector_load %arg10[%get3A_174, %get3A_175] {strides = array<i32>} : memref<2x128xi32, #tpu.memory_space<vmem>>, vector<1x16xi32>,
        %get3A_177 = vector.shape_cast %get3A_176 : vector<1x16xi32> to vector<16xi32>
        %sub3A_178 = vector.broadcast %mul3A_120 : i32 to vector<16xi32>
        %sub3A_179 = arith.subi %get3A_177, %sub3A_178 : vector<16xi32>
        %swap3A_180 = arith.constant 80 : index
        %swap3A_181 = tpu.vector_load %arg12[%swap3A_180] {strides = array<i32>} : memref<128xi32, #tpu.memory_space<vmem>>, vector<16xi32>,
        %swap3A_182 = vector.shape_cast %swap3A_181 : vector<16xi32> to vector<16xi32>
        %swap3A_183 = vector.shape_cast %sub3A_179 : vector<16xi32> to vector<16xi32>
        tpu.vector_store %arg12[%swap3A_180], %swap3A_183 {strides = array<i32>} : memref<128xi32, #tpu.memory_space<vmem>>, vector<16xi32>,
        %get3A_184 = arith.constant 0 : i32
        %get3A_185 = arith.index_cast %get3A_184 : i32 to index
        %get3A_186 = arith.constant 96 : index
        %get3A_187 = tpu.vector_load %arg10[%get3A_185, %get3A_186] {strides = array<i32>} : memref<2x128xi32, #tpu.memory_space<vmem>>, vector<1x16xi32>,
        %get3A_188 = vector.shape_cast %get3A_187 : vector<1x16xi32> to vector<16xi32>
        %sub3A_189 = vector.broadcast %mul3A_120 : i32 to vector<16xi32>
        %sub3A_190 = arith.subi %get3A_188, %sub3A_189 : vector<16xi32>
        %swap3A_191 = arith.constant 96 : index
        %swap3A_192 = tpu.vector_load %arg12[%swap3A_191] {strides = array<i32>} : memref<128xi32, #tpu.memory_space<vmem>>, vector<16xi32>,
        %swap3A_193 = vector.shape_cast %swap3A_192 : vector<16xi32> to vector<16xi32>
        %swap3A_194 = vector.shape_cast %sub3A_190 : vector<16xi32> to vector<16xi32>
        tpu.vector_store %arg12[%swap3A_191], %swap3A_194 {strides = array<i32>} : memref<128xi32, #tpu.memory_space<vmem>>, vector<16xi32>,
        %get3A_195 = arith.constant 0 : i32
        %get3A_196 = arith.index_cast %get3A_195 : i32 to index
        %get3A_197 = arith.constant 112 : index
        %get3A_198 = tpu.vector_load %arg10[%get3A_196, %get3A_197] {strides = array<i32>} : memref<2x128xi32, #tpu.memory_space<vmem>>, vector<1x16xi32>,
        %get3A_199 = vector.shape_cast %get3A_198 : vector<1x16xi32> to vector<16xi32>
        %sub3A_200 = vector.broadcast %mul3A_120 : i32 to vector<16xi32>
        %sub3A_201 = arith.subi %get3A_199, %sub3A_200 : vector<16xi32>
        %swap3A_202 = arith.constant 112 : index
        %swap3A_203 = tpu.vector_load %arg12[%swap3A_202] {strides = array<i32>} : memref<128xi32, #tpu.memory_space<vmem>>, vector<16xi32>,
        %swap3A_204 = vector.shape_cast %swap3A_203 : vector<16xi32> to vector<16xi32>
        %swap3A_205 = vector.shape_cast %sub3A_201 : vector<16xi32> to vector<16xi32>
        tpu.vector_store %arg12[%swap3A_202], %swap3A_205 {strides = array<i32>} : memref<128xi32, #tpu.memory_space<vmem>>, vector<16xi32>,
        %add3A_206 = arith.constant 2 : i32
        %add3A_207 = arith.addi %add3A_82, %add3A_206 : i32
        %lt3A_208 = arith.constant 391 : i32
        %lt3A_209 = arith.cmpi slt, %add3A_207, %lt3A_208 : i32
        %convert_element_type3A_210 = arith.extui %lt3A_209 : i1 to i32
        %cond3A_211 = arith.constant 0 : i32
        %cond3A_212 = arith.cmpi ne, %convert_element_type3A_210, %cond3A_211 : i32
        scf.if %cond3A_212 {
          %add3A_235 = arith.constant 2 : i32
          %add3A_236 = arith.addi %add3A_82, %add3A_235 : i32
          %add3A_237 = arith.addi %mul3A_5, %add3A_236 : i32
          %dma_start3A_238 = arith.constant 0 : i32
          %dma_start3A_239 = arith.constant 0 : i32
          %dma_start3A_240 = tpu.memref_slice %arg3[%arg0, %add3A_237, %dma_start3A_238, %dma_start3A_239] : memref<2x6256x2x128xi32, #tpu.memory_space<hbm>> -> memref<1x1x2x128xi32, #tpu.memory_space<hbm>>
          %dma_start3A_241 = tpu.memref_squeeze %dma_start3A_240 : memref<1x1x2x128xi32, #tpu.memory_space<hbm>> -> memref<2x128xi32, #tpu.memory_space<hbm>>
          %dma_start3A_242 = arith.constant 0 : i32
          %dma_start3A_243 = arith.constant 0 : i32
          %dma_start3A_244 = tpu.memref_slice %arg3[%arg0, %add3A_237, %dma_start3A_242, %dma_start3A_243] : memref<2x6256x2x128xi32, #tpu.memory_space<hbm>> -> memref<1x1x2x128xi32, #tpu.memory_space<hbm>>
          %dma_start3A_245 = tpu.memref_squeeze %dma_start3A_244 : memref<1x1x2x128xi32, #tpu.memory_space<hbm>> -> memref<2x128xi32, #tpu.memory_space<hbm>>
          tpu.enqueue_dma source(%dma_start3A_245 : memref<2x128xi32, #tpu.memory_space<hbm>>) target(%arg10 : memref<2x128xi32, #tpu.memory_space<vmem>>) target_semaphore(%arg22 : memref<!tpu.dma_semaphore, #tpu.memory_space<semaphore_mem>>)
        } else {
        }
        %dma_wait3A_213 = arith.constant 0 : i32
        %dma_wait3A_214 = tpu.memref_slice %arg4[%mul3A_5, %dma_wait3A_213] : memref<6256x128xf32, #tpu.memory_space<hbm>> -> memref<1x128xf32, #tpu.memory_space<hbm>>
        %dma_wait3A_215 = tpu.memref_squeeze %dma_wait3A_214 : memref<1x128xf32, #tpu.memory_space<hbm>> -> memref<128xf32, #tpu.memory_space<hbm>>
        %dma_wait3A_216 = arith.constant 0 : i32
        %dma_wait3A_217 = tpu.memref_slice %arg4[%mul3A_5, %dma_wait3A_216] : memref<6256x128xf32, #tpu.memory_space<hbm>> -> memref<1x128xf32, #tpu.memory_space<hbm>>
        %dma_wait3A_218 = tpu.memref_squeeze %dma_wait3A_217 : memref<1x128xf32, #tpu.memory_space<hbm>> -> memref<128xf32, #tpu.memory_space<hbm>>
        tpu.wait_dma2 semaphore(%arg24 : memref<!tpu.dma_semaphore, #tpu.memory_space<semaphore_mem>>) src(%dma_wait3A_218 : memref<128xf32, #tpu.memory_space<hbm>>) dst(%arg14 : memref<128xf32, #tpu.memory_space<vmem>>)
        %scan3A_219 = arith.constant 0 : i32
        %scan3A_220 = arith.constant 0 : i32
        %scan3A_221 = arith.constant 8 : i32
        %scan3A_222 = arith.addi %scan3A_220, %scan3A_221 : i32
        %scan3A_223 = arith.constant 1 : i32
        scf.for %scan3A_235 = %scan3A_220 to %scan3A_222 step %scan3A_223  : i32 {
          %mul3A_236 = arith.constant 16 : i32
          %mul3A_237 = arith.muli %scan3A_235, %mul3A_236 : i32
          %get3A_238 = arith.index_cast %mul3A_237 : i32 to index
          %get3A_239 = tpu.vector_load %arg14[%get3A_238] {strides = array<i32>} : memref<128xf32, #tpu.memory_space<vmem>>, vector<16xf32>,
          %get3A_240 = vector.shape_cast %get3A_239 : vector<16xf32> to vector<16xf32>
          %broadcast_in_dim3A = arith.constant 0 : i32
          %broadcast_in_dim3A_241 = vector.broadcast %broadcast_in_dim3A : i32 to vector<16x1xi32>
          %gather3A = vector.shape_cast %broadcast_in_dim3A_241 : vector<16x1xi32> to vector<16xi32>
          %gather3A_242 = tpu.dynamic_gather %get3A_240[%gather3A] in [0] : vector<16xf32>, vector<16xi32> -> vector<16xf32>
          %mul3A_243 = arith.constant 16 : i32
          %mul3A_244 = arith.muli %scan3A_235, %mul3A_243 : i32
          %add3A_245 = arith.constant 0 : i32
          %add3A_246 = arith.addi %mul3A_244, %add3A_245 : i32
          %get3A_247 = arith.index_cast %add3A_246 : i32 to index
          %get3A_248 = arith.constant 0 : index
          %get3A_249 = tpu.vector_load %arg16[%get3A_247, %get3A_248] {strides = array<i32>} : memref<128x32xf32, #tpu.memory_space<vmem>>, vector<1x16xf32>,
          %get3A_250 = vector.shape_cast %get3A_249 : vector<1x16xf32> to vector<16xf32>
          %get3A_251 = arith.index_cast %add3A_246 : i32 to index
          %get3A_252 = arith.constant 0 : index
          %get3A_253 = tpu.vector_load %arg18[%get3A_251, %get3A_252] {strides = array<i32>} : memref<128x32xf32, #tpu.memory_space<vmem>>, vector<1x16xf32>,
          %get3A_254 = vector.shape_cast %get3A_253 : vector<1x16xf32> to vector<16xf32>
          %add3A_255 = arith.addf %get3A_250, %get3A_254 : vector<16xf32>
          %get3A_256 = arith.constant 0 : index
          %get3A_257 = tpu.vector_load %arg9[%get3A_256] {strides = array<i32>} : memref<32xf32, #tpu.memory_space<vmem>>, vector<16xf32>,
          %get3A_258 = vector.shape_cast %get3A_257 : vector<16xf32> to vector<16xf32>
          %mul3A_259 = arith.mulf %gather3A_242, %get3A_258 : vector<16xf32>
          %add3A_260 = arith.addf %add3A_255, %mul3A_259 : vector<16xf32>
          %mul3A_261 = arith.constant 0.00999999977 : f32
          %mul3A_262 = vector.broadcast %mul3A_261 : f32 to vector<16xf32>
          %mul3A_263 = arith.mulf %mul3A_262, %add3A_260 : vector<16xf32>
          %max3A = arith.maximumf %add3A_260, %mul3A_263 : vector<16xf32>
          %swap3A_264 = arith.index_cast %add3A_246 : i32 to index
          %swap3A_265 = arith.constant 0 : index
          %swap3A_266 = tpu.vector_load %arg20[%swap3A_264, %swap3A_265] {strides = array<i32>} : memref<128x32xf32, #tpu.memory_space<vmem>>, vector<1x16xf32>,
          %swap3A_267 = vector.shape_cast %swap3A_266 : vector<1x16xf32> to vector<16xf32>
          %swap3A_268 = vector.shape_cast %max3A : vector<16xf32> to vector<1x16xf32>
          tpu.vector_store %arg20[%swap3A_264, %swap3A_265], %swap3A_268 {strides = array<i32>} : memref<128x32xf32, #tpu.memory_space<vmem>>, vector<1x16xf32>,
          %get3A_269 = arith.index_cast %add3A_246 : i32 to index
          %get3A_270 = arith.constant 16 : index
          %get3A_271 = tpu.vector_load %arg16[%get3A_269, %get3A_270] {strides = array<i32>} : memref<128x32xf32, #tpu.memory_space<vmem>>, vector<1x16xf32>,
          %get3A_272 = vector.shape_cast %get3A_271 : vector<1x16xf32> to vector<16xf32>
          %get3A_273 = arith.index_cast %add3A_246 : i32 to index
          %get3A_274 = arith.constant 16 : index
          %get3A_275 = tpu.vector_load %arg18[%get3A_273, %get3A_274] {strides = array<i32>} : memref<128x32xf32, #tpu.memory_space<vmem>>, vector<1x16xf32>,
          %get3A_276 = vector.shape_cast %get3A_275 : vector<1x16xf32> to vector<16xf32>
          %add3A_277 = arith.addf %get3A_272, %get3A_276 : vector<16xf32>
          %get3A_278 = arith.constant 16 : index
          %get3A_279 = tpu.vector_load %arg9[%get3A_278] {strides = array<i32>} : memref<32xf32, #tpu.memory_space<vmem>>, vector<16xf32>,
          %get3A_280 = vector.shape_cast %get3A_279 : vector<16xf32> to vector<16xf32>
          %mul3A_281 = arith.mulf %gather3A_242, %get3A_280 : vector<16xf32>
          %add3A_282 = arith.addf %add3A_277, %mul3A_281 : vector<16xf32>
          %mul3A_283 = arith.constant 0.00999999977 : f32
          %mul3A_284 = vector.broadcast %mul3A_283 : f32 to vector<16xf32>
          %mul3A_285 = arith.mulf %mul3A_284, %add3A_282 : vector<16xf32>
          %max3A_286 = arith.maximumf %add3A_282, %mul3A_285 : vector<16xf32>
          %swap3A_287 = arith.index_cast %add3A_246 : i32 to index
          %swap3A_288 = arith.constant 16 : index
          %swap3A_289 = tpu.vector_load %arg20[%swap3A_287, %swap3A_288] {strides = array<i32>} : memref<128x32xf32, #tpu.memory_space<vmem>>, vector<1x16xf32>,
          %swap3A_290 = vector.shape_cast %swap3A_289 : vector<1x16xf32> to vector<16xf32>
          %swap3A_291 = vector.shape_cast %max3A_286 : vector<16xf32> to vector<1x16xf32>
          tpu.vector_store %arg20[%swap3A_287, %swap3A_288], %swap3A_291 {strides = array<i32>} : memref<128x32xf32, #tpu.memory_space<vmem>>, vector<1x16xf32>,
          %broadcast_in_dim3A_292 = arith.constant 1 : i32
          %broadcast_in_dim3A_293 = vector.broadcast %broadcast_in_dim3A_292 : i32 to vector<16x1xi32>
          %gather3A_294 = vector.shape_cast %broadcast_in_dim3A_293 : vector<16x1xi32> to vector<16xi32>
          %gather3A_295 = tpu.dynamic_gather %get3A_240[%gather3A_294] in [0] : vector<16xf32>, vector<16xi32> -> vector<16xf32>
          %mul3A_296 = arith.constant 16 : i32
          %mul3A_297 = arith.muli %scan3A_235, %mul3A_296 : i32
          %add3A_298 = arith.constant 1 : i32
          %add3A_299 = arith.addi %mul3A_297, %add3A_298 : i32
          %get3A_300 = arith.index_cast %add3A_299 : i32 to index
          %get3A_301 = arith.constant 0 : index
          %get3A_302 = tpu.vector_load %arg16[%get3A_300, %get3A_301] {strides = array<i32>} : memref<128x32xf32, #tpu.memory_space<vmem>>, vector<1x16xf32>,
          %get3A_303 = vector.shape_cast %get3A_302 : vector<1x16xf32> to vector<16xf32>
          %get3A_304 = arith.index_cast %add3A_299 : i32 to index
          %get3A_305 = arith.constant 0 : index
          %get3A_306 = tpu.vector_load %arg18[%get3A_304, %get3A_305] {strides = array<i32>} : memref<128x32xf32, #tpu.memory_space<vmem>>, vector<1x16xf32>,
          %get3A_307 = vector.shape_cast %get3A_306 : vector<1x16xf32> to vector<16xf32>
          %add3A_308 = arith.addf %get3A_303, %get3A_307 : vector<16xf32>
          %get3A_309 = arith.constant 0 : index
          %get3A_310 = tpu.vector_load %arg9[%get3A_309] {strides = array<i32>} : memref<32xf32, #tpu.memory_space<vmem>>, vector<16xf32>,
          %get3A_311 = vector.shape_cast %get3A_310 : vector<16xf32> to vector<16xf32>
          %mul3A_312 = arith.mulf %gather3A_295, %get3A_311 : vector<16xf32>
          %add3A_313 = arith.addf %add3A_308, %mul3A_312 : vector<16xf32>
          %mul3A_314 = arith.constant 0.00999999977 : f32
          %mul3A_315 = vector.broadcast %mul3A_314 : f32 to vector<16xf32>
          %mul3A_316 = arith.mulf %mul3A_315, %add3A_313 : vector<16xf32>
          %max3A_317 = arith.maximumf %add3A_313, %mul3A_316 : vector<16xf32>
          %swap3A_318 = arith.index_cast %add3A_299 : i32 to index
          %swap3A_319 = arith.constant 0 : index
          %swap3A_320 = tpu.vector_load %arg20[%swap3A_318, %swap3A_319] {strides = array<i32>} : memref<128x32xf32, #tpu.memory_space<vmem>>, vector<1x16xf32>,
          %swap3A_321 = vector.shape_cast %swap3A_320 : vector<1x16xf32> to vector<16xf32>
          %swap3A_322 = vector.shape_cast %max3A_317 : vector<16xf32> to vector<1x16xf32>
          tpu.vector_store %arg20[%swap3A_318, %swap3A_319], %swap3A_322 {strides = array<i32>} : memref<128x32xf32, #tpu.memory_space<vmem>>, vector<1x16xf32>,
          %get3A_323 = arith.index_cast %add3A_299 : i32 to index
          %get3A_324 = arith.constant 16 : index
          %get3A_325 = tpu.vector_load %arg16[%get3A_323, %get3A_324] {strides = array<i32>} : memref<128x32xf32, #tpu.memory_space<vmem>>, vector<1x16xf32>,
          %get3A_326 = vector.shape_cast %get3A_325 : vector<1x16xf32> to vector<16xf32>
          %get3A_327 = arith.index_cast %add3A_299 : i32 to index
          %get3A_328 = arith.constant 16 : index
          %get3A_329 = tpu.vector_load %arg18[%get3A_327, %get3A_328] {strides = array<i32>} : memref<128x32xf32, #tpu.memory_space<vmem>>, vector<1x16xf32>,
          %get3A_330 = vector.shape_cast %get3A_329 : vector<1x16xf32> to vector<16xf32>
          %add3A_331 = arith.addf %get3A_326, %get3A_330 : vector<16xf32>
          %get3A_332 = arith.constant 16 : index
          %get3A_333 = tpu.vector_load %arg9[%get3A_332] {strides = array<i32>} : memref<32xf32, #tpu.memory_space<vmem>>, vector<16xf32>,
          %get3A_334 = vector.shape_cast %get3A_333 : vector<16xf32> to vector<16xf32>
          %mul3A_335 = arith.mulf %gather3A_295, %get3A_334 : vector<16xf32>
          %add3A_336 = arith.addf %add3A_331, %mul3A_335 : vector<16xf32>
          %mul3A_337 = arith.constant 0.00999999977 : f32
          %mul3A_338 = vector.broadcast %mul3A_337 : f32 to vector<16xf32>
          %mul3A_339 = arith.mulf %mul3A_338, %add3A_336 : vector<16xf32>
          %max3A_340 = arith.maximumf %add3A_336, %mul3A_339 : vector<16xf32>
          %swap3A_341 = arith.index_cast %add3A_299 : i32 to index
          %swap3A_342 = arith.constant 16 : index
          %swap3A_343 = tpu.vector_load %arg20[%swap3A_341, %swap3A_342] {strides = array<i32>} : memref<128x32xf32, #tpu.memory_space<vmem>>, vector<1x16xf32>,
          %swap3A_344 = vector.shape_cast %swap3A_343 : vector<1x16xf32> to vector<16xf32>
          %swap3A_345 = vector.shape_cast %max3A_340 : vector<16xf32> to vector<1x16xf32>
          tpu.vector_store %arg20[%swap3A_341, %swap3A_342], %swap3A_345 {strides = array<i32>} : memref<128x32xf32, #tpu.memory_space<vmem>>, vector<1x16xf32>,
          %broadcast_in_dim3A_346 = arith.constant 2 : i32
          %broadcast_in_dim3A_347 = vector.broadcast %broadcast_in_dim3A_346 : i32 to vector<16x1xi32>
          %gather3A_348 = vector.shape_cast %broadcast_in_dim3A_347 : vector<16x1xi32> to vector<16xi32>
          %gather3A_349 = tpu.dynamic_gather %get3A_240[%gather3A_348] in [0] : vector<16xf32>, vector<16xi32> -> vector<16xf32>
          %mul3A_350 = arith.constant 16 : i32
          %mul3A_351 = arith.muli %scan3A_235, %mul3A_350 : i32
          %add3A_352 = arith.constant 2 : i32
          %add3A_353 = arith.addi %mul3A_351, %add3A_352 : i32
          %get3A_354 = arith.index_cast %add3A_353 : i32 to index
          %get3A_355 = arith.constant 0 : index
          %get3A_356 = tpu.vector_load %arg16[%get3A_354, %get3A_355] {strides = array<i32>} : memref<128x32xf32, #tpu.memory_space<vmem>>, vector<1x16xf32>,
          %get3A_357 = vector.shape_cast %get3A_356 : vector<1x16xf32> to vector<16xf32>
          %get3A_358 = arith.index_cast %add3A_353 : i32 to index
          %get3A_359 = arith.constant 0 : index
          %get3A_360 = tpu.vector_load %arg18[%get3A_358, %get3A_359] {strides = array<i32>} : memref<128x32xf32, #tpu.memory_space<vmem>>, vector<1x16xf32>,
          %get3A_361 = vector.shape_cast %get3A_360 : vector<1x16xf32> to vector<16xf32>
          %add3A_362 = arith.addf %get3A_357, %get3A_361 : vector<16xf32>
          %get3A_363 = arith.constant 0 : index
          %get3A_364 = tpu.vector_load %arg9[%get3A_363] {strides = array<i32>} : memref<32xf32, #tpu.memory_space<vmem>>, vector<16xf32>,
          %get3A_365 = vector.shape_cast %get3A_364 : vector<16xf32> to vector<16xf32>
          %mul3A_366 = arith.mulf %gather3A_349, %get3A_365 : vector<16xf32>
          %add3A_367 = arith.addf %add3A_362, %mul3A_366 : vector<16xf32>
          %mul3A_368 = arith.constant 0.00999999977 : f32
          %mul3A_369 = vector.broadcast %mul3A_368 : f32 to vector<16xf32>
          %mul3A_370 = arith.mulf %mul3A_369, %add3A_367 : vector<16xf32>
          %max3A_371 = arith.maximumf %add3A_367, %mul3A_370 : vector<16xf32>
          %swap3A_372 = arith.index_cast %add3A_353 : i32 to index
          %swap3A_373 = arith.constant 0 : index
          %swap3A_374 = tpu.vector_load %arg20[%swap3A_372, %swap3A_373] {strides = array<i32>} : memref<128x32xf32, #tpu.memory_space<vmem>>, vector<1x16xf32>,
          %swap3A_375 = vector.shape_cast %swap3A_374 : vector<1x16xf32> to vector<16xf32>
          %swap3A_376 = vector.shape_cast %max3A_371 : vector<16xf32> to vector<1x16xf32>
          tpu.vector_store %arg20[%swap3A_372, %swap3A_373], %swap3A_376 {strides = array<i32>} : memref<128x32xf32, #tpu.memory_space<vmem>>, vector<1x16xf32>,
          %get3A_377 = arith.index_cast %add3A_353 : i32 to index
          %get3A_378 = arith.constant 16 : index
          %get3A_379 = tpu.vector_load %arg16[%get3A_377, %get3A_378] {strides = array<i32>} : memref<128x32xf32, #tpu.memory_space<vmem>>, vector<1x16xf32>,
          %get3A_380 = vector.shape_cast %get3A_379 : vector<1x16xf32> to vector<16xf32>
          %get3A_381 = arith.index_cast %add3A_353 : i32 to index
          %get3A_382 = arith.constant 16 : index
          %get3A_383 = tpu.vector_load %arg18[%get3A_381, %get3A_382] {strides = array<i32>} : memref<128x32xf32, #tpu.memory_space<vmem>>, vector<1x16xf32>,
          %get3A_384 = vector.shape_cast %get3A_383 : vector<1x16xf32> to vector<16xf32>
          %add3A_385 = arith.addf %get3A_380, %get3A_384 : vector<16xf32>
          %get3A_386 = arith.constant 16 : index
          %get3A_387 = tpu.vector_load %arg9[%get3A_386] {strides = array<i32>} : memref<32xf32, #tpu.memory_space<vmem>>, vector<16xf32>,
          %get3A_388 = vector.shape_cast %get3A_387 : vector<16xf32> to vector<16xf32>
          %mul3A_389 = arith.mulf %gather3A_349, %get3A_388 : vector<16xf32>
          %add3A_390 = arith.addf %add3A_385, %mul3A_389 : vector<16xf32>
          %mul3A_391 = arith.constant 0.00999999977 : f32
          %mul3A_392 = vector.broadcast %mul3A_391 : f32 to vector<16xf32>
          %mul3A_393 = arith.mulf %mul3A_392, %add3A_390 : vector<16xf32>
          %max3A_394 = arith.maximumf %add3A_390, %mul3A_393 : vector<16xf32>
          %swap3A_395 = arith.index_cast %add3A_353 : i32 to index
          %swap3A_396 = arith.constant 16 : index
          %swap3A_397 = tpu.vector_load %arg20[%swap3A_395, %swap3A_396] {strides = array<i32>} : memref<128x32xf32, #tpu.memory_space<vmem>>, vector<1x16xf32>,
          %swap3A_398 = vector.shape_cast %swap3A_397 : vector<1x16xf32> to vector<16xf32>
          %swap3A_399 = vector.shape_cast %max3A_394 : vector<16xf32> to vector<1x16xf32>
          tpu.vector_store %arg20[%swap3A_395, %swap3A_396], %swap3A_399 {strides = array<i32>} : memref<128x32xf32, #tpu.memory_space<vmem>>, vector<1x16xf32>,
          %broadcast_in_dim3A_400 = arith.constant 3 : i32
          %broadcast_in_dim3A_401 = vector.broadcast %broadcast_in_dim3A_400 : i32 to vector<16x1xi32>
          %gather3A_402 = vector.shape_cast %broadcast_in_dim3A_401 : vector<16x1xi32> to vector<16xi32>
          %gather3A_403 = tpu.dynamic_gather %get3A_240[%gather3A_402] in [0] : vector<16xf32>, vector<16xi32> -> vector<16xf32>
          %mul3A_404 = arith.constant 16 : i32
          %mul3A_405 = arith.muli %scan3A_235, %mul3A_404 : i32
          %add3A_406 = arith.constant 3 : i32
          %add3A_407 = arith.addi %mul3A_405, %add3A_406 : i32
          %get3A_408 = arith.index_cast %add3A_407 : i32 to index
          %get3A_409 = arith.constant 0 : index
          %get3A_410 = tpu.vector_load %arg16[%get3A_408, %get3A_409] {strides = array<i32>} : memref<128x32xf32, #tpu.memory_space<vmem>>, vector<1x16xf32>,
          %get3A_411 = vector.shape_cast %get3A_410 : vector<1x16xf32> to vector<16xf32>
          %get3A_412 = arith.index_cast %add3A_407 : i32 to index
          %get3A_413 = arith.constant 0 : index
          %get3A_414 = tpu.vector_load %arg18[%get3A_412, %get3A_413] {strides = array<i32>} : memref<128x32xf32, #tpu.memory_space<vmem>>, vector<1x16xf32>,
          %get3A_415 = vector.shape_cast %get3A_414 : vector<1x16xf32> to vector<16xf32>
          %add3A_416 = arith.addf %get3A_411, %get3A_415 : vector<16xf32>
          %get3A_417 = arith.constant 0 : index
          %get3A_418 = tpu.vector_load %arg9[%get3A_417] {strides = array<i32>} : memref<32xf32, #tpu.memory_space<vmem>>, vector<16xf32>,
          %get3A_419 = vector.shape_cast %get3A_418 : vector<16xf32> to vector<16xf32>
          %mul3A_420 = arith.mulf %gather3A_403, %get3A_419 : vector<16xf32>
          %add3A_421 = arith.addf %add3A_416, %mul3A_420 : vector<16xf32>
          %mul3A_422 = arith.constant 0.00999999977 : f32
          %mul3A_423 = vector.broadcast %mul3A_422 : f32 to vector<16xf32>
          %mul3A_424 = arith.mulf %mul3A_423, %add3A_421 : vector<16xf32>
          %max3A_425 = arith.maximumf %add3A_421, %mul3A_424 : vector<16xf32>
          %swap3A_426 = arith.index_cast %add3A_407 : i32 to index
          %swap3A_427 = arith.constant 0 : index
          %swap3A_428 = tpu.vector_load %arg20[%swap3A_426, %swap3A_427] {strides = array<i32>} : memref<128x32xf32, #tpu.memory_space<vmem>>, vector<1x16xf32>,
          %swap3A_429 = vector.shape_cast %swap3A_428 : vector<1x16xf32> to vector<16xf32>
          %swap3A_430 = vector.shape_cast %max3A_425 : vector<16xf32> to vector<1x16xf32>
          tpu.vector_store %arg20[%swap3A_426, %swap3A_427], %swap3A_430 {strides = array<i32>} : memref<128x32xf32, #tpu.memory_space<vmem>>, vector<1x16xf32>,
          %get3A_431 = arith.index_cast %add3A_407 : i32 to index
          %get3A_432 = arith.constant 16 : index
          %get3A_433 = tpu.vector_load %arg16[%get3A_431, %get3A_432] {strides = array<i32>} : memref<128x32xf32, #tpu.memory_space<vmem>>, vector<1x16xf32>,
          %get3A_434 = vector.shape_cast %get3A_433 : vector<1x16xf32> to vector<16xf32>
          %get3A_435 = arith.index_cast %add3A_407 : i32 to index
          %get3A_436 = arith.constant 16 : index
          %get3A_437 = tpu.vector_load %arg18[%get3A_435, %get3A_436] {strides = array<i32>} : memref<128x32xf32, #tpu.memory_space<vmem>>, vector<1x16xf32>,
          %get3A_438 = vector.shape_cast %get3A_437 : vector<1x16xf32> to vector<16xf32>
          %add3A_439 = arith.addf %get3A_434, %get3A_438 : vector<16xf32>
          %get3A_440 = arith.constant 16 : index
          %get3A_441 = tpu.vector_load %arg9[%get3A_440] {strides = array<i32>} : memref<32xf32, #tpu.memory_space<vmem>>, vector<16xf32>,
          %get3A_442 = vector.shape_cast %get3A_441 : vector<16xf32> to vector<16xf32>
          %mul3A_443 = arith.mulf %gather3A_403, %get3A_442 : vector<16xf32>
          %add3A_444 = arith.addf %add3A_439, %mul3A_443 : vector<16xf32>
          %mul3A_445 = arith.constant 0.00999999977 : f32
          %mul3A_446 = vector.broadcast %mul3A_445 : f32 to vector<16xf32>
          %mul3A_447 = arith.mulf %mul3A_446, %add3A_444 : vector<16xf32>
          %max3A_448 = arith.maximumf %add3A_444, %mul3A_447 : vector<16xf32>
          %swap3A_449 = arith.index_cast %add3A_407 : i32 to index
          %swap3A_450 = arith.constant 16 : index
          %swap3A_451 = tpu.vector_load %arg20[%swap3A_449, %swap3A_450] {strides = array<i32>} : memref<128x32xf32, #tpu.memory_space<vmem>>, vector<1x16xf32>,
          %swap3A_452 = vector.shape_cast %swap3A_451 : vector<1x16xf32> to vector<16xf32>
          %swap3A_453 = vector.shape_cast %max3A_448 : vector<16xf32> to vector<1x16xf32>
          tpu.vector_store %arg20[%swap3A_449, %swap3A_450], %swap3A_453 {strides = array<i32>} : memref<128x32xf32, #tpu.memory_space<vmem>>, vector<1x16xf32>,
          %broadcast_in_dim3A_454 = arith.constant 4 : i32
          %broadcast_in_dim3A_455 = vector.broadcast %broadcast_in_dim3A_454 : i32 to vector<16x1xi32>
          %gather3A_456 = vector.shape_cast %broadcast_in_dim3A_455 : vector<16x1xi32> to vector<16xi32>
          %gather3A_457 = tpu.dynamic_gather %get3A_240[%gather3A_456] in [0] : vector<16xf32>, vector<16xi32> -> vector<16xf32>
          %mul3A_458 = arith.constant 16 : i32
          %mul3A_459 = arith.muli %scan3A_235, %mul3A_458 : i32
          %add3A_460 = arith.constant 4 : i32
          %add3A_461 = arith.addi %mul3A_459, %add3A_460 : i32
          %get3A_462 = arith.index_cast %add3A_461 : i32 to index
          %get3A_463 = arith.constant 0 : index
          %get3A_464 = tpu.vector_load %arg16[%get3A_462, %get3A_463] {strides = array<i32>} : memref<128x32xf32, #tpu.memory_space<vmem>>, vector<1x16xf32>,
          %get3A_465 = vector.shape_cast %get3A_464 : vector<1x16xf32> to vector<16xf32>
          %get3A_466 = arith.index_cast %add3A_461 : i32 to index
          %get3A_467 = arith.constant 0 : index
          %get3A_468 = tpu.vector_load %arg18[%get3A_466, %get3A_467] {strides = array<i32>} : memref<128x32xf32, #tpu.memory_space<vmem>>, vector<1x16xf32>,
          %get3A_469 = vector.shape_cast %get3A_468 : vector<1x16xf32> to vector<16xf32>
          %add3A_470 = arith.addf %get3A_465, %get3A_469 : vector<16xf32>
          %get3A_471 = arith.constant 0 : index
          %get3A_472 = tpu.vector_load %arg9[%get3A_471] {strides = array<i32>} : memref<32xf32, #tpu.memory_space<vmem>>, vector<16xf32>,
          %get3A_473 = vector.shape_cast %get3A_472 : vector<16xf32> to vector<16xf32>
          %mul3A_474 = arith.mulf %gather3A_457, %get3A_473 : vector<16xf32>
          %add3A_475 = arith.addf %add3A_470, %mul3A_474 : vector<16xf32>
          %mul3A_476 = arith.constant 0.00999999977 : f32
          %mul3A_477 = vector.broadcast %mul3A_476 : f32 to vector<16xf32>
          %mul3A_478 = arith.mulf %mul3A_477, %add3A_475 : vector<16xf32>
          %max3A_479 = arith.maximumf %add3A_475, %mul3A_478 : vector<16xf32>
          %swap3A_480 = arith.index_cast %add3A_461 : i32 to index
          %swap3A_481 = arith.constant 0 : index
          %swap3A_482 = tpu.vector_load %arg20[%swap3A_480, %swap3A_481] {strides = array<i32>} : memref<128x32xf32, #tpu.memory_space<vmem>>, vector<1x16xf32>,
          %swap3A_483 = vector.shape_cast %swap3A_482 : vector<1x16xf32> to vector<16xf32>
          %swap3A_484 = vector.shape_cast %max3A_479 : vector<16xf32> to vector<1x16xf32>
          tpu.vector_store %arg20[%swap3A_480, %swap3A_481], %swap3A_484 {strides = array<i32>} : memref<128x32xf32, #tpu.memory_space<vmem>>, vector<1x16xf32>,
          %get3A_485 = arith.index_cast %add3A_461 : i32 to index
          %get3A_486 = arith.constant 16 : index
          %get3A_487 = tpu.vector_load %arg16[%get3A_485, %get3A_486] {strides = array<i32>} : memref<128x32xf32, #tpu.memory_space<vmem>>, vector<1x16xf32>,
          %get3A_488 = vector.shape_cast %get3A_487 : vector<1x16xf32> to vector<16xf32>
          %get3A_489 = arith.index_cast %add3A_461 : i32 to index
          %get3A_490 = arith.constant 16 : index
          %get3A_491 = tpu.vector_load %arg18[%get3A_489, %get3A_490] {strides = array<i32>} : memref<128x32xf32, #tpu.memory_space<vmem>>, vector<1x16xf32>,
          %get3A_492 = vector.shape_cast %get3A_491 : vector<1x16xf32> to vector<16xf32>
          %add3A_493 = arith.addf %get3A_488, %get3A_492 : vector<16xf32>
          %get3A_494 = arith.constant 16 : index
          %get3A_495 = tpu.vector_load %arg9[%get3A_494] {strides = array<i32>} : memref<32xf32, #tpu.memory_space<vmem>>, vector<16xf32>,
          %get3A_496 = vector.shape_cast %get3A_495 : vector<16xf32> to vector<16xf32>
          %mul3A_497 = arith.mulf %gather3A_457, %get3A_496 : vector<16xf32>
          %add3A_498 = arith.addf %add3A_493, %mul3A_497 : vector<16xf32>
          %mul3A_499 = arith.constant 0.00999999977 : f32
          %mul3A_500 = vector.broadcast %mul3A_499 : f32 to vector<16xf32>
          %mul3A_501 = arith.mulf %mul3A_500, %add3A_498 : vector<16xf32>
          %max3A_502 = arith.maximumf %add3A_498, %mul3A_501 : vector<16xf32>
          %swap3A_503 = arith.index_cast %add3A_461 : i32 to index
          %swap3A_504 = arith.constant 16 : index
          %swap3A_505 = tpu.vector_load %arg20[%swap3A_503, %swap3A_504] {strides = array<i32>} : memref<128x32xf32, #tpu.memory_space<vmem>>, vector<1x16xf32>,
          %swap3A_506 = vector.shape_cast %swap3A_505 : vector<1x16xf32> to vector<16xf32>
          %swap3A_507 = vector.shape_cast %max3A_502 : vector<16xf32> to vector<1x16xf32>
          tpu.vector_store %arg20[%swap3A_503, %swap3A_504], %swap3A_507 {strides = array<i32>} : memref<128x32xf32, #tpu.memory_space<vmem>>, vector<1x16xf32>,
          %broadcast_in_dim3A_508 = arith.constant 5 : i32
          %broadcast_in_dim3A_509 = vector.broadcast %broadcast_in_dim3A_508 : i32 to vector<16x1xi32>
          %gather3A_510 = vector.shape_cast %broadcast_in_dim3A_509 : vector<16x1xi32> to vector<16xi32>
          %gather3A_511 = tpu.dynamic_gather %get3A_240[%gather3A_510] in [0] : vector<16xf32>, vector<16xi32> -> vector<16xf32>
          %mul3A_512 = arith.constant 16 : i32
          %mul3A_513 = arith.muli %scan3A_235, %mul3A_512 : i32
          %add3A_514 = arith.constant 5 : i32
          %add3A_515 = arith.addi %mul3A_513, %add3A_514 : i32
          %get3A_516 = arith.index_cast %add3A_515 : i32 to index
          %get3A_517 = arith.constant 0 : index
          %get3A_518 = tpu.vector_load %arg16[%get3A_516, %get3A_517] {strides = array<i32>} : memref<128x32xf32, #tpu.memory_space<vmem>>, vector<1x16xf32>,
          %get3A_519 = vector.shape_cast %get3A_518 : vector<1x16xf32> to vector<16xf32>
          %get3A_520 = arith.index_cast %add3A_515 : i32 to index
          %get3A_521 = arith.constant 0 : index
          %get3A_522 = tpu.vector_load %arg18[%get3A_520, %get3A_521] {strides = array<i32>} : memref<128x32xf32, #tpu.memory_space<vmem>>, vector<1x16xf32>,
          %get3A_523 = vector.shape_cast %get3A_522 : vector<1x16xf32> to vector<16xf32>
          %add3A_524 = arith.addf %get3A_519, %get3A_523 : vector<16xf32>
          %get3A_525 = arith.constant 0 : index
          %get3A_526 = tpu.vector_load %arg9[%get3A_525] {strides = array<i32>} : memref<32xf32, #tpu.memory_space<vmem>>, vector<16xf32>,
          %get3A_527 = vector.shape_cast %get3A_526 : vector<16xf32> to vector<16xf32>
          %mul3A_528 = arith.mulf %gather3A_511, %get3A_527 : vector<16xf32>
          %add3A_529 = arith.addf %add3A_524, %mul3A_528 : vector<16xf32>
          %mul3A_530 = arith.constant 0.00999999977 : f32
          %mul3A_531 = vector.broadcast %mul3A_530 : f32 to vector<16xf32>
          %mul3A_532 = arith.mulf %mul3A_531, %add3A_529 : vector<16xf32>
          %max3A_533 = arith.maximumf %add3A_529, %mul3A_532 : vector<16xf32>
          %swap3A_534 = arith.index_cast %add3A_515 : i32 to index
          %swap3A_535 = arith.constant 0 : index
          %swap3A_536 = tpu.vector_load %arg20[%swap3A_534, %swap3A_535] {strides = array<i32>} : memref<128x32xf32, #tpu.memory_space<vmem>>, vector<1x16xf32>,
          %swap3A_537 = vector.shape_cast %swap3A_536 : vector<1x16xf32> to vector<16xf32>
          %swap3A_538 = vector.shape_cast %max3A_533 : vector<16xf32> to vector<1x16xf32>
          tpu.vector_store %arg20[%swap3A_534, %swap3A_535], %swap3A_538 {strides = array<i32>} : memref<128x32xf32, #tpu.memory_space<vmem>>, vector<1x16xf32>,
          %get3A_539 = arith.index_cast %add3A_515 : i32 to index
          %get3A_540 = arith.constant 16 : index
          %get3A_541 = tpu.vector_load %arg16[%get3A_539, %get3A_540] {strides = array<i32>} : memref<128x32xf32, #tpu.memory_space<vmem>>, vector<1x16xf32>,
          %get3A_542 = vector.shape_cast %get3A_541 : vector<1x16xf32> to vector<16xf32>
          %get3A_543 = arith.index_cast %add3A_515 : i32 to index
          %get3A_544 = arith.constant 16 : index
          %get3A_545 = tpu.vector_load %arg18[%get3A_543, %get3A_544] {strides = array<i32>} : memref<128x32xf32, #tpu.memory_space<vmem>>, vector<1x16xf32>,
          %get3A_546 = vector.shape_cast %get3A_545 : vector<1x16xf32> to vector<16xf32>
          %add3A_547 = arith.addf %get3A_542, %get3A_546 : vector<16xf32>
          %get3A_548 = arith.constant 16 : index
          %get3A_549 = tpu.vector_load %arg9[%get3A_548] {strides = array<i32>} : memref<32xf32, #tpu.memory_space<vmem>>, vector<16xf32>,
          %get3A_550 = vector.shape_cast %get3A_549 : vector<16xf32> to vector<16xf32>
          %mul3A_551 = arith.mulf %gather3A_511, %get3A_550 : vector<16xf32>
          %add3A_552 = arith.addf %add3A_547, %mul3A_551 : vector<16xf32>
          %mul3A_553 = arith.constant 0.00999999977 : f32
          %mul3A_554 = vector.broadcast %mul3A_553 : f32 to vector<16xf32>
          %mul3A_555 = arith.mulf %mul3A_554, %add3A_552 : vector<16xf32>
          %max3A_556 = arith.maximumf %add3A_552, %mul3A_555 : vector<16xf32>
          %swap3A_557 = arith.index_cast %add3A_515 : i32 to index
          %swap3A_558 = arith.constant 16 : index
          %swap3A_559 = tpu.vector_load %arg20[%swap3A_557, %swap3A_558] {strides = array<i32>} : memref<128x32xf32, #tpu.memory_space<vmem>>, vector<1x16xf32>,
          %swap3A_560 = vector.shape_cast %swap3A_559 : vector<1x16xf32> to vector<16xf32>
          %swap3A_561 = vector.shape_cast %max3A_556 : vector<16xf32> to vector<1x16xf32>
          tpu.vector_store %arg20[%swap3A_557, %swap3A_558], %swap3A_561 {strides = array<i32>} : memref<128x32xf32, #tpu.memory_space<vmem>>, vector<1x16xf32>,
          %broadcast_in_dim3A_562 = arith.constant 6 : i32
          %broadcast_in_dim3A_563 = vector.broadcast %broadcast_in_dim3A_562 : i32 to vector<16x1xi32>
          %gather3A_564 = vector.shape_cast %broadcast_in_dim3A_563 : vector<16x1xi32> to vector<16xi32>
          %gather3A_565 = tpu.dynamic_gather %get3A_240[%gather3A_564] in [0] : vector<16xf32>, vector<16xi32> -> vector<16xf32>
          %mul3A_566 = arith.constant 16 : i32
          %mul3A_567 = arith.muli %scan3A_235, %mul3A_566 : i32
          %add3A_568 = arith.constant 6 : i32
          %add3A_569 = arith.addi %mul3A_567, %add3A_568 : i32
          %get3A_570 = arith.index_cast %add3A_569 : i32 to index
          %get3A_571 = arith.constant 0 : index
          %get3A_572 = tpu.vector_load %arg16[%get3A_570, %get3A_571] {strides = array<i32>} : memref<128x32xf32, #tpu.memory_space<vmem>>, vector<1x16xf32>,
          %get3A_573 = vector.shape_cast %get3A_572 : vector<1x16xf32> to vector<16xf32>
          %get3A_574 = arith.index_cast %add3A_569 : i32 to index
          %get3A_575 = arith.constant 0 : index
          %get3A_576 = tpu.vector_load %arg18[%get3A_574, %get3A_575] {strides = array<i32>} : memref<128x32xf32, #tpu.memory_space<vmem>>, vector<1x16xf32>,
          %get3A_577 = vector.shape_cast %get3A_576 : vector<1x16xf32> to vector<16xf32>
          %add3A_578 = arith.addf %get3A_573, %get3A_577 : vector<16xf32>
          %get3A_579 = arith.constant 0 : index
          %get3A_580 = tpu.vector_load %arg9[%get3A_579] {strides = array<i32>} : memref<32xf32, #tpu.memory_space<vmem>>, vector<16xf32>,
          %get3A_581 = vector.shape_cast %get3A_580 : vector<16xf32> to vector<16xf32>
          %mul3A_582 = arith.mulf %gather3A_565, %get3A_581 : vector<16xf32>
          %add3A_583 = arith.addf %add3A_578, %mul3A_582 : vector<16xf32>
          %mul3A_584 = arith.constant 0.00999999977 : f32
          %mul3A_585 = vector.broadcast %mul3A_584 : f32 to vector<16xf32>
          %mul3A_586 = arith.mulf %mul3A_585, %add3A_583 : vector<16xf32>
          %max3A_587 = arith.maximumf %add3A_583, %mul3A_586 : vector<16xf32>
          %swap3A_588 = arith.index_cast %add3A_569 : i32 to index
          %swap3A_589 = arith.constant 0 : index
          %swap3A_590 = tpu.vector_load %arg20[%swap3A_588, %swap3A_589] {strides = array<i32>} : memref<128x32xf32, #tpu.memory_space<vmem>>, vector<1x16xf32>,
          %swap3A_591 = vector.shape_cast %swap3A_590 : vector<1x16xf32> to vector<16xf32>
          %swap3A_592 = vector.shape_cast %max3A_587 : vector<16xf32> to vector<1x16xf32>
          tpu.vector_store %arg20[%swap3A_588, %swap3A_589], %swap3A_592 {strides = array<i32>} : memref<128x32xf32, #tpu.memory_space<vmem>>, vector<1x16xf32>,
          %get3A_593 = arith.index_cast %add3A_569 : i32 to index
          %get3A_594 = arith.constant 16 : index
          %get3A_595 = tpu.vector_load %arg16[%get3A_593, %get3A_594] {strides = array<i32>} : memref<128x32xf32, #tpu.memory_space<vmem>>, vector<1x16xf32>,
          %get3A_596 = vector.shape_cast %get3A_595 : vector<1x16xf32> to vector<16xf32>
          %get3A_597 = arith.index_cast %add3A_569 : i32 to index
          %get3A_598 = arith.constant 16 : index
          %get3A_599 = tpu.vector_load %arg18[%get3A_597, %get3A_598] {strides = array<i32>} : memref<128x32xf32, #tpu.memory_space<vmem>>, vector<1x16xf32>,
          %get3A_600 = vector.shape_cast %get3A_599 : vector<1x16xf32> to vector<16xf32>
          %add3A_601 = arith.addf %get3A_596, %get3A_600 : vector<16xf32>
          %get3A_602 = arith.constant 16 : index
          %get3A_603 = tpu.vector_load %arg9[%get3A_602] {strides = array<i32>} : memref<32xf32, #tpu.memory_space<vmem>>, vector<16xf32>,
          %get3A_604 = vector.shape_cast %get3A_603 : vector<16xf32> to vector<16xf32>
          %mul3A_605 = arith.mulf %gather3A_565, %get3A_604 : vector<16xf32>
          %add3A_606 = arith.addf %add3A_601, %mul3A_605 : vector<16xf32>
          %mul3A_607 = arith.constant 0.00999999977 : f32
          %mul3A_608 = vector.broadcast %mul3A_607 : f32 to vector<16xf32>
          %mul3A_609 = arith.mulf %mul3A_608, %add3A_606 : vector<16xf32>
          %max3A_610 = arith.maximumf %add3A_606, %mul3A_609 : vector<16xf32>
          %swap3A_611 = arith.index_cast %add3A_569 : i32 to index
          %swap3A_612 = arith.constant 16 : index
          %swap3A_613 = tpu.vector_load %arg20[%swap3A_611, %swap3A_612] {strides = array<i32>} : memref<128x32xf32, #tpu.memory_space<vmem>>, vector<1x16xf32>,
          %swap3A_614 = vector.shape_cast %swap3A_613 : vector<1x16xf32> to vector<16xf32>
          %swap3A_615 = vector.shape_cast %max3A_610 : vector<16xf32> to vector<1x16xf32>
          tpu.vector_store %arg20[%swap3A_611, %swap3A_612], %swap3A_615 {strides = array<i32>} : memref<128x32xf32, #tpu.memory_space<vmem>>, vector<1x16xf32>,
          %broadcast_in_dim3A_616 = arith.constant 7 : i32
          %broadcast_in_dim3A_617 = vector.broadcast %broadcast_in_dim3A_616 : i32 to vector<16x1xi32>
          %gather3A_618 = vector.shape_cast %broadcast_in_dim3A_617 : vector<16x1xi32> to vector<16xi32>
          %gather3A_619 = tpu.dynamic_gather %get3A_240[%gather3A_618] in [0] : vector<16xf32>, vector<16xi32> -> vector<16xf32>
          %mul3A_620 = arith.constant 16 : i32
          %mul3A_621 = arith.muli %scan3A_235, %mul3A_620 : i32
          %add3A_622 = arith.constant 7 : i32
          %add3A_623 = arith.addi %mul3A_621, %add3A_622 : i32
          %get3A_624 = arith.index_cast %add3A_623 : i32 to index
          %get3A_625 = arith.constant 0 : index
          %get3A_626 = tpu.vector_load %arg16[%get3A_624, %get3A_625] {strides = array<i32>} : memref<128x32xf32, #tpu.memory_space<vmem>>, vector<1x16xf32>,
          %get3A_627 = vector.shape_cast %get3A_626 : vector<1x16xf32> to vector<16xf32>
          %get3A_628 = arith.index_cast %add3A_623 : i32 to index
          %get3A_629 = arith.constant 0 : index
          %get3A_630 = tpu.vector_load %arg18[%get3A_628, %get3A_629] {strides = array<i32>} : memref<128x32xf32, #tpu.memory_space<vmem>>, vector<1x16xf32>,
          %get3A_631 = vector.shape_cast %get3A_630 : vector<1x16xf32> to vector<16xf32>
          %add3A_632 = arith.addf %get3A_627, %get3A_631 : vector<16xf32>
          %get3A_633 = arith.constant 0 : index
          %get3A_634 = tpu.vector_load %arg9[%get3A_633] {strides = array<i32>} : memref<32xf32, #tpu.memory_space<vmem>>, vector<16xf32>,
          %get3A_635 = vector.shape_cast %get3A_634 : vector<16xf32> to vector<16xf32>
          %mul3A_636 = arith.mulf %gather3A_619, %get3A_635 : vector<16xf32>
          %add3A_637 = arith.addf %add3A_632, %mul3A_636 : vector<16xf32>
          %mul3A_638 = arith.constant 0.00999999977 : f32
          %mul3A_639 = vector.broadcast %mul3A_638 : f32 to vector<16xf32>
          %mul3A_640 = arith.mulf %mul3A_639, %add3A_637 : vector<16xf32>
          %max3A_641 = arith.maximumf %add3A_637, %mul3A_640 : vector<16xf32>
          %swap3A_642 = arith.index_cast %add3A_623 : i32 to index
          %swap3A_643 = arith.constant 0 : index
          %swap3A_644 = tpu.vector_load %arg20[%swap3A_642, %swap3A_643] {strides = array<i32>} : memref<128x32xf32, #tpu.memory_space<vmem>>, vector<1x16xf32>,
          %swap3A_645 = vector.shape_cast %swap3A_644 : vector<1x16xf32> to vector<16xf32>
          %swap3A_646 = vector.shape_cast %max3A_641 : vector<16xf32> to vector<1x16xf32>
          tpu.vector_store %arg20[%swap3A_642, %swap3A_643], %swap3A_646 {strides = array<i32>} : memref<128x32xf32, #tpu.memory_space<vmem>>, vector<1x16xf32>,
          %get3A_647 = arith.index_cast %add3A_623 : i32 to index
          %get3A_648 = arith.constant 16 : index
          %get3A_649 = tpu.vector_load %arg16[%get3A_647, %get3A_648] {strides = array<i32>} : memref<128x32xf32, #tpu.memory_space<vmem>>, vector<1x16xf32>,
          %get3A_650 = vector.shape_cast %get3A_649 : vector<1x16xf32> to vector<16xf32>
          %get3A_651 = arith.index_cast %add3A_623 : i32 to index
          %get3A_652 = arith.constant 16 : index
          %get3A_653 = tpu.vector_load %arg18[%get3A_651, %get3A_652] {strides = array<i32>} : memref<128x32xf32, #tpu.memory_space<vmem>>, vector<1x16xf32>,
          %get3A_654 = vector.shape_cast %get3A_653 : vector<1x16xf32> to vector<16xf32>
          %add3A_655 = arith.addf %get3A_650, %get3A_654 : vector<16xf32>
          %get3A_656 = arith.constant 16 : index
          %get3A_657 = tpu.vector_load %arg9[%get3A_656] {strides = array<i32>} : memref<32xf32, #tpu.memory_space<vmem>>, vector<16xf32>,
          %get3A_658 = vector.shape_cast %get3A_657 : vector<16xf32> to vector<16xf32>
          %mul3A_659 = arith.mulf %gather3A_619, %get3A_658 : vector<16xf32>
          %add3A_660 = arith.addf %add3A_655, %mul3A_659 : vector<16xf32>
          %mul3A_661 = arith.constant 0.00999999977 : f32
          %mul3A_662 = vector.broadcast %mul3A_661 : f32 to vector<16xf32>
          %mul3A_663 = arith.mulf %mul3A_662, %add3A_660 : vector<16xf32>
          %max3A_664 = arith.maximumf %add3A_660, %mul3A_663 : vector<16xf32>
          %swap3A_665 = arith.index_cast %add3A_623 : i32 to index
          %swap3A_666 = arith.constant 16 : index
          %swap3A_667 = tpu.vector_load %arg20[%swap3A_665, %swap3A_666] {strides = array<i32>} : memref<128x32xf32, #tpu.memory_space<vmem>>, vector<1x16xf32>,
          %swap3A_668 = vector.shape_cast %swap3A_667 : vector<1x16xf32> to vector<16xf32>
          %swap3A_669 = vector.shape_cast %max3A_664 : vector<16xf32> to vector<1x16xf32>
          tpu.vector_store %arg20[%swap3A_665, %swap3A_666], %swap3A_669 {strides = array<i32>} : memref<128x32xf32, #tpu.memory_space<vmem>>, vector<1x16xf32>,
          %broadcast_in_dim3A_670 = arith.constant 8 : i32
          %broadcast_in_dim3A_671 = vector.broadcast %broadcast_in_dim3A_670 : i32 to vector<16x1xi32>
          %gather3A_672 = vector.shape_cast %broadcast_in_dim3A_671 : vector<16x1xi32> to vector<16xi32>
          %gather3A_673 = tpu.dynamic_gather %get3A_240[%gather3A_672] in [0] : vector<16xf32>, vector<16xi32> -> vector<16xf32>
          %mul3A_674 = arith.constant 16 : i32
          %mul3A_675 = arith.muli %scan3A_235, %mul3A_674 : i32
          %add3A_676 = arith.constant 8 : i32
          %add3A_677 = arith.addi %mul3A_675, %add3A_676 : i32
          %get3A_678 = arith.index_cast %add3A_677 : i32 to index
          %get3A_679 = arith.constant 0 : index
          %get3A_680 = tpu.vector_load %arg16[%get3A_678, %get3A_679] {strides = array<i32>} : memref<128x32xf32, #tpu.memory_space<vmem>>, vector<1x16xf32>,
          %get3A_681 = vector.shape_cast %get3A_680 : vector<1x16xf32> to vector<16xf32>
          %get3A_682 = arith.index_cast %add3A_677 : i32 to index
          %get3A_683 = arith.constant 0 : index
          %get3A_684 = tpu.vector_load %arg18[%get3A_682, %get3A_683] {strides = array<i32>} : memref<128x32xf32, #tpu.memory_space<vmem>>, vector<1x16xf32>,
          %get3A_685 = vector.shape_cast %get3A_684 : vector<1x16xf32> to vector<16xf32>
          %add3A_686 = arith.addf %get3A_681, %get3A_685 : vector<16xf32>
          %get3A_687 = arith.constant 0 : index
          %get3A_688 = tpu.vector_load %arg9[%get3A_687] {strides = array<i32>} : memref<32xf32, #tpu.memory_space<vmem>>, vector<16xf32>,
          %get3A_689 = vector.shape_cast %get3A_688 : vector<16xf32> to vector<16xf32>
          %mul3A_690 = arith.mulf %gather3A_673, %get3A_689 : vector<16xf32>
          %add3A_691 = arith.addf %add3A_686, %mul3A_690 : vector<16xf32>
          %mul3A_692 = arith.constant 0.00999999977 : f32
          %mul3A_693 = vector.broadcast %mul3A_692 : f32 to vector<16xf32>
          %mul3A_694 = arith.mulf %mul3A_693, %add3A_691 : vector<16xf32>
          %max3A_695 = arith.maximumf %add3A_691, %mul3A_694 : vector<16xf32>
          %swap3A_696 = arith.index_cast %add3A_677 : i32 to index
          %swap3A_697 = arith.constant 0 : index
          %swap3A_698 = tpu.vector_load %arg20[%swap3A_696, %swap3A_697] {strides = array<i32>} : memref<128x32xf32, #tpu.memory_space<vmem>>, vector<1x16xf32>,
          %swap3A_699 = vector.shape_cast %swap3A_698 : vector<1x16xf32> to vector<16xf32>
          %swap3A_700 = vector.shape_cast %max3A_695 : vector<16xf32> to vector<1x16xf32>
          tpu.vector_store %arg20[%swap3A_696, %swap3A_697], %swap3A_700 {strides = array<i32>} : memref<128x32xf32, #tpu.memory_space<vmem>>, vector<1x16xf32>,
          %get3A_701 = arith.index_cast %add3A_677 : i32 to index
          %get3A_702 = arith.constant 16 : index
          %get3A_703 = tpu.vector_load %arg16[%get3A_701, %get3A_702] {strides = array<i32>} : memref<128x32xf32, #tpu.memory_space<vmem>>, vector<1x16xf32>,
          %get3A_704 = vector.shape_cast %get3A_703 : vector<1x16xf32> to vector<16xf32>
          %get3A_705 = arith.index_cast %add3A_677 : i32 to index
          %get3A_706 = arith.constant 16 : index
          %get3A_707 = tpu.vector_load %arg18[%get3A_705, %get3A_706] {strides = array<i32>} : memref<128x32xf32, #tpu.memory_space<vmem>>, vector<1x16xf32>,
          %get3A_708 = vector.shape_cast %get3A_707 : vector<1x16xf32> to vector<16xf32>
          %add3A_709 = arith.addf %get3A_704, %get3A_708 : vector<16xf32>
          %get3A_710 = arith.constant 16 : index
          %get3A_711 = tpu.vector_load %arg9[%get3A_710] {strides = array<i32>} : memref<32xf32, #tpu.memory_space<vmem>>, vector<16xf32>,
          %get3A_712 = vector.shape_cast %get3A_711 : vector<16xf32> to vector<16xf32>
          %mul3A_713 = arith.mulf %gather3A_673, %get3A_712 : vector<16xf32>
          %add3A_714 = arith.addf %add3A_709, %mul3A_713 : vector<16xf32>
          %mul3A_715 = arith.constant 0.00999999977 : f32
          %mul3A_716 = vector.broadcast %mul3A_715 : f32 to vector<16xf32>
          %mul3A_717 = arith.mulf %mul3A_716, %add3A_714 : vector<16xf32>
          %max3A_718 = arith.maximumf %add3A_714, %mul3A_717 : vector<16xf32>
          %swap3A_719 = arith.index_cast %add3A_677 : i32 to index
          %swap3A_720 = arith.constant 16 : index
          %swap3A_721 = tpu.vector_load %arg20[%swap3A_719, %swap3A_720] {strides = array<i32>} : memref<128x32xf32, #tpu.memory_space<vmem>>, vector<1x16xf32>,
          %swap3A_722 = vector.shape_cast %swap3A_721 : vector<1x16xf32> to vector<16xf32>
          %swap3A_723 = vector.shape_cast %max3A_718 : vector<16xf32> to vector<1x16xf32>
          tpu.vector_store %arg20[%swap3A_719, %swap3A_720], %swap3A_723 {strides = array<i32>} : memref<128x32xf32, #tpu.memory_space<vmem>>, vector<1x16xf32>,
          %broadcast_in_dim3A_724 = arith.constant 9 : i32
          %broadcast_in_dim3A_725 = vector.broadcast %broadcast_in_dim3A_724 : i32 to vector<16x1xi32>
          %gather3A_726 = vector.shape_cast %broadcast_in_dim3A_725 : vector<16x1xi32> to vector<16xi32>
          %gather3A_727 = tpu.dynamic_gather %get3A_240[%gather3A_726] in [0] : vector<16xf32>, vector<16xi32> -> vector<16xf32>
          %mul3A_728 = arith.constant 16 : i32
          %mul3A_729 = arith.muli %scan3A_235, %mul3A_728 : i32
          %add3A_730 = arith.constant 9 : i32
          %add3A_731 = arith.addi %mul3A_729, %add3A_730 : i32
          %get3A_732 = arith.index_cast %add3A_731 : i32 to index
          %get3A_733 = arith.constant 0 : index
          %get3A_734 = tpu.vector_load %arg16[%get3A_732, %get3A_733] {strides = array<i32>} : memref<128x32xf32, #tpu.memory_space<vmem>>, vector<1x16xf32>,
          %get3A_735 = vector.shape_cast %get3A_734 : vector<1x16xf32> to vector<16xf32>
          %get3A_736 = arith.index_cast %add3A_731 : i32 to index
          %get3A_737 = arith.constant 0 : index
          %get3A_738 = tpu.vector_load %arg18[%get3A_736, %get3A_737] {strides = array<i32>} : memref<128x32xf32, #tpu.memory_space<vmem>>, vector<1x16xf32>,
          %get3A_739 = vector.shape_cast %get3A_738 : vector<1x16xf32> to vector<16xf32>
          %add3A_740 = arith.addf %get3A_735, %get3A_739 : vector<16xf32>
          %get3A_741 = arith.constant 0 : index
          %get3A_742 = tpu.vector_load %arg9[%get3A_741] {strides = array<i32>} : memref<32xf32, #tpu.memory_space<vmem>>, vector<16xf32>,
          %get3A_743 = vector.shape_cast %get3A_742 : vector<16xf32> to vector<16xf32>
          %mul3A_744 = arith.mulf %gather3A_727, %get3A_743 : vector<16xf32>
          %add3A_745 = arith.addf %add3A_740, %mul3A_744 : vector<16xf32>
          %mul3A_746 = arith.constant 0.00999999977 : f32
          %mul3A_747 = vector.broadcast %mul3A_746 : f32 to vector<16xf32>
          %mul3A_748 = arith.mulf %mul3A_747, %add3A_745 : vector<16xf32>
          %max3A_749 = arith.maximumf %add3A_745, %mul3A_748 : vector<16xf32>
          %swap3A_750 = arith.index_cast %add3A_731 : i32 to index
          %swap3A_751 = arith.constant 0 : index
          %swap3A_752 = tpu.vector_load %arg20[%swap3A_750, %swap3A_751] {strides = array<i32>} : memref<128x32xf32, #tpu.memory_space<vmem>>, vector<1x16xf32>,
          %swap3A_753 = vector.shape_cast %swap3A_752 : vector<1x16xf32> to vector<16xf32>
          %swap3A_754 = vector.shape_cast %max3A_749 : vector<16xf32> to vector<1x16xf32>
          tpu.vector_store %arg20[%swap3A_750, %swap3A_751], %swap3A_754 {strides = array<i32>} : memref<128x32xf32, #tpu.memory_space<vmem>>, vector<1x16xf32>,
          %get3A_755 = arith.index_cast %add3A_731 : i32 to index
          %get3A_756 = arith.constant 16 : index
          %get3A_757 = tpu.vector_load %arg16[%get3A_755, %get3A_756] {strides = array<i32>} : memref<128x32xf32, #tpu.memory_space<vmem>>, vector<1x16xf32>,
          %get3A_758 = vector.shape_cast %get3A_757 : vector<1x16xf32> to vector<16xf32>
          %get3A_759 = arith.index_cast %add3A_731 : i32 to index
          %get3A_760 = arith.constant 16 : index
          %get3A_761 = tpu.vector_load %arg18[%get3A_759, %get3A_760] {strides = array<i32>} : memref<128x32xf32, #tpu.memory_space<vmem>>, vector<1x16xf32>,
          %get3A_762 = vector.shape_cast %get3A_761 : vector<1x16xf32> to vector<16xf32>
          %add3A_763 = arith.addf %get3A_758, %get3A_762 : vector<16xf32>
          %get3A_764 = arith.constant 16 : index
          %get3A_765 = tpu.vector_load %arg9[%get3A_764] {strides = array<i32>} : memref<32xf32, #tpu.memory_space<vmem>>, vector<16xf32>,
          %get3A_766 = vector.shape_cast %get3A_765 : vector<16xf32> to vector<16xf32>
          %mul3A_767 = arith.mulf %gather3A_727, %get3A_766 : vector<16xf32>
          %add3A_768 = arith.addf %add3A_763, %mul3A_767 : vector<16xf32>
          %mul3A_769 = arith.constant 0.00999999977 : f32
          %mul3A_770 = vector.broadcast %mul3A_769 : f32 to vector<16xf32>
          %mul3A_771 = arith.mulf %mul3A_770, %add3A_768 : vector<16xf32>
          %max3A_772 = arith.maximumf %add3A_768, %mul3A_771 : vector<16xf32>
          %swap3A_773 = arith.index_cast %add3A_731 : i32 to index
          %swap3A_774 = arith.constant 16 : index
          %swap3A_775 = tpu.vector_load %arg20[%swap3A_773, %swap3A_774] {strides = array<i32>} : memref<128x32xf32, #tpu.memory_space<vmem>>, vector<1x16xf32>,
          %swap3A_776 = vector.shape_cast %swap3A_775 : vector<1x16xf32> to vector<16xf32>
          %swap3A_777 = vector.shape_cast %max3A_772 : vector<16xf32> to vector<1x16xf32>
          tpu.vector_store %arg20[%swap3A_773, %swap3A_774], %swap3A_777 {strides = array<i32>} : memref<128x32xf32, #tpu.memory_space<vmem>>, vector<1x16xf32>,
          %broadcast_in_dim3A_778 = arith.constant 10 : i32
          %broadcast_in_dim3A_779 = vector.broadcast %broadcast_in_dim3A_778 : i32 to vector<16x1xi32>
          %gather3A_780 = vector.shape_cast %broadcast_in_dim3A_779 : vector<16x1xi32> to vector<16xi32>
          %gather3A_781 = tpu.dynamic_gather %get3A_240[%gather3A_780] in [0] : vector<16xf32>, vector<16xi32> -> vector<16xf32>
          %mul3A_782 = arith.constant 16 : i32
          %mul3A_783 = arith.muli %scan3A_235, %mul3A_782 : i32
          %add3A_784 = arith.constant 10 : i32
          %add3A_785 = arith.addi %mul3A_783, %add3A_784 : i32
          %get3A_786 = arith.index_cast %add3A_785 : i32 to index
          %get3A_787 = arith.constant 0 : index
          %get3A_788 = tpu.vector_load %arg16[%get3A_786, %get3A_787] {strides = array<i32>} : memref<128x32xf32, #tpu.memory_space<vmem>>, vector<1x16xf32>,
          %get3A_789 = vector.shape_cast %get3A_788 : vector<1x16xf32> to vector<16xf32>
          %get3A_790 = arith.index_cast %add3A_785 : i32 to index
          %get3A_791 = arith.constant 0 : index
          %get3A_792 = tpu.vector_load %arg18[%get3A_790, %get3A_791] {strides = array<i32>} : memref<128x32xf32, #tpu.memory_space<vmem>>, vector<1x16xf32>,
          %get3A_793 = vector.shape_cast %get3A_792 : vector<1x16xf32> to vector<16xf32>
          %add3A_794 = arith.addf %get3A_789, %get3A_793 : vector<16xf32>
          %get3A_795 = arith.constant 0 : index
          %get3A_796 = tpu.vector_load %arg9[%get3A_795] {strides = array<i32>} : memref<32xf32, #tpu.memory_space<vmem>>, vector<16xf32>,
          %get3A_797 = vector.shape_cast %get3A_796 : vector<16xf32> to vector<16xf32>
          %mul3A_798 = arith.mulf %gather3A_781, %get3A_797 : vector<16xf32>
          %add3A_799 = arith.addf %add3A_794, %mul3A_798 : vector<16xf32>
          %mul3A_800 = arith.constant 0.00999999977 : f32
          %mul3A_801 = vector.broadcast %mul3A_800 : f32 to vector<16xf32>
          %mul3A_802 = arith.mulf %mul3A_801, %add3A_799 : vector<16xf32>
          %max3A_803 = arith.maximumf %add3A_799, %mul3A_802 : vector<16xf32>
          %swap3A_804 = arith.index_cast %add3A_785 : i32 to index
          %swap3A_805 = arith.constant 0 : index
          %swap3A_806 = tpu.vector_load %arg20[%swap3A_804, %swap3A_805] {strides = array<i32>} : memref<128x32xf32, #tpu.memory_space<vmem>>, vector<1x16xf32>,
          %swap3A_807 = vector.shape_cast %swap3A_806 : vector<1x16xf32> to vector<16xf32>
          %swap3A_808 = vector.shape_cast %max3A_803 : vector<16xf32> to vector<1x16xf32>
          tpu.vector_store %arg20[%swap3A_804, %swap3A_805], %swap3A_808 {strides = array<i32>} : memref<128x32xf32, #tpu.memory_space<vmem>>, vector<1x16xf32>,
          %get3A_809 = arith.index_cast %add3A_785 : i32 to index
          %get3A_810 = arith.constant 16 : index
          %get3A_811 = tpu.vector_load %arg16[%get3A_809, %get3A_810] {strides = array<i32>} : memref<128x32xf32, #tpu.memory_space<vmem>>, vector<1x16xf32>,
          %get3A_812 = vector.shape_cast %get3A_811 : vector<1x16xf32> to vector<16xf32>
          %get3A_813 = arith.index_cast %add3A_785 : i32 to index
          %get3A_814 = arith.constant 16 : index
          %get3A_815 = tpu.vector_load %arg18[%get3A_813, %get3A_814] {strides = array<i32>} : memref<128x32xf32, #tpu.memory_space<vmem>>, vector<1x16xf32>,
          %get3A_816 = vector.shape_cast %get3A_815 : vector<1x16xf32> to vector<16xf32>
          %add3A_817 = arith.addf %get3A_812, %get3A_816 : vector<16xf32>
          %get3A_818 = arith.constant 16 : index
          %get3A_819 = tpu.vector_load %arg9[%get3A_818] {strides = array<i32>} : memref<32xf32, #tpu.memory_space<vmem>>, vector<16xf32>,
          %get3A_820 = vector.shape_cast %get3A_819 : vector<16xf32> to vector<16xf32>
          %mul3A_821 = arith.mulf %gather3A_781, %get3A_820 : vector<16xf32>
          %add3A_822 = arith.addf %add3A_817, %mul3A_821 : vector<16xf32>
          %mul3A_823 = arith.constant 0.00999999977 : f32
          %mul3A_824 = vector.broadcast %mul3A_823 : f32 to vector<16xf32>
          %mul3A_825 = arith.mulf %mul3A_824, %add3A_822 : vector<16xf32>
          %max3A_826 = arith.maximumf %add3A_822, %mul3A_825 : vector<16xf32>
          %swap3A_827 = arith.index_cast %add3A_785 : i32 to index
          %swap3A_828 = arith.constant 16 : index
          %swap3A_829 = tpu.vector_load %arg20[%swap3A_827, %swap3A_828] {strides = array<i32>} : memref<128x32xf32, #tpu.memory_space<vmem>>, vector<1x16xf32>,
          %swap3A_830 = vector.shape_cast %swap3A_829 : vector<1x16xf32> to vector<16xf32>
          %swap3A_831 = vector.shape_cast %max3A_826 : vector<16xf32> to vector<1x16xf32>
          tpu.vector_store %arg20[%swap3A_827, %swap3A_828], %swap3A_831 {strides = array<i32>} : memref<128x32xf32, #tpu.memory_space<vmem>>, vector<1x16xf32>,
          %broadcast_in_dim3A_832 = arith.constant 11 : i32
          %broadcast_in_dim3A_833 = vector.broadcast %broadcast_in_dim3A_832 : i32 to vector<16x1xi32>
          %gather3A_834 = vector.shape_cast %broadcast_in_dim3A_833 : vector<16x1xi32> to vector<16xi32>
          %gather3A_835 = tpu.dynamic_gather %get3A_240[%gather3A_834] in [0] : vector<16xf32>, vector<16xi32> -> vector<16xf32>
          %mul3A_836 = arith.constant 16 : i32
          %mul3A_837 = arith.muli %scan3A_235, %mul3A_836 : i32
          %add3A_838 = arith.constant 11 : i32
          %add3A_839 = arith.addi %mul3A_837, %add3A_838 : i32
          %get3A_840 = arith.index_cast %add3A_839 : i32 to index
          %get3A_841 = arith.constant 0 : index
          %get3A_842 = tpu.vector_load %arg16[%get3A_840, %get3A_841] {strides = array<i32>} : memref<128x32xf32, #tpu.memory_space<vmem>>, vector<1x16xf32>,
          %get3A_843 = vector.shape_cast %get3A_842 : vector<1x16xf32> to vector<16xf32>
          %get3A_844 = arith.index_cast %add3A_839 : i32 to index
          %get3A_845 = arith.constant 0 : index
          %get3A_846 = tpu.vector_load %arg18[%get3A_844, %get3A_845] {strides = array<i32>} : memref<128x32xf32, #tpu.memory_space<vmem>>, vector<1x16xf32>,
          %get3A_847 = vector.shape_cast %get3A_846 : vector<1x16xf32> to vector<16xf32>
          %add3A_848 = arith.addf %get3A_843, %get3A_847 : vector<16xf32>
          %get3A_849 = arith.constant 0 : index
          %get3A_850 = tpu.vector_load %arg9[%get3A_849] {strides = array<i32>} : memref<32xf32, #tpu.memory_space<vmem>>, vector<16xf32>,
          %get3A_851 = vector.shape_cast %get3A_850 : vector<16xf32> to vector<16xf32>
          %mul3A_852 = arith.mulf %gather3A_835, %get3A_851 : vector<16xf32>
          %add3A_853 = arith.addf %add3A_848, %mul3A_852 : vector<16xf32>
          %mul3A_854 = arith.constant 0.00999999977 : f32
          %mul3A_855 = vector.broadcast %mul3A_854 : f32 to vector<16xf32>
          %mul3A_856 = arith.mulf %mul3A_855, %add3A_853 : vector<16xf32>
          %max3A_857 = arith.maximumf %add3A_853, %mul3A_856 : vector<16xf32>
          %swap3A_858 = arith.index_cast %add3A_839 : i32 to index
          %swap3A_859 = arith.constant 0 : index
          %swap3A_860 = tpu.vector_load %arg20[%swap3A_858, %swap3A_859] {strides = array<i32>} : memref<128x32xf32, #tpu.memory_space<vmem>>, vector<1x16xf32>,
          %swap3A_861 = vector.shape_cast %swap3A_860 : vector<1x16xf32> to vector<16xf32>
          %swap3A_862 = vector.shape_cast %max3A_857 : vector<16xf32> to vector<1x16xf32>
          tpu.vector_store %arg20[%swap3A_858, %swap3A_859], %swap3A_862 {strides = array<i32>} : memref<128x32xf32, #tpu.memory_space<vmem>>, vector<1x16xf32>,
          %get3A_863 = arith.index_cast %add3A_839 : i32 to index
          %get3A_864 = arith.constant 16 : index
          %get3A_865 = tpu.vector_load %arg16[%get3A_863, %get3A_864] {strides = array<i32>} : memref<128x32xf32, #tpu.memory_space<vmem>>, vector<1x16xf32>,
          %get3A_866 = vector.shape_cast %get3A_865 : vector<1x16xf32> to vector<16xf32>
          %get3A_867 = arith.index_cast %add3A_839 : i32 to index
          %get3A_868 = arith.constant 16 : index
          %get3A_869 = tpu.vector_load %arg18[%get3A_867, %get3A_868] {strides = array<i32>} : memref<128x32xf32, #tpu.memory_space<vmem>>, vector<1x16xf32>,
          %get3A_870 = vector.shape_cast %get3A_869 : vector<1x16xf32> to vector<16xf32>
          %add3A_871 = arith.addf %get3A_866, %get3A_870 : vector<16xf32>
          %get3A_872 = arith.constant 16 : index
          %get3A_873 = tpu.vector_load %arg9[%get3A_872] {strides = array<i32>} : memref<32xf32, #tpu.memory_space<vmem>>, vector<16xf32>,
          %get3A_874 = vector.shape_cast %get3A_873 : vector<16xf32> to vector<16xf32>
          %mul3A_875 = arith.mulf %gather3A_835, %get3A_874 : vector<16xf32>
          %add3A_876 = arith.addf %add3A_871, %mul3A_875 : vector<16xf32>
          %mul3A_877 = arith.constant 0.00999999977 : f32
          %mul3A_878 = vector.broadcast %mul3A_877 : f32 to vector<16xf32>
          %mul3A_879 = arith.mulf %mul3A_878, %add3A_876 : vector<16xf32>
          %max3A_880 = arith.maximumf %add3A_876, %mul3A_879 : vector<16xf32>
          %swap3A_881 = arith.index_cast %add3A_839 : i32 to index
          %swap3A_882 = arith.constant 16 : index
          %swap3A_883 = tpu.vector_load %arg20[%swap3A_881, %swap3A_882] {strides = array<i32>} : memref<128x32xf32, #tpu.memory_space<vmem>>, vector<1x16xf32>,
          %swap3A_884 = vector.shape_cast %swap3A_883 : vector<1x16xf32> to vector<16xf32>
          %swap3A_885 = vector.shape_cast %max3A_880 : vector<16xf32> to vector<1x16xf32>
          tpu.vector_store %arg20[%swap3A_881, %swap3A_882], %swap3A_885 {strides = array<i32>} : memref<128x32xf32, #tpu.memory_space<vmem>>, vector<1x16xf32>,
          %broadcast_in_dim3A_886 = arith.constant 12 : i32
          %broadcast_in_dim3A_887 = vector.broadcast %broadcast_in_dim3A_886 : i32 to vector<16x1xi32>
          %gather3A_888 = vector.shape_cast %broadcast_in_dim3A_887 : vector<16x1xi32> to vector<16xi32>
          %gather3A_889 = tpu.dynamic_gather %get3A_240[%gather3A_888] in [0] : vector<16xf32>, vector<16xi32> -> vector<16xf32>
          %mul3A_890 = arith.constant 16 : i32
          %mul3A_891 = arith.muli %scan3A_235, %mul3A_890 : i32
          %add3A_892 = arith.constant 12 : i32
          %add3A_893 = arith.addi %mul3A_891, %add3A_892 : i32
          %get3A_894 = arith.index_cast %add3A_893 : i32 to index
          %get3A_895 = arith.constant 0 : index
          %get3A_896 = tpu.vector_load %arg16[%get3A_894, %get3A_895] {strides = array<i32>} : memref<128x32xf32, #tpu.memory_space<vmem>>, vector<1x16xf32>,
          %get3A_897 = vector.shape_cast %get3A_896 : vector<1x16xf32> to vector<16xf32>
          %get3A_898 = arith.index_cast %add3A_893 : i32 to index
          %get3A_899 = arith.constant 0 : index
          %get3A_900 = tpu.vector_load %arg18[%get3A_898, %get3A_899] {strides = array<i32>} : memref<128x32xf32, #tpu.memory_space<vmem>>, vector<1x16xf32>,
          %get3A_901 = vector.shape_cast %get3A_900 : vector<1x16xf32> to vector<16xf32>
          %add3A_902 = arith.addf %get3A_897, %get3A_901 : vector<16xf32>
          %get3A_903 = arith.constant 0 : index
          %get3A_904 = tpu.vector_load %arg9[%get3A_903] {strides = array<i32>} : memref<32xf32, #tpu.memory_space<vmem>>, vector<16xf32>,
          %get3A_905 = vector.shape_cast %get3A_904 : vector<16xf32> to vector<16xf32>
          %mul3A_906 = arith.mulf %gather3A_889, %get3A_905 : vector<16xf32>
          %add3A_907 = arith.addf %add3A_902, %mul3A_906 : vector<16xf32>
          %mul3A_908 = arith.constant 0.00999999977 : f32
          %mul3A_909 = vector.broadcast %mul3A_908 : f32 to vector<16xf32>
          %mul3A_910 = arith.mulf %mul3A_909, %add3A_907 : vector<16xf32>
          %max3A_911 = arith.maximumf %add3A_907, %mul3A_910 : vector<16xf32>
          %swap3A_912 = arith.index_cast %add3A_893 : i32 to index
          %swap3A_913 = arith.constant 0 : index
          %swap3A_914 = tpu.vector_load %arg20[%swap3A_912, %swap3A_913] {strides = array<i32>} : memref<128x32xf32, #tpu.memory_space<vmem>>, vector<1x16xf32>,
          %swap3A_915 = vector.shape_cast %swap3A_914 : vector<1x16xf32> to vector<16xf32>
          %swap3A_916 = vector.shape_cast %max3A_911 : vector<16xf32> to vector<1x16xf32>
          tpu.vector_store %arg20[%swap3A_912, %swap3A_913], %swap3A_916 {strides = array<i32>} : memref<128x32xf32, #tpu.memory_space<vmem>>, vector<1x16xf32>,
          %get3A_917 = arith.index_cast %add3A_893 : i32 to index
          %get3A_918 = arith.constant 16 : index
          %get3A_919 = tpu.vector_load %arg16[%get3A_917, %get3A_918] {strides = array<i32>} : memref<128x32xf32, #tpu.memory_space<vmem>>, vector<1x16xf32>,
          %get3A_920 = vector.shape_cast %get3A_919 : vector<1x16xf32> to vector<16xf32>
          %get3A_921 = arith.index_cast %add3A_893 : i32 to index
          %get3A_922 = arith.constant 16 : index
          %get3A_923 = tpu.vector_load %arg18[%get3A_921, %get3A_922] {strides = array<i32>} : memref<128x32xf32, #tpu.memory_space<vmem>>, vector<1x16xf32>,
          %get3A_924 = vector.shape_cast %get3A_923 : vector<1x16xf32> to vector<16xf32>
          %add3A_925 = arith.addf %get3A_920, %get3A_924 : vector<16xf32>
          %get3A_926 = arith.constant 16 : index
          %get3A_927 = tpu.vector_load %arg9[%get3A_926] {strides = array<i32>} : memref<32xf32, #tpu.memory_space<vmem>>, vector<16xf32>,
          %get3A_928 = vector.shape_cast %get3A_927 : vector<16xf32> to vector<16xf32>
          %mul3A_929 = arith.mulf %gather3A_889, %get3A_928 : vector<16xf32>
          %add3A_930 = arith.addf %add3A_925, %mul3A_929 : vector<16xf32>
          %mul3A_931 = arith.constant 0.00999999977 : f32
          %mul3A_932 = vector.broadcast %mul3A_931 : f32 to vector<16xf32>
          %mul3A_933 = arith.mulf %mul3A_932, %add3A_930 : vector<16xf32>
          %max3A_934 = arith.maximumf %add3A_930, %mul3A_933 : vector<16xf32>
          %swap3A_935 = arith.index_cast %add3A_893 : i32 to index
          %swap3A_936 = arith.constant 16 : index
          %swap3A_937 = tpu.vector_load %arg20[%swap3A_935, %swap3A_936] {strides = array<i32>} : memref<128x32xf32, #tpu.memory_space<vmem>>, vector<1x16xf32>,
          %swap3A_938 = vector.shape_cast %swap3A_937 : vector<1x16xf32> to vector<16xf32>
          %swap3A_939 = vector.shape_cast %max3A_934 : vector<16xf32> to vector<1x16xf32>
          tpu.vector_store %arg20[%swap3A_935, %swap3A_936], %swap3A_939 {strides = array<i32>} : memref<128x32xf32, #tpu.memory_space<vmem>>, vector<1x16xf32>,
          %broadcast_in_dim3A_940 = arith.constant 13 : i32
          %broadcast_in_dim3A_941 = vector.broadcast %broadcast_in_dim3A_940 : i32 to vector<16x1xi32>
          %gather3A_942 = vector.shape_cast %broadcast_in_dim3A_941 : vector<16x1xi32> to vector<16xi32>
          %gather3A_943 = tpu.dynamic_gather %get3A_240[%gather3A_942] in [0] : vector<16xf32>, vector<16xi32> -> vector<16xf32>
          %mul3A_944 = arith.constant 16 : i32
          %mul3A_945 = arith.muli %scan3A_235, %mul3A_944 : i32
          %add3A_946 = arith.constant 13 : i32
          %add3A_947 = arith.addi %mul3A_945, %add3A_946 : i32
          %get3A_948 = arith.index_cast %add3A_947 : i32 to index
          %get3A_949 = arith.constant 0 : index
          %get3A_950 = tpu.vector_load %arg16[%get3A_948, %get3A_949] {strides = array<i32>} : memref<128x32xf32, #tpu.memory_space<vmem>>, vector<1x16xf32>,
          %get3A_951 = vector.shape_cast %get3A_950 : vector<1x16xf32> to vector<16xf32>
          %get3A_952 = arith.index_cast %add3A_947 : i32 to index
          %get3A_953 = arith.constant 0 : index
          %get3A_954 = tpu.vector_load %arg18[%get3A_952, %get3A_953] {strides = array<i32>} : memref<128x32xf32, #tpu.memory_space<vmem>>, vector<1x16xf32>,
          %get3A_955 = vector.shape_cast %get3A_954 : vector<1x16xf32> to vector<16xf32>
          %add3A_956 = arith.addf %get3A_951, %get3A_955 : vector<16xf32>
          %get3A_957 = arith.constant 0 : index
          %get3A_958 = tpu.vector_load %arg9[%get3A_957] {strides = array<i32>} : memref<32xf32, #tpu.memory_space<vmem>>, vector<16xf32>,
          %get3A_959 = vector.shape_cast %get3A_958 : vector<16xf32> to vector<16xf32>
          %mul3A_960 = arith.mulf %gather3A_943, %get3A_959 : vector<16xf32>
          %add3A_961 = arith.addf %add3A_956, %mul3A_960 : vector<16xf32>
          %mul3A_962 = arith.constant 0.00999999977 : f32
          %mul3A_963 = vector.broadcast %mul3A_962 : f32 to vector<16xf32>
          %mul3A_964 = arith.mulf %mul3A_963, %add3A_961 : vector<16xf32>
          %max3A_965 = arith.maximumf %add3A_961, %mul3A_964 : vector<16xf32>
          %swap3A_966 = arith.index_cast %add3A_947 : i32 to index
          %swap3A_967 = arith.constant 0 : index
          %swap3A_968 = tpu.vector_load %arg20[%swap3A_966, %swap3A_967] {strides = array<i32>} : memref<128x32xf32, #tpu.memory_space<vmem>>, vector<1x16xf32>,
          %swap3A_969 = vector.shape_cast %swap3A_968 : vector<1x16xf32> to vector<16xf32>
          %swap3A_970 = vector.shape_cast %max3A_965 : vector<16xf32> to vector<1x16xf32>
          tpu.vector_store %arg20[%swap3A_966, %swap3A_967], %swap3A_970 {strides = array<i32>} : memref<128x32xf32, #tpu.memory_space<vmem>>, vector<1x16xf32>,
          %get3A_971 = arith.index_cast %add3A_947 : i32 to index
          %get3A_972 = arith.constant 16 : index
          %get3A_973 = tpu.vector_load %arg16[%get3A_971, %get3A_972] {strides = array<i32>} : memref<128x32xf32, #tpu.memory_space<vmem>>, vector<1x16xf32>,
          %get3A_974 = vector.shape_cast %get3A_973 : vector<1x16xf32> to vector<16xf32>
          %get3A_975 = arith.index_cast %add3A_947 : i32 to index
          %get3A_976 = arith.constant 16 : index
          %get3A_977 = tpu.vector_load %arg18[%get3A_975, %get3A_976] {strides = array<i32>} : memref<128x32xf32, #tpu.memory_space<vmem>>, vector<1x16xf32>,
          %get3A_978 = vector.shape_cast %get3A_977 : vector<1x16xf32> to vector<16xf32>
          %add3A_979 = arith.addf %get3A_974, %get3A_978 : vector<16xf32>
          %get3A_980 = arith.constant 16 : index
          %get3A_981 = tpu.vector_load %arg9[%get3A_980] {strides = array<i32>} : memref<32xf32, #tpu.memory_space<vmem>>, vector<16xf32>,
          %get3A_982 = vector.shape_cast %get3A_981 : vector<16xf32> to vector<16xf32>
          %mul3A_983 = arith.mulf %gather3A_943, %get3A_982 : vector<16xf32>
          %add3A_984 = arith.addf %add3A_979, %mul3A_983 : vector<16xf32>
          %mul3A_985 = arith.constant 0.00999999977 : f32
          %mul3A_986 = vector.broadcast %mul3A_985 : f32 to vector<16xf32>
          %mul3A_987 = arith.mulf %mul3A_986, %add3A_984 : vector<16xf32>
          %max3A_988 = arith.maximumf %add3A_984, %mul3A_987 : vector<16xf32>
          %swap3A_989 = arith.index_cast %add3A_947 : i32 to index
          %swap3A_990 = arith.constant 16 : index
          %swap3A_991 = tpu.vector_load %arg20[%swap3A_989, %swap3A_990] {strides = array<i32>} : memref<128x32xf32, #tpu.memory_space<vmem>>, vector<1x16xf32>,
          %swap3A_992 = vector.shape_cast %swap3A_991 : vector<1x16xf32> to vector<16xf32>
          %swap3A_993 = vector.shape_cast %max3A_988 : vector<16xf32> to vector<1x16xf32>
          tpu.vector_store %arg20[%swap3A_989, %swap3A_990], %swap3A_993 {strides = array<i32>} : memref<128x32xf32, #tpu.memory_space<vmem>>, vector<1x16xf32>,
          %broadcast_in_dim3A_994 = arith.constant 14 : i32
          %broadcast_in_dim3A_995 = vector.broadcast %broadcast_in_dim3A_994 : i32 to vector<16x1xi32>
          %gather3A_996 = vector.shape_cast %broadcast_in_dim3A_995 : vector<16x1xi32> to vector<16xi32>
          %gather3A_997 = tpu.dynamic_gather %get3A_240[%gather3A_996] in [0] : vector<16xf32>, vector<16xi32> -> vector<16xf32>
          %mul3A_998 = arith.constant 16 : i32
          %mul3A_999 = arith.muli %scan3A_235, %mul3A_998 : i32
          %add3A_1000 = arith.constant 14 : i32
          %add3A_1001 = arith.addi %mul3A_999, %add3A_1000 : i32
          %get3A_1002 = arith.index_cast %add3A_1001 : i32 to index
          %get3A_1003 = arith.constant 0 : index
          %get3A_1004 = tpu.vector_load %arg16[%get3A_1002, %get3A_1003] {strides = array<i32>} : memref<128x32xf32, #tpu.memory_space<vmem>>, vector<1x16xf32>,
          %get3A_1005 = vector.shape_cast %get3A_1004 : vector<1x16xf32> to vector<16xf32>
          %get3A_1006 = arith.index_cast %add3A_1001 : i32 to index
          %get3A_1007 = arith.constant 0 : index
          %get3A_1008 = tpu.vector_load %arg18[%get3A_1006, %get3A_1007] {strides = array<i32>} : memref<128x32xf32, #tpu.memory_space<vmem>>, vector<1x16xf32>,
          %get3A_1009 = vector.shape_cast %get3A_1008 : vector<1x16xf32> to vector<16xf32>
          %add3A_1010 = arith.addf %get3A_1005, %get3A_1009 : vector<16xf32>
          %get3A_1011 = arith.constant 0 : index
          %get3A_1012 = tpu.vector_load %arg9[%get3A_1011] {strides = array<i32>} : memref<32xf32, #tpu.memory_space<vmem>>, vector<16xf32>,
          %get3A_1013 = vector.shape_cast %get3A_1012 : vector<16xf32> to vector<16xf32>
          %mul3A_1014 = arith.mulf %gather3A_997, %get3A_1013 : vector<16xf32>
          %add3A_1015 = arith.addf %add3A_1010, %mul3A_1014 : vector<16xf32>
          %mul3A_1016 = arith.constant 0.00999999977 : f32
          %mul3A_1017 = vector.broadcast %mul3A_1016 : f32 to vector<16xf32>
          %mul3A_1018 = arith.mulf %mul3A_1017, %add3A_1015 : vector<16xf32>
          %max3A_1019 = arith.maximumf %add3A_1015, %mul3A_1018 : vector<16xf32>
          %swap3A_1020 = arith.index_cast %add3A_1001 : i32 to index
          %swap3A_1021 = arith.constant 0 : index
          %swap3A_1022 = tpu.vector_load %arg20[%swap3A_1020, %swap3A_1021] {strides = array<i32>} : memref<128x32xf32, #tpu.memory_space<vmem>>, vector<1x16xf32>,
          %swap3A_1023 = vector.shape_cast %swap3A_1022 : vector<1x16xf32> to vector<16xf32>
          %swap3A_1024 = vector.shape_cast %max3A_1019 : vector<16xf32> to vector<1x16xf32>
          tpu.vector_store %arg20[%swap3A_1020, %swap3A_1021], %swap3A_1024 {strides = array<i32>} : memref<128x32xf32, #tpu.memory_space<vmem>>, vector<1x16xf32>,
          %get3A_1025 = arith.index_cast %add3A_1001 : i32 to index
          %get3A_1026 = arith.constant 16 : index
          %get3A_1027 = tpu.vector_load %arg16[%get3A_1025, %get3A_1026] {strides = array<i32>} : memref<128x32xf32, #tpu.memory_space<vmem>>, vector<1x16xf32>,
          %get3A_1028 = vector.shape_cast %get3A_1027 : vector<1x16xf32> to vector<16xf32>
          %get3A_1029 = arith.index_cast %add3A_1001 : i32 to index
          %get3A_1030 = arith.constant 16 : index
          %get3A_1031 = tpu.vector_load %arg18[%get3A_1029, %get3A_1030] {strides = array<i32>} : memref<128x32xf32, #tpu.memory_space<vmem>>, vector<1x16xf32>,
          %get3A_1032 = vector.shape_cast %get3A_1031 : vector<1x16xf32> to vector<16xf32>
          %add3A_1033 = arith.addf %get3A_1028, %get3A_1032 : vector<16xf32>
          %get3A_1034 = arith.constant 16 : index
          %get3A_1035 = tpu.vector_load %arg9[%get3A_1034] {strides = array<i32>} : memref<32xf32, #tpu.memory_space<vmem>>, vector<16xf32>,
          %get3A_1036 = vector.shape_cast %get3A_1035 : vector<16xf32> to vector<16xf32>
          %mul3A_1037 = arith.mulf %gather3A_997, %get3A_1036 : vector<16xf32>
          %add3A_1038 = arith.addf %add3A_1033, %mul3A_1037 : vector<16xf32>
          %mul3A_1039 = arith.constant 0.00999999977 : f32
          %mul3A_1040 = vector.broadcast %mul3A_1039 : f32 to vector<16xf32>
          %mul3A_1041 = arith.mulf %mul3A_1040, %add3A_1038 : vector<16xf32>
          %max3A_1042 = arith.maximumf %add3A_1038, %mul3A_1041 : vector<16xf32>
          %swap3A_1043 = arith.index_cast %add3A_1001 : i32 to index
          %swap3A_1044 = arith.constant 16 : index
          %swap3A_1045 = tpu.vector_load %arg20[%swap3A_1043, %swap3A_1044] {strides = array<i32>} : memref<128x32xf32, #tpu.memory_space<vmem>>, vector<1x16xf32>,
          %swap3A_1046 = vector.shape_cast %swap3A_1045 : vector<1x16xf32> to vector<16xf32>
          %swap3A_1047 = vector.shape_cast %max3A_1042 : vector<16xf32> to vector<1x16xf32>
          tpu.vector_store %arg20[%swap3A_1043, %swap3A_1044], %swap3A_1047 {strides = array<i32>} : memref<128x32xf32, #tpu.memory_space<vmem>>, vector<1x16xf32>,
          %broadcast_in_dim3A_1048 = arith.constant 15 : i32
          %broadcast_in_dim3A_1049 = vector.broadcast %broadcast_in_dim3A_1048 : i32 to vector<16x1xi32>
          %gather3A_1050 = vector.shape_cast %broadcast_in_dim3A_1049 : vector<16x1xi32> to vector<16xi32>
          %gather3A_1051 = tpu.dynamic_gather %get3A_240[%gather3A_1050] in [0] : vector<16xf32>, vector<16xi32> -> vector<16xf32>
          %mul3A_1052 = arith.constant 16 : i32
          %mul3A_1053 = arith.muli %scan3A_235, %mul3A_1052 : i32
          %add3A_1054 = arith.constant 15 : i32
          %add3A_1055 = arith.addi %mul3A_1053, %add3A_1054 : i32
          %get3A_1056 = arith.index_cast %add3A_1055 : i32 to index
          %get3A_1057 = arith.constant 0 : index
          %get3A_1058 = tpu.vector_load %arg16[%get3A_1056, %get3A_1057] {strides = array<i32>} : memref<128x32xf32, #tpu.memory_space<vmem>>, vector<1x16xf32>,
          %get3A_1059 = vector.shape_cast %get3A_1058 : vector<1x16xf32> to vector<16xf32>
          %get3A_1060 = arith.index_cast %add3A_1055 : i32 to index
          %get3A_1061 = arith.constant 0 : index
          %get3A_1062 = tpu.vector_load %arg18[%get3A_1060, %get3A_1061] {strides = array<i32>} : memref<128x32xf32, #tpu.memory_space<vmem>>, vector<1x16xf32>,
          %get3A_1063 = vector.shape_cast %get3A_1062 : vector<1x16xf32> to vector<16xf32>
          %add3A_1064 = arith.addf %get3A_1059, %get3A_1063 : vector<16xf32>
          %get3A_1065 = arith.constant 0 : index
          %get3A_1066 = tpu.vector_load %arg9[%get3A_1065] {strides = array<i32>} : memref<32xf32, #tpu.memory_space<vmem>>, vector<16xf32>,
          %get3A_1067 = vector.shape_cast %get3A_1066 : vector<16xf32> to vector<16xf32>
          %mul3A_1068 = arith.mulf %gather3A_1051, %get3A_1067 : vector<16xf32>
          %add3A_1069 = arith.addf %add3A_1064, %mul3A_1068 : vector<16xf32>
          %mul3A_1070 = arith.constant 0.00999999977 : f32
          %mul3A_1071 = vector.broadcast %mul3A_1070 : f32 to vector<16xf32>
          %mul3A_1072 = arith.mulf %mul3A_1071, %add3A_1069 : vector<16xf32>
          %max3A_1073 = arith.maximumf %add3A_1069, %mul3A_1072 : vector<16xf32>
          %swap3A_1074 = arith.index_cast %add3A_1055 : i32 to index
          %swap3A_1075 = arith.constant 0 : index
          %swap3A_1076 = tpu.vector_load %arg20[%swap3A_1074, %swap3A_1075] {strides = array<i32>} : memref<128x32xf32, #tpu.memory_space<vmem>>, vector<1x16xf32>,
          %swap3A_1077 = vector.shape_cast %swap3A_1076 : vector<1x16xf32> to vector<16xf32>
          %swap3A_1078 = vector.shape_cast %max3A_1073 : vector<16xf32> to vector<1x16xf32>
          tpu.vector_store %arg20[%swap3A_1074, %swap3A_1075], %swap3A_1078 {strides = array<i32>} : memref<128x32xf32, #tpu.memory_space<vmem>>, vector<1x16xf32>,
          %get3A_1079 = arith.index_cast %add3A_1055 : i32 to index
          %get3A_1080 = arith.constant 16 : index
          %get3A_1081 = tpu.vector_load %arg16[%get3A_1079, %get3A_1080] {strides = array<i32>} : memref<128x32xf32, #tpu.memory_space<vmem>>, vector<1x16xf32>,
          %get3A_1082 = vector.shape_cast %get3A_1081 : vector<1x16xf32> to vector<16xf32>
          %get3A_1083 = arith.index_cast %add3A_1055 : i32 to index
          %get3A_1084 = arith.constant 16 : index
          %get3A_1085 = tpu.vector_load %arg18[%get3A_1083, %get3A_1084] {strides = array<i32>} : memref<128x32xf32, #tpu.memory_space<vmem>>, vector<1x16xf32>,
          %get3A_1086 = vector.shape_cast %get3A_1085 : vector<1x16xf32> to vector<16xf32>
          %add3A_1087 = arith.addf %get3A_1082, %get3A_1086 : vector<16xf32>
          %get3A_1088 = arith.constant 16 : index
          %get3A_1089 = tpu.vector_load %arg9[%get3A_1088] {strides = array<i32>} : memref<32xf32, #tpu.memory_space<vmem>>, vector<16xf32>,
          %get3A_1090 = vector.shape_cast %get3A_1089 : vector<16xf32> to vector<16xf32>
          %mul3A_1091 = arith.mulf %gather3A_1051, %get3A_1090 : vector<16xf32>
          %add3A_1092 = arith.addf %add3A_1087, %mul3A_1091 : vector<16xf32>
          %mul3A_1093 = arith.constant 0.00999999977 : f32
          %mul3A_1094 = vector.broadcast %mul3A_1093 : f32 to vector<16xf32>
          %mul3A_1095 = arith.mulf %mul3A_1094, %add3A_1092 : vector<16xf32>
          %max3A_1096 = arith.maximumf %add3A_1092, %mul3A_1095 : vector<16xf32>
          %swap3A_1097 = arith.index_cast %add3A_1055 : i32 to index
          %swap3A_1098 = arith.constant 16 : index
          %swap3A_1099 = tpu.vector_load %arg20[%swap3A_1097, %swap3A_1098] {strides = array<i32>} : memref<128x32xf32, #tpu.memory_space<vmem>>, vector<1x16xf32>,
          %swap3A_1100 = vector.shape_cast %swap3A_1099 : vector<1x16xf32> to vector<16xf32>
          %swap3A_1101 = vector.shape_cast %max3A_1096 : vector<16xf32> to vector<1x16xf32>
          tpu.vector_store %arg20[%swap3A_1097, %swap3A_1098], %swap3A_1101 {strides = array<i32>} : memref<128x32xf32, #tpu.memory_space<vmem>>, vector<1x16xf32>,
        }
        %scan3A_224 = arith.constant 8 : i32
        %add3A_225 = arith.constant 2 : i32
        %add3A_226 = arith.addi %add3A_82, %add3A_225 : i32
        %lt3A_227 = arith.constant 391 : i32
        %lt3A_228 = arith.cmpi slt, %add3A_226, %lt3A_227 : i32
        %convert_element_type3A_229 = arith.extui %lt3A_228 : i1 to i32
        %cond3A_230 = arith.constant 0 : i32
        %cond3A_231 = arith.cmpi ne, %convert_element_type3A_229, %cond3A_230 : i32
        scf.if %cond3A_231 {
          %add3A_235 = arith.constant 2 : i32
          %add3A_236 = arith.addi %add3A_82, %add3A_235 : i32
          %add3A_237 = arith.addi %mul3A_5, %add3A_236 : i32
          %dma_start3A_238 = arith.constant 0 : i32
          %dma_start3A_239 = tpu.memref_slice %arg4[%add3A_237, %dma_start3A_238] : memref<6256x128xf32, #tpu.memory_space<hbm>> -> memref<1x128xf32, #tpu.memory_space<hbm>>
          %dma_start3A_240 = tpu.memref_squeeze %dma_start3A_239 : memref<1x128xf32, #tpu.memory_space<hbm>> -> memref<128xf32, #tpu.memory_space<hbm>>
          %dma_start3A_241 = arith.constant 0 : i32
          %dma_start3A_242 = tpu.memref_slice %arg4[%add3A_237, %dma_start3A_241] : memref<6256x128xf32, #tpu.memory_space<hbm>> -> memref<1x128xf32, #tpu.memory_space<hbm>>
          %dma_start3A_243 = tpu.memref_squeeze %dma_start3A_242 : memref<1x128xf32, #tpu.memory_space<hbm>> -> memref<128xf32, #tpu.memory_space<hbm>>
          tpu.enqueue_dma source(%dma_start3A_243 : memref<128xf32, #tpu.memory_space<hbm>>) target(%arg14 : memref<128xf32, #tpu.memory_space<vmem>>) target_semaphore(%arg24 : memref<!tpu.dma_semaphore, #tpu.memory_space<semaphore_mem>>)
        } else {
        }
        %dma_start3A_232 = arith.constant 0 : i32
        %dma_start3A_233 = arith.constant 0 : i32
        %dma_start3A_234 = tpu.memref_slice %arg8[%dma_start3A_232, %dma_start3A_233] : memref<50048x32xf32, #tpu.memory_space<vmem_shared>> -> memref<50048x32xf32, #tpu.memory_space<vmem_shared>>
        tpu.enqueue_indirect_dma source(%arg20 : memref<128x32xf32, #tpu.memory_space<vmem>>) target(%dma_start3A_234 : memref<50048x32xf32, #tpu.memory_space<vmem_shared>>) offsets(%arg12 : memref<128xi32, #tpu.memory_space<vmem>>) semaphore(%arg30 : memref<!tpu.dma_semaphore, #tpu.memory_space<semaphore_mem>>) {add = true}
      } else {
      }
      %mul3A_85 = arith.constant 2 : i32
      %mul3A_86 = arith.muli %scan3A_78, %mul3A_85 : i32
      %add3A_87 = arith.constant 1 : i32
      %add3A_88 = arith.addi %mul3A_86, %add3A_87 : i32
      %lt3A_89 = arith.constant 391 : i32
      %lt3A_90 = arith.cmpi slt, %add3A_88, %lt3A_89 : i32
      %convert_element_type3A_91 = arith.extui %lt3A_90 : i1 to i32
      %cond3A_92 = arith.constant 0 : i32
      %cond3A_93 = arith.cmpi ne, %convert_element_type3A_91, %cond3A_92 : i32
      scf.if %cond3A_93 {
        %ge3A = arith.constant 2 : i32
        %ge3A_94 = arith.cmpi sge, %add3A_88, %ge3A : i32
        %convert_element_type3A_95 = arith.extui %ge3A_94 : i1 to i32
        %cond3A_96 = arith.constant 0 : i32
        %cond3A_97 = arith.cmpi ne, %convert_element_type3A_95, %cond3A_96 : i32
        scf.if %cond3A_97 {
          %dma_wait3A_235 = arith.constant 0 : i32
          %dma_wait3A_236 = arith.constant 0 : i32
          %dma_wait3A_237 = tpu.memref_slice %arg8[%dma_wait3A_235, %dma_wait3A_236] : memref<50048x32xf32, #tpu.memory_space<vmem_shared>> -> memref<50048x32xf32, #tpu.memory_space<vmem_shared>>
          tpu.wait_indirect_dma semaphore(%arg31 : memref<!tpu.dma_semaphore, #tpu.memory_space<semaphore_mem>>) src(%arg21 : memref<128x32xf32, #tpu.memory_space<vmem>>) dst(%dma_wait3A_237 : memref<50048x32xf32, #tpu.memory_space<vmem_shared>>)
        } else {
        }
        %dma_wait3A_98 = arith.constant 0 : i32
        %dma_wait3A_99 = arith.constant 0 : i32
        %dma_wait3A_100 = tpu.memref_slice %arg11[%dma_wait3A_98, %dma_wait3A_99] : memref<2x128xi32, #tpu.memory_space<vmem>> -> memref<1x128xi32, #tpu.memory_space<vmem>>
        %dma_wait3A_101 = tpu.memref_squeeze %dma_wait3A_100 : memref<1x128xi32, #tpu.memory_space<vmem>> -> memref<128xi32, #tpu.memory_space<vmem>>
        %dma_wait3A_102 = arith.constant 0 : i32
        %dma_wait3A_103 = arith.constant 0 : i32
        %dma_wait3A_104 = tpu.memref_slice %arg2[%dma_wait3A_102, %dma_wait3A_103] : memref<200192x32xf32, #tpu.memory_space<hbm>> -> memref<200192x32xf32, #tpu.memory_space<hbm>>
        tpu.wait_indirect_dma semaphore(%arg27 : memref<!tpu.dma_semaphore, #tpu.memory_space<semaphore_mem>>) src(%dma_wait3A_104 : memref<200192x32xf32, #tpu.memory_space<hbm>>) dst(%arg17 : memref<128x32xf32, #tpu.memory_space<vmem>>)
        %dma_wait3A_105 = arith.constant 1 : i32
        %dma_wait3A_106 = arith.constant 0 : i32
        %dma_wait3A_107 = tpu.memref_slice %arg11[%dma_wait3A_105, %dma_wait3A_106] : memref<2x128xi32, #tpu.memory_space<vmem>> -> memref<1x128xi32, #tpu.memory_space<vmem>>
        %dma_wait3A_108 = tpu.memref_squeeze %dma_wait3A_107 : memref<1x128xi32, #tpu.memory_space<vmem>> -> memref<128xi32, #tpu.memory_space<vmem>>
        %dma_wait3A_109 = arith.constant 0 : i32
        %dma_wait3A_110 = arith.constant 0 : i32
        %dma_wait3A_111 = tpu.memref_slice %arg2[%dma_wait3A_109, %dma_wait3A_110] : memref<200192x32xf32, #tpu.memory_space<hbm>> -> memref<200192x32xf32, #tpu.memory_space<hbm>>
        tpu.wait_indirect_dma semaphore(%arg29 : memref<!tpu.dma_semaphore, #tpu.memory_space<semaphore_mem>>) src(%dma_wait3A_111 : memref<200192x32xf32, #tpu.memory_space<hbm>>) dst(%arg19 : memref<128x32xf32, #tpu.memory_space<vmem>>)
        %add3A_112 = arith.constant 1 : i32
        %add3A_113 = arith.addi %add3A_88, %add3A_112 : i32
        %lt3A_114 = arith.constant 391 : i32
        %lt3A_115 = arith.cmpi slt, %add3A_113, %lt3A_114 : i32
        %convert_element_type3A_116 = arith.extui %lt3A_115 : i1 to i32
        %cond3A_117 = arith.constant 0 : i32
        %cond3A_118 = arith.cmpi ne, %convert_element_type3A_116, %cond3A_117 : i32
        scf.if %cond3A_118 {
          %dma_wait3A_235 = arith.constant 0 : i32
          %dma_wait3A_236 = arith.constant 0 : i32
          %dma_wait3A_237 = tpu.memref_slice %arg3[%arg0, %mul3A_5, %dma_wait3A_235, %dma_wait3A_236] : memref<2x6256x2x128xi32, #tpu.memory_space<hbm>> -> memref<1x1x2x128xi32, #tpu.memory_space<hbm>>
          %dma_wait3A_238 = tpu.memref_squeeze %dma_wait3A_237 : memref<1x1x2x128xi32, #tpu.memory_space<hbm>> -> memref<2x128xi32, #tpu.memory_space<hbm>>
          %dma_wait3A_239 = arith.constant 0 : i32
          %dma_wait3A_240 = arith.constant 0 : i32
          %dma_wait3A_241 = tpu.memref_slice %arg3[%arg0, %mul3A_5, %dma_wait3A_239, %dma_wait3A_240] : memref<2x6256x2x128xi32, #tpu.memory_space<hbm>> -> memref<1x1x2x128xi32, #tpu.memory_space<hbm>>
          %dma_wait3A_242 = tpu.memref_squeeze %dma_wait3A_241 : memref<1x1x2x128xi32, #tpu.memory_space<hbm>> -> memref<2x128xi32, #tpu.memory_space<hbm>>
          tpu.wait_dma2 semaphore(%arg22 : memref<!tpu.dma_semaphore, #tpu.memory_space<semaphore_mem>>) src(%dma_wait3A_242 : memref<2x128xi32, #tpu.memory_space<hbm>>) dst(%arg10 : memref<2x128xi32, #tpu.memory_space<vmem>>)
          %dma_start3A_243 = arith.constant 0 : i32
          %dma_start3A_244 = arith.constant 0 : i32
          %dma_start3A_245 = tpu.memref_slice %arg10[%dma_start3A_243, %dma_start3A_244] : memref<2x128xi32, #tpu.memory_space<vmem>> -> memref<1x128xi32, #tpu.memory_space<vmem>>
          %dma_start3A_246 = tpu.memref_squeeze %dma_start3A_245 : memref<1x128xi32, #tpu.memory_space<vmem>> -> memref<128xi32, #tpu.memory_space<vmem>>
          %dma_start3A_247 = arith.constant 0 : i32
          %dma_start3A_248 = arith.constant 0 : i32
          %dma_start3A_249 = tpu.memref_slice %arg2[%dma_start3A_247, %dma_start3A_248] : memref<200192x32xf32, #tpu.memory_space<hbm>> -> memref<200192x32xf32, #tpu.memory_space<hbm>>
          tpu.enqueue_indirect_dma source(%dma_start3A_249 : memref<200192x32xf32, #tpu.memory_space<hbm>>) target(%arg16 : memref<128x32xf32, #tpu.memory_space<vmem>>) offsets(%dma_start3A_246 : memref<128xi32, #tpu.memory_space<vmem>>) semaphore(%arg26 : memref<!tpu.dma_semaphore, #tpu.memory_space<semaphore_mem>>)
          %dma_start3A_250 = arith.constant 1 : i32
          %dma_start3A_251 = arith.constant 0 : i32
          %dma_start3A_252 = tpu.memref_slice %arg10[%dma_start3A_250, %dma_start3A_251] : memref<2x128xi32, #tpu.memory_space<vmem>> -> memref<1x128xi32, #tpu.memory_space<vmem>>
          %dma_start3A_253 = tpu.memref_squeeze %dma_start3A_252 : memref<1x128xi32, #tpu.memory_space<vmem>> -> memref<128xi32, #tpu.memory_space<vmem>>
          %dma_start3A_254 = arith.constant 0 : i32
          %dma_start3A_255 = arith.constant 0 : i32
          %dma_start3A_256 = tpu.memref_slice %arg2[%dma_start3A_254, %dma_start3A_255] : memref<200192x32xf32, #tpu.memory_space<hbm>> -> memref<200192x32xf32, #tpu.memory_space<hbm>>
          tpu.enqueue_indirect_dma source(%dma_start3A_256 : memref<200192x32xf32, #tpu.memory_space<hbm>>) target(%arg18 : memref<128x32xf32, #tpu.memory_space<vmem>>) offsets(%dma_start3A_253 : memref<128xi32, #tpu.memory_space<vmem>>) semaphore(%arg28 : memref<!tpu.dma_semaphore, #tpu.memory_space<semaphore_mem>>)
        } else {
        }
        %mul3A_119 = arith.constant 50048 : i32
        %mul3A_120 = arith.muli %arg0, %mul3A_119 : i32
        %get3A = arith.constant 0 : i32
        %get3A_121 = arith.index_cast %get3A : i32 to index
        %get3A_122 = arith.constant 0 : index
        %get3A_123 = tpu.vector_load %arg11[%get3A_121, %get3A_122] {strides = array<i32>} : memref<2x128xi32, #tpu.memory_space<vmem>>, vector<1x16xi32>,
        %get3A_124 = vector.shape_cast %get3A_123 : vector<1x16xi32> to vector<16xi32>
        %sub3A = vector.broadcast %mul3A_120 : i32 to vector<16xi32>
        %sub3A_125 = arith.subi %get3A_124, %sub3A : vector<16xi32>
        %swap3A = arith.constant 0 : index
        %swap3A_126 = tpu.vector_load %arg13[%swap3A] {strides = array<i32>} : memref<128xi32, #tpu.memory_space<vmem>>, vector<16xi32>,
        %swap3A_127 = vector.shape_cast %swap3A_126 : vector<16xi32> to vector<16xi32>
        %swap3A_128 = vector.shape_cast %sub3A_125 : vector<16xi32> to vector<16xi32>
        tpu.vector_store %arg13[%swap3A], %swap3A_128 {strides = array<i32>} : memref<128xi32, #tpu.memory_space<vmem>>, vector<16xi32>,
        %get3A_129 = arith.constant 0 : i32
        %get3A_130 = arith.index_cast %get3A_129 : i32 to index
        %get3A_131 = arith.constant 16 : index
        %get3A_132 = tpu.vector_load %arg11[%get3A_130, %get3A_131] {strides = array<i32>} : memref<2x128xi32, #tpu.memory_space<vmem>>, vector<1x16xi32>,
        %get3A_133 = vector.shape_cast %get3A_132 : vector<1x16xi32> to vector<16xi32>
        %sub3A_134 = vector.broadcast %mul3A_120 : i32 to vector<16xi32>
        %sub3A_135 = arith.subi %get3A_133, %sub3A_134 : vector<16xi32>
        %swap3A_136 = arith.constant 16 : index
        %swap3A_137 = tpu.vector_load %arg13[%swap3A_136] {strides = array<i32>} : memref<128xi32, #tpu.memory_space<vmem>>, vector<16xi32>,
        %swap3A_138 = vector.shape_cast %swap3A_137 : vector<16xi32> to vector<16xi32>
        %swap3A_139 = vector.shape_cast %sub3A_135 : vector<16xi32> to vector<16xi32>
        tpu.vector_store %arg13[%swap3A_136], %swap3A_139 {strides = array<i32>} : memref<128xi32, #tpu.memory_space<vmem>>, vector<16xi32>,
        %get3A_140 = arith.constant 0 : i32
        %get3A_141 = arith.index_cast %get3A_140 : i32 to index
        %get3A_142 = arith.constant 32 : index
        %get3A_143 = tpu.vector_load %arg11[%get3A_141, %get3A_142] {strides = array<i32>} : memref<2x128xi32, #tpu.memory_space<vmem>>, vector<1x16xi32>,
        %get3A_144 = vector.shape_cast %get3A_143 : vector<1x16xi32> to vector<16xi32>
        %sub3A_145 = vector.broadcast %mul3A_120 : i32 to vector<16xi32>
        %sub3A_146 = arith.subi %get3A_144, %sub3A_145 : vector<16xi32>
        %swap3A_147 = arith.constant 32 : index
        %swap3A_148 = tpu.vector_load %arg13[%swap3A_147] {strides = array<i32>} : memref<128xi32, #tpu.memory_space<vmem>>, vector<16xi32>,
        %swap3A_149 = vector.shape_cast %swap3A_148 : vector<16xi32> to vector<16xi32>
        %swap3A_150 = vector.shape_cast %sub3A_146 : vector<16xi32> to vector<16xi32>
        tpu.vector_store %arg13[%swap3A_147], %swap3A_150 {strides = array<i32>} : memref<128xi32, #tpu.memory_space<vmem>>, vector<16xi32>,
        %get3A_151 = arith.constant 0 : i32
        %get3A_152 = arith.index_cast %get3A_151 : i32 to index
        %get3A_153 = arith.constant 48 : index
        %get3A_154 = tpu.vector_load %arg11[%get3A_152, %get3A_153] {strides = array<i32>} : memref<2x128xi32, #tpu.memory_space<vmem>>, vector<1x16xi32>,
        %get3A_155 = vector.shape_cast %get3A_154 : vector<1x16xi32> to vector<16xi32>
        %sub3A_156 = vector.broadcast %mul3A_120 : i32 to vector<16xi32>
        %sub3A_157 = arith.subi %get3A_155, %sub3A_156 : vector<16xi32>
        %swap3A_158 = arith.constant 48 : index
        %swap3A_159 = tpu.vector_load %arg13[%swap3A_158] {strides = array<i32>} : memref<128xi32, #tpu.memory_space<vmem>>, vector<16xi32>,
        %swap3A_160 = vector.shape_cast %swap3A_159 : vector<16xi32> to vector<16xi32>
        %swap3A_161 = vector.shape_cast %sub3A_157 : vector<16xi32> to vector<16xi32>
        tpu.vector_store %arg13[%swap3A_158], %swap3A_161 {strides = array<i32>} : memref<128xi32, #tpu.memory_space<vmem>>, vector<16xi32>,
        %get3A_162 = arith.constant 0 : i32
        %get3A_163 = arith.index_cast %get3A_162 : i32 to index
        %get3A_164 = arith.constant 64 : index
        %get3A_165 = tpu.vector_load %arg11[%get3A_163, %get3A_164] {strides = array<i32>} : memref<2x128xi32, #tpu.memory_space<vmem>>, vector<1x16xi32>,
        %get3A_166 = vector.shape_cast %get3A_165 : vector<1x16xi32> to vector<16xi32>
        %sub3A_167 = vector.broadcast %mul3A_120 : i32 to vector<16xi32>
        %sub3A_168 = arith.subi %get3A_166, %sub3A_167 : vector<16xi32>
        %swap3A_169 = arith.constant 64 : index
        %swap3A_170 = tpu.vector_load %arg13[%swap3A_169] {strides = array<i32>} : memref<128xi32, #tpu.memory_space<vmem>>, vector<16xi32>,
        %swap3A_171 = vector.shape_cast %swap3A_170 : vector<16xi32> to vector<16xi32>
        %swap3A_172 = vector.shape_cast %sub3A_168 : vector<16xi32> to vector<16xi32>
        tpu.vector_store %arg13[%swap3A_169], %swap3A_172 {strides = array<i32>} : memref<128xi32, #tpu.memory_space<vmem>>, vector<16xi32>,
        %get3A_173 = arith.constant 0 : i32
        %get3A_174 = arith.index_cast %get3A_173 : i32 to index
        %get3A_175 = arith.constant 80 : index
        %get3A_176 = tpu.vector_load %arg11[%get3A_174, %get3A_175] {strides = array<i32>} : memref<2x128xi32, #tpu.memory_space<vmem>>, vector<1x16xi32>,
        %get3A_177 = vector.shape_cast %get3A_176 : vector<1x16xi32> to vector<16xi32>
        %sub3A_178 = vector.broadcast %mul3A_120 : i32 to vector<16xi32>
        %sub3A_179 = arith.subi %get3A_177, %sub3A_178 : vector<16xi32>
        %swap3A_180 = arith.constant 80 : index
        %swap3A_181 = tpu.vector_load %arg13[%swap3A_180] {strides = array<i32>} : memref<128xi32, #tpu.memory_space<vmem>>, vector<16xi32>,
        %swap3A_182 = vector.shape_cast %swap3A_181 : vector<16xi32> to vector<16xi32>
        %swap3A_183 = vector.shape_cast %sub3A_179 : vector<16xi32> to vector<16xi32>
        tpu.vector_store %arg13[%swap3A_180], %swap3A_183 {strides = array<i32>} : memref<128xi32, #tpu.memory_space<vmem>>, vector<16xi32>,
        %get3A_184 = arith.constant 0 : i32
        %get3A_185 = arith.index_cast %get3A_184 : i32 to index
        %get3A_186 = arith.constant 96 : index
        %get3A_187 = tpu.vector_load %arg11[%get3A_185, %get3A_186] {strides = array<i32>} : memref<2x128xi32, #tpu.memory_space<vmem>>, vector<1x16xi32>,
        %get3A_188 = vector.shape_cast %get3A_187 : vector<1x16xi32> to vector<16xi32>
        %sub3A_189 = vector.broadcast %mul3A_120 : i32 to vector<16xi32>
        %sub3A_190 = arith.subi %get3A_188, %sub3A_189 : vector<16xi32>
        %swap3A_191 = arith.constant 96 : index
        %swap3A_192 = tpu.vector_load %arg13[%swap3A_191] {strides = array<i32>} : memref<128xi32, #tpu.memory_space<vmem>>, vector<16xi32>,
        %swap3A_193 = vector.shape_cast %swap3A_192 : vector<16xi32> to vector<16xi32>
        %swap3A_194 = vector.shape_cast %sub3A_190 : vector<16xi32> to vector<16xi32>
        tpu.vector_store %arg13[%swap3A_191], %swap3A_194 {strides = array<i32>} : memref<128xi32, #tpu.memory_space<vmem>>, vector<16xi32>,
        %get3A_195 = arith.constant 0 : i32
        %get3A_196 = arith.index_cast %get3A_195 : i32 to index
        %get3A_197 = arith.constant 112 : index
        %get3A_198 = tpu.vector_load %arg11[%get3A_196, %get3A_197] {strides = array<i32>} : memref<2x128xi32, #tpu.memory_space<vmem>>, vector<1x16xi32>,
        %get3A_199 = vector.shape_cast %get3A_198 : vector<1x16xi32> to vector<16xi32>
        %sub3A_200 = vector.broadcast %mul3A_120 : i32 to vector<16xi32>
        %sub3A_201 = arith.subi %get3A_199, %sub3A_200 : vector<16xi32>
        %swap3A_202 = arith.constant 112 : index
        %swap3A_203 = tpu.vector_load %arg13[%swap3A_202] {strides = array<i32>} : memref<128xi32, #tpu.memory_space<vmem>>, vector<16xi32>,
        %swap3A_204 = vector.shape_cast %swap3A_203 : vector<16xi32> to vector<16xi32>
        %swap3A_205 = vector.shape_cast %sub3A_201 : vector<16xi32> to vector<16xi32>
        tpu.vector_store %arg13[%swap3A_202], %swap3A_205 {strides = array<i32>} : memref<128xi32, #tpu.memory_space<vmem>>, vector<16xi32>,
        %add3A_206 = arith.constant 2 : i32
        %add3A_207 = arith.addi %add3A_88, %add3A_206 : i32
        %lt3A_208 = arith.constant 391 : i32
        %lt3A_209 = arith.cmpi slt, %add3A_207, %lt3A_208 : i32
        %convert_element_type3A_210 = arith.extui %lt3A_209 : i1 to i32
        %cond3A_211 = arith.constant 0 : i32
        %cond3A_212 = arith.cmpi ne, %convert_element_type3A_210, %cond3A_211 : i32
        scf.if %cond3A_212 {
          %add3A_235 = arith.constant 2 : i32
          %add3A_236 = arith.addi %add3A_88, %add3A_235 : i32
          %add3A_237 = arith.addi %mul3A_5, %add3A_236 : i32
          %dma_start3A_238 = arith.constant 0 : i32
          %dma_start3A_239 = arith.constant 0 : i32
          %dma_start3A_240 = tpu.memref_slice %arg3[%arg0, %add3A_237, %dma_start3A_238, %dma_start3A_239] : memref<2x6256x2x128xi32, #tpu.memory_space<hbm>> -> memref<1x1x2x128xi32, #tpu.memory_space<hbm>>
          %dma_start3A_241 = tpu.memref_squeeze %dma_start3A_240 : memref<1x1x2x128xi32, #tpu.memory_space<hbm>> -> memref<2x128xi32, #tpu.memory_space<hbm>>
          %dma_start3A_242 = arith.constant 0 : i32
          %dma_start3A_243 = arith.constant 0 : i32
          %dma_start3A_244 = tpu.memref_slice %arg3[%arg0, %add3A_237, %dma_start3A_242, %dma_start3A_243] : memref<2x6256x2x128xi32, #tpu.memory_space<hbm>> -> memref<1x1x2x128xi32, #tpu.memory_space<hbm>>
          %dma_start3A_245 = tpu.memref_squeeze %dma_start3A_244 : memref<1x1x2x128xi32, #tpu.memory_space<hbm>> -> memref<2x128xi32, #tpu.memory_space<hbm>>
          tpu.enqueue_dma source(%dma_start3A_245 : memref<2x128xi32, #tpu.memory_space<hbm>>) target(%arg11 : memref<2x128xi32, #tpu.memory_space<vmem>>) target_semaphore(%arg23 : memref<!tpu.dma_semaphore, #tpu.memory_space<semaphore_mem>>)
        } else {
        }
        %dma_wait3A_213 = arith.constant 0 : i32
        %dma_wait3A_214 = tpu.memref_slice %arg4[%mul3A_5, %dma_wait3A_213] : memref<6256x128xf32, #tpu.memory_space<hbm>> -> memref<1x128xf32, #tpu.memory_space<hbm>>
        %dma_wait3A_215 = tpu.memref_squeeze %dma_wait3A_214 : memref<1x128xf32, #tpu.memory_space<hbm>> -> memref<128xf32, #tpu.memory_space<hbm>>
        %dma_wait3A_216 = arith.constant 0 : i32
        %dma_wait3A_217 = tpu.memref_slice %arg4[%mul3A_5, %dma_wait3A_216] : memref<6256x128xf32, #tpu.memory_space<hbm>> -> memref<1x128xf32, #tpu.memory_space<hbm>>
        %dma_wait3A_218 = tpu.memref_squeeze %dma_wait3A_217 : memref<1x128xf32, #tpu.memory_space<hbm>> -> memref<128xf32, #tpu.memory_space<hbm>>
        tpu.wait_dma2 semaphore(%arg25 : memref<!tpu.dma_semaphore, #tpu.memory_space<semaphore_mem>>) src(%dma_wait3A_218 : memref<128xf32, #tpu.memory_space<hbm>>) dst(%arg15 : memref<128xf32, #tpu.memory_space<vmem>>)
        %scan3A_219 = arith.constant 0 : i32
        %scan3A_220 = arith.constant 0 : i32
        %scan3A_221 = arith.constant 8 : i32
        %scan3A_222 = arith.addi %scan3A_220, %scan3A_221 : i32
        %scan3A_223 = arith.constant 1 : i32
        scf.for %scan3A_235 = %scan3A_220 to %scan3A_222 step %scan3A_223  : i32 {
          %mul3A_236 = arith.constant 16 : i32
          %mul3A_237 = arith.muli %scan3A_235, %mul3A_236 : i32
          %get3A_238 = arith.index_cast %mul3A_237 : i32 to index
          %get3A_239 = tpu.vector_load %arg15[%get3A_238] {strides = array<i32>} : memref<128xf32, #tpu.memory_space<vmem>>, vector<16xf32>,
          %get3A_240 = vector.shape_cast %get3A_239 : vector<16xf32> to vector<16xf32>
          %broadcast_in_dim3A = arith.constant 0 : i32
          %broadcast_in_dim3A_241 = vector.broadcast %broadcast_in_dim3A : i32 to vector<16x1xi32>
          %gather3A = vector.shape_cast %broadcast_in_dim3A_241 : vector<16x1xi32> to vector<16xi32>
          %gather3A_242 = tpu.dynamic_gather %get3A_240[%gather3A] in [0] : vector<16xf32>, vector<16xi32> -> vector<16xf32>
          %mul3A_243 = arith.constant 16 : i32
          %mul3A_244 = arith.muli %scan3A_235, %mul3A_243 : i32
          %add3A_245 = arith.constant 0 : i32
          %add3A_246 = arith.addi %mul3A_244, %add3A_245 : i32
          %get3A_247 = arith.index_cast %add3A_246 : i32 to index
          %get3A_248 = arith.constant 0 : index
          %get3A_249 = tpu.vector_load %arg17[%get3A_247, %get3A_248] {strides = array<i32>} : memref<128x32xf32, #tpu.memory_space<vmem>>, vector<1x16xf32>,
          %get3A_250 = vector.shape_cast %get3A_249 : vector<1x16xf32> to vector<16xf32>
          %get3A_251 = arith.index_cast %add3A_246 : i32 to index
          %get3A_252 = arith.constant 0 : index
          %get3A_253 = tpu.vector_load %arg19[%get3A_251, %get3A_252] {strides = array<i32>} : memref<128x32xf32, #tpu.memory_space<vmem>>, vector<1x16xf32>,
          %get3A_254 = vector.shape_cast %get3A_253 : vector<1x16xf32> to vector<16xf32>
          %add3A_255 = arith.addf %get3A_250, %get3A_254 : vector<16xf32>
          %get3A_256 = arith.constant 0 : index
          %get3A_257 = tpu.vector_load %arg9[%get3A_256] {strides = array<i32>} : memref<32xf32, #tpu.memory_space<vmem>>, vector<16xf32>,
          %get3A_258 = vector.shape_cast %get3A_257 : vector<16xf32> to vector<16xf32>
          %mul3A_259 = arith.mulf %gather3A_242, %get3A_258 : vector<16xf32>
          %add3A_260 = arith.addf %add3A_255, %mul3A_259 : vector<16xf32>
          %mul3A_261 = arith.constant 0.00999999977 : f32
          %mul3A_262 = vector.broadcast %mul3A_261 : f32 to vector<16xf32>
          %mul3A_263 = arith.mulf %mul3A_262, %add3A_260 : vector<16xf32>
          %max3A = arith.maximumf %add3A_260, %mul3A_263 : vector<16xf32>
          %swap3A_264 = arith.index_cast %add3A_246 : i32 to index
          %swap3A_265 = arith.constant 0 : index
          %swap3A_266 = tpu.vector_load %arg21[%swap3A_264, %swap3A_265] {strides = array<i32>} : memref<128x32xf32, #tpu.memory_space<vmem>>, vector<1x16xf32>,
          %swap3A_267 = vector.shape_cast %swap3A_266 : vector<1x16xf32> to vector<16xf32>
          %swap3A_268 = vector.shape_cast %max3A : vector<16xf32> to vector<1x16xf32>
          tpu.vector_store %arg21[%swap3A_264, %swap3A_265], %swap3A_268 {strides = array<i32>} : memref<128x32xf32, #tpu.memory_space<vmem>>, vector<1x16xf32>,
          %get3A_269 = arith.index_cast %add3A_246 : i32 to index
          %get3A_270 = arith.constant 16 : index
          %get3A_271 = tpu.vector_load %arg17[%get3A_269, %get3A_270] {strides = array<i32>} : memref<128x32xf32, #tpu.memory_space<vmem>>, vector<1x16xf32>,
          %get3A_272 = vector.shape_cast %get3A_271 : vector<1x16xf32> to vector<16xf32>
          %get3A_273 = arith.index_cast %add3A_246 : i32 to index
          %get3A_274 = arith.constant 16 : index
          %get3A_275 = tpu.vector_load %arg19[%get3A_273, %get3A_274] {strides = array<i32>} : memref<128x32xf32, #tpu.memory_space<vmem>>, vector<1x16xf32>,
          %get3A_276 = vector.shape_cast %get3A_275 : vector<1x16xf32> to vector<16xf32>
          %add3A_277 = arith.addf %get3A_272, %get3A_276 : vector<16xf32>
          %get3A_278 = arith.constant 16 : index
          %get3A_279 = tpu.vector_load %arg9[%get3A_278] {strides = array<i32>} : memref<32xf32, #tpu.memory_space<vmem>>, vector<16xf32>,
          %get3A_280 = vector.shape_cast %get3A_279 : vector<16xf32> to vector<16xf32>
          %mul3A_281 = arith.mulf %gather3A_242, %get3A_280 : vector<16xf32>
          %add3A_282 = arith.addf %add3A_277, %mul3A_281 : vector<16xf32>
          %mul3A_283 = arith.constant 0.00999999977 : f32
          %mul3A_284 = vector.broadcast %mul3A_283 : f32 to vector<16xf32>
          %mul3A_285 = arith.mulf %mul3A_284, %add3A_282 : vector<16xf32>
          %max3A_286 = arith.maximumf %add3A_282, %mul3A_285 : vector<16xf32>
          %swap3A_287 = arith.index_cast %add3A_246 : i32 to index
          %swap3A_288 = arith.constant 16 : index
          %swap3A_289 = tpu.vector_load %arg21[%swap3A_287, %swap3A_288] {strides = array<i32>} : memref<128x32xf32, #tpu.memory_space<vmem>>, vector<1x16xf32>,
          %swap3A_290 = vector.shape_cast %swap3A_289 : vector<1x16xf32> to vector<16xf32>
          %swap3A_291 = vector.shape_cast %max3A_286 : vector<16xf32> to vector<1x16xf32>
          tpu.vector_store %arg21[%swap3A_287, %swap3A_288], %swap3A_291 {strides = array<i32>} : memref<128x32xf32, #tpu.memory_space<vmem>>, vector<1x16xf32>,
          %broadcast_in_dim3A_292 = arith.constant 1 : i32
          %broadcast_in_dim3A_293 = vector.broadcast %broadcast_in_dim3A_292 : i32 to vector<16x1xi32>
          %gather3A_294 = vector.shape_cast %broadcast_in_dim3A_293 : vector<16x1xi32> to vector<16xi32>
          %gather3A_295 = tpu.dynamic_gather %get3A_240[%gather3A_294] in [0] : vector<16xf32>, vector<16xi32> -> vector<16xf32>
          %mul3A_296 = arith.constant 16 : i32
          %mul3A_297 = arith.muli %scan3A_235, %mul3A_296 : i32
          %add3A_298 = arith.constant 1 : i32
          %add3A_299 = arith.addi %mul3A_297, %add3A_298 : i32
          %get3A_300 = arith.index_cast %add3A_299 : i32 to index
          %get3A_301 = arith.constant 0 : index
          %get3A_302 = tpu.vector_load %arg17[%get3A_300, %get3A_301] {strides = array<i32>} : memref<128x32xf32, #tpu.memory_space<vmem>>, vector<1x16xf32>,
          %get3A_303 = vector.shape_cast %get3A_302 : vector<1x16xf32> to vector<16xf32>
          %get3A_304 = arith.index_cast %add3A_299 : i32 to index
          %get3A_305 = arith.constant 0 : index
          %get3A_306 = tpu.vector_load %arg19[%get3A_304, %get3A_305] {strides = array<i32>} : memref<128x32xf32, #tpu.memory_space<vmem>>, vector<1x16xf32>,
          %get3A_307 = vector.shape_cast %get3A_306 : vector<1x16xf32> to vector<16xf32>
          %add3A_308 = arith.addf %get3A_303, %get3A_307 : vector<16xf32>
          %get3A_309 = arith.constant 0 : index
          %get3A_310 = tpu.vector_load %arg9[%get3A_309] {strides = array<i32>} : memref<32xf32, #tpu.memory_space<vmem>>, vector<16xf32>,
          %get3A_311 = vector.shape_cast %get3A_310 : vector<16xf32> to vector<16xf32>
          %mul3A_312 = arith.mulf %gather3A_295, %get3A_311 : vector<16xf32>
          %add3A_313 = arith.addf %add3A_308, %mul3A_312 : vector<16xf32>
          %mul3A_314 = arith.constant 0.00999999977 : f32
          %mul3A_315 = vector.broadcast %mul3A_314 : f32 to vector<16xf32>
          %mul3A_316 = arith.mulf %mul3A_315, %add3A_313 : vector<16xf32>
          %max3A_317 = arith.maximumf %add3A_313, %mul3A_316 : vector<16xf32>
          %swap3A_318 = arith.index_cast %add3A_299 : i32 to index
          %swap3A_319 = arith.constant 0 : index
          %swap3A_320 = tpu.vector_load %arg21[%swap3A_318, %swap3A_319] {strides = array<i32>} : memref<128x32xf32, #tpu.memory_space<vmem>>, vector<1x16xf32>,
          %swap3A_321 = vector.shape_cast %swap3A_320 : vector<1x16xf32> to vector<16xf32>
          %swap3A_322 = vector.shape_cast %max3A_317 : vector<16xf32> to vector<1x16xf32>
          tpu.vector_store %arg21[%swap3A_318, %swap3A_319], %swap3A_322 {strides = array<i32>} : memref<128x32xf32, #tpu.memory_space<vmem>>, vector<1x16xf32>,
          %get3A_323 = arith.index_cast %add3A_299 : i32 to index
          %get3A_324 = arith.constant 16 : index
          %get3A_325 = tpu.vector_load %arg17[%get3A_323, %get3A_324] {strides = array<i32>} : memref<128x32xf32, #tpu.memory_space<vmem>>, vector<1x16xf32>,
          %get3A_326 = vector.shape_cast %get3A_325 : vector<1x16xf32> to vector<16xf32>
          %get3A_327 = arith.index_cast %add3A_299 : i32 to index
          %get3A_328 = arith.constant 16 : index
          %get3A_329 = tpu.vector_load %arg19[%get3A_327, %get3A_328] {strides = array<i32>} : memref<128x32xf32, #tpu.memory_space<vmem>>, vector<1x16xf32>,
          %get3A_330 = vector.shape_cast %get3A_329 : vector<1x16xf32> to vector<16xf32>
          %add3A_331 = arith.addf %get3A_326, %get3A_330 : vector<16xf32>
          %get3A_332 = arith.constant 16 : index
          %get3A_333 = tpu.vector_load %arg9[%get3A_332] {strides = array<i32>} : memref<32xf32, #tpu.memory_space<vmem>>, vector<16xf32>,
          %get3A_334 = vector.shape_cast %get3A_333 : vector<16xf32> to vector<16xf32>
          %mul3A_335 = arith.mulf %gather3A_295, %get3A_334 : vector<16xf32>
          %add3A_336 = arith.addf %add3A_331, %mul3A_335 : vector<16xf32>
          %mul3A_337 = arith.constant 0.00999999977 : f32
          %mul3A_338 = vector.broadcast %mul3A_337 : f32 to vector<16xf32>
          %mul3A_339 = arith.mulf %mul3A_338, %add3A_336 : vector<16xf32>
          %max3A_340 = arith.maximumf %add3A_336, %mul3A_339 : vector<16xf32>
          %swap3A_341 = arith.index_cast %add3A_299 : i32 to index
          %swap3A_342 = arith.constant 16 : index
          %swap3A_343 = tpu.vector_load %arg21[%swap3A_341, %swap3A_342] {strides = array<i32>} : memref<128x32xf32, #tpu.memory_space<vmem>>, vector<1x16xf32>,
          %swap3A_344 = vector.shape_cast %swap3A_343 : vector<1x16xf32> to vector<16xf32>
          %swap3A_345 = vector.shape_cast %max3A_340 : vector<16xf32> to vector<1x16xf32>
          tpu.vector_store %arg21[%swap3A_341, %swap3A_342], %swap3A_345 {strides = array<i32>} : memref<128x32xf32, #tpu.memory_space<vmem>>, vector<1x16xf32>,
          %broadcast_in_dim3A_346 = arith.constant 2 : i32
          %broadcast_in_dim3A_347 = vector.broadcast %broadcast_in_dim3A_346 : i32 to vector<16x1xi32>
          %gather3A_348 = vector.shape_cast %broadcast_in_dim3A_347 : vector<16x1xi32> to vector<16xi32>
          %gather3A_349 = tpu.dynamic_gather %get3A_240[%gather3A_348] in [0] : vector<16xf32>, vector<16xi32> -> vector<16xf32>
          %mul3A_350 = arith.constant 16 : i32
          %mul3A_351 = arith.muli %scan3A_235, %mul3A_350 : i32
          %add3A_352 = arith.constant 2 : i32
          %add3A_353 = arith.addi %mul3A_351, %add3A_352 : i32
          %get3A_354 = arith.index_cast %add3A_353 : i32 to index
          %get3A_355 = arith.constant 0 : index
          %get3A_356 = tpu.vector_load %arg17[%get3A_354, %get3A_355] {strides = array<i32>} : memref<128x32xf32, #tpu.memory_space<vmem>>, vector<1x16xf32>,
          %get3A_357 = vector.shape_cast %get3A_356 : vector<1x16xf32> to vector<16xf32>
          %get3A_358 = arith.index_cast %add3A_353 : i32 to index
          %get3A_359 = arith.constant 0 : index
          %get3A_360 = tpu.vector_load %arg19[%get3A_358, %get3A_359] {strides = array<i32>} : memref<128x32xf32, #tpu.memory_space<vmem>>, vector<1x16xf32>,
          %get3A_361 = vector.shape_cast %get3A_360 : vector<1x16xf32> to vector<16xf32>
          %add3A_362 = arith.addf %get3A_357, %get3A_361 : vector<16xf32>
          %get3A_363 = arith.constant 0 : index
          %get3A_364 = tpu.vector_load %arg9[%get3A_363] {strides = array<i32>} : memref<32xf32, #tpu.memory_space<vmem>>, vector<16xf32>,
          %get3A_365 = vector.shape_cast %get3A_364 : vector<16xf32> to vector<16xf32>
          %mul3A_366 = arith.mulf %gather3A_349, %get3A_365 : vector<16xf32>
          %add3A_367 = arith.addf %add3A_362, %mul3A_366 : vector<16xf32>
          %mul3A_368 = arith.constant 0.00999999977 : f32
          %mul3A_369 = vector.broadcast %mul3A_368 : f32 to vector<16xf32>
          %mul3A_370 = arith.mulf %mul3A_369, %add3A_367 : vector<16xf32>
          %max3A_371 = arith.maximumf %add3A_367, %mul3A_370 : vector<16xf32>
          %swap3A_372 = arith.index_cast %add3A_353 : i32 to index
          %swap3A_373 = arith.constant 0 : index
          %swap3A_374 = tpu.vector_load %arg21[%swap3A_372, %swap3A_373] {strides = array<i32>} : memref<128x32xf32, #tpu.memory_space<vmem>>, vector<1x16xf32>,
          %swap3A_375 = vector.shape_cast %swap3A_374 : vector<1x16xf32> to vector<16xf32>
          %swap3A_376 = vector.shape_cast %max3A_371 : vector<16xf32> to vector<1x16xf32>
          tpu.vector_store %arg21[%swap3A_372, %swap3A_373], %swap3A_376 {strides = array<i32>} : memref<128x32xf32, #tpu.memory_space<vmem>>, vector<1x16xf32>,
          %get3A_377 = arith.index_cast %add3A_353 : i32 to index
          %get3A_378 = arith.constant 16 : index
          %get3A_379 = tpu.vector_load %arg17[%get3A_377, %get3A_378] {strides = array<i32>} : memref<128x32xf32, #tpu.memory_space<vmem>>, vector<1x16xf32>,
          %get3A_380 = vector.shape_cast %get3A_379 : vector<1x16xf32> to vector<16xf32>
          %get3A_381 = arith.index_cast %add3A_353 : i32 to index
          %get3A_382 = arith.constant 16 : index
          %get3A_383 = tpu.vector_load %arg19[%get3A_381, %get3A_382] {strides = array<i32>} : memref<128x32xf32, #tpu.memory_space<vmem>>, vector<1x16xf32>,
          %get3A_384 = vector.shape_cast %get3A_383 : vector<1x16xf32> to vector<16xf32>
          %add3A_385 = arith.addf %get3A_380, %get3A_384 : vector<16xf32>
          %get3A_386 = arith.constant 16 : index
          %get3A_387 = tpu.vector_load %arg9[%get3A_386] {strides = array<i32>} : memref<32xf32, #tpu.memory_space<vmem>>, vector<16xf32>,
          %get3A_388 = vector.shape_cast %get3A_387 : vector<16xf32> to vector<16xf32>
          %mul3A_389 = arith.mulf %gather3A_349, %get3A_388 : vector<16xf32>
          %add3A_390 = arith.addf %add3A_385, %mul3A_389 : vector<16xf32>
          %mul3A_391 = arith.constant 0.00999999977 : f32
          %mul3A_392 = vector.broadcast %mul3A_391 : f32 to vector<16xf32>
          %mul3A_393 = arith.mulf %mul3A_392, %add3A_390 : vector<16xf32>
          %max3A_394 = arith.maximumf %add3A_390, %mul3A_393 : vector<16xf32>
          %swap3A_395 = arith.index_cast %add3A_353 : i32 to index
          %swap3A_396 = arith.constant 16 : index
          %swap3A_397 = tpu.vector_load %arg21[%swap3A_395, %swap3A_396] {strides = array<i32>} : memref<128x32xf32, #tpu.memory_space<vmem>>, vector<1x16xf32>,
          %swap3A_398 = vector.shape_cast %swap3A_397 : vector<1x16xf32> to vector<16xf32>
          %swap3A_399 = vector.shape_cast %max3A_394 : vector<16xf32> to vector<1x16xf32>
          tpu.vector_store %arg21[%swap3A_395, %swap3A_396], %swap3A_399 {strides = array<i32>} : memref<128x32xf32, #tpu.memory_space<vmem>>, vector<1x16xf32>,
          %broadcast_in_dim3A_400 = arith.constant 3 : i32
          %broadcast_in_dim3A_401 = vector.broadcast %broadcast_in_dim3A_400 : i32 to vector<16x1xi32>
          %gather3A_402 = vector.shape_cast %broadcast_in_dim3A_401 : vector<16x1xi32> to vector<16xi32>
          %gather3A_403 = tpu.dynamic_gather %get3A_240[%gather3A_402] in [0] : vector<16xf32>, vector<16xi32> -> vector<16xf32>
          %mul3A_404 = arith.constant 16 : i32
          %mul3A_405 = arith.muli %scan3A_235, %mul3A_404 : i32
          %add3A_406 = arith.constant 3 : i32
          %add3A_407 = arith.addi %mul3A_405, %add3A_406 : i32
          %get3A_408 = arith.index_cast %add3A_407 : i32 to index
          %get3A_409 = arith.constant 0 : index
          %get3A_410 = tpu.vector_load %arg17[%get3A_408, %get3A_409] {strides = array<i32>} : memref<128x32xf32, #tpu.memory_space<vmem>>, vector<1x16xf32>,
          %get3A_411 = vector.shape_cast %get3A_410 : vector<1x16xf32> to vector<16xf32>
          %get3A_412 = arith.index_cast %add3A_407 : i32 to index
          %get3A_413 = arith.constant 0 : index
          %get3A_414 = tpu.vector_load %arg19[%get3A_412, %get3A_413] {strides = array<i32>} : memref<128x32xf32, #tpu.memory_space<vmem>>, vector<1x16xf32>,
          %get3A_415 = vector.shape_cast %get3A_414 : vector<1x16xf32> to vector<16xf32>
          %add3A_416 = arith.addf %get3A_411, %get3A_415 : vector<16xf32>
          %get3A_417 = arith.constant 0 : index
          %get3A_418 = tpu.vector_load %arg9[%get3A_417] {strides = array<i32>} : memref<32xf32, #tpu.memory_space<vmem>>, vector<16xf32>,
          %get3A_419 = vector.shape_cast %get3A_418 : vector<16xf32> to vector<16xf32>
          %mul3A_420 = arith.mulf %gather3A_403, %get3A_419 : vector<16xf32>
          %add3A_421 = arith.addf %add3A_416, %mul3A_420 : vector<16xf32>
          %mul3A_422 = arith.constant 0.00999999977 : f32
          %mul3A_423 = vector.broadcast %mul3A_422 : f32 to vector<16xf32>
          %mul3A_424 = arith.mulf %mul3A_423, %add3A_421 : vector<16xf32>
          %max3A_425 = arith.maximumf %add3A_421, %mul3A_424 : vector<16xf32>
          %swap3A_426 = arith.index_cast %add3A_407 : i32 to index
          %swap3A_427 = arith.constant 0 : index
          %swap3A_428 = tpu.vector_load %arg21[%swap3A_426, %swap3A_427] {strides = array<i32>} : memref<128x32xf32, #tpu.memory_space<vmem>>, vector<1x16xf32>,
          %swap3A_429 = vector.shape_cast %swap3A_428 : vector<1x16xf32> to vector<16xf32>
          %swap3A_430 = vector.shape_cast %max3A_425 : vector<16xf32> to vector<1x16xf32>
          tpu.vector_store %arg21[%swap3A_426, %swap3A_427], %swap3A_430 {strides = array<i32>} : memref<128x32xf32, #tpu.memory_space<vmem>>, vector<1x16xf32>,
          %get3A_431 = arith.index_cast %add3A_407 : i32 to index
          %get3A_432 = arith.constant 16 : index
          %get3A_433 = tpu.vector_load %arg17[%get3A_431, %get3A_432] {strides = array<i32>} : memref<128x32xf32, #tpu.memory_space<vmem>>, vector<1x16xf32>,
          %get3A_434 = vector.shape_cast %get3A_433 : vector<1x16xf32> to vector<16xf32>
          %get3A_435 = arith.index_cast %add3A_407 : i32 to index
          %get3A_436 = arith.constant 16 : index
          %get3A_437 = tpu.vector_load %arg19[%get3A_435, %get3A_436] {strides = array<i32>} : memref<128x32xf32, #tpu.memory_space<vmem>>, vector<1x16xf32>,
          %get3A_438 = vector.shape_cast %get3A_437 : vector<1x16xf32> to vector<16xf32>
          %add3A_439 = arith.addf %get3A_434, %get3A_438 : vector<16xf32>
          %get3A_440 = arith.constant 16 : index
          %get3A_441 = tpu.vector_load %arg9[%get3A_440] {strides = array<i32>} : memref<32xf32, #tpu.memory_space<vmem>>, vector<16xf32>,
          %get3A_442 = vector.shape_cast %get3A_441 : vector<16xf32> to vector<16xf32>
          %mul3A_443 = arith.mulf %gather3A_403, %get3A_442 : vector<16xf32>
          %add3A_444 = arith.addf %add3A_439, %mul3A_443 : vector<16xf32>
          %mul3A_445 = arith.constant 0.00999999977 : f32
          %mul3A_446 = vector.broadcast %mul3A_445 : f32 to vector<16xf32>
          %mul3A_447 = arith.mulf %mul3A_446, %add3A_444 : vector<16xf32>
          %max3A_448 = arith.maximumf %add3A_444, %mul3A_447 : vector<16xf32>
          %swap3A_449 = arith.index_cast %add3A_407 : i32 to index
          %swap3A_450 = arith.constant 16 : index
          %swap3A_451 = tpu.vector_load %arg21[%swap3A_449, %swap3A_450] {strides = array<i32>} : memref<128x32xf32, #tpu.memory_space<vmem>>, vector<1x16xf32>,
          %swap3A_452 = vector.shape_cast %swap3A_451 : vector<1x16xf32> to vector<16xf32>
          %swap3A_453 = vector.shape_cast %max3A_448 : vector<16xf32> to vector<1x16xf32>
          tpu.vector_store %arg21[%swap3A_449, %swap3A_450], %swap3A_453 {strides = array<i32>} : memref<128x32xf32, #tpu.memory_space<vmem>>, vector<1x16xf32>,
          %broadcast_in_dim3A_454 = arith.constant 4 : i32
          %broadcast_in_dim3A_455 = vector.broadcast %broadcast_in_dim3A_454 : i32 to vector<16x1xi32>
          %gather3A_456 = vector.shape_cast %broadcast_in_dim3A_455 : vector<16x1xi32> to vector<16xi32>
          %gather3A_457 = tpu.dynamic_gather %get3A_240[%gather3A_456] in [0] : vector<16xf32>, vector<16xi32> -> vector<16xf32>
          %mul3A_458 = arith.constant 16 : i32
          %mul3A_459 = arith.muli %scan3A_235, %mul3A_458 : i32
          %add3A_460 = arith.constant 4 : i32
          %add3A_461 = arith.addi %mul3A_459, %add3A_460 : i32
          %get3A_462 = arith.index_cast %add3A_461 : i32 to index
          %get3A_463 = arith.constant 0 : index
          %get3A_464 = tpu.vector_load %arg17[%get3A_462, %get3A_463] {strides = array<i32>} : memref<128x32xf32, #tpu.memory_space<vmem>>, vector<1x16xf32>,
          %get3A_465 = vector.shape_cast %get3A_464 : vector<1x16xf32> to vector<16xf32>
          %get3A_466 = arith.index_cast %add3A_461 : i32 to index
          %get3A_467 = arith.constant 0 : index
          %get3A_468 = tpu.vector_load %arg19[%get3A_466, %get3A_467] {strides = array<i32>} : memref<128x32xf32, #tpu.memory_space<vmem>>, vector<1x16xf32>,
          %get3A_469 = vector.shape_cast %get3A_468 : vector<1x16xf32> to vector<16xf32>
          %add3A_470 = arith.addf %get3A_465, %get3A_469 : vector<16xf32>
          %get3A_471 = arith.constant 0 : index
          %get3A_472 = tpu.vector_load %arg9[%get3A_471] {strides = array<i32>} : memref<32xf32, #tpu.memory_space<vmem>>, vector<16xf32>,
          %get3A_473 = vector.shape_cast %get3A_472 : vector<16xf32> to vector<16xf32>
          %mul3A_474 = arith.mulf %gather3A_457, %get3A_473 : vector<16xf32>
          %add3A_475 = arith.addf %add3A_470, %mul3A_474 : vector<16xf32>
          %mul3A_476 = arith.constant 0.00999999977 : f32
          %mul3A_477 = vector.broadcast %mul3A_476 : f32 to vector<16xf32>
          %mul3A_478 = arith.mulf %mul3A_477, %add3A_475 : vector<16xf32>
          %max3A_479 = arith.maximumf %add3A_475, %mul3A_478 : vector<16xf32>
          %swap3A_480 = arith.index_cast %add3A_461 : i32 to index
          %swap3A_481 = arith.constant 0 : index
          %swap3A_482 = tpu.vector_load %arg21[%swap3A_480, %swap3A_481] {strides = array<i32>} : memref<128x32xf32, #tpu.memory_space<vmem>>, vector<1x16xf32>,
          %swap3A_483 = vector.shape_cast %swap3A_482 : vector<1x16xf32> to vector<16xf32>
          %swap3A_484 = vector.shape_cast %max3A_479 : vector<16xf32> to vector<1x16xf32>
          tpu.vector_store %arg21[%swap3A_480, %swap3A_481], %swap3A_484 {strides = array<i32>} : memref<128x32xf32, #tpu.memory_space<vmem>>, vector<1x16xf32>,
          %get3A_485 = arith.index_cast %add3A_461 : i32 to index
          %get3A_486 = arith.constant 16 : index
          %get3A_487 = tpu.vector_load %arg17[%get3A_485, %get3A_486] {strides = array<i32>} : memref<128x32xf32, #tpu.memory_space<vmem>>, vector<1x16xf32>,
          %get3A_488 = vector.shape_cast %get3A_487 : vector<1x16xf32> to vector<16xf32>
          %get3A_489 = arith.index_cast %add3A_461 : i32 to index
          %get3A_490 = arith.constant 16 : index
          %get3A_491 = tpu.vector_load %arg19[%get3A_489, %get3A_490] {strides = array<i32>} : memref<128x32xf32, #tpu.memory_space<vmem>>, vector<1x16xf32>,
          %get3A_492 = vector.shape_cast %get3A_491 : vector<1x16xf32> to vector<16xf32>
          %add3A_493 = arith.addf %get3A_488, %get3A_492 : vector<16xf32>
          %get3A_494 = arith.constant 16 : index
          %get3A_495 = tpu.vector_load %arg9[%get3A_494] {strides = array<i32>} : memref<32xf32, #tpu.memory_space<vmem>>, vector<16xf32>,
          %get3A_496 = vector.shape_cast %get3A_495 : vector<16xf32> to vector<16xf32>
          %mul3A_497 = arith.mulf %gather3A_457, %get3A_496 : vector<16xf32>
          %add3A_498 = arith.addf %add3A_493, %mul3A_497 : vector<16xf32>
          %mul3A_499 = arith.constant 0.00999999977 : f32
          %mul3A_500 = vector.broadcast %mul3A_499 : f32 to vector<16xf32>
          %mul3A_501 = arith.mulf %mul3A_500, %add3A_498 : vector<16xf32>
          %max3A_502 = arith.maximumf %add3A_498, %mul3A_501 : vector<16xf32>
          %swap3A_503 = arith.index_cast %add3A_461 : i32 to index
          %swap3A_504 = arith.constant 16 : index
          %swap3A_505 = tpu.vector_load %arg21[%swap3A_503, %swap3A_504] {strides = array<i32>} : memref<128x32xf32, #tpu.memory_space<vmem>>, vector<1x16xf32>,
          %swap3A_506 = vector.shape_cast %swap3A_505 : vector<1x16xf32> to vector<16xf32>
          %swap3A_507 = vector.shape_cast %max3A_502 : vector<16xf32> to vector<1x16xf32>
          tpu.vector_store %arg21[%swap3A_503, %swap3A_504], %swap3A_507 {strides = array<i32>} : memref<128x32xf32, #tpu.memory_space<vmem>>, vector<1x16xf32>,
          %broadcast_in_dim3A_508 = arith.constant 5 : i32
          %broadcast_in_dim3A_509 = vector.broadcast %broadcast_in_dim3A_508 : i32 to vector<16x1xi32>
          %gather3A_510 = vector.shape_cast %broadcast_in_dim3A_509 : vector<16x1xi32> to vector<16xi32>
          %gather3A_511 = tpu.dynamic_gather %get3A_240[%gather3A_510] in [0] : vector<16xf32>, vector<16xi32> -> vector<16xf32>
          %mul3A_512 = arith.constant 16 : i32
          %mul3A_513 = arith.muli %scan3A_235, %mul3A_512 : i32
          %add3A_514 = arith.constant 5 : i32
          %add3A_515 = arith.addi %mul3A_513, %add3A_514 : i32
          %get3A_516 = arith.index_cast %add3A_515 : i32 to index
          %get3A_517 = arith.constant 0 : index
          %get3A_518 = tpu.vector_load %arg17[%get3A_516, %get3A_517] {strides = array<i32>} : memref<128x32xf32, #tpu.memory_space<vmem>>, vector<1x16xf32>,
          %get3A_519 = vector.shape_cast %get3A_518 : vector<1x16xf32> to vector<16xf32>
          %get3A_520 = arith.index_cast %add3A_515 : i32 to index
          %get3A_521 = arith.constant 0 : index
          %get3A_522 = tpu.vector_load %arg19[%get3A_520, %get3A_521] {strides = array<i32>} : memref<128x32xf32, #tpu.memory_space<vmem>>, vector<1x16xf32>,
          %get3A_523 = vector.shape_cast %get3A_522 : vector<1x16xf32> to vector<16xf32>
          %add3A_524 = arith.addf %get3A_519, %get3A_523 : vector<16xf32>
          %get3A_525 = arith.constant 0 : index
          %get3A_526 = tpu.vector_load %arg9[%get3A_525] {strides = array<i32>} : memref<32xf32, #tpu.memory_space<vmem>>, vector<16xf32>,
          %get3A_527 = vector.shape_cast %get3A_526 : vector<16xf32> to vector<16xf32>
          %mul3A_528 = arith.mulf %gather3A_511, %get3A_527 : vector<16xf32>
          %add3A_529 = arith.addf %add3A_524, %mul3A_528 : vector<16xf32>
          %mul3A_530 = arith.constant 0.00999999977 : f32
          %mul3A_531 = vector.broadcast %mul3A_530 : f32 to vector<16xf32>
          %mul3A_532 = arith.mulf %mul3A_531, %add3A_529 : vector<16xf32>
          %max3A_533 = arith.maximumf %add3A_529, %mul3A_532 : vector<16xf32>
          %swap3A_534 = arith.index_cast %add3A_515 : i32 to index
          %swap3A_535 = arith.constant 0 : index
          %swap3A_536 = tpu.vector_load %arg21[%swap3A_534, %swap3A_535] {strides = array<i32>} : memref<128x32xf32, #tpu.memory_space<vmem>>, vector<1x16xf32>,
          %swap3A_537 = vector.shape_cast %swap3A_536 : vector<1x16xf32> to vector<16xf32>
          %swap3A_538 = vector.shape_cast %max3A_533 : vector<16xf32> to vector<1x16xf32>
          tpu.vector_store %arg21[%swap3A_534, %swap3A_535], %swap3A_538 {strides = array<i32>} : memref<128x32xf32, #tpu.memory_space<vmem>>, vector<1x16xf32>,
          %get3A_539 = arith.index_cast %add3A_515 : i32 to index
          %get3A_540 = arith.constant 16 : index
          %get3A_541 = tpu.vector_load %arg17[%get3A_539, %get3A_540] {strides = array<i32>} : memref<128x32xf32, #tpu.memory_space<vmem>>, vector<1x16xf32>,
          %get3A_542 = vector.shape_cast %get3A_541 : vector<1x16xf32> to vector<16xf32>
          %get3A_543 = arith.index_cast %add3A_515 : i32 to index
          %get3A_544 = arith.constant 16 : index
          %get3A_545 = tpu.vector_load %arg19[%get3A_543, %get3A_544] {strides = array<i32>} : memref<128x32xf32, #tpu.memory_space<vmem>>, vector<1x16xf32>,
          %get3A_546 = vector.shape_cast %get3A_545 : vector<1x16xf32> to vector<16xf32>
          %add3A_547 = arith.addf %get3A_542, %get3A_546 : vector<16xf32>
          %get3A_548 = arith.constant 16 : index
          %get3A_549 = tpu.vector_load %arg9[%get3A_548] {strides = array<i32>} : memref<32xf32, #tpu.memory_space<vmem>>, vector<16xf32>,
          %get3A_550 = vector.shape_cast %get3A_549 : vector<16xf32> to vector<16xf32>
          %mul3A_551 = arith.mulf %gather3A_511, %get3A_550 : vector<16xf32>
          %add3A_552 = arith.addf %add3A_547, %mul3A_551 : vector<16xf32>
          %mul3A_553 = arith.constant 0.00999999977 : f32
          %mul3A_554 = vector.broadcast %mul3A_553 : f32 to vector<16xf32>
          %mul3A_555 = arith.mulf %mul3A_554, %add3A_552 : vector<16xf32>
          %max3A_556 = arith.maximumf %add3A_552, %mul3A_555 : vector<16xf32>
          %swap3A_557 = arith.index_cast %add3A_515 : i32 to index
          %swap3A_558 = arith.constant 16 : index
          %swap3A_559 = tpu.vector_load %arg21[%swap3A_557, %swap3A_558] {strides = array<i32>} : memref<128x32xf32, #tpu.memory_space<vmem>>, vector<1x16xf32>,
          %swap3A_560 = vector.shape_cast %swap3A_559 : vector<1x16xf32> to vector<16xf32>
          %swap3A_561 = vector.shape_cast %max3A_556 : vector<16xf32> to vector<1x16xf32>
          tpu.vector_store %arg21[%swap3A_557, %swap3A_558], %swap3A_561 {strides = array<i32>} : memref<128x32xf32, #tpu.memory_space<vmem>>, vector<1x16xf32>,
          %broadcast_in_dim3A_562 = arith.constant 6 : i32
          %broadcast_in_dim3A_563 = vector.broadcast %broadcast_in_dim3A_562 : i32 to vector<16x1xi32>
          %gather3A_564 = vector.shape_cast %broadcast_in_dim3A_563 : vector<16x1xi32> to vector<16xi32>
          %gather3A_565 = tpu.dynamic_gather %get3A_240[%gather3A_564] in [0] : vector<16xf32>, vector<16xi32> -> vector<16xf32>
          %mul3A_566 = arith.constant 16 : i32
          %mul3A_567 = arith.muli %scan3A_235, %mul3A_566 : i32
          %add3A_568 = arith.constant 6 : i32
          %add3A_569 = arith.addi %mul3A_567, %add3A_568 : i32
          %get3A_570 = arith.index_cast %add3A_569 : i32 to index
          %get3A_571 = arith.constant 0 : index
          %get3A_572 = tpu.vector_load %arg17[%get3A_570, %get3A_571] {strides = array<i32>} : memref<128x32xf32, #tpu.memory_space<vmem>>, vector<1x16xf32>,
          %get3A_573 = vector.shape_cast %get3A_572 : vector<1x16xf32> to vector<16xf32>
          %get3A_574 = arith.index_cast %add3A_569 : i32 to index
          %get3A_575 = arith.constant 0 : index
          %get3A_576 = tpu.vector_load %arg19[%get3A_574, %get3A_575] {strides = array<i32>} : memref<128x32xf32, #tpu.memory_space<vmem>>, vector<1x16xf32>,
          %get3A_577 = vector.shape_cast %get3A_576 : vector<1x16xf32> to vector<16xf32>
          %add3A_578 = arith.addf %get3A_573, %get3A_577 : vector<16xf32>
          %get3A_579 = arith.constant 0 : index
          %get3A_580 = tpu.vector_load %arg9[%get3A_579] {strides = array<i32>} : memref<32xf32, #tpu.memory_space<vmem>>, vector<16xf32>,
          %get3A_581 = vector.shape_cast %get3A_580 : vector<16xf32> to vector<16xf32>
          %mul3A_582 = arith.mulf %gather3A_565, %get3A_581 : vector<16xf32>
          %add3A_583 = arith.addf %add3A_578, %mul3A_582 : vector<16xf32>
          %mul3A_584 = arith.constant 0.00999999977 : f32
          %mul3A_585 = vector.broadcast %mul3A_584 : f32 to vector<16xf32>
          %mul3A_586 = arith.mulf %mul3A_585, %add3A_583 : vector<16xf32>
          %max3A_587 = arith.maximumf %add3A_583, %mul3A_586 : vector<16xf32>
          %swap3A_588 = arith.index_cast %add3A_569 : i32 to index
          %swap3A_589 = arith.constant 0 : index
          %swap3A_590 = tpu.vector_load %arg21[%swap3A_588, %swap3A_589] {strides = array<i32>} : memref<128x32xf32, #tpu.memory_space<vmem>>, vector<1x16xf32>,
          %swap3A_591 = vector.shape_cast %swap3A_590 : vector<1x16xf32> to vector<16xf32>
          %swap3A_592 = vector.shape_cast %max3A_587 : vector<16xf32> to vector<1x16xf32>
          tpu.vector_store %arg21[%swap3A_588, %swap3A_589], %swap3A_592 {strides = array<i32>} : memref<128x32xf32, #tpu.memory_space<vmem>>, vector<1x16xf32>,
          %get3A_593 = arith.index_cast %add3A_569 : i32 to index
          %get3A_594 = arith.constant 16 : index
          %get3A_595 = tpu.vector_load %arg17[%get3A_593, %get3A_594] {strides = array<i32>} : memref<128x32xf32, #tpu.memory_space<vmem>>, vector<1x16xf32>,
          %get3A_596 = vector.shape_cast %get3A_595 : vector<1x16xf32> to vector<16xf32>
          %get3A_597 = arith.index_cast %add3A_569 : i32 to index
          %get3A_598 = arith.constant 16 : index
          %get3A_599 = tpu.vector_load %arg19[%get3A_597, %get3A_598] {strides = array<i32>} : memref<128x32xf32, #tpu.memory_space<vmem>>, vector<1x16xf32>,
          %get3A_600 = vector.shape_cast %get3A_599 : vector<1x16xf32> to vector<16xf32>
          %add3A_601 = arith.addf %get3A_596, %get3A_600 : vector<16xf32>
          %get3A_602 = arith.constant 16 : index
          %get3A_603 = tpu.vector_load %arg9[%get3A_602] {strides = array<i32>} : memref<32xf32, #tpu.memory_space<vmem>>, vector<16xf32>,
          %get3A_604 = vector.shape_cast %get3A_603 : vector<16xf32> to vector<16xf32>
          %mul3A_605 = arith.mulf %gather3A_565, %get3A_604 : vector<16xf32>
          %add3A_606 = arith.addf %add3A_601, %mul3A_605 : vector<16xf32>
          %mul3A_607 = arith.constant 0.00999999977 : f32
          %mul3A_608 = vector.broadcast %mul3A_607 : f32 to vector<16xf32>
          %mul3A_609 = arith.mulf %mul3A_608, %add3A_606 : vector<16xf32>
          %max3A_610 = arith.maximumf %add3A_606, %mul3A_609 : vector<16xf32>
          %swap3A_611 = arith.index_cast %add3A_569 : i32 to index
          %swap3A_612 = arith.constant 16 : index
          %swap3A_613 = tpu.vector_load %arg21[%swap3A_611, %swap3A_612] {strides = array<i32>} : memref<128x32xf32, #tpu.memory_space<vmem>>, vector<1x16xf32>,
          %swap3A_614 = vector.shape_cast %swap3A_613 : vector<1x16xf32> to vector<16xf32>
          %swap3A_615 = vector.shape_cast %max3A_610 : vector<16xf32> to vector<1x16xf32>
          tpu.vector_store %arg21[%swap3A_611, %swap3A_612], %swap3A_615 {strides = array<i32>} : memref<128x32xf32, #tpu.memory_space<vmem>>, vector<1x16xf32>,
          %broadcast_in_dim3A_616 = arith.constant 7 : i32
          %broadcast_in_dim3A_617 = vector.broadcast %broadcast_in_dim3A_616 : i32 to vector<16x1xi32>
          %gather3A_618 = vector.shape_cast %broadcast_in_dim3A_617 : vector<16x1xi32> to vector<16xi32>
          %gather3A_619 = tpu.dynamic_gather %get3A_240[%gather3A_618] in [0] : vector<16xf32>, vector<16xi32> -> vector<16xf32>
          %mul3A_620 = arith.constant 16 : i32
          %mul3A_621 = arith.muli %scan3A_235, %mul3A_620 : i32
          %add3A_622 = arith.constant 7 : i32
          %add3A_623 = arith.addi %mul3A_621, %add3A_622 : i32
          %get3A_624 = arith.index_cast %add3A_623 : i32 to index
          %get3A_625 = arith.constant 0 : index
          %get3A_626 = tpu.vector_load %arg17[%get3A_624, %get3A_625] {strides = array<i32>} : memref<128x32xf32, #tpu.memory_space<vmem>>, vector<1x16xf32>,
          %get3A_627 = vector.shape_cast %get3A_626 : vector<1x16xf32> to vector<16xf32>
          %get3A_628 = arith.index_cast %add3A_623 : i32 to index
          %get3A_629 = arith.constant 0 : index
          %get3A_630 = tpu.vector_load %arg19[%get3A_628, %get3A_629] {strides = array<i32>} : memref<128x32xf32, #tpu.memory_space<vmem>>, vector<1x16xf32>,
          %get3A_631 = vector.shape_cast %get3A_630 : vector<1x16xf32> to vector<16xf32>
          %add3A_632 = arith.addf %get3A_627, %get3A_631 : vector<16xf32>
          %get3A_633 = arith.constant 0 : index
          %get3A_634 = tpu.vector_load %arg9[%get3A_633] {strides = array<i32>} : memref<32xf32, #tpu.memory_space<vmem>>, vector<16xf32>,
          %get3A_635 = vector.shape_cast %get3A_634 : vector<16xf32> to vector<16xf32>
          %mul3A_636 = arith.mulf %gather3A_619, %get3A_635 : vector<16xf32>
          %add3A_637 = arith.addf %add3A_632, %mul3A_636 : vector<16xf32>
          %mul3A_638 = arith.constant 0.00999999977 : f32
          %mul3A_639 = vector.broadcast %mul3A_638 : f32 to vector<16xf32>
          %mul3A_640 = arith.mulf %mul3A_639, %add3A_637 : vector<16xf32>
          %max3A_641 = arith.maximumf %add3A_637, %mul3A_640 : vector<16xf32>
          %swap3A_642 = arith.index_cast %add3A_623 : i32 to index
          %swap3A_643 = arith.constant 0 : index
          %swap3A_644 = tpu.vector_load %arg21[%swap3A_642, %swap3A_643] {strides = array<i32>} : memref<128x32xf32, #tpu.memory_space<vmem>>, vector<1x16xf32>,
          %swap3A_645 = vector.shape_cast %swap3A_644 : vector<1x16xf32> to vector<16xf32>
          %swap3A_646 = vector.shape_cast %max3A_641 : vector<16xf32> to vector<1x16xf32>
          tpu.vector_store %arg21[%swap3A_642, %swap3A_643], %swap3A_646 {strides = array<i32>} : memref<128x32xf32, #tpu.memory_space<vmem>>, vector<1x16xf32>,
          %get3A_647 = arith.index_cast %add3A_623 : i32 to index
          %get3A_648 = arith.constant 16 : index
          %get3A_649 = tpu.vector_load %arg17[%get3A_647, %get3A_648] {strides = array<i32>} : memref<128x32xf32, #tpu.memory_space<vmem>>, vector<1x16xf32>,
          %get3A_650 = vector.shape_cast %get3A_649 : vector<1x16xf32> to vector<16xf32>
          %get3A_651 = arith.index_cast %add3A_623 : i32 to index
          %get3A_652 = arith.constant 16 : index
          %get3A_653 = tpu.vector_load %arg19[%get3A_651, %get3A_652] {strides = array<i32>} : memref<128x32xf32, #tpu.memory_space<vmem>>, vector<1x16xf32>,
          %get3A_654 = vector.shape_cast %get3A_653 : vector<1x16xf32> to vector<16xf32>
          %add3A_655 = arith.addf %get3A_650, %get3A_654 : vector<16xf32>
          %get3A_656 = arith.constant 16 : index
          %get3A_657 = tpu.vector_load %arg9[%get3A_656] {strides = array<i32>} : memref<32xf32, #tpu.memory_space<vmem>>, vector<16xf32>,
          %get3A_658 = vector.shape_cast %get3A_657 : vector<16xf32> to vector<16xf32>
          %mul3A_659 = arith.mulf %gather3A_619, %get3A_658 : vector<16xf32>
          %add3A_660 = arith.addf %add3A_655, %mul3A_659 : vector<16xf32>
          %mul3A_661 = arith.constant 0.00999999977 : f32
          %mul3A_662 = vector.broadcast %mul3A_661 : f32 to vector<16xf32>
          %mul3A_663 = arith.mulf %mul3A_662, %add3A_660 : vector<16xf32>
          %max3A_664 = arith.maximumf %add3A_660, %mul3A_663 : vector<16xf32>
          %swap3A_665 = arith.index_cast %add3A_623 : i32 to index
          %swap3A_666 = arith.constant 16 : index
          %swap3A_667 = tpu.vector_load %arg21[%swap3A_665, %swap3A_666] {strides = array<i32>} : memref<128x32xf32, #tpu.memory_space<vmem>>, vector<1x16xf32>,
          %swap3A_668 = vector.shape_cast %swap3A_667 : vector<1x16xf32> to vector<16xf32>
          %swap3A_669 = vector.shape_cast %max3A_664 : vector<16xf32> to vector<1x16xf32>
          tpu.vector_store %arg21[%swap3A_665, %swap3A_666], %swap3A_669 {strides = array<i32>} : memref<128x32xf32, #tpu.memory_space<vmem>>, vector<1x16xf32>,
          %broadcast_in_dim3A_670 = arith.constant 8 : i32
          %broadcast_in_dim3A_671 = vector.broadcast %broadcast_in_dim3A_670 : i32 to vector<16x1xi32>
          %gather3A_672 = vector.shape_cast %broadcast_in_dim3A_671 : vector<16x1xi32> to vector<16xi32>
          %gather3A_673 = tpu.dynamic_gather %get3A_240[%gather3A_672] in [0] : vector<16xf32>, vector<16xi32> -> vector<16xf32>
          %mul3A_674 = arith.constant 16 : i32
          %mul3A_675 = arith.muli %scan3A_235, %mul3A_674 : i32
          %add3A_676 = arith.constant 8 : i32
          %add3A_677 = arith.addi %mul3A_675, %add3A_676 : i32
          %get3A_678 = arith.index_cast %add3A_677 : i32 to index
          %get3A_679 = arith.constant 0 : index
          %get3A_680 = tpu.vector_load %arg17[%get3A_678, %get3A_679] {strides = array<i32>} : memref<128x32xf32, #tpu.memory_space<vmem>>, vector<1x16xf32>,
          %get3A_681 = vector.shape_cast %get3A_680 : vector<1x16xf32> to vector<16xf32>
          %get3A_682 = arith.index_cast %add3A_677 : i32 to index
          %get3A_683 = arith.constant 0 : index
          %get3A_684 = tpu.vector_load %arg19[%get3A_682, %get3A_683] {strides = array<i32>} : memref<128x32xf32, #tpu.memory_space<vmem>>, vector<1x16xf32>,
          %get3A_685 = vector.shape_cast %get3A_684 : vector<1x16xf32> to vector<16xf32>
          %add3A_686 = arith.addf %get3A_681, %get3A_685 : vector<16xf32>
          %get3A_687 = arith.constant 0 : index
          %get3A_688 = tpu.vector_load %arg9[%get3A_687] {strides = array<i32>} : memref<32xf32, #tpu.memory_space<vmem>>, vector<16xf32>,
          %get3A_689 = vector.shape_cast %get3A_688 : vector<16xf32> to vector<16xf32>
          %mul3A_690 = arith.mulf %gather3A_673, %get3A_689 : vector<16xf32>
          %add3A_691 = arith.addf %add3A_686, %mul3A_690 : vector<16xf32>
          %mul3A_692 = arith.constant 0.00999999977 : f32
          %mul3A_693 = vector.broadcast %mul3A_692 : f32 to vector<16xf32>
          %mul3A_694 = arith.mulf %mul3A_693, %add3A_691 : vector<16xf32>
          %max3A_695 = arith.maximumf %add3A_691, %mul3A_694 : vector<16xf32>
          %swap3A_696 = arith.index_cast %add3A_677 : i32 to index
          %swap3A_697 = arith.constant 0 : index
          %swap3A_698 = tpu.vector_load %arg21[%swap3A_696, %swap3A_697] {strides = array<i32>} : memref<128x32xf32, #tpu.memory_space<vmem>>, vector<1x16xf32>,
          %swap3A_699 = vector.shape_cast %swap3A_698 : vector<1x16xf32> to vector<16xf32>
          %swap3A_700 = vector.shape_cast %max3A_695 : vector<16xf32> to vector<1x16xf32>
          tpu.vector_store %arg21[%swap3A_696, %swap3A_697], %swap3A_700 {strides = array<i32>} : memref<128x32xf32, #tpu.memory_space<vmem>>, vector<1x16xf32>,
          %get3A_701 = arith.index_cast %add3A_677 : i32 to index
          %get3A_702 = arith.constant 16 : index
          %get3A_703 = tpu.vector_load %arg17[%get3A_701, %get3A_702] {strides = array<i32>} : memref<128x32xf32, #tpu.memory_space<vmem>>, vector<1x16xf32>,
          %get3A_704 = vector.shape_cast %get3A_703 : vector<1x16xf32> to vector<16xf32>
          %get3A_705 = arith.index_cast %add3A_677 : i32 to index
          %get3A_706 = arith.constant 16 : index
          %get3A_707 = tpu.vector_load %arg19[%get3A_705, %get3A_706] {strides = array<i32>} : memref<128x32xf32, #tpu.memory_space<vmem>>, vector<1x16xf32>,
          %get3A_708 = vector.shape_cast %get3A_707 : vector<1x16xf32> to vector<16xf32>
          %add3A_709 = arith.addf %get3A_704, %get3A_708 : vector<16xf32>
          %get3A_710 = arith.constant 16 : index
          %get3A_711 = tpu.vector_load %arg9[%get3A_710] {strides = array<i32>} : memref<32xf32, #tpu.memory_space<vmem>>, vector<16xf32>,
          %get3A_712 = vector.shape_cast %get3A_711 : vector<16xf32> to vector<16xf32>
          %mul3A_713 = arith.mulf %gather3A_673, %get3A_712 : vector<16xf32>
          %add3A_714 = arith.addf %add3A_709, %mul3A_713 : vector<16xf32>
          %mul3A_715 = arith.constant 0.00999999977 : f32
          %mul3A_716 = vector.broadcast %mul3A_715 : f32 to vector<16xf32>
          %mul3A_717 = arith.mulf %mul3A_716, %add3A_714 : vector<16xf32>
          %max3A_718 = arith.maximumf %add3A_714, %mul3A_717 : vector<16xf32>
          %swap3A_719 = arith.index_cast %add3A_677 : i32 to index
          %swap3A_720 = arith.constant 16 : index
          %swap3A_721 = tpu.vector_load %arg21[%swap3A_719, %swap3A_720] {strides = array<i32>} : memref<128x32xf32, #tpu.memory_space<vmem>>, vector<1x16xf32>,
          %swap3A_722 = vector.shape_cast %swap3A_721 : vector<1x16xf32> to vector<16xf32>
          %swap3A_723 = vector.shape_cast %max3A_718 : vector<16xf32> to vector<1x16xf32>
          tpu.vector_store %arg21[%swap3A_719, %swap3A_720], %swap3A_723 {strides = array<i32>} : memref<128x32xf32, #tpu.memory_space<vmem>>, vector<1x16xf32>,
          %broadcast_in_dim3A_724 = arith.constant 9 : i32
          %broadcast_in_dim3A_725 = vector.broadcast %broadcast_in_dim3A_724 : i32 to vector<16x1xi32>
          %gather3A_726 = vector.shape_cast %broadcast_in_dim3A_725 : vector<16x1xi32> to vector<16xi32>
          %gather3A_727 = tpu.dynamic_gather %get3A_240[%gather3A_726] in [0] : vector<16xf32>, vector<16xi32> -> vector<16xf32>
          %mul3A_728 = arith.constant 16 : i32
          %mul3A_729 = arith.muli %scan3A_235, %mul3A_728 : i32
          %add3A_730 = arith.constant 9 : i32
          %add3A_731 = arith.addi %mul3A_729, %add3A_730 : i32
          %get3A_732 = arith.index_cast %add3A_731 : i32 to index
          %get3A_733 = arith.constant 0 : index
          %get3A_734 = tpu.vector_load %arg17[%get3A_732, %get3A_733] {strides = array<i32>} : memref<128x32xf32, #tpu.memory_space<vmem>>, vector<1x16xf32>,
          %get3A_735 = vector.shape_cast %get3A_734 : vector<1x16xf32> to vector<16xf32>
          %get3A_736 = arith.index_cast %add3A_731 : i32 to index
          %get3A_737 = arith.constant 0 : index
          %get3A_738 = tpu.vector_load %arg19[%get3A_736, %get3A_737] {strides = array<i32>} : memref<128x32xf32, #tpu.memory_space<vmem>>, vector<1x16xf32>,
          %get3A_739 = vector.shape_cast %get3A_738 : vector<1x16xf32> to vector<16xf32>
          %add3A_740 = arith.addf %get3A_735, %get3A_739 : vector<16xf32>
          %get3A_741 = arith.constant 0 : index
          %get3A_742 = tpu.vector_load %arg9[%get3A_741] {strides = array<i32>} : memref<32xf32, #tpu.memory_space<vmem>>, vector<16xf32>,
          %get3A_743 = vector.shape_cast %get3A_742 : vector<16xf32> to vector<16xf32>
          %mul3A_744 = arith.mulf %gather3A_727, %get3A_743 : vector<16xf32>
          %add3A_745 = arith.addf %add3A_740, %mul3A_744 : vector<16xf32>
          %mul3A_746 = arith.constant 0.00999999977 : f32
          %mul3A_747 = vector.broadcast %mul3A_746 : f32 to vector<16xf32>
          %mul3A_748 = arith.mulf %mul3A_747, %add3A_745 : vector<16xf32>
          %max3A_749 = arith.maximumf %add3A_745, %mul3A_748 : vector<16xf32>
          %swap3A_750 = arith.index_cast %add3A_731 : i32 to index
          %swap3A_751 = arith.constant 0 : index
          %swap3A_752 = tpu.vector_load %arg21[%swap3A_750, %swap3A_751] {strides = array<i32>} : memref<128x32xf32, #tpu.memory_space<vmem>>, vector<1x16xf32>,
          %swap3A_753 = vector.shape_cast %swap3A_752 : vector<1x16xf32> to vector<16xf32>
          %swap3A_754 = vector.shape_cast %max3A_749 : vector<16xf32> to vector<1x16xf32>
          tpu.vector_store %arg21[%swap3A_750, %swap3A_751], %swap3A_754 {strides = array<i32>} : memref<128x32xf32, #tpu.memory_space<vmem>>, vector<1x16xf32>,
          %get3A_755 = arith.index_cast %add3A_731 : i32 to index
          %get3A_756 = arith.constant 16 : index
          %get3A_757 = tpu.vector_load %arg17[%get3A_755, %get3A_756] {strides = array<i32>} : memref<128x32xf32, #tpu.memory_space<vmem>>, vector<1x16xf32>,
          %get3A_758 = vector.shape_cast %get3A_757 : vector<1x16xf32> to vector<16xf32>
          %get3A_759 = arith.index_cast %add3A_731 : i32 to index
          %get3A_760 = arith.constant 16 : index
          %get3A_761 = tpu.vector_load %arg19[%get3A_759, %get3A_760] {strides = array<i32>} : memref<128x32xf32, #tpu.memory_space<vmem>>, vector<1x16xf32>,
          %get3A_762 = vector.shape_cast %get3A_761 : vector<1x16xf32> to vector<16xf32>
          %add3A_763 = arith.addf %get3A_758, %get3A_762 : vector<16xf32>
          %get3A_764 = arith.constant 16 : index
          %get3A_765 = tpu.vector_load %arg9[%get3A_764] {strides = array<i32>} : memref<32xf32, #tpu.memory_space<vmem>>, vector<16xf32>,
          %get3A_766 = vector.shape_cast %get3A_765 : vector<16xf32> to vector<16xf32>
          %mul3A_767 = arith.mulf %gather3A_727, %get3A_766 : vector<16xf32>
          %add3A_768 = arith.addf %add3A_763, %mul3A_767 : vector<16xf32>
          %mul3A_769 = arith.constant 0.00999999977 : f32
          %mul3A_770 = vector.broadcast %mul3A_769 : f32 to vector<16xf32>
          %mul3A_771 = arith.mulf %mul3A_770, %add3A_768 : vector<16xf32>
          %max3A_772 = arith.maximumf %add3A_768, %mul3A_771 : vector<16xf32>
          %swap3A_773 = arith.index_cast %add3A_731 : i32 to index
          %swap3A_774 = arith.constant 16 : index
          %swap3A_775 = tpu.vector_load %arg21[%swap3A_773, %swap3A_774] {strides = array<i32>} : memref<128x32xf32, #tpu.memory_space<vmem>>, vector<1x16xf32>,
          %swap3A_776 = vector.shape_cast %swap3A_775 : vector<1x16xf32> to vector<16xf32>
          %swap3A_777 = vector.shape_cast %max3A_772 : vector<16xf32> to vector<1x16xf32>
          tpu.vector_store %arg21[%swap3A_773, %swap3A_774], %swap3A_777 {strides = array<i32>} : memref<128x32xf32, #tpu.memory_space<vmem>>, vector<1x16xf32>,
          %broadcast_in_dim3A_778 = arith.constant 10 : i32
          %broadcast_in_dim3A_779 = vector.broadcast %broadcast_in_dim3A_778 : i32 to vector<16x1xi32>
          %gather3A_780 = vector.shape_cast %broadcast_in_dim3A_779 : vector<16x1xi32> to vector<16xi32>
          %gather3A_781 = tpu.dynamic_gather %get3A_240[%gather3A_780] in [0] : vector<16xf32>, vector<16xi32> -> vector<16xf32>
          %mul3A_782 = arith.constant 16 : i32
          %mul3A_783 = arith.muli %scan3A_235, %mul3A_782 : i32
          %add3A_784 = arith.constant 10 : i32
          %add3A_785 = arith.addi %mul3A_783, %add3A_784 : i32
          %get3A_786 = arith.index_cast %add3A_785 : i32 to index
          %get3A_787 = arith.constant 0 : index
          %get3A_788 = tpu.vector_load %arg17[%get3A_786, %get3A_787] {strides = array<i32>} : memref<128x32xf32, #tpu.memory_space<vmem>>, vector<1x16xf32>,
          %get3A_789 = vector.shape_cast %get3A_788 : vector<1x16xf32> to vector<16xf32>
          %get3A_790 = arith.index_cast %add3A_785 : i32 to index
          %get3A_791 = arith.constant 0 : index
          %get3A_792 = tpu.vector_load %arg19[%get3A_790, %get3A_791] {strides = array<i32>} : memref<128x32xf32, #tpu.memory_space<vmem>>, vector<1x16xf32>,
          %get3A_793 = vector.shape_cast %get3A_792 : vector<1x16xf32> to vector<16xf32>
          %add3A_794 = arith.addf %get3A_789, %get3A_793 : vector<16xf32>
          %get3A_795 = arith.constant 0 : index
          %get3A_796 = tpu.vector_load %arg9[%get3A_795] {strides = array<i32>} : memref<32xf32, #tpu.memory_space<vmem>>, vector<16xf32>,
          %get3A_797 = vector.shape_cast %get3A_796 : vector<16xf32> to vector<16xf32>
          %mul3A_798 = arith.mulf %gather3A_781, %get3A_797 : vector<16xf32>
          %add3A_799 = arith.addf %add3A_794, %mul3A_798 : vector<16xf32>
          %mul3A_800 = arith.constant 0.00999999977 : f32
          %mul3A_801 = vector.broadcast %mul3A_800 : f32 to vector<16xf32>
          %mul3A_802 = arith.mulf %mul3A_801, %add3A_799 : vector<16xf32>
          %max3A_803 = arith.maximumf %add3A_799, %mul3A_802 : vector<16xf32>
          %swap3A_804 = arith.index_cast %add3A_785 : i32 to index
          %swap3A_805 = arith.constant 0 : index
          %swap3A_806 = tpu.vector_load %arg21[%swap3A_804, %swap3A_805] {strides = array<i32>} : memref<128x32xf32, #tpu.memory_space<vmem>>, vector<1x16xf32>,
          %swap3A_807 = vector.shape_cast %swap3A_806 : vector<1x16xf32> to vector<16xf32>
          %swap3A_808 = vector.shape_cast %max3A_803 : vector<16xf32> to vector<1x16xf32>
          tpu.vector_store %arg21[%swap3A_804, %swap3A_805], %swap3A_808 {strides = array<i32>} : memref<128x32xf32, #tpu.memory_space<vmem>>, vector<1x16xf32>,
          %get3A_809 = arith.index_cast %add3A_785 : i32 to index
          %get3A_810 = arith.constant 16 : index
          %get3A_811 = tpu.vector_load %arg17[%get3A_809, %get3A_810] {strides = array<i32>} : memref<128x32xf32, #tpu.memory_space<vmem>>, vector<1x16xf32>,
          %get3A_812 = vector.shape_cast %get3A_811 : vector<1x16xf32> to vector<16xf32>
          %get3A_813 = arith.index_cast %add3A_785 : i32 to index
          %get3A_814 = arith.constant 16 : index
          %get3A_815 = tpu.vector_load %arg19[%get3A_813, %get3A_814] {strides = array<i32>} : memref<128x32xf32, #tpu.memory_space<vmem>>, vector<1x16xf32>,
          %get3A_816 = vector.shape_cast %get3A_815 : vector<1x16xf32> to vector<16xf32>
          %add3A_817 = arith.addf %get3A_812, %get3A_816 : vector<16xf32>
          %get3A_818 = arith.constant 16 : index
          %get3A_819 = tpu.vector_load %arg9[%get3A_818] {strides = array<i32>} : memref<32xf32, #tpu.memory_space<vmem>>, vector<16xf32>,
          %get3A_820 = vector.shape_cast %get3A_819 : vector<16xf32> to vector<16xf32>
          %mul3A_821 = arith.mulf %gather3A_781, %get3A_820 : vector<16xf32>
          %add3A_822 = arith.addf %add3A_817, %mul3A_821 : vector<16xf32>
          %mul3A_823 = arith.constant 0.00999999977 : f32
          %mul3A_824 = vector.broadcast %mul3A_823 : f32 to vector<16xf32>
          %mul3A_825 = arith.mulf %mul3A_824, %add3A_822 : vector<16xf32>
          %max3A_826 = arith.maximumf %add3A_822, %mul3A_825 : vector<16xf32>
          %swap3A_827 = arith.index_cast %add3A_785 : i32 to index
          %swap3A_828 = arith.constant 16 : index
          %swap3A_829 = tpu.vector_load %arg21[%swap3A_827, %swap3A_828] {strides = array<i32>} : memref<128x32xf32, #tpu.memory_space<vmem>>, vector<1x16xf32>,
          %swap3A_830 = vector.shape_cast %swap3A_829 : vector<1x16xf32> to vector<16xf32>
          %swap3A_831 = vector.shape_cast %max3A_826 : vector<16xf32> to vector<1x16xf32>
          tpu.vector_store %arg21[%swap3A_827, %swap3A_828], %swap3A_831 {strides = array<i32>} : memref<128x32xf32, #tpu.memory_space<vmem>>, vector<1x16xf32>,
          %broadcast_in_dim3A_832 = arith.constant 11 : i32
          %broadcast_in_dim3A_833 = vector.broadcast %broadcast_in_dim3A_832 : i32 to vector<16x1xi32>
          %gather3A_834 = vector.shape_cast %broadcast_in_dim3A_833 : vector<16x1xi32> to vector<16xi32>
          %gather3A_835 = tpu.dynamic_gather %get3A_240[%gather3A_834] in [0] : vector<16xf32>, vector<16xi32> -> vector<16xf32>
          %mul3A_836 = arith.constant 16 : i32
          %mul3A_837 = arith.muli %scan3A_235, %mul3A_836 : i32
          %add3A_838 = arith.constant 11 : i32
          %add3A_839 = arith.addi %mul3A_837, %add3A_838 : i32
          %get3A_840 = arith.index_cast %add3A_839 : i32 to index
          %get3A_841 = arith.constant 0 : index
          %get3A_842 = tpu.vector_load %arg17[%get3A_840, %get3A_841] {strides = array<i32>} : memref<128x32xf32, #tpu.memory_space<vmem>>, vector<1x16xf32>,
          %get3A_843 = vector.shape_cast %get3A_842 : vector<1x16xf32> to vector<16xf32>
          %get3A_844 = arith.index_cast %add3A_839 : i32 to index
          %get3A_845 = arith.constant 0 : index
          %get3A_846 = tpu.vector_load %arg19[%get3A_844, %get3A_845] {strides = array<i32>} : memref<128x32xf32, #tpu.memory_space<vmem>>, vector<1x16xf32>,
          %get3A_847 = vector.shape_cast %get3A_846 : vector<1x16xf32> to vector<16xf32>
          %add3A_848 = arith.addf %get3A_843, %get3A_847 : vector<16xf32>
          %get3A_849 = arith.constant 0 : index
          %get3A_850 = tpu.vector_load %arg9[%get3A_849] {strides = array<i32>} : memref<32xf32, #tpu.memory_space<vmem>>, vector<16xf32>,
          %get3A_851 = vector.shape_cast %get3A_850 : vector<16xf32> to vector<16xf32>
          %mul3A_852 = arith.mulf %gather3A_835, %get3A_851 : vector<16xf32>
          %add3A_853 = arith.addf %add3A_848, %mul3A_852 : vector<16xf32>
          %mul3A_854 = arith.constant 0.00999999977 : f32
          %mul3A_855 = vector.broadcast %mul3A_854 : f32 to vector<16xf32>
          %mul3A_856 = arith.mulf %mul3A_855, %add3A_853 : vector<16xf32>
          %max3A_857 = arith.maximumf %add3A_853, %mul3A_856 : vector<16xf32>
          %swap3A_858 = arith.index_cast %add3A_839 : i32 to index
          %swap3A_859 = arith.constant 0 : index
          %swap3A_860 = tpu.vector_load %arg21[%swap3A_858, %swap3A_859] {strides = array<i32>} : memref<128x32xf32, #tpu.memory_space<vmem>>, vector<1x16xf32>,
          %swap3A_861 = vector.shape_cast %swap3A_860 : vector<1x16xf32> to vector<16xf32>
          %swap3A_862 = vector.shape_cast %max3A_857 : vector<16xf32> to vector<1x16xf32>
          tpu.vector_store %arg21[%swap3A_858, %swap3A_859], %swap3A_862 {strides = array<i32>} : memref<128x32xf32, #tpu.memory_space<vmem>>, vector<1x16xf32>,
          %get3A_863 = arith.index_cast %add3A_839 : i32 to index
          %get3A_864 = arith.constant 16 : index
          %get3A_865 = tpu.vector_load %arg17[%get3A_863, %get3A_864] {strides = array<i32>} : memref<128x32xf32, #tpu.memory_space<vmem>>, vector<1x16xf32>,
          %get3A_866 = vector.shape_cast %get3A_865 : vector<1x16xf32> to vector<16xf32>
          %get3A_867 = arith.index_cast %add3A_839 : i32 to index
          %get3A_868 = arith.constant 16 : index
          %get3A_869 = tpu.vector_load %arg19[%get3A_867, %get3A_868] {strides = array<i32>} : memref<128x32xf32, #tpu.memory_space<vmem>>, vector<1x16xf32>,
          %get3A_870 = vector.shape_cast %get3A_869 : vector<1x16xf32> to vector<16xf32>
          %add3A_871 = arith.addf %get3A_866, %get3A_870 : vector<16xf32>
          %get3A_872 = arith.constant 16 : index
          %get3A_873 = tpu.vector_load %arg9[%get3A_872] {strides = array<i32>} : memref<32xf32, #tpu.memory_space<vmem>>, vector<16xf32>,
          %get3A_874 = vector.shape_cast %get3A_873 : vector<16xf32> to vector<16xf32>
          %mul3A_875 = arith.mulf %gather3A_835, %get3A_874 : vector<16xf32>
          %add3A_876 = arith.addf %add3A_871, %mul3A_875 : vector<16xf32>
          %mul3A_877 = arith.constant 0.00999999977 : f32
          %mul3A_878 = vector.broadcast %mul3A_877 : f32 to vector<16xf32>
          %mul3A_879 = arith.mulf %mul3A_878, %add3A_876 : vector<16xf32>
          %max3A_880 = arith.maximumf %add3A_876, %mul3A_879 : vector<16xf32>
          %swap3A_881 = arith.index_cast %add3A_839 : i32 to index
          %swap3A_882 = arith.constant 16 : index
          %swap3A_883 = tpu.vector_load %arg21[%swap3A_881, %swap3A_882] {strides = array<i32>} : memref<128x32xf32, #tpu.memory_space<vmem>>, vector<1x16xf32>,
          %swap3A_884 = vector.shape_cast %swap3A_883 : vector<1x16xf32> to vector<16xf32>
          %swap3A_885 = vector.shape_cast %max3A_880 : vector<16xf32> to vector<1x16xf32>
          tpu.vector_store %arg21[%swap3A_881, %swap3A_882], %swap3A_885 {strides = array<i32>} : memref<128x32xf32, #tpu.memory_space<vmem>>, vector<1x16xf32>,
          %broadcast_in_dim3A_886 = arith.constant 12 : i32
          %broadcast_in_dim3A_887 = vector.broadcast %broadcast_in_dim3A_886 : i32 to vector<16x1xi32>
          %gather3A_888 = vector.shape_cast %broadcast_in_dim3A_887 : vector<16x1xi32> to vector<16xi32>
          %gather3A_889 = tpu.dynamic_gather %get3A_240[%gather3A_888] in [0] : vector<16xf32>, vector<16xi32> -> vector<16xf32>
          %mul3A_890 = arith.constant 16 : i32
          %mul3A_891 = arith.muli %scan3A_235, %mul3A_890 : i32
          %add3A_892 = arith.constant 12 : i32
          %add3A_893 = arith.addi %mul3A_891, %add3A_892 : i32
          %get3A_894 = arith.index_cast %add3A_893 : i32 to index
          %get3A_895 = arith.constant 0 : index
          %get3A_896 = tpu.vector_load %arg17[%get3A_894, %get3A_895] {strides = array<i32>} : memref<128x32xf32, #tpu.memory_space<vmem>>, vector<1x16xf32>,
          %get3A_897 = vector.shape_cast %get3A_896 : vector<1x16xf32> to vector<16xf32>
          %get3A_898 = arith.index_cast %add3A_893 : i32 to index
          %get3A_899 = arith.constant 0 : index
          %get3A_900 = tpu.vector_load %arg19[%get3A_898, %get3A_899] {strides = array<i32>} : memref<128x32xf32, #tpu.memory_space<vmem>>, vector<1x16xf32>,
          %get3A_901 = vector.shape_cast %get3A_900 : vector<1x16xf32> to vector<16xf32>
          %add3A_902 = arith.addf %get3A_897, %get3A_901 : vector<16xf32>
          %get3A_903 = arith.constant 0 : index
          %get3A_904 = tpu.vector_load %arg9[%get3A_903] {strides = array<i32>} : memref<32xf32, #tpu.memory_space<vmem>>, vector<16xf32>,
          %get3A_905 = vector.shape_cast %get3A_904 : vector<16xf32> to vector<16xf32>
          %mul3A_906 = arith.mulf %gather3A_889, %get3A_905 : vector<16xf32>
          %add3A_907 = arith.addf %add3A_902, %mul3A_906 : vector<16xf32>
          %mul3A_908 = arith.constant 0.00999999977 : f32
          %mul3A_909 = vector.broadcast %mul3A_908 : f32 to vector<16xf32>
          %mul3A_910 = arith.mulf %mul3A_909, %add3A_907 : vector<16xf32>
          %max3A_911 = arith.maximumf %add3A_907, %mul3A_910 : vector<16xf32>
          %swap3A_912 = arith.index_cast %add3A_893 : i32 to index
          %swap3A_913 = arith.constant 0 : index
          %swap3A_914 = tpu.vector_load %arg21[%swap3A_912, %swap3A_913] {strides = array<i32>} : memref<128x32xf32, #tpu.memory_space<vmem>>, vector<1x16xf32>,
          %swap3A_915 = vector.shape_cast %swap3A_914 : vector<1x16xf32> to vector<16xf32>
          %swap3A_916 = vector.shape_cast %max3A_911 : vector<16xf32> to vector<1x16xf32>
          tpu.vector_store %arg21[%swap3A_912, %swap3A_913], %swap3A_916 {strides = array<i32>} : memref<128x32xf32, #tpu.memory_space<vmem>>, vector<1x16xf32>,
          %get3A_917 = arith.index_cast %add3A_893 : i32 to index
          %get3A_918 = arith.constant 16 : index
          %get3A_919 = tpu.vector_load %arg17[%get3A_917, %get3A_918] {strides = array<i32>} : memref<128x32xf32, #tpu.memory_space<vmem>>, vector<1x16xf32>,
          %get3A_920 = vector.shape_cast %get3A_919 : vector<1x16xf32> to vector<16xf32>
          %get3A_921 = arith.index_cast %add3A_893 : i32 to index
          %get3A_922 = arith.constant 16 : index
          %get3A_923 = tpu.vector_load %arg19[%get3A_921, %get3A_922] {strides = array<i32>} : memref<128x32xf32, #tpu.memory_space<vmem>>, vector<1x16xf32>,
          %get3A_924 = vector.shape_cast %get3A_923 : vector<1x16xf32> to vector<16xf32>
          %add3A_925 = arith.addf %get3A_920, %get3A_924 : vector<16xf32>
          %get3A_926 = arith.constant 16 : index
          %get3A_927 = tpu.vector_load %arg9[%get3A_926] {strides = array<i32>} : memref<32xf32, #tpu.memory_space<vmem>>, vector<16xf32>,
          %get3A_928 = vector.shape_cast %get3A_927 : vector<16xf32> to vector<16xf32>
          %mul3A_929 = arith.mulf %gather3A_889, %get3A_928 : vector<16xf32>
          %add3A_930 = arith.addf %add3A_925, %mul3A_929 : vector<16xf32>
          %mul3A_931 = arith.constant 0.00999999977 : f32
          %mul3A_932 = vector.broadcast %mul3A_931 : f32 to vector<16xf32>
          %mul3A_933 = arith.mulf %mul3A_932, %add3A_930 : vector<16xf32>
          %max3A_934 = arith.maximumf %add3A_930, %mul3A_933 : vector<16xf32>
          %swap3A_935 = arith.index_cast %add3A_893 : i32 to index
          %swap3A_936 = arith.constant 16 : index
          %swap3A_937 = tpu.vector_load %arg21[%swap3A_935, %swap3A_936] {strides = array<i32>} : memref<128x32xf32, #tpu.memory_space<vmem>>, vector<1x16xf32>,
          %swap3A_938 = vector.shape_cast %swap3A_937 : vector<1x16xf32> to vector<16xf32>
          %swap3A_939 = vector.shape_cast %max3A_934 : vector<16xf32> to vector<1x16xf32>
          tpu.vector_store %arg21[%swap3A_935, %swap3A_936], %swap3A_939 {strides = array<i32>} : memref<128x32xf32, #tpu.memory_space<vmem>>, vector<1x16xf32>,
          %broadcast_in_dim3A_940 = arith.constant 13 : i32
          %broadcast_in_dim3A_941 = vector.broadcast %broadcast_in_dim3A_940 : i32 to vector<16x1xi32>
          %gather3A_942 = vector.shape_cast %broadcast_in_dim3A_941 : vector<16x1xi32> to vector<16xi32>
          %gather3A_943 = tpu.dynamic_gather %get3A_240[%gather3A_942] in [0] : vector<16xf32>, vector<16xi32> -> vector<16xf32>
          %mul3A_944 = arith.constant 16 : i32
          %mul3A_945 = arith.muli %scan3A_235, %mul3A_944 : i32
          %add3A_946 = arith.constant 13 : i32
          %add3A_947 = arith.addi %mul3A_945, %add3A_946 : i32
          %get3A_948 = arith.index_cast %add3A_947 : i32 to index
          %get3A_949 = arith.constant 0 : index
          %get3A_950 = tpu.vector_load %arg17[%get3A_948, %get3A_949] {strides = array<i32>} : memref<128x32xf32, #tpu.memory_space<vmem>>, vector<1x16xf32>,
          %get3A_951 = vector.shape_cast %get3A_950 : vector<1x16xf32> to vector<16xf32>
          %get3A_952 = arith.index_cast %add3A_947 : i32 to index
          %get3A_953 = arith.constant 0 : index
          %get3A_954 = tpu.vector_load %arg19[%get3A_952, %get3A_953] {strides = array<i32>} : memref<128x32xf32, #tpu.memory_space<vmem>>, vector<1x16xf32>,
          %get3A_955 = vector.shape_cast %get3A_954 : vector<1x16xf32> to vector<16xf32>
          %add3A_956 = arith.addf %get3A_951, %get3A_955 : vector<16xf32>
          %get3A_957 = arith.constant 0 : index
          %get3A_958 = tpu.vector_load %arg9[%get3A_957] {strides = array<i32>} : memref<32xf32, #tpu.memory_space<vmem>>, vector<16xf32>,
          %get3A_959 = vector.shape_cast %get3A_958 : vector<16xf32> to vector<16xf32>
          %mul3A_960 = arith.mulf %gather3A_943, %get3A_959 : vector<16xf32>
          %add3A_961 = arith.addf %add3A_956, %mul3A_960 : vector<16xf32>
          %mul3A_962 = arith.constant 0.00999999977 : f32
          %mul3A_963 = vector.broadcast %mul3A_962 : f32 to vector<16xf32>
          %mul3A_964 = arith.mulf %mul3A_963, %add3A_961 : vector<16xf32>
          %max3A_965 = arith.maximumf %add3A_961, %mul3A_964 : vector<16xf32>
          %swap3A_966 = arith.index_cast %add3A_947 : i32 to index
          %swap3A_967 = arith.constant 0 : index
          %swap3A_968 = tpu.vector_load %arg21[%swap3A_966, %swap3A_967] {strides = array<i32>} : memref<128x32xf32, #tpu.memory_space<vmem>>, vector<1x16xf32>,
          %swap3A_969 = vector.shape_cast %swap3A_968 : vector<1x16xf32> to vector<16xf32>
          %swap3A_970 = vector.shape_cast %max3A_965 : vector<16xf32> to vector<1x16xf32>
          tpu.vector_store %arg21[%swap3A_966, %swap3A_967], %swap3A_970 {strides = array<i32>} : memref<128x32xf32, #tpu.memory_space<vmem>>, vector<1x16xf32>,
          %get3A_971 = arith.index_cast %add3A_947 : i32 to index
          %get3A_972 = arith.constant 16 : index
          %get3A_973 = tpu.vector_load %arg17[%get3A_971, %get3A_972] {strides = array<i32>} : memref<128x32xf32, #tpu.memory_space<vmem>>, vector<1x16xf32>,
          %get3A_974 = vector.shape_cast %get3A_973 : vector<1x16xf32> to vector<16xf32>
          %get3A_975 = arith.index_cast %add3A_947 : i32 to index
          %get3A_976 = arith.constant 16 : index
          %get3A_977 = tpu.vector_load %arg19[%get3A_975, %get3A_976] {strides = array<i32>} : memref<128x32xf32, #tpu.memory_space<vmem>>, vector<1x16xf32>,
          %get3A_978 = vector.shape_cast %get3A_977 : vector<1x16xf32> to vector<16xf32>
          %add3A_979 = arith.addf %get3A_974, %get3A_978 : vector<16xf32>
          %get3A_980 = arith.constant 16 : index
          %get3A_981 = tpu.vector_load %arg9[%get3A_980] {strides = array<i32>} : memref<32xf32, #tpu.memory_space<vmem>>, vector<16xf32>,
          %get3A_982 = vector.shape_cast %get3A_981 : vector<16xf32> to vector<16xf32>
          %mul3A_983 = arith.mulf %gather3A_943, %get3A_982 : vector<16xf32>
          %add3A_984 = arith.addf %add3A_979, %mul3A_983 : vector<16xf32>
          %mul3A_985 = arith.constant 0.00999999977 : f32
          %mul3A_986 = vector.broadcast %mul3A_985 : f32 to vector<16xf32>
          %mul3A_987 = arith.mulf %mul3A_986, %add3A_984 : vector<16xf32>
          %max3A_988 = arith.maximumf %add3A_984, %mul3A_987 : vector<16xf32>
          %swap3A_989 = arith.index_cast %add3A_947 : i32 to index
          %swap3A_990 = arith.constant 16 : index
          %swap3A_991 = tpu.vector_load %arg21[%swap3A_989, %swap3A_990] {strides = array<i32>} : memref<128x32xf32, #tpu.memory_space<vmem>>, vector<1x16xf32>,
          %swap3A_992 = vector.shape_cast %swap3A_991 : vector<1x16xf32> to vector<16xf32>
          %swap3A_993 = vector.shape_cast %max3A_988 : vector<16xf32> to vector<1x16xf32>
          tpu.vector_store %arg21[%swap3A_989, %swap3A_990], %swap3A_993 {strides = array<i32>} : memref<128x32xf32, #tpu.memory_space<vmem>>, vector<1x16xf32>,
          %broadcast_in_dim3A_994 = arith.constant 14 : i32
          %broadcast_in_dim3A_995 = vector.broadcast %broadcast_in_dim3A_994 : i32 to vector<16x1xi32>
          %gather3A_996 = vector.shape_cast %broadcast_in_dim3A_995 : vector<16x1xi32> to vector<16xi32>
          %gather3A_997 = tpu.dynamic_gather %get3A_240[%gather3A_996] in [0] : vector<16xf32>, vector<16xi32> -> vector<16xf32>
          %mul3A_998 = arith.constant 16 : i32
          %mul3A_999 = arith.muli %scan3A_235, %mul3A_998 : i32
          %add3A_1000 = arith.constant 14 : i32
          %add3A_1001 = arith.addi %mul3A_999, %add3A_1000 : i32
          %get3A_1002 = arith.index_cast %add3A_1001 : i32 to index
          %get3A_1003 = arith.constant 0 : index
          %get3A_1004 = tpu.vector_load %arg17[%get3A_1002, %get3A_1003] {strides = array<i32>} : memref<128x32xf32, #tpu.memory_space<vmem>>, vector<1x16xf32>,
          %get3A_1005 = vector.shape_cast %get3A_1004 : vector<1x16xf32> to vector<16xf32>
          %get3A_1006 = arith.index_cast %add3A_1001 : i32 to index
          %get3A_1007 = arith.constant 0 : index
          %get3A_1008 = tpu.vector_load %arg19[%get3A_1006, %get3A_1007] {strides = array<i32>} : memref<128x32xf32, #tpu.memory_space<vmem>>, vector<1x16xf32>,
          %get3A_1009 = vector.shape_cast %get3A_1008 : vector<1x16xf32> to vector<16xf32>
          %add3A_1010 = arith.addf %get3A_1005, %get3A_1009 : vector<16xf32>
          %get3A_1011 = arith.constant 0 : index
          %get3A_1012 = tpu.vector_load %arg9[%get3A_1011] {strides = array<i32>} : memref<32xf32, #tpu.memory_space<vmem>>, vector<16xf32>,
          %get3A_1013 = vector.shape_cast %get3A_1012 : vector<16xf32> to vector<16xf32>
          %mul3A_1014 = arith.mulf %gather3A_997, %get3A_1013 : vector<16xf32>
          %add3A_1015 = arith.addf %add3A_1010, %mul3A_1014 : vector<16xf32>
          %mul3A_1016 = arith.constant 0.00999999977 : f32
          %mul3A_1017 = vector.broadcast %mul3A_1016 : f32 to vector<16xf32>
          %mul3A_1018 = arith.mulf %mul3A_1017, %add3A_1015 : vector<16xf32>
          %max3A_1019 = arith.maximumf %add3A_1015, %mul3A_1018 : vector<16xf32>
          %swap3A_1020 = arith.index_cast %add3A_1001 : i32 to index
          %swap3A_1021 = arith.constant 0 : index
          %swap3A_1022 = tpu.vector_load %arg21[%swap3A_1020, %swap3A_1021] {strides = array<i32>} : memref<128x32xf32, #tpu.memory_space<vmem>>, vector<1x16xf32>,
          %swap3A_1023 = vector.shape_cast %swap3A_1022 : vector<1x16xf32> to vector<16xf32>
          %swap3A_1024 = vector.shape_cast %max3A_1019 : vector<16xf32> to vector<1x16xf32>
          tpu.vector_store %arg21[%swap3A_1020, %swap3A_1021], %swap3A_1024 {strides = array<i32>} : memref<128x32xf32, #tpu.memory_space<vmem>>, vector<1x16xf32>,
          %get3A_1025 = arith.index_cast %add3A_1001 : i32 to index
          %get3A_1026 = arith.constant 16 : index
          %get3A_1027 = tpu.vector_load %arg17[%get3A_1025, %get3A_1026] {strides = array<i32>} : memref<128x32xf32, #tpu.memory_space<vmem>>, vector<1x16xf32>,
          %get3A_1028 = vector.shape_cast %get3A_1027 : vector<1x16xf32> to vector<16xf32>
          %get3A_1029 = arith.index_cast %add3A_1001 : i32 to index
          %get3A_1030 = arith.constant 16 : index
          %get3A_1031 = tpu.vector_load %arg19[%get3A_1029, %get3A_1030] {strides = array<i32>} : memref<128x32xf32, #tpu.memory_space<vmem>>, vector<1x16xf32>,
          %get3A_1032 = vector.shape_cast %get3A_1031 : vector<1x16xf32> to vector<16xf32>
          %add3A_1033 = arith.addf %get3A_1028, %get3A_1032 : vector<16xf32>
          %get3A_1034 = arith.constant 16 : index
          %get3A_1035 = tpu.vector_load %arg9[%get3A_1034] {strides = array<i32>} : memref<32xf32, #tpu.memory_space<vmem>>, vector<16xf32>,
          %get3A_1036 = vector.shape_cast %get3A_1035 : vector<16xf32> to vector<16xf32>
          %mul3A_1037 = arith.mulf %gather3A_997, %get3A_1036 : vector<16xf32>
          %add3A_1038 = arith.addf %add3A_1033, %mul3A_1037 : vector<16xf32>
          %mul3A_1039 = arith.constant 0.00999999977 : f32
          %mul3A_1040 = vector.broadcast %mul3A_1039 : f32 to vector<16xf32>
          %mul3A_1041 = arith.mulf %mul3A_1040, %add3A_1038 : vector<16xf32>
          %max3A_1042 = arith.maximumf %add3A_1038, %mul3A_1041 : vector<16xf32>
          %swap3A_1043 = arith.index_cast %add3A_1001 : i32 to index
          %swap3A_1044 = arith.constant 16 : index
          %swap3A_1045 = tpu.vector_load %arg21[%swap3A_1043, %swap3A_1044] {strides = array<i32>} : memref<128x32xf32, #tpu.memory_space<vmem>>, vector<1x16xf32>,
          %swap3A_1046 = vector.shape_cast %swap3A_1045 : vector<1x16xf32> to vector<16xf32>
          %swap3A_1047 = vector.shape_cast %max3A_1042 : vector<16xf32> to vector<1x16xf32>
          tpu.vector_store %arg21[%swap3A_1043, %swap3A_1044], %swap3A_1047 {strides = array<i32>} : memref<128x32xf32, #tpu.memory_space<vmem>>, vector<1x16xf32>,
          %broadcast_in_dim3A_1048 = arith.constant 15 : i32
          %broadcast_in_dim3A_1049 = vector.broadcast %broadcast_in_dim3A_1048 : i32 to vector<16x1xi32>
          %gather3A_1050 = vector.shape_cast %broadcast_in_dim3A_1049 : vector<16x1xi32> to vector<16xi32>
          %gather3A_1051 = tpu.dynamic_gather %get3A_240[%gather3A_1050] in [0] : vector<16xf32>, vector<16xi32> -> vector<16xf32>
          %mul3A_1052 = arith.constant 16 : i32
          %mul3A_1053 = arith.muli %scan3A_235, %mul3A_1052 : i32
          %add3A_1054 = arith.constant 15 : i32
          %add3A_1055 = arith.addi %mul3A_1053, %add3A_1054 : i32
          %get3A_1056 = arith.index_cast %add3A_1055 : i32 to index
          %get3A_1057 = arith.constant 0 : index
          %get3A_1058 = tpu.vector_load %arg17[%get3A_1056, %get3A_1057] {strides = array<i32>} : memref<128x32xf32, #tpu.memory_space<vmem>>, vector<1x16xf32>,
          %get3A_1059 = vector.shape_cast %get3A_1058 : vector<1x16xf32> to vector<16xf32>
          %get3A_1060 = arith.index_cast %add3A_1055 : i32 to index
          %get3A_1061 = arith.constant 0 : index
          %get3A_1062 = tpu.vector_load %arg19[%get3A_1060, %get3A_1061] {strides = array<i32>} : memref<128x32xf32, #tpu.memory_space<vmem>>, vector<1x16xf32>,
          %get3A_1063 = vector.shape_cast %get3A_1062 : vector<1x16xf32> to vector<16xf32>
          %add3A_1064 = arith.addf %get3A_1059, %get3A_1063 : vector<16xf32>
          %get3A_1065 = arith.constant 0 : index
          %get3A_1066 = tpu.vector_load %arg9[%get3A_1065] {strides = array<i32>} : memref<32xf32, #tpu.memory_space<vmem>>, vector<16xf32>,
          %get3A_1067 = vector.shape_cast %get3A_1066 : vector<16xf32> to vector<16xf32>
          %mul3A_1068 = arith.mulf %gather3A_1051, %get3A_1067 : vector<16xf32>
          %add3A_1069 = arith.addf %add3A_1064, %mul3A_1068 : vector<16xf32>
          %mul3A_1070 = arith.constant 0.00999999977 : f32
          %mul3A_1071 = vector.broadcast %mul3A_1070 : f32 to vector<16xf32>
          %mul3A_1072 = arith.mulf %mul3A_1071, %add3A_1069 : vector<16xf32>
          %max3A_1073 = arith.maximumf %add3A_1069, %mul3A_1072 : vector<16xf32>
          %swap3A_1074 = arith.index_cast %add3A_1055 : i32 to index
          %swap3A_1075 = arith.constant 0 : index
          %swap3A_1076 = tpu.vector_load %arg21[%swap3A_1074, %swap3A_1075] {strides = array<i32>} : memref<128x32xf32, #tpu.memory_space<vmem>>, vector<1x16xf32>,
          %swap3A_1077 = vector.shape_cast %swap3A_1076 : vector<1x16xf32> to vector<16xf32>
          %swap3A_1078 = vector.shape_cast %max3A_1073 : vector<16xf32> to vector<1x16xf32>
          tpu.vector_store %arg21[%swap3A_1074, %swap3A_1075], %swap3A_1078 {strides = array<i32>} : memref<128x32xf32, #tpu.memory_space<vmem>>, vector<1x16xf32>,
          %get3A_1079 = arith.index_cast %add3A_1055 : i32 to index
          %get3A_1080 = arith.constant 16 : index
          %get3A_1081 = tpu.vector_load %arg17[%get3A_1079, %get3A_1080] {strides = array<i32>} : memref<128x32xf32, #tpu.memory_space<vmem>>, vector<1x16xf32>,
          %get3A_1082 = vector.shape_cast %get3A_1081 : vector<1x16xf32> to vector<16xf32>
          %get3A_1083 = arith.index_cast %add3A_1055 : i32 to index
          %get3A_1084 = arith.constant 16 : index
          %get3A_1085 = tpu.vector_load %arg19[%get3A_1083, %get3A_1084] {strides = array<i32>} : memref<128x32xf32, #tpu.memory_space<vmem>>, vector<1x16xf32>,
          %get3A_1086 = vector.shape_cast %get3A_1085 : vector<1x16xf32> to vector<16xf32>
          %add3A_1087 = arith.addf %get3A_1082, %get3A_1086 : vector<16xf32>
          %get3A_1088 = arith.constant 16 : index
          %get3A_1089 = tpu.vector_load %arg9[%get3A_1088] {strides = array<i32>} : memref<32xf32, #tpu.memory_space<vmem>>, vector<16xf32>,
          %get3A_1090 = vector.shape_cast %get3A_1089 : vector<16xf32> to vector<16xf32>
          %mul3A_1091 = arith.mulf %gather3A_1051, %get3A_1090 : vector<16xf32>
          %add3A_1092 = arith.addf %add3A_1087, %mul3A_1091 : vector<16xf32>
          %mul3A_1093 = arith.constant 0.00999999977 : f32
          %mul3A_1094 = vector.broadcast %mul3A_1093 : f32 to vector<16xf32>
          %mul3A_1095 = arith.mulf %mul3A_1094, %add3A_1092 : vector<16xf32>
          %max3A_1096 = arith.maximumf %add3A_1092, %mul3A_1095 : vector<16xf32>
          %swap3A_1097 = arith.index_cast %add3A_1055 : i32 to index
          %swap3A_1098 = arith.constant 16 : index
          %swap3A_1099 = tpu.vector_load %arg21[%swap3A_1097, %swap3A_1098] {strides = array<i32>} : memref<128x32xf32, #tpu.memory_space<vmem>>, vector<1x16xf32>,
          %swap3A_1100 = vector.shape_cast %swap3A_1099 : vector<1x16xf32> to vector<16xf32>
          %swap3A_1101 = vector.shape_cast %max3A_1096 : vector<16xf32> to vector<1x16xf32>
          tpu.vector_store %arg21[%swap3A_1097, %swap3A_1098], %swap3A_1101 {strides = array<i32>} : memref<128x32xf32, #tpu.memory_space<vmem>>, vector<1x16xf32>,
        }
        %scan3A_224 = arith.constant 8 : i32
        %add3A_225 = arith.constant 2 : i32
        %add3A_226 = arith.addi %add3A_88, %add3A_225 : i32
        %lt3A_227 = arith.constant 391 : i32
        %lt3A_228 = arith.cmpi slt, %add3A_226, %lt3A_227 : i32
        %convert_element_type3A_229 = arith.extui %lt3A_228 : i1 to i32
        %cond3A_230 = arith.constant 0 : i32
        %cond3A_231 = arith.cmpi ne, %convert_element_type3A_229, %cond3A_230 : i32
        scf.if %cond3A_231 {
          %add3A_235 = arith.constant 2 : i32
          %add3A_236 = arith.addi %add3A_88, %add3A_235 : i32
          %add3A_237 = arith.addi %mul3A_5, %add3A_236 : i32
          %dma_start3A_238 = arith.constant 0 : i32
          %dma_start3A_239 = tpu.memref_slice %arg4[%add3A_237, %dma_start3A_238] : memref<6256x128xf32, #tpu.memory_space<hbm>> -> memref<1x128xf32, #tpu.memory_space<hbm>>
          %dma_start3A_240 = tpu.memref_squeeze %dma_start3A_239 : memref<1x128xf32, #tpu.memory_space<hbm>> -> memref<128xf32, #tpu.memory_space<hbm>>
          %dma_start3A_241 = arith.constant 0 : i32
          %dma_start3A_242 = tpu.memref_slice %arg4[%add3A_237, %dma_start3A_241] : memref<6256x128xf32, #tpu.memory_space<hbm>> -> memref<1x128xf32, #tpu.memory_space<hbm>>
          %dma_start3A_243 = tpu.memref_squeeze %dma_start3A_242 : memref<1x128xf32, #tpu.memory_space<hbm>> -> memref<128xf32, #tpu.memory_space<hbm>>
          tpu.enqueue_dma source(%dma_start3A_243 : memref<128xf32, #tpu.memory_space<hbm>>) target(%arg15 : memref<128xf32, #tpu.memory_space<vmem>>) target_semaphore(%arg25 : memref<!tpu.dma_semaphore, #tpu.memory_space<semaphore_mem>>)
        } else {
        }
        %dma_start3A_232 = arith.constant 0 : i32
        %dma_start3A_233 = arith.constant 0 : i32
        %dma_start3A_234 = tpu.memref_slice %arg8[%dma_start3A_232, %dma_start3A_233] : memref<50048x32xf32, #tpu.memory_space<vmem_shared>> -> memref<50048x32xf32, #tpu.memory_space<vmem_shared>>
        tpu.enqueue_indirect_dma source(%arg21 : memref<128x32xf32, #tpu.memory_space<vmem>>) target(%dma_start3A_234 : memref<50048x32xf32, #tpu.memory_space<vmem_shared>>) offsets(%arg13 : memref<128xi32, #tpu.memory_space<vmem>>) semaphore(%arg31 : memref<!tpu.dma_semaphore, #tpu.memory_space<semaphore_mem>>) {add = true}
      } else {
      }
    }
    %scan3A_65 = arith.constant 196 : i32
    %dma_wait3A_66 = arith.constant 0 : i32
    %dma_wait3A_67 = arith.constant 0 : i32
    %dma_wait3A_68 = tpu.memref_slice %arg8[%dma_wait3A_66, %dma_wait3A_67] : memref<50048x32xf32, #tpu.memory_space<vmem_shared>> -> memref<50048x32xf32, #tpu.memory_space<vmem_shared>>
    tpu.wait_indirect_dma semaphore(%arg31 : memref<!tpu.dma_semaphore, #tpu.memory_space<semaphore_mem>>) src(%arg21 : memref<128x32xf32, #tpu.memory_space<vmem>>) dst(%dma_wait3A_68 : memref<50048x32xf32, #tpu.memory_space<vmem_shared>>)
    %dma_wait3A_69 = arith.constant 0 : i32
    %dma_wait3A_70 = arith.constant 0 : i32
    %dma_wait3A_71 = tpu.memref_slice %arg8[%dma_wait3A_69, %dma_wait3A_70] : memref<50048x32xf32, #tpu.memory_space<vmem_shared>> -> memref<50048x32xf32, #tpu.memory_space<vmem_shared>>
    tpu.wait_indirect_dma semaphore(%arg30 : memref<!tpu.dma_semaphore, #tpu.memory_space<semaphore_mem>>) src(%arg20 : memref<128x32xf32, #tpu.memory_space<vmem>>) dst(%dma_wait3A_71 : memref<50048x32xf32, #tpu.memory_space<vmem_shared>>)
    %barrier3A_72 = arith.constant 0 : index
    tpu.barrier barrier_id(%barrier3A_72)
    %mul3A_73 = arith.constant 50048 : i32
    %mul3A_74 = arith.muli %arg0, %mul3A_73 : i32
    %mul3A_75 = arith.constant 3128 : i32
    %mul3A_76 = arith.muli %arg1, %mul3A_75 : i32
    %add3A_77 = arith.addi %mul3A_74, %mul3A_76 : i32
    "tpu.region"() ({
      %run_scoped3A = tpu.sem_alloc : memref<!tpu.dma_semaphore, #tpu.memory_space<semaphore_mem>>
      %dma_start3A_78 = arith.constant 0 : i32
      %dma_start3A_79 = tpu.memref_slice %arg7[%add3A_77, %dma_start3A_78] : memref<100096x32xf32, #tpu.memory_space<hbm>> -> memref<3128x32xf32, #tpu.memory_space<hbm>>
      %dma_start3A_80 = arith.constant 0 : i32
      %dma_start3A_81 = tpu.memref_slice %arg8[%multiple_of3A, %dma_start3A_80] : memref<50048x32xf32, #tpu.memory_space<vmem_shared>> -> memref<3128x32xf32, #tpu.memory_space<vmem_shared>>
      tpu.enqueue_dma source(%dma_start3A_81 : memref<3128x32xf32, #tpu.memory_space<vmem_shared>>) target(%dma_start3A_79 : memref<3128x32xf32, #tpu.memory_space<hbm>>) target_semaphore(%run_scoped3A : memref<!tpu.dma_semaphore, #tpu.memory_space<semaphore_mem>>)
      %dma_wait3A_82 = arith.constant 0 : i32
      %dma_wait3A_83 = tpu.memref_slice %arg7[%add3A_77, %dma_wait3A_82] : memref<100096x32xf32, #tpu.memory_space<hbm>> -> memref<3128x32xf32, #tpu.memory_space<hbm>>
      %dma_wait3A_84 = arith.constant 0 : i32
      %dma_wait3A_85 = tpu.memref_slice %arg8[%multiple_of3A, %dma_wait3A_84] : memref<50048x32xf32, #tpu.memory_space<vmem_shared>> -> memref<3128x32xf32, #tpu.memory_space<vmem_shared>>
      tpu.wait_dma2 semaphore(%run_scoped3A : memref<!tpu.dma_semaphore, #tpu.memory_space<semaphore_mem>>) src(%dma_wait3A_85 : memref<3128x32xf32, #tpu.memory_space<vmem_shared>>) dst(%dma_wait3A_83 : memref<3128x32xf32, #tpu.memory_space<hbm>>)
      tpu.yield
    }) : () -> ()
    return
  }
}

#map = affine_map<(d0, d1) -> (0)>
#map1 = affine_map<(d0, d1) -> (0, 0)>
module attributes {stable_mosaic.version = 14 : i64} {
  func.func @_sc_deg(%arg0: i32, %arg1: i32, %arg2: memref<802816xi32, #tpu.memory_space<hbm>>, %arg3: memref<50048x8xf32, #tpu.memory_space<hbm>>, %arg4: memref<128x8xf32, #tpu.memory_space<hbm>>, %arg5: memref<100096x8xf32, #tpu.memory_space<hbm>>, %arg6: memref<50048x8xf32, #tpu.memory_space<vmem_shared>>, %arg7: memref<128xi32, #tpu.memory_space<vmem>>, %arg8: memref<128xi32, #tpu.memory_space<vmem>>, %arg9: memref<128xi32, #tpu.memory_space<vmem>>, %arg10: memref<128xi32, #tpu.memory_space<vmem>>, %arg11: memref<128x8xf32, #tpu.memory_space<vmem>>, %arg12: memref<!tpu.dma_semaphore, #tpu.memory_space<semaphore_mem>>, %arg13: memref<!tpu.dma_semaphore, #tpu.memory_space<semaphore_mem>>, %arg14: memref<!tpu.dma_semaphore, #tpu.memory_space<semaphore_mem>>, %arg15: memref<!tpu.dma_semaphore, #tpu.memory_space<semaphore_mem>>) attributes {dimension_semantics = [#tpu.dimension_semantics<core_parallel>, #tpu.dimension_semantics<subcore_parallel>], iteration_bounds = array<i64: 2, 16>, scalar_prefetch = 0 : i64, scratch_operands = 10 : i64, tpu.core_type = #tpu.core_type<sc_vector_subcore>, window_params = [{transform_indices = #map}, {transform_indices = #map1}, {transform_indices = #map1}, {transform_indices = #map1}]} {
    %mul3A = arith.constant 3128 : i32
    %mul3A_0 = arith.muli %arg1, %mul3A : i32
    %multiple_of3A = tpu.assume_multiple %mul3A_0, 8 : i32
    "tpu.region"() ({
      %run_scoped3A = tpu.sem_alloc : memref<!tpu.dma_semaphore, #tpu.memory_space<semaphore_mem>>
      %dma_start3A_30 = arith.constant 0 : i32
      %dma_start3A_31 = tpu.memref_slice %arg6[%multiple_of3A, %dma_start3A_30] : memref<50048x8xf32, #tpu.memory_space<vmem_shared>> -> memref<3128x8xf32, #tpu.memory_space<vmem_shared>>
      %dma_start3A_32 = arith.constant 0 : i32
      %dma_start3A_33 = tpu.memref_slice %arg3[%multiple_of3A, %dma_start3A_32] : memref<50048x8xf32, #tpu.memory_space<hbm>> -> memref<3128x8xf32, #tpu.memory_space<hbm>>
      tpu.enqueue_dma source(%dma_start3A_33 : memref<3128x8xf32, #tpu.memory_space<hbm>>) target(%dma_start3A_31 : memref<3128x8xf32, #tpu.memory_space<vmem_shared>>) target_semaphore(%run_scoped3A : memref<!tpu.dma_semaphore, #tpu.memory_space<semaphore_mem>>)
      %dma_wait3A_34 = arith.constant 0 : i32
      %dma_wait3A_35 = tpu.memref_slice %arg6[%multiple_of3A, %dma_wait3A_34] : memref<50048x8xf32, #tpu.memory_space<vmem_shared>> -> memref<3128x8xf32, #tpu.memory_space<vmem_shared>>
      %dma_wait3A_36 = arith.constant 0 : i32
      %dma_wait3A_37 = tpu.memref_slice %arg3[%multiple_of3A, %dma_wait3A_36] : memref<50048x8xf32, #tpu.memory_space<hbm>> -> memref<3128x8xf32, #tpu.memory_space<hbm>>
      tpu.wait_dma2 semaphore(%run_scoped3A : memref<!tpu.dma_semaphore, #tpu.memory_space<semaphore_mem>>) src(%dma_wait3A_37 : memref<3128x8xf32, #tpu.memory_space<hbm>>) dst(%dma_wait3A_35 : memref<3128x8xf32, #tpu.memory_space<vmem_shared>>)
      tpu.yield
    }) : () -> ()
    "tpu.region"() ({
      %run_scoped3A = tpu.sem_alloc : memref<!tpu.dma_semaphore, #tpu.memory_space<semaphore_mem>>
      tpu.enqueue_dma source(%arg4 : memref<128x8xf32, #tpu.memory_space<hbm>>) target(%arg11 : memref<128x8xf32, #tpu.memory_space<vmem>>) target_semaphore(%run_scoped3A : memref<!tpu.dma_semaphore, #tpu.memory_space<semaphore_mem>>)
      tpu.wait_dma2 semaphore(%run_scoped3A : memref<!tpu.dma_semaphore, #tpu.memory_space<semaphore_mem>>) src(%arg4 : memref<128x8xf32, #tpu.memory_space<hbm>>) dst(%arg11 : memref<128x8xf32, #tpu.memory_space<vmem>>)
      tpu.yield
    }) : () -> ()
    %barrier3A = arith.constant 0 : index
    tpu.barrier barrier_id(%barrier3A)
    %mul3A_1 = arith.constant 16 : i32
    %mul3A_2 = arith.muli %arg0, %mul3A_1 : i32
    %add3A = arith.addi %mul3A_2, %arg1 : i32
    %mul3A_3 = arith.constant 25088 : i32
    %mul3A_4 = arith.muli %add3A, %mul3A_3 : i32
    %add3A_5 = arith.constant 0 : i32
    %add3A_6 = arith.addi %mul3A_4, %add3A_5 : i32
    %multiple_of3A_7 = tpu.assume_multiple %add3A_6, 8 : i32
    %dma_start3A = tpu.memref_slice %arg2[%multiple_of3A_7] : memref<802816xi32, #tpu.memory_space<hbm>> -> memref<128xi32, #tpu.memory_space<hbm>>
    %dma_start3A_8 = tpu.memref_slice %arg2[%multiple_of3A_7] : memref<802816xi32, #tpu.memory_space<hbm>> -> memref<128xi32, #tpu.memory_space<hbm>>
    tpu.enqueue_dma source(%dma_start3A_8 : memref<128xi32, #tpu.memory_space<hbm>>) target(%arg7 : memref<128xi32, #tpu.memory_space<vmem>>) target_semaphore(%arg12 : memref<!tpu.dma_semaphore, #tpu.memory_space<semaphore_mem>>)
    %add3A_9 = arith.constant 128 : i32
    %add3A_10 = arith.addi %mul3A_4, %add3A_9 : i32
    %multiple_of3A_11 = tpu.assume_multiple %add3A_10, 8 : i32
    %dma_start3A_12 = tpu.memref_slice %arg2[%multiple_of3A_11] : memref<802816xi32, #tpu.memory_space<hbm>> -> memref<128xi32, #tpu.memory_space<hbm>>
    %dma_start3A_13 = tpu.memref_slice %arg2[%multiple_of3A_11] : memref<802816xi32, #tpu.memory_space<hbm>> -> memref<128xi32, #tpu.memory_space<hbm>>
    tpu.enqueue_dma source(%dma_start3A_13 : memref<128xi32, #tpu.memory_space<hbm>>) target(%arg8 : memref<128xi32, #tpu.memory_space<vmem>>) target_semaphore(%arg13 : memref<!tpu.dma_semaphore, #tpu.memory_space<semaphore_mem>>)
    %scan3A = arith.constant 0 : i32
    %scan3A_14 = arith.constant 0 : i32
    %scan3A_15 = arith.constant 98 : i32
    %scan3A_16 = arith.addi %scan3A_14, %scan3A_15 : i32
    %scan3A_17 = arith.constant 1 : i32
    scf.for %scan3A_30 = %scan3A_14 to %scan3A_16 step %scan3A_17  : i32 {
      %mul3A_31 = arith.constant 2 : i32
      %mul3A_32 = arith.muli %scan3A_30, %mul3A_31 : i32
      %add3A_33 = arith.constant 0 : i32
      %add3A_34 = arith.addi %mul3A_32, %add3A_33 : i32
      %ge3A = arith.constant 2 : i32
      %ge3A_35 = arith.cmpi sge, %add3A_34, %ge3A : i32
      %convert_element_type3A = arith.extui %ge3A_35 : i1 to i32
      %cond3A = arith.constant 0 : i32
      %cond3A_36 = arith.cmpi ne, %convert_element_type3A, %cond3A : i32
      scf.if %cond3A_36 {
        %dma_wait3A_179 = arith.constant 0 : i32
        %dma_wait3A_180 = arith.constant 0 : i32
        %dma_wait3A_181 = tpu.memref_slice %arg6[%dma_wait3A_179, %dma_wait3A_180] : memref<50048x8xf32, #tpu.memory_space<vmem_shared>> -> memref<50048x8xf32, #tpu.memory_space<vmem_shared>>
        tpu.wait_indirect_dma semaphore(%arg14 : memref<!tpu.dma_semaphore, #tpu.memory_space<semaphore_mem>>) src(%arg11 : memref<128x8xf32, #tpu.memory_space<vmem>>) dst(%dma_wait3A_181 : memref<50048x8xf32, #tpu.memory_space<vmem_shared>>)
      } else {
      }
      %dma_wait3A_37 = tpu.memref_slice %arg2[%mul3A_4] : memref<802816xi32, #tpu.memory_space<hbm>> -> memref<128xi32, #tpu.memory_space<hbm>>
      %dma_wait3A_38 = tpu.memref_slice %arg2[%mul3A_4] : memref<802816xi32, #tpu.memory_space<hbm>> -> memref<128xi32, #tpu.memory_space<hbm>>
      tpu.wait_dma2 semaphore(%arg12 : memref<!tpu.dma_semaphore, #tpu.memory_space<semaphore_mem>>) src(%dma_wait3A_38 : memref<128xi32, #tpu.memory_space<hbm>>) dst(%arg7 : memref<128xi32, #tpu.memory_space<vmem>>)
      %get3A = arith.constant 0 : index
      %get3A_39 = tpu.vector_load %arg7[%get3A] {strides = array<i32>} : memref<128xi32, #tpu.memory_space<vmem>>, vector<16xi32>,
      %get3A_40 = vector.shape_cast %get3A_39 : vector<16xi32> to vector<16xi32>
      %swap3A = arith.constant 0 : index
      %swap3A_41 = tpu.vector_load %arg9[%swap3A] {strides = array<i32>} : memref<128xi32, #tpu.memory_space<vmem>>, vector<16xi32>,
      %swap3A_42 = vector.shape_cast %swap3A_41 : vector<16xi32> to vector<16xi32>
      %swap3A_43 = vector.shape_cast %get3A_40 : vector<16xi32> to vector<16xi32>
      tpu.vector_store %arg9[%swap3A], %swap3A_43 {strides = array<i32>} : memref<128xi32, #tpu.memory_space<vmem>>, vector<16xi32>,
      %get3A_44 = arith.constant 16 : index
      %get3A_45 = tpu.vector_load %arg7[%get3A_44] {strides = array<i32>} : memref<128xi32, #tpu.memory_space<vmem>>, vector<16xi32>,
      %get3A_46 = vector.shape_cast %get3A_45 : vector<16xi32> to vector<16xi32>
      %swap3A_47 = arith.constant 16 : index
      %swap3A_48 = tpu.vector_load %arg9[%swap3A_47] {strides = array<i32>} : memref<128xi32, #tpu.memory_space<vmem>>, vector<16xi32>,
      %swap3A_49 = vector.shape_cast %swap3A_48 : vector<16xi32> to vector<16xi32>
      %swap3A_50 = vector.shape_cast %get3A_46 : vector<16xi32> to vector<16xi32>
      tpu.vector_store %arg9[%swap3A_47], %swap3A_50 {strides = array<i32>} : memref<128xi32, #tpu.memory_space<vmem>>, vector<16xi32>,
      %get3A_51 = arith.constant 32 : index
      %get3A_52 = tpu.vector_load %arg7[%get3A_51] {strides = array<i32>} : memref<128xi32, #tpu.memory_space<vmem>>, vector<16xi32>,
      %get3A_53 = vector.shape_cast %get3A_52 : vector<16xi32> to vector<16xi32>
      %swap3A_54 = arith.constant 32 : index
      %swap3A_55 = tpu.vector_load %arg9[%swap3A_54] {strides = array<i32>} : memref<128xi32, #tpu.memory_space<vmem>>, vector<16xi32>,
      %swap3A_56 = vector.shape_cast %swap3A_55 : vector<16xi32> to vector<16xi32>
      %swap3A_57 = vector.shape_cast %get3A_53 : vector<16xi32> to vector<16xi32>
      tpu.vector_store %arg9[%swap3A_54], %swap3A_57 {strides = array<i32>} : memref<128xi32, #tpu.memory_space<vmem>>, vector<16xi32>,
      %get3A_58 = arith.constant 48 : index
      %get3A_59 = tpu.vector_load %arg7[%get3A_58] {strides = array<i32>} : memref<128xi32, #tpu.memory_space<vmem>>, vector<16xi32>,
      %get3A_60 = vector.shape_cast %get3A_59 : vector<16xi32> to vector<16xi32>
      %swap3A_61 = arith.constant 48 : index
      %swap3A_62 = tpu.vector_load %arg9[%swap3A_61] {strides = array<i32>} : memref<128xi32, #tpu.memory_space<vmem>>, vector<16xi32>,
      %swap3A_63 = vector.shape_cast %swap3A_62 : vector<16xi32> to vector<16xi32>
      %swap3A_64 = vector.shape_cast %get3A_60 : vector<16xi32> to vector<16xi32>
      tpu.vector_store %arg9[%swap3A_61], %swap3A_64 {strides = array<i32>} : memref<128xi32, #tpu.memory_space<vmem>>, vector<16xi32>,
      %get3A_65 = arith.constant 64 : index
      %get3A_66 = tpu.vector_load %arg7[%get3A_65] {strides = array<i32>} : memref<128xi32, #tpu.memory_space<vmem>>, vector<16xi32>,
      %get3A_67 = vector.shape_cast %get3A_66 : vector<16xi32> to vector<16xi32>
      %swap3A_68 = arith.constant 64 : index
      %swap3A_69 = tpu.vector_load %arg9[%swap3A_68] {strides = array<i32>} : memref<128xi32, #tpu.memory_space<vmem>>, vector<16xi32>,
      %swap3A_70 = vector.shape_cast %swap3A_69 : vector<16xi32> to vector<16xi32>
      %swap3A_71 = vector.shape_cast %get3A_67 : vector<16xi32> to vector<16xi32>
      tpu.vector_store %arg9[%swap3A_68], %swap3A_71 {strides = array<i32>} : memref<128xi32, #tpu.memory_space<vmem>>, vector<16xi32>,
      %get3A_72 = arith.constant 80 : index
      %get3A_73 = tpu.vector_load %arg7[%get3A_72] {strides = array<i32>} : memref<128xi32, #tpu.memory_space<vmem>>, vector<16xi32>,
      %get3A_74 = vector.shape_cast %get3A_73 : vector<16xi32> to vector<16xi32>
      %swap3A_75 = arith.constant 80 : index
      %swap3A_76 = tpu.vector_load %arg9[%swap3A_75] {strides = array<i32>} : memref<128xi32, #tpu.memory_space<vmem>>, vector<16xi32>,
      %swap3A_77 = vector.shape_cast %swap3A_76 : vector<16xi32> to vector<16xi32>
      %swap3A_78 = vector.shape_cast %get3A_74 : vector<16xi32> to vector<16xi32>
      tpu.vector_store %arg9[%swap3A_75], %swap3A_78 {strides = array<i32>} : memref<128xi32, #tpu.memory_space<vmem>>, vector<16xi32>,
      %get3A_79 = arith.constant 96 : index
      %get3A_80 = tpu.vector_load %arg7[%get3A_79] {strides = array<i32>} : memref<128xi32, #tpu.memory_space<vmem>>, vector<16xi32>,
      %get3A_81 = vector.shape_cast %get3A_80 : vector<16xi32> to vector<16xi32>
      %swap3A_82 = arith.constant 96 : index
      %swap3A_83 = tpu.vector_load %arg9[%swap3A_82] {strides = array<i32>} : memref<128xi32, #tpu.memory_space<vmem>>, vector<16xi32>,
      %swap3A_84 = vector.shape_cast %swap3A_83 : vector<16xi32> to vector<16xi32>
      %swap3A_85 = vector.shape_cast %get3A_81 : vector<16xi32> to vector<16xi32>
      tpu.vector_store %arg9[%swap3A_82], %swap3A_85 {strides = array<i32>} : memref<128xi32, #tpu.memory_space<vmem>>, vector<16xi32>,
      %get3A_86 = arith.constant 112 : index
      %get3A_87 = tpu.vector_load %arg7[%get3A_86] {strides = array<i32>} : memref<128xi32, #tpu.memory_space<vmem>>, vector<16xi32>,
      %get3A_88 = vector.shape_cast %get3A_87 : vector<16xi32> to vector<16xi32>
      %swap3A_89 = arith.constant 112 : index
      %swap3A_90 = tpu.vector_load %arg9[%swap3A_89] {strides = array<i32>} : memref<128xi32, #tpu.memory_space<vmem>>, vector<16xi32>,
      %swap3A_91 = vector.shape_cast %swap3A_90 : vector<16xi32> to vector<16xi32>
      %swap3A_92 = vector.shape_cast %get3A_88 : vector<16xi32> to vector<16xi32>
      tpu.vector_store %arg9[%swap3A_89], %swap3A_92 {strides = array<i32>} : memref<128xi32, #tpu.memory_space<vmem>>, vector<16xi32>,
      %add3A_93 = arith.constant 2 : i32
      %add3A_94 = arith.addi %add3A_34, %add3A_93 : i32
      %lt3A = arith.constant 196 : i32
      %lt3A_95 = arith.cmpi slt, %add3A_94, %lt3A : i32
      %convert_element_type3A_96 = arith.extui %lt3A_95 : i1 to i32
      %cond3A_97 = arith.constant 0 : i32
      %cond3A_98 = arith.cmpi ne, %convert_element_type3A_96, %cond3A_97 : i32
      scf.if %cond3A_98 {
        %add3A_179 = arith.constant 2 : i32
        %add3A_180 = arith.addi %add3A_34, %add3A_179 : i32
        %mul3A_181 = arith.constant 128 : i32
        %mul3A_182 = arith.muli %add3A_180, %mul3A_181 : i32
        %add3A_183 = arith.addi %mul3A_4, %mul3A_182 : i32
        %multiple_of3A_184 = tpu.assume_multiple %add3A_183, 8 : i32
        %dma_start3A_185 = tpu.memref_slice %arg2[%multiple_of3A_184] : memref<802816xi32, #tpu.memory_space<hbm>> -> memref<128xi32, #tpu.memory_space<hbm>>
        %dma_start3A_186 = tpu.memref_slice %arg2[%multiple_of3A_184] : memref<802816xi32, #tpu.memory_space<hbm>> -> memref<128xi32, #tpu.memory_space<hbm>>
        tpu.enqueue_dma source(%dma_start3A_186 : memref<128xi32, #tpu.memory_space<hbm>>) target(%arg7 : memref<128xi32, #tpu.memory_space<vmem>>) target_semaphore(%arg12 : memref<!tpu.dma_semaphore, #tpu.memory_space<semaphore_mem>>)
      } else {
      }
      %dma_start3A_99 = arith.constant 0 : i32
      %dma_start3A_100 = arith.constant 0 : i32
      %dma_start3A_101 = tpu.memref_slice %arg6[%dma_start3A_99, %dma_start3A_100] : memref<50048x8xf32, #tpu.memory_space<vmem_shared>> -> memref<50048x8xf32, #tpu.memory_space<vmem_shared>>
      tpu.enqueue_indirect_dma source(%arg11 : memref<128x8xf32, #tpu.memory_space<vmem>>) target(%dma_start3A_101 : memref<50048x8xf32, #tpu.memory_space<vmem_shared>>) offsets(%arg9 : memref<128xi32, #tpu.memory_space<vmem>>) semaphore(%arg14 : memref<!tpu.dma_semaphore, #tpu.memory_space<semaphore_mem>>) {add = true}
      %mul3A_102 = arith.constant 2 : i32
      %mul3A_103 = arith.muli %scan3A_30, %mul3A_102 : i32
      %add3A_104 = arith.constant 1 : i32
      %add3A_105 = arith.addi %mul3A_103, %add3A_104 : i32
      %ge3A_106 = arith.constant 2 : i32
      %ge3A_107 = arith.cmpi sge, %add3A_105, %ge3A_106 : i32
      %convert_element_type3A_108 = arith.extui %ge3A_107 : i1 to i32
      %cond3A_109 = arith.constant 0 : i32
      %cond3A_110 = arith.cmpi ne, %convert_element_type3A_108, %cond3A_109 : i32
      scf.if %cond3A_110 {
        %dma_wait3A_179 = arith.constant 0 : i32
        %dma_wait3A_180 = arith.constant 0 : i32
        %dma_wait3A_181 = tpu.memref_slice %arg6[%dma_wait3A_179, %dma_wait3A_180] : memref<50048x8xf32, #tpu.memory_space<vmem_shared>> -> memref<50048x8xf32, #tpu.memory_space<vmem_shared>>
        tpu.wait_indirect_dma semaphore(%arg15 : memref<!tpu.dma_semaphore, #tpu.memory_space<semaphore_mem>>) src(%arg11 : memref<128x8xf32, #tpu.memory_space<vmem>>) dst(%dma_wait3A_181 : memref<50048x8xf32, #tpu.memory_space<vmem_shared>>)
      } else {
      }
      %dma_wait3A_111 = tpu.memref_slice %arg2[%mul3A_4] : memref<802816xi32, #tpu.memory_space<hbm>> -> memref<128xi32, #tpu.memory_space<hbm>>
      %dma_wait3A_112 = tpu.memref_slice %arg2[%mul3A_4] : memref<802816xi32, #tpu.memory_space<hbm>> -> memref<128xi32, #tpu.memory_space<hbm>>
      tpu.wait_dma2 semaphore(%arg13 : memref<!tpu.dma_semaphore, #tpu.memory_space<semaphore_mem>>) src(%dma_wait3A_112 : memref<128xi32, #tpu.memory_space<hbm>>) dst(%arg8 : memref<128xi32, #tpu.memory_space<vmem>>)
      %get3A_113 = arith.constant 0 : index
      %get3A_114 = tpu.vector_load %arg8[%get3A_113] {strides = array<i32>} : memref<128xi32, #tpu.memory_space<vmem>>, vector<16xi32>,
      %get3A_115 = vector.shape_cast %get3A_114 : vector<16xi32> to vector<16xi32>
      %swap3A_116 = arith.constant 0 : index
      %swap3A_117 = tpu.vector_load %arg10[%swap3A_116] {strides = array<i32>} : memref<128xi32, #tpu.memory_space<vmem>>, vector<16xi32>,
      %swap3A_118 = vector.shape_cast %swap3A_117 : vector<16xi32> to vector<16xi32>
      %swap3A_119 = vector.shape_cast %get3A_115 : vector<16xi32> to vector<16xi32>
      tpu.vector_store %arg10[%swap3A_116], %swap3A_119 {strides = array<i32>} : memref<128xi32, #tpu.memory_space<vmem>>, vector<16xi32>,
      %get3A_120 = arith.constant 16 : index
      %get3A_121 = tpu.vector_load %arg8[%get3A_120] {strides = array<i32>} : memref<128xi32, #tpu.memory_space<vmem>>, vector<16xi32>,
      %get3A_122 = vector.shape_cast %get3A_121 : vector<16xi32> to vector<16xi32>
      %swap3A_123 = arith.constant 16 : index
      %swap3A_124 = tpu.vector_load %arg10[%swap3A_123] {strides = array<i32>} : memref<128xi32, #tpu.memory_space<vmem>>, vector<16xi32>,
      %swap3A_125 = vector.shape_cast %swap3A_124 : vector<16xi32> to vector<16xi32>
      %swap3A_126 = vector.shape_cast %get3A_122 : vector<16xi32> to vector<16xi32>
      tpu.vector_store %arg10[%swap3A_123], %swap3A_126 {strides = array<i32>} : memref<128xi32, #tpu.memory_space<vmem>>, vector<16xi32>,
      %get3A_127 = arith.constant 32 : index
      %get3A_128 = tpu.vector_load %arg8[%get3A_127] {strides = array<i32>} : memref<128xi32, #tpu.memory_space<vmem>>, vector<16xi32>,
      %get3A_129 = vector.shape_cast %get3A_128 : vector<16xi32> to vector<16xi32>
      %swap3A_130 = arith.constant 32 : index
      %swap3A_131 = tpu.vector_load %arg10[%swap3A_130] {strides = array<i32>} : memref<128xi32, #tpu.memory_space<vmem>>, vector<16xi32>,
      %swap3A_132 = vector.shape_cast %swap3A_131 : vector<16xi32> to vector<16xi32>
      %swap3A_133 = vector.shape_cast %get3A_129 : vector<16xi32> to vector<16xi32>
      tpu.vector_store %arg10[%swap3A_130], %swap3A_133 {strides = array<i32>} : memref<128xi32, #tpu.memory_space<vmem>>, vector<16xi32>,
      %get3A_134 = arith.constant 48 : index
      %get3A_135 = tpu.vector_load %arg8[%get3A_134] {strides = array<i32>} : memref<128xi32, #tpu.memory_space<vmem>>, vector<16xi32>,
      %get3A_136 = vector.shape_cast %get3A_135 : vector<16xi32> to vector<16xi32>
      %swap3A_137 = arith.constant 48 : index
      %swap3A_138 = tpu.vector_load %arg10[%swap3A_137] {strides = array<i32>} : memref<128xi32, #tpu.memory_space<vmem>>, vector<16xi32>,
      %swap3A_139 = vector.shape_cast %swap3A_138 : vector<16xi32> to vector<16xi32>
      %swap3A_140 = vector.shape_cast %get3A_136 : vector<16xi32> to vector<16xi32>
      tpu.vector_store %arg10[%swap3A_137], %swap3A_140 {strides = array<i32>} : memref<128xi32, #tpu.memory_space<vmem>>, vector<16xi32>,
      %get3A_141 = arith.constant 64 : index
      %get3A_142 = tpu.vector_load %arg8[%get3A_141] {strides = array<i32>} : memref<128xi32, #tpu.memory_space<vmem>>, vector<16xi32>,
      %get3A_143 = vector.shape_cast %get3A_142 : vector<16xi32> to vector<16xi32>
      %swap3A_144 = arith.constant 64 : index
      %swap3A_145 = tpu.vector_load %arg10[%swap3A_144] {strides = array<i32>} : memref<128xi32, #tpu.memory_space<vmem>>, vector<16xi32>,
      %swap3A_146 = vector.shape_cast %swap3A_145 : vector<16xi32> to vector<16xi32>
      %swap3A_147 = vector.shape_cast %get3A_143 : vector<16xi32> to vector<16xi32>
      tpu.vector_store %arg10[%swap3A_144], %swap3A_147 {strides = array<i32>} : memref<128xi32, #tpu.memory_space<vmem>>, vector<16xi32>,
      %get3A_148 = arith.constant 80 : index
      %get3A_149 = tpu.vector_load %arg8[%get3A_148] {strides = array<i32>} : memref<128xi32, #tpu.memory_space<vmem>>, vector<16xi32>,
      %get3A_150 = vector.shape_cast %get3A_149 : vector<16xi32> to vector<16xi32>
      %swap3A_151 = arith.constant 80 : index
      %swap3A_152 = tpu.vector_load %arg10[%swap3A_151] {strides = array<i32>} : memref<128xi32, #tpu.memory_space<vmem>>, vector<16xi32>,
      %swap3A_153 = vector.shape_cast %swap3A_152 : vector<16xi32> to vector<16xi32>
      %swap3A_154 = vector.shape_cast %get3A_150 : vector<16xi32> to vector<16xi32>
      tpu.vector_store %arg10[%swap3A_151], %swap3A_154 {strides = array<i32>} : memref<128xi32, #tpu.memory_space<vmem>>, vector<16xi32>,
      %get3A_155 = arith.constant 96 : index
      %get3A_156 = tpu.vector_load %arg8[%get3A_155] {strides = array<i32>} : memref<128xi32, #tpu.memory_space<vmem>>, vector<16xi32>,
      %get3A_157 = vector.shape_cast %get3A_156 : vector<16xi32> to vector<16xi32>
      %swap3A_158 = arith.constant 96 : index
      %swap3A_159 = tpu.vector_load %arg10[%swap3A_158] {strides = array<i32>} : memref<128xi32, #tpu.memory_space<vmem>>, vector<16xi32>,
      %swap3A_160 = vector.shape_cast %swap3A_159 : vector<16xi32> to vector<16xi32>
      %swap3A_161 = vector.shape_cast %get3A_157 : vector<16xi32> to vector<16xi32>
      tpu.vector_store %arg10[%swap3A_158], %swap3A_161 {strides = array<i32>} : memref<128xi32, #tpu.memory_space<vmem>>, vector<16xi32>,
      %get3A_162 = arith.constant 112 : index
      %get3A_163 = tpu.vector_load %arg8[%get3A_162] {strides = array<i32>} : memref<128xi32, #tpu.memory_space<vmem>>, vector<16xi32>,
      %get3A_164 = vector.shape_cast %get3A_163 : vector<16xi32> to vector<16xi32>
      %swap3A_165 = arith.constant 112 : index
      %swap3A_166 = tpu.vector_load %arg10[%swap3A_165] {strides = array<i32>} : memref<128xi32, #tpu.memory_space<vmem>>, vector<16xi32>,
      %swap3A_167 = vector.shape_cast %swap3A_166 : vector<16xi32> to vector<16xi32>
      %swap3A_168 = vector.shape_cast %get3A_164 : vector<16xi32> to vector<16xi32>
      tpu.vector_store %arg10[%swap3A_165], %swap3A_168 {strides = array<i32>} : memref<128xi32, #tpu.memory_space<vmem>>, vector<16xi32>,
      %add3A_169 = arith.constant 2 : i32
      %add3A_170 = arith.addi %add3A_105, %add3A_169 : i32
      %lt3A_171 = arith.constant 196 : i32
      %lt3A_172 = arith.cmpi slt, %add3A_170, %lt3A_171 : i32
      %convert_element_type3A_173 = arith.extui %lt3A_172 : i1 to i32
      %cond3A_174 = arith.constant 0 : i32
      %cond3A_175 = arith.cmpi ne, %convert_element_type3A_173, %cond3A_174 : i32
      scf.if %cond3A_175 {
        %add3A_179 = arith.constant 2 : i32
        %add3A_180 = arith.addi %add3A_105, %add3A_179 : i32
        %mul3A_181 = arith.constant 128 : i32
        %mul3A_182 = arith.muli %add3A_180, %mul3A_181 : i32
        %add3A_183 = arith.addi %mul3A_4, %mul3A_182 : i32
        %multiple_of3A_184 = tpu.assume_multiple %add3A_183, 8 : i32
        %dma_start3A_185 = tpu.memref_slice %arg2[%multiple_of3A_184] : memref<802816xi32, #tpu.memory_space<hbm>> -> memref<128xi32, #tpu.memory_space<hbm>>
        %dma_start3A_186 = tpu.memref_slice %arg2[%multiple_of3A_184] : memref<802816xi32, #tpu.memory_space<hbm>> -> memref<128xi32, #tpu.memory_space<hbm>>
        tpu.enqueue_dma source(%dma_start3A_186 : memref<128xi32, #tpu.memory_space<hbm>>) target(%arg8 : memref<128xi32, #tpu.memory_space<vmem>>) target_semaphore(%arg13 : memref<!tpu.dma_semaphore, #tpu.memory_space<semaphore_mem>>)
      } else {
      }
      %dma_start3A_176 = arith.constant 0 : i32
      %dma_start3A_177 = arith.constant 0 : i32
      %dma_start3A_178 = tpu.memref_slice %arg6[%dma_start3A_176, %dma_start3A_177] : memref<50048x8xf32, #tpu.memory_space<vmem_shared>> -> memref<50048x8xf32, #tpu.memory_space<vmem_shared>>
      tpu.enqueue_indirect_dma source(%arg11 : memref<128x8xf32, #tpu.memory_space<vmem>>) target(%dma_start3A_178 : memref<50048x8xf32, #tpu.memory_space<vmem_shared>>) offsets(%arg10 : memref<128xi32, #tpu.memory_space<vmem>>) semaphore(%arg15 : memref<!tpu.dma_semaphore, #tpu.memory_space<semaphore_mem>>) {add = true}
    }
    %scan3A_18 = arith.constant 98 : i32
    %dma_wait3A = arith.constant 0 : i32
    %dma_wait3A_19 = arith.constant 0 : i32
    %dma_wait3A_20 = tpu.memref_slice %arg6[%dma_wait3A, %dma_wait3A_19] : memref<50048x8xf32, #tpu.memory_space<vmem_shared>> -> memref<50048x8xf32, #tpu.memory_space<vmem_shared>>
    tpu.wait_indirect_dma semaphore(%arg14 : memref<!tpu.dma_semaphore, #tpu.memory_space<semaphore_mem>>) src(%arg11 : memref<128x8xf32, #tpu.memory_space<vmem>>) dst(%dma_wait3A_20 : memref<50048x8xf32, #tpu.memory_space<vmem_shared>>)
    %dma_wait3A_21 = arith.constant 0 : i32
    %dma_wait3A_22 = arith.constant 0 : i32
    %dma_wait3A_23 = tpu.memref_slice %arg6[%dma_wait3A_21, %dma_wait3A_22] : memref<50048x8xf32, #tpu.memory_space<vmem_shared>> -> memref<50048x8xf32, #tpu.memory_space<vmem_shared>>
    tpu.wait_indirect_dma semaphore(%arg15 : memref<!tpu.dma_semaphore, #tpu.memory_space<semaphore_mem>>) src(%arg11 : memref<128x8xf32, #tpu.memory_space<vmem>>) dst(%dma_wait3A_23 : memref<50048x8xf32, #tpu.memory_space<vmem_shared>>)
    %barrier3A_24 = arith.constant 0 : index
    tpu.barrier barrier_id(%barrier3A_24)
    %mul3A_25 = arith.constant 50048 : i32
    %mul3A_26 = arith.muli %arg0, %mul3A_25 : i32
    %mul3A_27 = arith.constant 3128 : i32
    %mul3A_28 = arith.muli %arg1, %mul3A_27 : i32
    %add3A_29 = arith.addi %mul3A_26, %mul3A_28 : i32
    "tpu.region"() ({
      %run_scoped3A = tpu.sem_alloc : memref<!tpu.dma_semaphore, #tpu.memory_space<semaphore_mem>>
      %dma_start3A_30 = arith.constant 0 : i32
      %dma_start3A_31 = tpu.memref_slice %arg5[%add3A_29, %dma_start3A_30] : memref<100096x8xf32, #tpu.memory_space<hbm>> -> memref<3128x8xf32, #tpu.memory_space<hbm>>
      %dma_start3A_32 = arith.constant 0 : i32
      %dma_start3A_33 = tpu.memref_slice %arg6[%multiple_of3A, %dma_start3A_32] : memref<50048x8xf32, #tpu.memory_space<vmem_shared>> -> memref<3128x8xf32, #tpu.memory_space<vmem_shared>>
      tpu.enqueue_dma source(%dma_start3A_33 : memref<3128x8xf32, #tpu.memory_space<vmem_shared>>) target(%dma_start3A_31 : memref<3128x8xf32, #tpu.memory_space<hbm>>) target_semaphore(%run_scoped3A : memref<!tpu.dma_semaphore, #tpu.memory_space<semaphore_mem>>)
      %dma_wait3A_34 = arith.constant 0 : i32
      %dma_wait3A_35 = tpu.memref_slice %arg5[%add3A_29, %dma_wait3A_34] : memref<100096x8xf32, #tpu.memory_space<hbm>> -> memref<3128x8xf32, #tpu.memory_space<hbm>>
      %dma_wait3A_36 = arith.constant 0 : i32
      %dma_wait3A_37 = tpu.memref_slice %arg6[%multiple_of3A, %dma_wait3A_36] : memref<50048x8xf32, #tpu.memory_space<vmem_shared>> -> memref<3128x8xf32, #tpu.memory_space<vmem_shared>>
      tpu.wait_dma2 semaphore(%run_scoped3A : memref<!tpu.dma_semaphore, #tpu.memory_space<semaphore_mem>>) src(%dma_wait3A_37 : memref<3128x8xf32, #tpu.memory_space<vmem_shared>>) dst(%dma_wait3A_35 : memref<3128x8xf32, #tpu.memory_space<hbm>>)
      tpu.yield
    }) : () -> ()
    return
  }
}

module attributes {stable_mosaic.version = 14 : i64} {
  func.func @_tc_pre(%arg0: i32, %arg1: memref<3128x64xf32, #tpu.memory_space<vmem>>, %arg2: memref<3128x64xf32, #tpu.memory_space<vmem>>, %arg3: memref<64x64xf32, #tpu.memory_space<vmem>>, %arg4: memref<1x64xf32, #tpu.memory_space<vmem>>, %arg5: memref<64x64xf32, #tpu.memory_space<vmem>>, %arg6: memref<64x64xf32, #tpu.memory_space<vmem>>, %arg7: memref<64x128xf32, #tpu.memory_space<vmem>>, %arg8: memref<1x64xf32, #tpu.memory_space<vmem>>, %arg9: memref<4x3128x32xf32, #tpu.memory_space<vmem>>, %arg10: memref<64x64xf32, #tpu.memory_space<vmem>>, %arg11: memref<1x64xf32, #tpu.memory_space<vmem>>) attributes {dimension_semantics = [#tpu.dimension_semantics<arbitrary>], iteration_bounds = array<i64: 16>, scalar_prefetch = 0 : i64, scratch_operands = 0 : i64, tpu.core_type = #tpu.core_type<tc>, window_params = [{transform_indices = @transform_0, window_bounds = array<i64: 3128, 64>}, {transform_indices = @transform_1, window_bounds = array<i64: 3128, 64>}, {pipeline_mode = #tpu.pipeline_mode<synchronous>, transform_indices = @transform_2, window_bounds = array<i64: 64, 64>}, {pipeline_mode = #tpu.pipeline_mode<synchronous>, transform_indices = @transform_3, window_bounds = array<i64: 1, 64>}, {pipeline_mode = #tpu.pipeline_mode<synchronous>, transform_indices = @transform_4, window_bounds = array<i64: 64, 64>}, {pipeline_mode = #tpu.pipeline_mode<synchronous>, transform_indices = @transform_5, window_bounds = array<i64: 64, 64>}, {pipeline_mode = #tpu.pipeline_mode<synchronous>, transform_indices = @transform_6, window_bounds = array<i64: 64, 128>}, {pipeline_mode = #tpu.pipeline_mode<synchronous>, transform_indices = @transform_7, window_bounds = array<i64: 1, 64>}, {transform_indices = @transform_8, window_bounds = array<i64: 4, 3128, 32>}, {pipeline_mode = #tpu.pipeline_mode<synchronous>, transform_indices = @transform_9, window_bounds = array<i64: 64, 64>}, {pipeline_mode = #tpu.pipeline_mode<synchronous>, transform_indices = @transform_10, window_bounds = array<i64: 1, 64>}]} {
    %get3A = arith.constant 0 : index
    %get3A_0 = arith.constant 0 : index
    %get3A_1 = vector.load %arg1[%get3A, %get3A_0] : memref<3128x64xf32, #tpu.memory_space<vmem>>, vector<3128x64xf32>
    %get3A_2 = arith.constant 0 : index
    %get3A_3 = arith.constant 0 : index
    %get3A_4 = vector.load %arg2[%get3A_2, %get3A_3] : memref<3128x64xf32, #tpu.memory_space<vmem>>, vector<3128x64xf32>
    %get3A_5 = arith.constant 0 : index
    %get3A_6 = arith.constant 0 : index
    %get3A_7 = vector.load %arg3[%get3A_5, %get3A_6] : memref<64x64xf32, #tpu.memory_space<vmem>>, vector<64x64xf32>
    %transpose3A = tpu.transpose %get3A_7, [1, 0] : vector<64x64xf32> -> vector<64x64xf32>
    %dot_general3A = arith.constant dense<0.000000e+00> : vector<3128x64xf32>
    %dot_general3A_8 = tpu.matmul %get3A_1, %transpose3A, %dot_general3A {dimension_numbers = #tpu.dot_dimension_numbers<[1], [0], [0], [1], [0, 0, 1, 1], [], []>, transpose_lhs_hint = false} : vector<3128x64xf32>, vector<64x64xf32>, vector<3128x64xf32> -> vector<3128x64xf32>
    %get3A_9 = arith.constant 0 : index
    %get3A_10 = arith.constant 0 : index
    %get3A_11 = vector.load %arg4[%get3A_9, %get3A_10] : memref<1x64xf32, #tpu.memory_space<vmem>>, vector<1x64xf32>
    %add3A = vector.broadcast %get3A_11 : vector<1x64xf32> to vector<3128x64xf32>
    %add3A_12 = arith.addf %dot_general3A_8, %add3A : vector<3128x64xf32>
    %get3A_13 = arith.constant 0 : index
    %get3A_14 = arith.constant 0 : index
    %get3A_15 = vector.load %arg5[%get3A_13, %get3A_14] : memref<64x64xf32, #tpu.memory_space<vmem>>, vector<64x64xf32>
    %transpose3A_16 = tpu.transpose %get3A_15, [1, 0] : vector<64x64xf32> -> vector<64x64xf32>
    %dot_general3A_17 = arith.constant dense<0.000000e+00> : vector<3128x64xf32>
    %dot_general3A_18 = tpu.matmul %get3A_4, %transpose3A_16, %dot_general3A_17 {dimension_numbers = #tpu.dot_dimension_numbers<[1], [0], [0], [1], [0, 0, 1, 1], [], []>, transpose_lhs_hint = false} : vector<3128x64xf32>, vector<64x64xf32>, vector<3128x64xf32> -> vector<3128x64xf32>
    %slice3A = vector.extract_strided_slice %add3A_12 {offsets = [0, 0], sizes = [3128, 32], strides = [1, 1]} : vector<3128x64xf32> to vector<3128x32xf32>
    %swap3A = arith.constant 0 : index
    %swap3A_19 = arith.constant 0 : index
    %swap3A_20 = arith.constant 0 : index
    %swap3A_21 = vector.load %arg9[%swap3A, %swap3A_19, %swap3A_20] : memref<4x3128x32xf32, #tpu.memory_space<vmem>>, vector<1x3128x32xf32>
    %swap3A_22 = vector.shape_cast %swap3A_21 : vector<1x3128x32xf32> to vector<3128x32xf32>
    %swap3A_23 = vector.shape_cast %slice3A : vector<3128x32xf32> to vector<1x3128x32xf32>
    tpu.vector_store %arg9[%swap3A, %swap3A_19, %swap3A_20], %swap3A_23 {strides = array<i32>} : memref<4x3128x32xf32, #tpu.memory_space<vmem>>, vector<1x3128x32xf32>,
    %slice3A_24 = vector.extract_strided_slice %add3A_12 {offsets = [0, 32], sizes = [3128, 32], strides = [1, 1]} : vector<3128x64xf32> to vector<3128x32xf32>
    %swap3A_25 = arith.constant 1 : index
    %swap3A_26 = arith.constant 0 : index
    %swap3A_27 = arith.constant 0 : index
    %swap3A_28 = vector.load %arg9[%swap3A_25, %swap3A_26, %swap3A_27] : memref<4x3128x32xf32, #tpu.memory_space<vmem>>, vector<1x3128x32xf32>
    %swap3A_29 = vector.shape_cast %swap3A_28 : vector<1x3128x32xf32> to vector<3128x32xf32>
    %swap3A_30 = vector.shape_cast %slice3A_24 : vector<3128x32xf32> to vector<1x3128x32xf32>
    tpu.vector_store %arg9[%swap3A_25, %swap3A_26, %swap3A_27], %swap3A_30 {strides = array<i32>} : memref<4x3128x32xf32, #tpu.memory_space<vmem>>, vector<1x3128x32xf32>,
    %slice3A_31 = vector.extract_strided_slice %dot_general3A_18 {offsets = [0, 0], sizes = [3128, 32], strides = [1, 1]} : vector<3128x64xf32> to vector<3128x32xf32>
    %swap3A_32 = arith.constant 2 : index
    %swap3A_33 = arith.constant 0 : index
    %swap3A_34 = arith.constant 0 : index
    %swap3A_35 = vector.load %arg9[%swap3A_32, %swap3A_33, %swap3A_34] : memref<4x3128x32xf32, #tpu.memory_space<vmem>>, vector<1x3128x32xf32>
    %swap3A_36 = vector.shape_cast %swap3A_35 : vector<1x3128x32xf32> to vector<3128x32xf32>
    %swap3A_37 = vector.shape_cast %slice3A_31 : vector<3128x32xf32> to vector<1x3128x32xf32>
    tpu.vector_store %arg9[%swap3A_32, %swap3A_33, %swap3A_34], %swap3A_37 {strides = array<i32>} : memref<4x3128x32xf32, #tpu.memory_space<vmem>>, vector<1x3128x32xf32>,
    %slice3A_38 = vector.extract_strided_slice %dot_general3A_18 {offsets = [0, 32], sizes = [3128, 32], strides = [1, 1]} : vector<3128x64xf32> to vector<3128x32xf32>
    %swap3A_39 = arith.constant 3 : index
    %swap3A_40 = arith.constant 0 : index
    %swap3A_41 = arith.constant 0 : index
    %swap3A_42 = vector.load %arg9[%swap3A_39, %swap3A_40, %swap3A_41] : memref<4x3128x32xf32, #tpu.memory_space<vmem>>, vector<1x3128x32xf32>
    %swap3A_43 = vector.shape_cast %swap3A_42 : vector<1x3128x32xf32> to vector<3128x32xf32>
    %swap3A_44 = vector.shape_cast %slice3A_38 : vector<3128x32xf32> to vector<1x3128x32xf32>
    tpu.vector_store %arg9[%swap3A_39, %swap3A_40, %swap3A_41], %swap3A_44 {strides = array<i32>} : memref<4x3128x32xf32, #tpu.memory_space<vmem>>, vector<1x3128x32xf32>,
    %eq3A = arith.constant 0 : i32
    %eq3A_45 = arith.cmpi eq, %arg0, %eq3A : i32
    %convert_element_type3A = arith.extui %eq3A_45 : i1 to i32
    %cond3A = arith.constant 0 : i32
    %cond3A_46 = arith.cmpi ne, %convert_element_type3A, %cond3A : i32
    scf.if %cond3A_46 {
      %get3A_47 = arith.constant 0 : index
      %get3A_48 = arith.constant 0 : index
      %get3A_49 = vector.load %arg7[%get3A_47, %get3A_48] : memref<64x128xf32, #tpu.memory_space<vmem>>, vector<64x64xf32>
      %get3A_50 = arith.constant 0 : index
      %get3A_51 = arith.constant 0 : index
      %get3A_52 = vector.load %arg6[%get3A_50, %get3A_51] : memref<64x64xf32, #tpu.memory_space<vmem>>, vector<64x64xf32>
      %dot_general3A_53 = arith.constant dense<0.000000e+00> : vector<64x64xf32>
      %dot_general3A_54 = tpu.matmul %get3A_49, %get3A_52, %dot_general3A_53 {dimension_numbers = #tpu.dot_dimension_numbers<[1], [0], [0], [1], [0, 0, 1, 1], [], []>, transpose_lhs_hint = false} : vector<64x64xf32>, vector<64x64xf32>, vector<64x64xf32> -> vector<64x64xf32>
      %swap3A_55 = arith.constant 0 : index
      %swap3A_56 = arith.constant 0 : index
      %swap3A_57 = vector.load %arg10[%swap3A_55, %swap3A_56] : memref<64x64xf32, #tpu.memory_space<vmem>>, vector<64x64xf32>
      tpu.vector_store %arg10[%swap3A_55, %swap3A_56], %dot_general3A_54 {strides = array<i32>} : memref<64x64xf32, #tpu.memory_space<vmem>>, vector<64x64xf32>,
      %get3A_58 = arith.constant 0 : index
      %get3A_59 = arith.constant 0 : index
      %get3A_60 = vector.load %arg8[%get3A_58, %get3A_59] : memref<1x64xf32, #tpu.memory_space<vmem>>, vector<1x64xf32>
      %transpose3A_61 = tpu.transpose %get3A_49, [1, 0] : vector<64x64xf32> -> vector<64x64xf32>
      %dot_general3A_62 = arith.constant dense<0.000000e+00> : vector<1x64xf32>
      %dot_general3A_63 = tpu.matmul %get3A_60, %transpose3A_61, %dot_general3A_62 {dimension_numbers = #tpu.dot_dimension_numbers<[1], [0], [0], [1], [0, 0, 1, 1], [], []>, transpose_lhs_hint = false} : vector<1x64xf32>, vector<64x64xf32>, vector<1x64xf32> -> vector<1x64xf32>
      %swap3A_64 = arith.constant 0 : index
      %swap3A_65 = arith.constant 0 : index
      %swap3A_66 = vector.load %arg11[%swap3A_64, %swap3A_65] : memref<1x64xf32, #tpu.memory_space<vmem>>, vector<1x64xf32>
      tpu.vector_store %arg11[%swap3A_64, %swap3A_65], %dot_general3A_63 {strides = array<i32>} : memref<1x64xf32, #tpu.memory_space<vmem>>, vector<1x64xf32>,
    } else {
    }
    return
  }
  func.func @transform_0(%arg0: i32) -> (i32, i32) {
    %c0_i32 = arith.constant 0 : i32
    %c0_i32_0 = arith.constant 0 : i32
    return %arg0, %c0_i32 : i32, i32
  }
  func.func @transform_1(%arg0: i32) -> (i32, i32) {
    %c0_i32 = arith.constant 0 : i32
    %c0_i32_0 = arith.constant 0 : i32
    return %arg0, %c0_i32 : i32, i32
  }
  func.func @transform_2(%arg0: i32) -> (i32, i32) {
    %c0_i32 = arith.constant 0 : i32
    %c0_i32_0 = arith.constant 0 : i32
    %c0_i32_1 = arith.constant 0 : i32
    return %c0_i32, %c0_i32_0 : i32, i32
  }
  func.func @transform_3(%arg0: i32) -> (i32, i32) {
    %c0_i32 = arith.constant 0 : i32
    %c0_i32_0 = arith.constant 0 : i32
    %c0_i32_1 = arith.constant 0 : i32
    return %c0_i32, %c0_i32_0 : i32, i32
  }
  func.func @transform_4(%arg0: i32) -> (i32, i32) {
    %c0_i32 = arith.constant 0 : i32
    %c0_i32_0 = arith.constant 0 : i32
    %c0_i32_1 = arith.constant 0 : i32
    return %c0_i32, %c0_i32_0 : i32, i32
  }
  func.func @transform_5(%arg0: i32) -> (i32, i32) {
    %c0_i32 = arith.constant 0 : i32
    %c0_i32_0 = arith.constant 0 : i32
    %c0_i32_1 = arith.constant 0 : i32
    return %c0_i32, %c0_i32_0 : i32, i32
  }
  func.func @transform_6(%arg0: i32) -> (i32, i32) {
    %c0_i32 = arith.constant 0 : i32
    %c0_i32_0 = arith.constant 0 : i32
    %c0_i32_1 = arith.constant 0 : i32
    return %c0_i32, %c0_i32_0 : i32, i32
  }
  func.func @transform_7(%arg0: i32) -> (i32, i32) {
    %c0_i32 = arith.constant 0 : i32
    %c0_i32_0 = arith.constant 0 : i32
    %c0_i32_1 = arith.constant 0 : i32
    return %c0_i32, %c0_i32_0 : i32, i32
  }
  func.func @transform_8(%arg0: i32) -> (i32, i32, i32) {
    %c0_i32 = arith.constant 0 : i32
    %c0_i32_0 = arith.constant 0 : i32
    %c0_i32_1 = arith.constant 0 : i32
    return %c0_i32, %arg0, %c0_i32_0 : i32, i32, i32
  }
  func.func @transform_9(%arg0: i32) -> (i32, i32) {
    %c0_i32 = arith.constant 0 : i32
    %c0_i32_0 = arith.constant 0 : i32
    %c0_i32_1 = arith.constant 0 : i32
    return %c0_i32, %c0_i32_0 : i32, i32
  }
  func.func @transform_10(%arg0: i32) -> (i32, i32) {
    %c0_i32 = arith.constant 0 : i32
    %c0_i32_0 = arith.constant 0 : i32
    %c0_i32_1 = arith.constant 0 : i32
    return %c0_i32, %c0_i32_0 : i32, i32
  }
}

module attributes {stable_mosaic.version = 14 : i64} {
  func.func @_tc_post(%arg0: i32, %arg1: memref<2x3128x32xf32, #tpu.memory_space<vmem>>, %arg2: memref<2x3128x8xf32, #tpu.memory_space<vmem>>, %arg3: memref<3128x64xf32, #tpu.memory_space<vmem>>, %arg4: memref<64x64xf32, #tpu.memory_space<vmem>>, %arg5: memref<1x64xf32, #tpu.memory_space<vmem>>, %arg6: memref<64x128xf32, #tpu.memory_space<vmem>>, %arg7: memref<1x64xf32, #tpu.memory_space<vmem>>, %arg8: memref<3128x64xf32, #tpu.memory_space<vmem>>) attributes {dimension_semantics = [#tpu.dimension_semantics<arbitrary>], iteration_bounds = array<i64: 16>, scalar_prefetch = 0 : i64, scratch_operands = 0 : i64, tpu.core_type = #tpu.core_type<tc>, window_params = [{transform_indices = @transform_0, window_bounds = array<i64: 2, 3128, 32>}, {transform_indices = @transform_1, window_bounds = array<i64: 2, 3128, 8>}, {transform_indices = @transform_2, window_bounds = array<i64: 3128, 64>}, {pipeline_mode = #tpu.pipeline_mode<synchronous>, transform_indices = @transform_3, window_bounds = array<i64: 64, 64>}, {pipeline_mode = #tpu.pipeline_mode<synchronous>, transform_indices = @transform_4, window_bounds = array<i64: 1, 64>}, {pipeline_mode = #tpu.pipeline_mode<synchronous>, transform_indices = @transform_5, window_bounds = array<i64: 64, 128>}, {pipeline_mode = #tpu.pipeline_mode<synchronous>, transform_indices = @transform_6, window_bounds = array<i64: 1, 64>}, {transform_indices = @transform_7, window_bounds = array<i64: 3128, 64>}]} {
    %get3A = arith.constant 0 : index
    %get3A_0 = arith.constant 0 : index
    %get3A_1 = arith.constant 0 : index
    %get3A_2 = vector.load %arg1[%get3A, %get3A_0, %get3A_1] : memref<2x3128x32xf32, #tpu.memory_space<vmem>>, vector<1x3128x32xf32>
    %get3A_3 = vector.shape_cast %get3A_2 : vector<1x3128x32xf32> to vector<3128x32xf32>
    %get3A_4 = arith.constant 1 : index
    %get3A_5 = arith.constant 0 : index
    %get3A_6 = arith.constant 0 : index
    %get3A_7 = vector.load %arg1[%get3A_4, %get3A_5, %get3A_6] : memref<2x3128x32xf32, #tpu.memory_space<vmem>>, vector<1x3128x32xf32>
    %get3A_8 = vector.shape_cast %get3A_7 : vector<1x3128x32xf32> to vector<3128x32xf32>
    %get3A_9 = arith.constant 0 : index
    %get3A_10 = arith.constant 0 : index
    %get3A_11 = vector.load %arg4[%get3A_9, %get3A_10] : memref<64x64xf32, #tpu.memory_space<vmem>>, vector<64x64xf32>
    %slice3A = vector.extract_strided_slice %get3A_11 {offsets = [0, 0], sizes = [64, 32], strides = [1, 1]} : vector<64x64xf32> to vector<64x32xf32>
    %transpose3A = tpu.transpose %slice3A, [1, 0] : vector<64x32xf32> -> vector<32x64xf32>
    %dot_general3A = arith.constant dense<0.000000e+00> : vector<3128x64xf32>
    %dot_general3A_12 = tpu.matmul %get3A_3, %transpose3A, %dot_general3A {dimension_numbers = #tpu.dot_dimension_numbers<[1], [0], [0], [1], [0, 0, 1, 1], [], []>, transpose_lhs_hint = false} : vector<3128x32xf32>, vector<32x64xf32>, vector<3128x64xf32> -> vector<3128x64xf32>
    %slice3A_13 = vector.extract_strided_slice %get3A_11 {offsets = [0, 32], sizes = [64, 32], strides = [1, 1]} : vector<64x64xf32> to vector<64x32xf32>
    %transpose3A_14 = tpu.transpose %slice3A_13, [1, 0] : vector<64x32xf32> -> vector<32x64xf32>
    %dot_general3A_15 = arith.constant dense<0.000000e+00> : vector<3128x64xf32>
    %dot_general3A_16 = tpu.matmul %get3A_8, %transpose3A_14, %dot_general3A_15 {dimension_numbers = #tpu.dot_dimension_numbers<[1], [0], [0], [1], [0, 0, 1, 1], [], []>, transpose_lhs_hint = false} : vector<3128x32xf32>, vector<32x64xf32>, vector<3128x64xf32> -> vector<3128x64xf32>
    %add3A = arith.addf %dot_general3A_12, %dot_general3A_16 : vector<3128x64xf32>
    %get3A_17 = arith.constant 0 : index
    %get3A_18 = arith.constant 0 : index
    %get3A_19 = arith.constant 0 : index
    %get3A_20 = vector.load %arg2[%get3A_17, %get3A_18, %get3A_19] : memref<2x3128x8xf32, #tpu.memory_space<vmem>>, vector<1x3128x1xf32>
    %get3A_21 = vector.shape_cast %get3A_20 : vector<1x3128x1xf32> to vector<3128x1xf32>
    %get3A_22 = arith.constant 1 : index
    %get3A_23 = arith.constant 0 : index
    %get3A_24 = arith.constant 0 : index
    %get3A_25 = vector.load %arg2[%get3A_22, %get3A_23, %get3A_24] : memref<2x3128x8xf32, #tpu.memory_space<vmem>>, vector<1x3128x1xf32>
    %get3A_26 = vector.shape_cast %get3A_25 : vector<1x3128x1xf32> to vector<3128x1xf32>
    %add3A_27 = arith.addf %get3A_21, %get3A_26 : vector<3128x1xf32>
    %get3A_28 = arith.constant 0 : index
    %get3A_29 = arith.constant 0 : index
    %get3A_30 = vector.load %arg5[%get3A_28, %get3A_29] : memref<1x64xf32, #tpu.memory_space<vmem>>, vector<1x64xf32>
    %mul3A = vector.broadcast %add3A_27 : vector<3128x1xf32> to vector<3128x64xf32>
    %mul3A_31 = vector.broadcast %get3A_30 : vector<1x64xf32> to vector<3128x64xf32>
    %mul3A_32 = arith.mulf %mul3A, %mul3A_31 : vector<3128x64xf32>
    %add3A_33 = arith.addf %add3A, %mul3A_32 : vector<3128x64xf32>
    %get3A_34 = arith.constant 0 : index
    %get3A_35 = arith.constant 0 : index
    %get3A_36 = vector.load %arg3[%get3A_34, %get3A_35] : memref<3128x64xf32, #tpu.memory_space<vmem>>, vector<3128x64xf32>
    %get3A_37 = arith.constant 0 : index
    %get3A_38 = arith.constant 64 : index
    %get3A_39 = vector.load %arg6[%get3A_37, %get3A_38] : memref<64x128xf32, #tpu.memory_space<vmem>>, vector<64x64xf32>
    %transpose3A_40 = tpu.transpose %get3A_39, [1, 0] : vector<64x64xf32> -> vector<64x64xf32>
    %dot_general3A_41 = arith.constant dense<0.000000e+00> : vector<3128x64xf32>
    %dot_general3A_42 = tpu.matmul %get3A_36, %transpose3A_40, %dot_general3A_41 {dimension_numbers = #tpu.dot_dimension_numbers<[1], [0], [0], [1], [0, 0, 1, 1], [], []>, transpose_lhs_hint = false} : vector<3128x64xf32>, vector<64x64xf32>, vector<3128x64xf32> -> vector<3128x64xf32>
    %add3A_43 = arith.addf %add3A_33, %dot_general3A_42 : vector<3128x64xf32>
    %get3A_44 = arith.constant 0 : index
    %get3A_45 = arith.constant 0 : index
    %get3A_46 = vector.load %arg7[%get3A_44, %get3A_45] : memref<1x64xf32, #tpu.memory_space<vmem>>, vector<1x64xf32>
    %add3A_47 = vector.broadcast %get3A_46 : vector<1x64xf32> to vector<3128x64xf32>
    %add3A_48 = arith.addf %add3A_43, %add3A_47 : vector<3128x64xf32>
    %swap3A = arith.constant 0 : index
    %swap3A_49 = arith.constant 0 : index
    %swap3A_50 = vector.load %arg8[%swap3A, %swap3A_49] : memref<3128x64xf32, #tpu.memory_space<vmem>>, vector<3128x64xf32>
    tpu.vector_store %arg8[%swap3A, %swap3A_49], %add3A_48 {strides = array<i32>} : memref<3128x64xf32, #tpu.memory_space<vmem>>, vector<3128x64xf32>,
    return
  }
  func.func @transform_0(%arg0: i32) -> (i32, i32, i32) {
    %c0_i32 = arith.constant 0 : i32
    %c0_i32_0 = arith.constant 0 : i32
    %c0_i32_1 = arith.constant 0 : i32
    return %c0_i32, %arg0, %c0_i32_0 : i32, i32, i32
  }
  func.func @transform_1(%arg0: i32) -> (i32, i32, i32) {
    %c0_i32 = arith.constant 0 : i32
    %c0_i32_0 = arith.constant 0 : i32
    %c0_i32_1 = arith.constant 0 : i32
    return %c0_i32, %arg0, %c0_i32_0 : i32, i32, i32
  }
  func.func @transform_2(%arg0: i32) -> (i32, i32) {
    %c0_i32 = arith.constant 0 : i32
    %c0_i32_0 = arith.constant 0 : i32
    return %arg0, %c0_i32 : i32, i32
  }
  func.func @transform_3(%arg0: i32) -> (i32, i32) {
    %c0_i32 = arith.constant 0 : i32
    %c0_i32_0 = arith.constant 0 : i32
    %c0_i32_1 = arith.constant 0 : i32
    return %c0_i32, %c0_i32_0 : i32, i32
  }
  func.func @transform_4(%arg0: i32) -> (i32, i32) {
    %c0_i32 = arith.constant 0 : i32
    %c0_i32_0 = arith.constant 0 : i32
    %c0_i32_1 = arith.constant 0 : i32
    return %c0_i32, %c0_i32_0 : i32, i32
  }
  func.func @transform_5(%arg0: i32) -> (i32, i32) {
    %c0_i32 = arith.constant 0 : i32
    %c0_i32_0 = arith.constant 0 : i32
    %c0_i32_1 = arith.constant 0 : i32
    return %c0_i32, %c0_i32_0 : i32, i32
  }
  func.func @transform_6(%arg0: i32) -> (i32, i32) {
    %c0_i32 = arith.constant 0 : i32
    %c0_i32_0 = arith.constant 0 : i32
    %c0_i32_1 = arith.constant 0 : i32
    return %c0_i32, %c0_i32_0 : i32, i32
  }
  func.func @transform_7(%arg0: i32) -> (i32, i32) {
    %c0_i32 = arith.constant 0 : i32
    %c0_i32_0 = arith.constant 0 : i32
    return %arg0, %c0_i32 : i32, i32
  }
}

</mosaic_0001>

<sc_bundles>
// kernel: kernel.6.cloned.1.call-start
scs
__scs_entry_jumppad:
0x0: {  	(pc) =	sbr.rel $0x88, $3  }
0x1: {  	(tag) =	ssettag $0x0;
	lr =	simm.s32 $0x1  }
0x2: {  	[smem:$0x3F95] =	sst lr;
	_ =	strace $0xD0000000  }
0x3: {  	_ = 	snop  }
0x4: {  	_ = 	snop  }
0x5: {  	_ = 	snop  }
0x6: {  	_ = 	snop  }
0x7: {  	_ = 	snop  }
__scs_overlays_trampoline_lowered:
0x8: {  	[smem:$0x3FA4] =	sst s0  }
0x9: {  	[smem:$0x3FA5] =	sst s1  }
0xa: {  	[smem:$0x3FA6] =	sst s2  }
0xb: {  	[smem:$0x3FA7] =	sst s3  }
0xc: {  	[smem:$0x3FA8] =	sst s4  }
0xd: {  	[smem:$0x3FA9] =	sst s5  }
0xe: {  	[smem:$0x3FAA] =	sst s6  }
0xf: {  	[smem:$0x3FAB] =	sst s7  }
0x10: {  	[smem:$0x3FAC] =	sst s8  }
0x11: {  	[smem:$0x3FAD] =	sst s9;
	s0 =	simm.s32 @!p0 $0x0  }
0x12: {  	s1 =	sld [smem:$0x3F93];
	s0 =	simm.s32 @p0 $0x1  }
0x13: {  	[smem:$0x3FAE] =	sst s0;
	s0 =	simm.s32 @!p1 $0x0  }
0x14: {  	s2 =	sld [smem:$0x3F92];
	s0 =	simm.s32 @p1 $0x1  }
0x15: {  	[smem:$0x3FAF] =	sst s0;
	s0 =	simm.s32 @!p2 $0x0  }
0x16: {  	s3 =	sld [smem:$0x3FDB];
	s0 =	simm.s32 @p2 $0x1  }
0x17: {  	s4 =	simm.s32 $0x1BF5;
	[smem:$0x3FB1] =	sst s0  }
0x18: {  	s0 =	sld [smem:$0x3F94];
	_ =	swait.ge [sflag:s4], $0x0  }
0x19: {  	s7 =	sld [smem:$0x3F95]  }
0x1a: {  	s8 =	sadd.s32 $0xFFFFE003, lr  }
0x1b: {  	s9 =	sadd.s32 $0xFFFFFEF7, lr;
	s5 =	simm.s32 $0xFFFFFFFF;
	p2 =	slt.u32 s8, $0xFFFFF086  }
0x1c: {  	p1 =	slt.u32 s9, $0xF7A;
	s5 =	simm.s32 @!p2 $0x0  }
0x1d: {  	s5 =	simm.s32 @p1 $0x1;
	p0 =	seq.s32 s7, s2  }
0x1e: {  	s7 =	smul.u32 @!p0 $0xF7A, s2;
	p2 =	seq.s32 @!p0 s5, $0x0  }
0x1f: {  	s9 =	smul.u32 $0xF7A, s1;
	s8 =	simm.s32 @!p0 $0x1BF5;
	p2 =	por !p2, p0  }
0x20: {  	[sflag:s8] =	ssyncset.s32 @!p0 $0xFFFFF086;
	s6 =	sadd.s32 @!p0 s3, s7;
	s7 =	simm.s32 @!p0 $0x108  }
0x21: {  	s3 =	sadd.s32 s3, s9;
	s6 =	sadd.s32 @!p0 $0x88, s6;
	s7 =	simm.s32 @p2 $0x1082  }
0x22: {  	[simem:s7], [sflag:s8] =	dma.local @!p0 [hbm:s6], $0xF7A  }
0x23: {  	s9 =	sor.u32 $0xD0000000, s2;
	s6 =	simm.s32 $0x108;
	_ =	swait.ge @!p0 [sflag:s8], $0x0  }
0x24: {  	s3 =	sadd.s32 $0x88, s3;
	s6 =	simm.s32 @!p1 $0x1082;
	[sflag:s4] =	ssyncset.s32 $0xFFFFF086  }
0x25: {  	[simem:s6], [sflag:s4] =	dma.local [hbm:s3], $0xF7A  }
0x26: {  	[smem:$0x3F95] =	sst s1;
	(tag) =	ssettag s2;
	_ =	strace s9  }
0x27: {  	s1 =	sld [smem:$0x3FA5]  }
0x28: {  	s2 =	sld [smem:$0x3FA6]  }
0x29: {  	s4 =	sld [smem:$0x3FA8]  }
0x2a: {  	p0 =	seq.s32 s5, $0x0;
	s5 =	sld [smem:$0x3FA9]  }
0x2b: {  	s6 =	sld [smem:$0x3FAA]  }
0x2c: {  	s7 =	sld [smem:$0x3FAB]  }
0x2d: {  	s3 =	simm.s32 $0x108;
	s8 =	sld [smem:$0x3FAC]  }
0x2e: {  	s3 =	simm.s32 @!p0 $0x1082;
	s9 =	sld [smem:$0x3FAD]  }
0x2f: {  	lr =	sadd.s32 s0, s3;
	s0 =	sld [smem:$0x3FA4]  }
0x30: {  	s3 =	sld [smem:$0x3FA7]  }
0x31: {  	[smem:$0x3FB0] =	sst s10  }
0x32: {  	s10 =	sld [smem:$0x3FAE];
	_ =	sdelay $0x3  }
0x33: {  	p0 =	seq.s32 s10, $0x1;
	s10 =	sld [smem:$0x3FB0];
	_ =	sdelay $0x3  }
0x34: {  	[smem:$0x3FB0] =	sst s10  }
0x35: {  	s10 =	sld [smem:$0x3FAF];
	_ =	sdelay $0x3  }
0x36: {  	p1 =	seq.s32 s10, $0x1;
	s10 =	sld [smem:$0x3FB0];
	_ =	sdelay $0x3  }
0x37: {  	[smem:$0x3FB0] =	sst s10  }
0x38: {  	s10 =	sld [smem:$0x3FB1]  }
0x39: {  	_ = 	snop;
	(pc) =	sbr.ind lr, $3  }
0x3a: {  	_ = 	snop  }
0x3b: {  	_ = 	snop  }
0x3c: {  	p2 =	seq.s32 s10, $0x1;
	s10 =	sld [smem:$0x3FB0]  }
0x3d: {  	_ =	shalt  }
0x3e: {  	_ =	shalt  }
0x3f: {  	_ =	shalt  }
0x40: {  	_ =	shalt  }
0x41: {  	_ =	shalt  }
0x42: {  	_ =	shalt  }
0x43: {  	_ =	shalt  }
0x44: {  	_ =	shalt  }
0x45: {  	_ =	shalt  }
0x46: {  	_ =	shalt  }
0x47: {  	_ =	shalt  }
0x48: {  	_ =	shalt  }
0x49: {  	_ =	shalt  }
0x4a: {  	_ =	shalt  }
0x4b: {  	_ =	shalt  }
0x4c: {  	_ =	shalt  }
0x4d: {  	_ =	shalt  }
0x4e: {  	_ =	shalt  }
0x4f: {  	_ =	shalt  }
0x50: {  	_ =	shalt  }
0x51: {  	_ =	shalt  }
0x52: {  	_ =	shalt  }
0x53: {  	_ =	shalt  }
0x54: {  	_ =	shalt  }
0x55: {  	_ =	shalt  }
0x56: {  	_ =	shalt  }
0x57: {  	_ =	shalt  }
0x58: {  	_ =	shalt  }
0x59: {  	_ =	shalt  }
0x5a: {  	_ =	shalt  }
0x5b: {  	_ =	shalt  }
0x5c: {  	_ =	shalt  }
0x5d: {  	_ =	shalt  }
0x5e: {  	_ =	shalt  }
0x5f: {  	_ =	shalt  }
0x60: {  	_ =	shalt  }
0x61: {  	_ =	shalt  }
0x62: {  	_ =	shalt  }
0x63: {  	_ =	shalt  }
0x64: {  	_ =	shalt  }
0x65: {  	_ =	shalt  }
0x66: {  	_ =	shalt  }
0x67: {  	_ =	shalt  }
0x68: {  	_ =	shalt  }
0x69: {  	_ =	shalt  }
0x6a: {  	_ =	shalt  }
0x6b: {  	_ =	shalt  }
0x6c: {  	_ =	shalt  }
0x6d: {  	_ =	shalt  }
0x6e: {  	_ =	shalt  }
0x6f: {  	_ =	shalt  }
0x70: {  	_ =	shalt  }
0x71: {  	_ =	shalt  }
0x72: {  	_ =	shalt  }
0x73: {  	_ =	shalt  }
0x74: {  	_ =	shalt  }
0x75: {  	_ =	shalt  }
0x76: {  	_ =	shalt  }
0x77: {  	_ =	shalt  }
0x78: {  	_ =	shalt  }
0x79: {  	_ =	shalt  }
0x7a: {  	_ =	shalt  }
0x7b: {  	_ =	shalt  }
0x7c: {  	_ =	shalt  }
0x7d: {  	_ =	shalt  }
0x7e: {  	_ =	shalt  }
0x7f: {  	_ =	shalt  }
0x80: {  	_ =	shalt  }
0x81: {  	_ =	shalt  }
0x82: {  	_ =	shalt  }
0x83: {  	_ =	shalt  }
0x84: {  	_ =	shalt  }
0x85: {  	_ =	shalt  }
0x86: {  	_ =	shalt  }
0x87: {  	_ =	shalt  }
.Lfunc_end0:
.L_simem_size_0:
called_computation_lowered:
.L_overlay_start_0:
0x88: {  	s2 =	sld [smem:$0x3FD9]  }
0x89: {  	s3 =	sld [smem:$0x3FFE];
	_ =	sdelay $0x1  }
0x8a: {  	s1 =	srdreg.scid  }
0x8b: {  	s0 =	sand.u32 $0x1, s1  }
0x8c: {  	s17 =	sshll.u32 s0, $0xA;
	s2 =	sadd.s32 s3, s2  }
0x8d: {  	s2 =	sadd.s32 s2, s17  }
0x8e: {  	[smem:$0x3FBC] =	sst s2  }
0x8f: {  	_ = 	snop  }
0x90: {  	s2 =	sld [smem:$0x3FC3]  }
0x91: {  	s18 =	sld [smem:$0x3FD0];
	(tm) =	ssettm $0x1  }
0x92: {  	s4 =	sld [smem:$0x3FFB];
	_ =	sdelay $0x3  }
0x93: {  	_ =	strace s4  }
0x94: {  	s4 =	sld [smem:$0x3FFC];
	_ =	sdelay $0x3  }
0x95: {  	_ =	strace s4  }
0x96: {  	s4 =	sld [smem:$0x3FFD];
	_ =	sdelay $0x3  }
0x97: {  	_ =	strace s4  }
0x98: {  	_ =	strace $0x8FFFFFFF  }
0x99: {  	s19 =	sld [smem:$0x3FDB];
	_ =	sdelay $0x1  }
0x9a: {  	s5 =	simm.s32 $_scs_section_size  }
0x9b: {  	s6 =	simm.s32 $_size__tile_overlayer_lowered;
	s7 =	simm.s32 $_tile_overlayer_lowered  }
0x9c: {  	s22 =	simm.s32 $0x1BFF;
	s21 =	sshll.u32 s7, $0x1;
	s4 =	sadd.s32 s5, s19  }
0x9d: {  	s8 =	simm.s32 $0x0;
	s20 =	sshll.u32 s6, $0x1;
	s6 =	sadd.s32 s21, s4  }
0x9e: {  	[timem:s8], [sflag:s22] =	dma.local [hbm:s6], s20  }
0x9f: {  	_ =	swait.ge [sflag:s22], s20  }
0xa0: {  	s5 =	ssub.s32 $0x0, s20;
	[sflag:s22] =	ssyncset.done $0x0  }
0xa1: {  	[sflag:s22] =	ssyncadd.s32 s5;
	_ =	sdelay $0x1  }
0xa2: {  	s23 =	simm.s32 $0x1B8B  }
0xa3: {  	_ =	swait.ge [sflag:s23], $0x1  }
0xa4: {  	[sflag:s23] =	ssyncset.done $0x0  }
0xa5: {  	s25 =	simm.s32 $0x1B8E;
	s24 =	sld [smem:$0x3FFE];
	[sflag:s23] =	ssyncadd.s32 $0xFFFFFFFF  }
0xa6: {  	s26 =	simm.s32 $execute0_lowered;
	[smem:$0x3FD2] =	sst s25  }
0xa7: {  	s6 =	sshll.u32 s26, $0x1;
	_ =	strace $0x80000046;
	[dreg:$0x1] =	wrdreg $0xFFFFFFFF  }
0xa8: {  	s28 =	simm.s32 $_size_execute0_lowered;
	s4 =	sadd.s32 s4, s6;
	[dreg:$0x0] =	wrdreg $0x0  }
0xa9: {  	s6 =	sshll.u32 s28, $0x1;
	[dreg:$0x2] =	wrdreg s4  }
0xaa: {  	[dreg:$0x3] =	wrdreg s6  }
0xab: {  	[dreg:$0x4] =	wrdreg $0xC0  }
0xac: {  	_ =	task [dreg:s8], $0x5FFFF  }
0xad: {  	[dreg:$0x1] =	wrdreg $0xFFFFFFFF  }
0xae: {  	[dreg:$0x0] =	wrdreg $0x60  }
0xaf: {  	[dreg:$0x2] =	wrdreg s24  }
0xb0: {  	[dreg:$0x3] =	wrdreg s18  }
0xb1: {  	[dreg:$0x4] =	wrdreg s2  }
0xb2: {  	[dreg:$0x5] =	wrdreg $0x0  }
0xb3: {  	[dreg:$0x6] =	wrdreg $0x9  }
0xb4: {  	_ =	task.clear_ibuf [dreg:s8], $0x7FFFF;
	_ =	strace $0x90000046  }
0xb5: {  	s29 =	simm.s32 $0x9;
	_ =	strace $0x80000048  }
0xb6: {  	_ =	swait.ge [sflag:s29], $0x1  }
0xb7: {  	[sflag:s29] =	ssyncadd.s32 $0xFFFFFFFF  }
0xb8: {  	_ =	strace $0x90000048  }
0xb9: {  	_ =	sfence  }
0xba: {  	s30 =	sld [smem:$0x0];
	_ =	sdelay $0x2  }
0xbb: {  	s31 =	sshll.u32 s1, $0xD;
	s1 =	sshrl.u32 s1, $0x2  }
0xbc: {  	s3 =	sand.u32 $0x4000, s31;
	s1 =	sadd.s32 s1, s30  }
0xbd: {  	s0 =	sor.u32 s3, s0;
	s1 =	sshll.u32 s1, $0x11  }
0xbe: {  	s0 =	sor.u32 s1, s0  }
0xbf: {  	s0 =	sadd.s32 $0x8F2B, s0  }
0xc0: {  	[sflag:s0] =	ssyncadd.remote.s32 $0x1  }
0xc1: {  	_ =	sfence.sel $0xFFFF  }
0xc2: {  	[dreg:$0x0] =	wrdreg $0xFFFFFFFF;
	(pc) =	sbr.abs _section_cstart, $3  }
0xc3: {  	[dreg:$0x1] =	wrdreg $0xFFFFFFFF  }
0xc4: {  	_ =	task.clear_ibuf [dreg:s8], $0x2FFFF;
	_ =	strace $0x9FFFFFFF  }
0xc5: {  	(tm) =	ssettm $0x7FFFFFFF  }
tec
execute0_lowered:
.L_overlay_start_1:
0x0: {  	(tag) =	ssettag $0x1  }
0x1: {  	s0 =	rddreg [dreg:$0x0]  }
0x2: {  	s2 =	rddreg [dreg:$0x1]  }
0x3: {  	s1 =	rddreg [dreg:$0x2]  }
0x4: {  	s3 =	rddreg [dreg:$0x3]  }
0x5: {  	s15 =	stileid.u32;
	s4 =	simm.s32 $0x0;
	s5 =	srdreg.scid  }
0x6: {  	s28 =	simm.s32 $0x1AB20;
	s31 =	simm.s32 $0x5;
	s29 =	simm.s32 $0x1CB20  }
0x7: {  	s9 =	smul.u32 $0x18700, s15;
	[smem:$0x7FF] =	sst s4;
	s10 =	sand.u32 $0x1, s5  }
0x8: {  	s7 =	smul.u32 $0x30E0, s15;
	s5 =	sadd.s32 $0x189400, s0;
	s6 =	sadd.s32 $0x2C00, s0  }
0x9: {  	s13 =	sshll.u32 s15, $0x6;
	_ =	strace $0x80000047;
	s8 =	smul.u32 $0x30E00, s10  }
0xa: {  	s18 =	ssub.s32 $0x2, s10;
	s17 =	sor.u32 $0x1C0B, s13;
	s19 =	sshll.u32 s10, $0x2  }
0xb: {  	s26 =	smul.u32 $0xC380, s10;
	s13 =	simm.s32 $0x4;
	s11 =	sshrl.u32 s9, $0x3  }
0xc: {  	s12 =	sshrl.u32 s18, $0x1;
	s14 =	sadd.s32 s9, s3;
	s1 =	sadd.s32 s1, s19  }
0xd: {  	[dreg:$0x6] =	wrdreg s17;
	s11 =	sadd.s32 s11, s0;
	s7 =	sadd.s32 s7, s8  }
0xe: {  	s12 =	ssub.s32 s18, s12;
	s8 =	smul.u32 $0x187000, s10;
	[dreg:$0x7] =	wrdreg s1  }
0xf: {  	s10 =	sshrl.u32 s14, $0x3;
	s18 =	simm.s32 $0xB;
	v0 =	vmov s26;
	s26 =	simm.s32 $0x187A0  }
0x10: {  	s14 =	simm.s32 $0x189A0;
	s0 =	sadd.s32 s7, s0;
	s7 =	smul.u32 $0x187, s15  }
0x11: {  	s11 =	sadd.s32 $0x1B400, s11;
	s15 =	smul.u32 $0x1870, s15;
	[dreg:$0xe] =	wrdreg s10  }
0x12: {  	s30 =	smax.u32 s12, $0x1;
	s12 =	simm.s32 $0x8;
	[dreg:$0x5] =	wrdreg s11  }
0x13: {  	s9 =	sadd.s32 s9, s8;
	s0 =	sadd.s32 $0x4C200, s0;
	[dreg:$0xd] =	wrdreg s30  }
0x14: {  	s11 =	simm.s32 $0x6;
	s20 =	sadd.s32 $0x1, s7;
	s9 =	sshrl.u32 s9, $0x3  }
0x15: {  	s23 =	sadd.s32 s6, s15;
	[dreg:$0xc] =	wrdreg s0;
	s0 =	simm.s32 $0x7  }
0x16: {  	s15 =	simm.s32 $0x1DB20;
	s16 =	sshll.u32 s20, $0x8;
	s21 =	sadd.s32 s2, s9  }
0x17: {  	v1 =	vimm.s32 $0x0;
	[dreg:$0x9] =	wrdreg s23;
	s24 =	sshll.u32 s20, $0x4;
	s23 =	simm.s32 $0x1  }
.Ltmp0:
0x18: {  	v2 =	vimm.s32 $0x1;
	v3 =	vimm.s32 $0x2;
	v4 =	vimm.s32 $0x3;
	s20 =	simm.s32 $0x18920;
	[dreg:$0x8] =	wrdreg s21;
	(pc) =	sbr.rel .LBB2_1-.Ltmp0, $4  }
0x19: {  	v5 =	vimm.s32 $0x4;
	v6 =	vimm.s32 $0x5;
	v7 =	vimm.s32 $0x6;
	s22 =	sadd.s32 s8, s16;
	s25 =	sadd.s32 s6, s24;
	s21 =	simm.s32 $0x18720  }
0x1a: {  	v8 =	vimm.s32 $0x7;
	v9 =	vimm.s32 $0x8;
	v10 =	vimm.s32 $0x9;
	s24 =	simm.s32 $0x80;
	s16 =	simm.s32 $0x0;
	s1 =	sshrl.u32 s22, $0x3  }
0x1b: {  	v11 =	vimm.s32 $0xA;
	v12 =	vimm.s32 $0xB;
	v13 =	vimm.s32 $0xC;
	[dreg:$0xb] =	wrdreg s25;
	s22 =	simm.s32 $0x18A20;
	s1 =	sadd.s32 s2, s1  }
0x1c: {  	v14 =	vimm.s32 $0xD;
	v15 =	vimm.s32 $0xE;
	v16 =	vimm.s32 $0xF;
	s25 =	simm.s32 $0x18B20;
	[dreg:$0xa] =	wrdreg s1;
	s1 =	simm.s32 $0x3  }
.LBB2_10:
0x1d: {  	[spmem:s3] =	stream.indirect.scatter.add.f32 [tilespmem:s29], [sflag:$0x9], $0x20, s20, s24, $0xb8;
	[tilespmem:$0x1EB20] =	vst v63  }
0x1e: {  	s9 =	simm.s32 $0xA  }
0x1f: {  	_ =	swait.ge [sflag:s9], $0x1000  }
0x20: {  	[sflag:s9] =	ssyncset.done $0x0  }
0x21: {  	s18 =	simm.s32 $0x9;
	[sflag:s9] =	ssyncadd.s32 $0xFFFFF000  }
0x22: {  	_ =	swait.ge [sflag:s18], $0x1000  }
0x23: {  	[sflag:s18] =	ssyncset.done $0x0  }
0x24: {  	[sflag:s18] =	ssyncadd.s32 $0xFFFFF000  }
0x25: {  	[bflag:$0x0] =	sbarrier.arrive $0xFFFF  }
0x26: {  	s17 =	rddreg [dreg:$0x6]  }
0x27: {  	s19 =	rddreg [dreg:$0xc]  }
0x28: {  	s18 =	simm.s32 $0xB;
	s10 =	rddreg [dreg:$0xe]  }
0x29: {  	[hbm:s19], [sflag:s17] =	dma.local [spmem:s10], $0x30E0  }
0x2a: {  	_ =	swait.ge [sflag:s18], $0x30E0  }
0x2b: {  	s16 =	sadd.s32 $0x1, s16;
	s30 =	rddreg [dreg:$0xd]  }
0x2c: {  	p0 =	sne.s32 s16, s30  }
.Ltmp1:
0x2d: {  	_ = 	snop;
	(pc) =	sbr.rel @!p0 .LBB2_11-.Ltmp1, $3  }
0x2e: {  	_ =	sdelay $0x1  }
0x2f: {  	[sflag:s18] =	ssyncset.done $0x0  }
0x30: {  	[sflag:s18] =	ssyncadd.s32 $0xFFFFCF20  }
.LBB2_1:
0x31: {  	s9 =	rddreg [dreg:$0x5]  }
0x32: {  	[spmem:s10], [sflag:s17] =	dma.local [hbm:s9], $0x30E0  }
0x33: {  	_ =	swait.ge [sflag:s18], $0x30E0  }
0x34: {  	[sflag:s18] =	ssyncset.done $0x0  }
0x35: {  	s19 =	simm.s32 $0x18700;
	s17 =	rddreg [dreg:$0x7];
	[sflag:s18] =	ssyncadd.s32 $0xFFFFCF20  }
0x36: {  	[tilespmem:s19], [sflag:$0xB] =	stream.linear.gather [hbm4b:s17+s4], $0x20, $0x38;
	[tilespmem:$0x1EB20] =	vst v63  }
0x37: {  	_ =	swait.ge [sflag:s18], $0x20  }
0x38: {  	[sflag:s18] =	ssyncset.done $0x0  }
0x39: {  	[sflag:s18] =	ssyncadd.s32 $0xFFFFFFE0  }
0x3a: {  	[bflag:$0x0] =	sbarrier.arrive $0xFFFF  }
0x3b: {  	s30 =	rddreg [dreg:$0x8]  }
0x3c: {  	[tilespmem:s21], [sflag:$0x1] =	stream.linear.gather [hbm4b:s30+s4], $0x100, $0x38;
	[tilespmem:$0x1EB20] =	vst v63  }
0x3d: {  	s10 =	rddreg [dreg:$0x9]  }
0x3e: {  	[tilespmem:s22], [sflag:$0x3] =	stream.linear.gather [hbm4b:s10+s4], $0x80, $0x38;
	[tilespmem:$0x1EB20] =	vst v63  }
0x3f: {  	_ =	swait.ge [sflag:s23], $0x100  }
0x40: {  	[sflag:s23] =	ssyncset.done $0x0  }
0x41: {  	[sflag:s23] =	ssyncadd.s32 $0xFFFFFF00  }
0x42: {  	[tilespmem:s25], [sflag:$0x5] =	stream.indirect.gather [hbm4b:s5+s24], $0x20, s21, s24, $0xb8;
	[tilespmem:$0x1EB20] =	vst v63  }
0x43: {  	_ = 	snop  }
0x44: {  	[tilespmem:s28], [sflag:$0x7] =	stream.indirect.gather [hbm4b:s5+s24], $0x20, s26, s24, $0xb8;
	[tilespmem:$0x1EB20] =	vst v63  }
.Ltmp2:
0x45: {  	_ = 	snop;
	(pc) =	sbr.rel .LBB2_2-.Ltmp2, $4  }
0x46: {  	s18 =	simm.s32 $0x18820;
	s17 =	rddreg [dreg:$0xa]  }
0x47: {  	[tilespmem:s18], [sflag:$0x2] =	stream.linear.gather [hbm4b:s17+s4], $0x100, $0x38;
	[tilespmem:$0x1EB20] =	vst v63  }
0x48: {  	s30 =	simm.s32 $0x18AA0;
	s19 =	rddreg [dreg:$0xb];
	s17 =	simm.s32 $0x0  }
0x49: {  	[tilespmem:s30], [sflag:$0x4] =	stream.linear.gather [hbm4b:s19+s4], $0x80, $0x38;
	[tilespmem:$0x1EB20] =	vst v63  }
.LBB2_9:
0x4a: {  	s17 =	sadd.s32 $0x1, s17  }
.LBB2_2:
0x4b: {  	p0 =	seq.s32 s17, $0x0  }
0x4c: {  	s9 =	simm.s32 @!p0 $0x9  }
0x4d: {  	_ =	swait.ge @!p0 [sflag:s9], $0x1000  }
0x4e: {  	[sflag:s9] =	ssyncset.done @!p0 $0x0  }
0x4f: {  	[sflag:s9] =	ssyncadd.s32 @!p0 $0xFFFFF000  }
0x50: {  	_ =	swait.ge [sflag:s31], $0x1000  }
0x51: {  	[sflag:s31] =	ssyncset.done $0x0  }
0x52: {  	[sflag:s31] =	ssyncadd.s32 $0xFFFFF000  }
0x53: {  	_ =	swait.ge [sflag:s0], $0x1000  }
0x54: {  	p1 =	sgt.u32 s17, $0xC2;
	[sflag:s0] =	ssyncset.done $0x0  }
0x55: {  	s9 =	simm.s32 @!p1 $0x2;
	[sflag:s0] =	ssyncadd.s32 $0xFFFFF000  }
0x56: {  	_ =	swait.ge @!p1 [sflag:s9], $0x100  }
0x57: {  	s10 =	simm.s32 @!p1 $0x18820;
	[sflag:s9] =	ssyncset.done @!p1 $0x0  }
0x58: {  	s18 =	simm.s32 @!p1 $0x19B20;
	[sflag:s9] =	ssyncadd.s32 @!p1 $0xFFFFFF00;
	s9 =	simm.s32 @!p1 $0x80  }
0x59: {  	[tilespmem:s18], [sflag:$0x6] =	stream.indirect.gather @!p1 [hbm4b:s5+s9], $0x20, s10, s9, $0xb8;
	[tilespmem:$0x1EB20] =	vst v63  }
0x5a: {  	s10 =	simm.s32 @!p1 $0x188A0;
	s18 =	simm.s32 @!p1 $0x1BB20  }
0x5b: {  	[tilespmem:s18], [sflag:$0x8] =	stream.indirect.gather @!p1 [hbm4b:s5+s9], $0x20, s10, s9, $0xb8;
	[tilespmem:$0x1EB20] =	vst v63  }
0x5c: {  	v17 =	vld [tilespmem:$0x18720]  }
0x5d: {  	v18 =	vld [tilespmem:$0x18730]  }
0x5e: {  	v19 =	vld [tilespmem:$0x18740]  }
0x5f: {  	v20 =	vld [tilespmem:$0x18750]  }
0x60: {  	v21 =	vld [tilespmem:$0x18760]  }
0x61: {  	v22 =	vld [tilespmem:$0x18770];
	v17 =	vsub.s32 v17, v0  }
0x62: {  	[tilespmem:$0x18920] =	vst v17;
	v17 =	vsub.s32 v18, v0;
	v18 =	vld [tilespmem:$0x18780]  }
0x63: {  	s30 =	sshll.u32 s17, $0x1;
	[tilespmem:$0x18930] =	vst v17;
	v17 =	vsub.s32 v19, v0;
	v19 =	vld [tilespmem:$0x18790]  }
0x64: {  	p2 =	seq.s32 s17, $0xC3;
	s9 =	sadd.s32 $0x2, s30;
	[tilespmem:$0x18940] =	vst v17;
	v17 =	vsub.s32 v20, v0  }
0x65: {  	s10 =	sadd.s32 @!p2 s7, s9;
	[tilespmem:$0x18950] =	vst v17;
	v17 =	vsub.s32 v21, v0  }
0x66: {  	s10 =	sshll.u32 @!p2 s10, $0x8;
	[tilespmem:$0x18960] =	vst v17;
	v17 =	vsub.s32 v22, v0  }
0x67: {  	s10 =	sadd.s32 @!p2 s8, s10;
	[tilespmem:$0x18970] =	vst v17;
	v17 =	vsub.s32 v18, v0  }
0x68: {  	s10 =	sshrl.u32 @!p2 s10, $0x3;
	[tilespmem:$0x18980] =	vst v17;
	v17 =	vsub.s32 v19, v0  }
0x69: {  	s19 =	simm.s32 @!p2 $0x18720;
	s18 =	simm.s32 @!p2 $0x0;
	s10 =	sadd.s32 @!p2 s2, s10;
	[tilespmem:$0x18990] =	vst v17  }
0x6a: {  	[tilespmem:s19], [sflag:$0x1] =	stream.linear.gather @!p2 [hbm4b:s10+s18], $0x100, $0x38;
	[tilespmem:$0x1EB20] =	vst v63  }
0x6b: {  	_ =	swait.ge [sflag:s1], $0x80  }
0x6c: {  	[sflag:s1] =	ssyncset.done $0x0  }
0x6d: {  	s10 =	simm.s32 $0x0;
	s18 =	simm.s32 $0x18A20;
	[sflag:s1] =	ssyncadd.s32 $0xFFFFFF80  }
.LBB2_3:
0x6e: {  	v17 =	vld [tilespmem:s18+$0x0]  }
0x6f: {  	s19 =	sshra.s32 s10, $0x2;
	v20 =	vld [tilespmem:$0x18700]  }
0x70: {  	v18 =	vld [tilespmem:s19+$0x18B20]  }
0x71: {  	v19 =	vld [tilespmem:s19+$0x1AB20];
	_ =	sdelay $0x2  }
0x72: {  	v21 =	vperm.xlane v17, v1;
	_ =	sdelay $0x1  }
0x73: {  	v18 =	vadd.f32 v19, v18;
	v19 =	vmul.f32 v20, v21;
	_ =	sdelay $0x1  }
0x74: {  	v18 =	vadd.f32 v19, v18;
	_ =	sdelay $0x1  }
0x75: {  	v19 =	vmul.f32 $9.999999770e-03, v18;
	_ =	sdelay $0x1  }
0x76: {  	v18 =	vmax.f32 v18, v19;
	v19 =	vld [tilespmem:s19+$0x18B30]  }
0x77: {  	[tilespmem:s19+$0x1CB20] =	vst v18;
	v18 =	vld [tilespmem:s19+$0x1AB30]  }
0x78: {  	v59 =	vld [tilespmem:$0x18710];
	_ =	sdelay $0x4  }
0x79: {  	v18 =	vadd.f32 v18, v19;
	v19 =	vmul.f32 v59, v21;
	_ =	sdelay $0x1  }
0x7a: {  	v18 =	vadd.f32 v19, v18;
	_ =	sdelay $0x1  }
0x7b: {  	v19 =	vmul.f32 $9.999999770e-03, v18;
	_ =	sdelay $0x1  }
0x7c: {  	v18 =	vmax.f32 v18, v19;
	v19 =	vld [tilespmem:s19+$0x18B40]  }
0x7d: {  	[tilespmem:s19+$0x1CB30] =	vst v18;
	v18 =	vld [tilespmem:s19+$0x1AB40]  }
0x7e: {  	v60 =	vld [tilespmem:$0x18700];
	_ =	sdelay $0x2  }
0x7f: {  	v61 =	vperm.xlane v17, v2;
	_ =	sdelay $0x1  }
0x80: {  	v18 =	vadd.f32 v18, v19;
	v19 =	vmul.f32 v60, v61;
	_ =	sdelay $0x1  }
0x81: {  	v18 =	vadd.f32 v19, v18;
	_ =	sdelay $0x1  }
0x82: {  	v19 =	vmul.f32 $9.999999770e-03, v18;
	_ =	sdelay $0x1  }
0x83: {  	v18 =	vmax.f32 v18, v19;
	v19 =	vld [tilespmem:s19+$0x18B50]  }
0x84: {  	[tilespmem:s19+$0x1CB40] =	vst v18;
	v18 =	vld [tilespmem:s19+$0x1AB50]  }
0x85: {  	v62 =	vld [tilespmem:$0x18710];
	_ =	sdelay $0x4  }
0x86: {  	v18 =	vadd.f32 v18, v19;
	v19 =	vmul.f32 v62, v61;
	_ =	sdelay $0x1  }
0x87: {  	v18 =	vadd.f32 v19, v18;
	_ =	sdelay $0x1  }
0x88: {  	v19 =	vmul.f32 $9.999999770e-03, v18;
	_ =	sdelay $0x1  }
0x89: {  	v18 =	vmax.f32 v18, v19;
	v19 =	vld [tilespmem:s19+$0x18B60]  }
0x8a: {  	[tilespmem:s19+$0x1CB50] =	vst v18;
	v18 =	vld [tilespmem:s19+$0x1AB60]  }
0x8b: {  	v63 =	vld [tilespmem:$0x18700];
	_ =	sdelay $0x2  }
0x8c: {  	v24 =	vperm.xlane v17, v3;
	_ =	sdelay $0x1  }
0x8d: {  	v18 =	vadd.f32 v18, v19;
	v19 =	vmul.f32 v63, v24;
	_ =	sdelay $0x1  }
0x8e: {  	v18 =	vadd.f32 v19, v18;
	_ =	sdelay $0x1  }
0x8f: {  	v19 =	vmul.f32 $9.999999770e-03, v18;
	_ =	sdelay $0x1  }
0x90: {  	v18 =	vmax.f32 v18, v19;
	v19 =	vld [tilespmem:s19+$0x18B70]  }
0x91: {  	[tilespmem:s19+$0x1CB60] =	vst v18;
	v18 =	vld [tilespmem:s19+$0x1AB70]  }
0x92: {  	v25 =	vld [tilespmem:$0x18710];
	_ =	sdelay $0x4  }
0x93: {  	v18 =	vadd.f32 v18, v19;
	v19 =	vmul.f32 v25, v24;
	_ =	sdelay $0x1  }
0x94: {  	v18 =	vadd.f32 v19, v18;
	_ =	sdelay $0x1  }
0x95: {  	v19 =	vmul.f32 $9.999999770e-03, v18;
	_ =	sdelay $0x1  }
0x96: {  	v18 =	vmax.f32 v18, v19;
	v19 =	vld [tilespmem:s19+$0x18B80]  }
0x97: {  	[tilespmem:s19+$0x1CB70] =	vst v18;
	v18 =	vld [tilespmem:s19+$0x1AB80]  }
0x98: {  	v26 =	vld [tilespmem:$0x18700];
	_ =	sdelay $0x2  }
0x99: {  	v27 =	vperm.xlane v17, v4;
	_ =	sdelay $0x1  }
0x9a: {  	v18 =	vadd.f32 v18, v19;
	v19 =	vmul.f32 v26, v27;
	_ =	sdelay $0x1  }
0x9b: {  	v18 =	vadd.f32 v19, v18;
	_ =	sdelay $0x1  }
0x9c: {  	v19 =	vmul.f32 $9.999999770e-03, v18;
	_ =	sdelay $0x1  }
0x9d: {  	v18 =	vmax.f32 v18, v19;
	v19 =	vld [tilespmem:s19+$0x18B90]  }
0x9e: {  	[tilespmem:s19+$0x1CB80] =	vst v18;
	v18 =	vld [tilespmem:s19+$0x1AB90]  }
0x9f: {  	v28 =	vld [tilespmem:$0x18710];
	_ =	sdelay $0x4  }
0xa0: {  	v18 =	vadd.f32 v18, v19;
	v19 =	vmul.f32 v28, v27;
	_ =	sdelay $0x1  }
0xa1: {  	v18 =	vadd.f32 v19, v18;
	_ =	sdelay $0x1  }
0xa2: {  	v19 =	vmul.f32 $9.999999770e-03, v18;
	_ =	sdelay $0x1  }
0xa3: {  	v18 =	vmax.f32 v18, v19;
	v19 =	vld [tilespmem:s19+$0x18BA0]  }
0xa4: {  	[tilespmem:s19+$0x1CB90] =	vst v18;
	v18 =	vld [tilespmem:s19+$0x1ABA0]  }
0xa5: {  	v29 =	vld [tilespmem:$0x18700];
	_ =	sdelay $0x2  }
0xa6: {  	v30 =	vperm.xlane v17, v5;
	_ =	sdelay $0x1  }
0xa7: {  	v18 =	vadd.f32 v18, v19;
	v19 =	vmul.f32 v29, v30;
	_ =	sdelay $0x1  }
0xa8: {  	v18 =	vadd.f32 v19, v18;
	_ =	sdelay $0x1  }
0xa9: {  	v19 =	vmul.f32 $9.999999770e-03, v18;
	_ =	sdelay $0x1  }
0xaa: {  	v18 =	vmax.f32 v18, v19;
	v19 =	vld [tilespmem:s19+$0x18BB0]  }
0xab: {  	[tilespmem:s19+$0x1CBA0] =	vst v18;
	v18 =	vld [tilespmem:s19+$0x1ABB0]  }
0xac: {  	v31 =	vld [tilespmem:$0x18710];
	_ =	sdelay $0x4  }
0xad: {  	v18 =	vadd.f32 v18, v19;
	v19 =	vmul.f32 v31, v30;
	_ =	sdelay $0x1  }
0xae: {  	v18 =	vadd.f32 v19, v18;
	_ =	sdelay $0x1  }
0xaf: {  	v19 =	vmul.f32 $9.999999770e-03, v18;
	_ =	sdelay $0x1  }
0xb0: {  	v18 =	vmax.f32 v18, v19;
	v19 =	vld [tilespmem:s19+$0x18BC0]  }
0xb1: {  	[tilespmem:s19+$0x1CBB0] =	vst v18;
	v18 =	vld [tilespmem:s19+$0x1ABC0]  }
0xb2: {  	v32 =	vld [tilespmem:$0x18700];
	_ =	sdelay $0x2  }
0xb3: {  	v33 =	vperm.xlane v17, v6;
	_ =	sdelay $0x1  }
0xb4: {  	v18 =	vadd.f32 v18, v19;
	v19 =	vmul.f32 v32, v33;
	_ =	sdelay $0x1  }
0xb5: {  	v18 =	vadd.f32 v19, v18;
	_ =	sdelay $0x1  }
0xb6: {  	v19 =	vmul.f32 $9.999999770e-03, v18;
	_ =	sdelay $0x1  }
0xb7: {  	v18 =	vmax.f32 v18, v19;
	v19 =	vld [tilespmem:s19+$0x18BD0]  }
0xb8: {  	[tilespmem:s19+$0x1CBC0] =	vst v18;
	v18 =	vld [tilespmem:s19+$0x1ABD0]  }
0xb9: {  	v34 =	vld [tilespmem:$0x18710];
	_ =	sdelay $0x4  }
0xba: {  	v18 =	vadd.f32 v18, v19;
	v19 =	vmul.f32 v34, v33;
	_ =	sdelay $0x1  }
0xbb: {  	v18 =	vadd.f32 v19, v18;
	_ =	sdelay $0x1  }
0xbc: {  	v19 =	vmul.f32 $9.999999770e-03, v18;
	_ =	sdelay $0x1  }
0xbd: {  	v18 =	vmax.f32 v18, v19;
	v19 =	vld [tilespmem:s19+$0x18BE0]  }
0xbe: {  	[tilespmem:s19+$0x1CBD0] =	vst v18;
	v18 =	vld [tilespmem:s19+$0x1ABE0]  }
0xbf: {  	v35 =	vld [tilespmem:$0x18700];
	_ =	sdelay $0x2  }
0xc0: {  	v36 =	vperm.xlane v17, v7;
	_ =	sdelay $0x1  }
0xc1: {  	v18 =	vadd.f32 v18, v19;
	v19 =	vmul.f32 v35, v36;
	_ =	sdelay $0x1  }
0xc2: {  	v18 =	vadd.f32 v19, v18;
	_ =	sdelay $0x1  }
0xc3: {  	v19 =	vmul.f32 $9.999999770e-03, v18;
	_ =	sdelay $0x1  }
0xc4: {  	v18 =	vmax.f32 v18, v19;
	v19 =	vld [tilespmem:s19+$0x18BF0]  }
0xc5: {  	[tilespmem:s19+$0x1CBE0] =	vst v18;
	v18 =	vld [tilespmem:s19+$0x1ABF0]  }
0xc6: {  	v37 =	vld [tilespmem:$0x18710];
	_ =	sdelay $0x4  }
0xc7: {  	v18 =	vadd.f32 v18, v19;
	v19 =	vmul.f32 v37, v36;
	_ =	sdelay $0x1  }
0xc8: {  	v18 =	vadd.f32 v19, v18;
	_ =	sdelay $0x1  }
0xc9: {  	v19 =	vmul.f32 $9.999999770e-03, v18;
	_ =	sdelay $0x1  }
0xca: {  	v18 =	vmax.f32 v18, v19;
	v19 =	vld [tilespmem:s19+$0x18C00]  }
0xcb: {  	[tilespmem:s19+$0x1CBF0] =	vst v18;
	v18 =	vld [tilespmem:s19+$0x1AC00]  }
0xcc: {  	v38 =	vld [tilespmem:$0x18700];
	_ =	sdelay $0x2  }
0xcd: {  	v39 =	vperm.xlane v17, v8;
	_ =	sdelay $0x1  }
0xce: {  	v18 =	vadd.f32 v18, v19;
	v19 =	vmul.f32 v38, v39;
	_ =	sdelay $0x1  }
0xcf: {  	v18 =	vadd.f32 v19, v18;
	_ =	sdelay $0x1  }
0xd0: {  	v19 =	vmul.f32 $9.999999770e-03, v18;
	_ =	sdelay $0x1  }
0xd1: {  	v18 =	vmax.f32 v18, v19;
	v19 =	vld [tilespmem:s19+$0x18C10]  }
0xd2: {  	[tilespmem:s19+$0x1CC00] =	vst v18;
	v18 =	vld [tilespmem:s19+$0x1AC10]  }
0xd3: {  	v40 =	vld [tilespmem:$0x18710];
	_ =	sdelay $0x4  }
0xd4: {  	v18 =	vadd.f32 v18, v19;
	v19 =	vmul.f32 v40, v39;
	_ =	sdelay $0x1  }
0xd5: {  	v18 =	vadd.f32 v19, v18;
	_ =	sdelay $0x1  }
0xd6: {  	v19 =	vmul.f32 $9.999999770e-03, v18;
	_ =	sdelay $0x1  }
0xd7: {  	v18 =	vmax.f32 v18, v19;
	v19 =	vld [tilespmem:s19+$0x18C20]  }
0xd8: {  	[tilespmem:s19+$0x1CC10] =	vst v18;
	v18 =	vld [tilespmem:s19+$0x1AC20]  }
0xd9: {  	v41 =	vld [tilespmem:$0x18700];
	_ =	sdelay $0x2  }
0xda: {  	v42 =	vperm.xlane v17, v9;
	_ =	sdelay $0x1  }
0xdb: {  	v18 =	vadd.f32 v18, v19;
	v19 =	vmul.f32 v41, v42;
	_ =	sdelay $0x1  }
0xdc: {  	v18 =	vadd.f32 v19, v18;
	_ =	sdelay $0x1  }
0xdd: {  	v19 =	vmul.f32 $9.999999770e-03, v18;
	_ =	sdelay $0x1  }
0xde: {  	v18 =	vmax.f32 v18, v19;
	v19 =	vld [tilespmem:s19+$0x18C30]  }
0xdf: {  	[tilespmem:s19+$0x1CC20] =	vst v18;
	v18 =	vld [tilespmem:s19+$0x1AC30]  }
0xe0: {  	v43 =	vld [tilespmem:$0x18710];
	_ =	sdelay $0x4  }
0xe1: {  	v18 =	vadd.f32 v18, v19;
	v19 =	vmul.f32 v43, v42;
	_ =	sdelay $0x1  }
0xe2: {  	v18 =	vadd.f32 v19, v18;
	_ =	sdelay $0x1  }
0xe3: {  	v19 =	vmul.f32 $9.999999770e-03, v18;
	_ =	sdelay $0x1  }
0xe4: {  	v18 =	vmax.f32 v18, v19;
	v19 =	vld [tilespmem:s19+$0x18C40]  }
0xe5: {  	[tilespmem:s19+$0x1CC30] =	vst v18;
	v18 =	vld [tilespmem:s19+$0x1AC40]  }
0xe6: {  	v44 =	vld [tilespmem:$0x18700];
	_ =	sdelay $0x2  }
0xe7: {  	v45 =	vperm.xlane v17, v10;
	_ =	sdelay $0x1  }
0xe8: {  	v18 =	vadd.f32 v18, v19;
	v19 =	vmul.f32 v44, v45;
	_ =	sdelay $0x1  }
0xe9: {  	v18 =	vadd.f32 v19, v18;
	_ =	sdelay $0x1  }
0xea: {  	v19 =	vmul.f32 $9.999999770e-03, v18;
	_ =	sdelay $0x1  }
0xeb: {  	v18 =	vmax.f32 v18, v19;
	v19 =	vld [tilespmem:s19+$0x18C50]  }
0xec: {  	[tilespmem:s19+$0x1CC40] =	vst v18;
	v18 =	vld [tilespmem:s19+$0x1AC50]  }
0xed: {  	v46 =	vld [tilespmem:$0x18710];
	_ =	sdelay $0x4  }
0xee: {  	v18 =	vadd.f32 v18, v19;
	v19 =	vmul.f32 v46, v45;
	_ =	sdelay $0x1  }
0xef: {  	v18 =	vadd.f32 v19, v18;
	_ =	sdelay $0x1  }
0xf0: {  	v19 =	vmul.f32 $9.999999770e-03, v18;
	_ =	sdelay $0x1  }
0xf1: {  	v18 =	vmax.f32 v18, v19;
	v19 =	vld [tilespmem:s19+$0x18C60]  }
0xf2: {  	[tilespmem:s19+$0x1CC50] =	vst v18;
	v18 =	vld [tilespmem:s19+$0x1AC60]  }
0xf3: {  	v47 =	vld [tilespmem:$0x18700];
	_ =	sdelay $0x2  }
0xf4: {  	v48 =	vperm.xlane v17, v11;
	_ =	sdelay $0x1  }
0xf5: {  	v18 =	vadd.f32 v18, v19;
	v19 =	vmul.f32 v47, v48;
	_ =	sdelay $0x1  }
0xf6: {  	v18 =	vadd.f32 v19, v18;
	_ =	sdelay $0x1  }
0xf7: {  	v19 =	vmul.f32 $9.999999770e-03, v18;
	_ =	sdelay $0x1  }
0xf8: {  	v18 =	vmax.f32 v18, v19;
	v19 =	vld [tilespmem:s19+$0x18C70]  }
0xf9: {  	[tilespmem:s19+$0x1CC60] =	vst v18;
	v18 =	vld [tilespmem:s19+$0x1AC70]  }
0xfa: {  	v49 =	vld [tilespmem:$0x18710];
	_ =	sdelay $0x4  }
0xfb: {  	v18 =	vadd.f32 v18, v19;
	v19 =	vmul.f32 v49, v48;
	_ =	sdelay $0x1  }
0xfc: {  	v18 =	vadd.f32 v19, v18;
	_ =	sdelay $0x1  }
0xfd: {  	v19 =	vmul.f32 $9.999999770e-03, v18;
	_ =	sdelay $0x1  }
0xfe: {  	v18 =	vmax.f32 v18, v19;
	v19 =	vld [tilespmem:s19+$0x18C80]  }
0xff: {  	[tilespmem:s19+$0x1CC70] =	vst v18;
	v18 =	vld [tilespmem:s19+$0x1AC80]  }
0x100: {  	v50 =	vld [tilespmem:$0x18700];
	_ =	sdelay $0x2  }
0x101: {  	v51 =	vperm.xlane v17, v12;
	_ =	sdelay $0x1  }
0x102: {  	v18 =	vadd.f32 v18, v19;
	v19 =	vmul.f32 v50, v51;
	_ =	sdelay $0x1  }
0x103: {  	v18 =	vadd.f32 v19, v18;
	_ =	sdelay $0x1  }
0x104: {  	v19 =	vmul.f32 $9.999999770e-03, v18;
	_ =	sdelay $0x1  }
0x105: {  	v18 =	vmax.f32 v18, v19;
	v19 =	vld [tilespmem:s19+$0x18C90]  }
0x106: {  	[tilespmem:s19+$0x1CC80] =	vst v18;
	v18 =	vld [tilespmem:s19+$0x1AC90]  }
0x107: {  	v52 =	vld [tilespmem:$0x18710];
	_ =	sdelay $0x4  }
0x108: {  	v18 =	vadd.f32 v18, v19;
	v19 =	vmul.f32 v52, v51;
	_ =	sdelay $0x1  }
0x109: {  	v18 =	vadd.f32 v19, v18;
	_ =	sdelay $0x1  }
0x10a: {  	v19 =	vmul.f32 $9.999999770e-03, v18;
	_ =	sdelay $0x1  }
0x10b: {  	v18 =	vmax.f32 v18, v19;
	v19 =	vld [tilespmem:s19+$0x18CA0]  }
0x10c: {  	[tilespmem:s19+$0x1CC90] =	vst v18;
	v18 =	vld [tilespmem:s19+$0x1ACA0]  }
0x10d: {  	v53 =	vld [tilespmem:$0x18700];
	_ =	sdelay $0x2  }
0x10e: {  	v54 =	vperm.xlane v17, v13;
	_ =	sdelay $0x1  }
0x10f: {  	v18 =	vadd.f32 v18, v19;
	v19 =	vmul.f32 v53, v54;
	_ =	sdelay $0x1  }
0x110: {  	v18 =	vadd.f32 v19, v18;
	_ =	sdelay $0x1  }
0x111: {  	v19 =	vmul.f32 $9.999999770e-03, v18;
	_ =	sdelay $0x1  }
0x112: {  	v18 =	vmax.f32 v18, v19;
	v19 =	vld [tilespmem:s19+$0x18CB0]  }
0x113: {  	[tilespmem:s19+$0x1CCA0] =	vst v18;
	v18 =	vld [tilespmem:s19+$0x1ACB0]  }
0x114: {  	v55 =	vld [tilespmem:$0x18710];
	_ =	sdelay $0x4  }
0x115: {  	v18 =	vadd.f32 v18, v19;
	v19 =	vmul.f32 v55, v54;
	_ =	sdelay $0x1  }
0x116: {  	v18 =	vadd.f32 v19, v18;
	_ =	sdelay $0x1  }
0x117: {  	v19 =	vmul.f32 $9.999999770e-03, v18;
	_ =	sdelay $0x1  }
0x118: {  	v18 =	vmax.f32 v18, v19;
	v19 =	vld [tilespmem:s19+$0x18CC0]  }
0x119: {  	[tilespmem:s19+$0x1CCB0] =	vst v18;
	v18 =	vld [tilespmem:s19+$0x1ACC0]  }
0x11a: {  	v56 =	vld [tilespmem:$0x18700];
	_ =	sdelay $0x2  }
0x11b: {  	v57 =	vperm.xlane v17, v14;
	_ =	sdelay $0x1  }
0x11c: {  	v18 =	vadd.f32 v18, v19;
	v19 =	vmul.f32 v56, v57;
	_ =	sdelay $0x1  }
0x11d: {  	v18 =	vadd.f32 v19, v18;
	_ =	sdelay $0x1  }
0x11e: {  	v19 =	vmul.f32 $9.999999770e-03, v18;
	_ =	sdelay $0x1  }
0x11f: {  	v18 =	vmax.f32 v18, v19;
	v19 =	vld [tilespmem:s19+$0x18CD0]  }
0x120: {  	[tilespmem:s19+$0x1CCC0] =	vst v18;
	v18 =	vld [tilespmem:s19+$0x1ACD0]  }
0x121: {  	v58 =	vld [tilespmem:$0x18710];
	_ =	sdelay $0x4  }
0x122: {  	v18 =	vadd.f32 v18, v19;
	v19 =	vmul.f32 v58, v57;
	_ =	sdelay $0x1  }
0x123: {  	v18 =	vadd.f32 v19, v18;
	_ =	sdelay $0x1  }
0x124: {  	v19 =	vmul.f32 $9.999999770e-03, v18;
	_ =	sdelay $0x1  }
0x125: {  	v18 =	vmax.f32 v18, v19;
	v19 =	vld [tilespmem:s19+$0x18CE0]  }
0x126: {  	[tilespmem:s19+$0x1CCD0] =	vst v18;
	v18 =	vld [tilespmem:s19+$0x1ACE0]  }
0x127: {  	v59 =	vld [tilespmem:$0x18700];
	_ =	sdelay $0x2  }
0x128: {  	v60 =	vperm.xlane v17, v15;
	_ =	sdelay $0x1  }
0x129: {  	v18 =	vadd.f32 v18, v19;
	v19 =	vmul.f32 v59, v60;
	_ =	sdelay $0x1  }
0x12a: {  	v18 =	vadd.f32 v19, v18;
	_ =	sdelay $0x1  }
0x12b: {  	v19 =	vmul.f32 $9.999999770e-03, v18;
	_ =	sdelay $0x1  }
0x12c: {  	v18 =	vmax.f32 v18, v19;
	v19 =	vld [tilespmem:s19+$0x18CF0]  }
0x12d: {  	[tilespmem:s19+$0x1CCE0] =	vst v18;
	v18 =	vld [tilespmem:s19+$0x1ACF0]  }
0x12e: {  	v61 =	vld [tilespmem:$0x18710];
	_ =	sdelay $0x4  }
0x12f: {  	v18 =	vadd.f32 v18, v19;
	v19 =	vmul.f32 v61, v60;
	_ =	sdelay $0x1  }
0x130: {  	v18 =	vadd.f32 v19, v18;
	_ =	sdelay $0x1  }
0x131: {  	v19 =	vmul.f32 $9.999999770e-03, v18;
	_ =	sdelay $0x1  }
0x132: {  	v18 =	vmax.f32 v18, v19;
	v19 =	vld [tilespmem:s19+$0x18D00]  }
0x133: {  	[tilespmem:s19+$0x1CCF0] =	vst v18;
	v18 =	vld [tilespmem:s19+$0x1AD00]  }
0x134: {  	v62 =	vld [tilespmem:$0x18700];
	_ =	sdelay $0x2  }
0x135: {  	v17 =	vperm.xlane v17, v16;
	_ =	sdelay $0x1  }
0x136: {  	v18 =	vadd.f32 v18, v19;
	v19 =	vmul.f32 v62, v17;
	_ =	sdelay $0x1  }
0x137: {  	v18 =	vadd.f32 v19, v18;
	_ =	sdelay $0x1  }
0x138: {  	v19 =	vmul.f32 $9.999999770e-03, v18;
	_ =	sdelay $0x1  }
0x139: {  	v18 =	vmax.f32 v18, v19;
	v19 =	vld [tilespmem:s19+$0x18D10]  }
0x13a: {  	[tilespmem:s19+$0x1CD00] =	vst v18;
	v18 =	vld [tilespmem:s19+$0x1AD10]  }
0x13b: {  	v63 =	vld [tilespmem:$0x18710];
	_ =	sdelay $0x4  }
0x13c: {  	v18 =	vadd.f32 v18, v19;
	v17 =	vmul.f32 v63, v17;
	_ =	sdelay $0x1  }
0x13d: {  	p3 =	sne.s32 s10, $0x3800;
	v17 =	vadd.f32 v17, v18  }
.Ltmp3:
0x13e: {  	_ = 	snop;
	(pc) =	sbr.rel @p3 .LBB2_3-.Ltmp3, $3  }
0x13f: {  	v18 =	vmul.f32 $9.999999770e-03, v17;
	_ =	sdelay $0x1  }
0x140: {  	v17 =	vmax.f32 v17, v18  }
0x141: {  	s18 =	sadd.s32 $0x10, s18;
	s10 =	sadd.s32 $0x800, s10;
	[tilespmem:s19+$0x1CD10] =	vst v17  }
.Ltmp4:
0x142: {  	(pc) =	sbr.rel @p2 .LBB2_10-.Ltmp4, $1  }
0x143: {  	_ =	sdelay $0x3  }
0x144: {  	s9 =	sadd.s32 s7, s9  }
.Ltmp5:
0x145: {  	s9 =	sshll.u32 s9, $0x4;
	(pc) =	sbr.rel @p1 .LBB2_9-.Ltmp5, $4  }
0x146: {  	s9 =	sadd.s32 s6, s9  }
0x147: {  	[tilespmem:s22], [sflag:$0x3] =	stream.linear.gather [hbm4b:s9+s4], $0x80, $0x38;
	[tilespmem:$0x1EB20] =	vst v63  }
0x148: {  	_ = 	snop  }
0x149: {  	[spmem:s3] =	stream.indirect.scatter.add.f32 [tilespmem:s29], [sflag:$0x9], $0x20, s20, s24, $0xb8;
	[tilespmem:$0x1EB20] =	vst v63  }
0x14a: {  	s9 =	simm.s32 @!p0 $0xA  }
0x14b: {  	_ =	swait.ge @!p0 [sflag:s9], $0x1000  }
0x14c: {  	[sflag:s9] =	ssyncset.done @!p0 $0x0  }
0x14d: {  	[sflag:s9] =	ssyncadd.s32 @!p0 $0xFFFFF000  }
0x14e: {  	_ =	swait.ge [sflag:s11], $0x1000  }
0x14f: {  	[sflag:s11] =	ssyncset.done $0x0  }
0x150: {  	[sflag:s11] =	ssyncadd.s32 $0xFFFFF000  }
0x151: {  	_ =	swait.ge [sflag:s12], $0x1000  }
0x152: {  	[sflag:s12] =	ssyncset.done $0x0  }
0x153: {  	[sflag:s12] =	ssyncadd.s32 $0xFFFFF000  }
0x154: {  	_ =	swait.ge [sflag:s23], $0x100  }
0x155: {  	[sflag:s23] =	ssyncset.done $0x0  }
0x156: {  	[sflag:s23] =	ssyncadd.s32 $0xFFFFFF00  }
0x157: {  	[tilespmem:s25], [sflag:$0x5] =	stream.indirect.gather [hbm4b:s5+s24], $0x20, s21, s24, $0xb8;
	[tilespmem:$0x1EB20] =	vst v63  }
0x158: {  	_ = 	snop  }
0x159: {  	[tilespmem:s28], [sflag:$0x7] =	stream.indirect.gather [hbm4b:s5+s24], $0x20, s26, s24, $0xb8;
	[tilespmem:$0x1EB20] =	vst v63  }
0x15a: {  	v17 =	vld [tilespmem:$0x18820]  }
0x15b: {  	v18 =	vld [tilespmem:$0x18830]  }
0x15c: {  	v19 =	vld [tilespmem:$0x18840]  }
0x15d: {  	v20 =	vld [tilespmem:$0x18850]  }
0x15e: {  	v21 =	vld [tilespmem:$0x18860]  }
0x15f: {  	v22 =	vld [tilespmem:$0x18870];
	v17 =	vsub.s32 v17, v0  }
0x160: {  	[tilespmem:$0x189A0] =	vst v17;
	v17 =	vsub.s32 v18, v0;
	v18 =	vld [tilespmem:$0x18880]  }
0x161: {  	[tilespmem:$0x189B0] =	vst v17;
	v17 =	vsub.s32 v19, v0;
	v19 =	vld [tilespmem:$0x18890]  }
0x162: {  	s9 =	sadd.s32 $0x3, s30;
	p0 =	seq.s32 s17, $0xC2;
	[tilespmem:$0x189C0] =	vst v17;
	v17 =	vsub.s32 v20, v0  }
0x163: {  	s9 =	sadd.s32 @!p0 s7, s9;
	[tilespmem:$0x189D0] =	vst v17;
	v17 =	vsub.s32 v21, v0  }
0x164: {  	s10 =	sshll.u32 @!p0 s9, $0x8;
	[tilespmem:$0x189E0] =	vst v17;
	v17 =	vsub.s32 v22, v0  }
0x165: {  	s10 =	sadd.s32 @!p0 s8, s10;
	[tilespmem:$0x189F0] =	vst v17;
	v17 =	vsub.s32 v18, v0  }
0x166: {  	s10 =	sshrl.u32 @!p0 s10, $0x3;
	[tilespmem:$0x18A00] =	vst v17;
	v17 =	vsub.s32 v19, v0  }
0x167: {  	s18 =	simm.s32 @!p0 $0x0;
	s19 =	simm.s32 @!p0 $0x18820;
	s10 =	sadd.s32 @!p0 s2, s10;
	[tilespmem:$0x18A10] =	vst v17  }
0x168: {  	[tilespmem:s19], [sflag:$0x2] =	stream.linear.gather @!p0 [hbm4b:s10+s18], $0x100, $0x38;
	[tilespmem:$0x1EB20] =	vst v63  }
0x169: {  	_ =	swait.ge [sflag:s13], $0x80  }
0x16a: {  	[sflag:s13] =	ssyncset.done $0x0  }
0x16b: {  	s10 =	simm.s32 $0x0;
	s18 =	simm.s32 $0x18AA0;
	[sflag:s13] =	ssyncadd.s32 $0xFFFFFF80  }
.LBB2_7:
0x16c: {  	v17 =	vld [tilespmem:s18+$0x0]  }
0x16d: {  	s19 =	sshra.s32 s10, $0x2;
	v20 =	vld [tilespmem:$0x18700]  }
0x16e: {  	v18 =	vld [tilespmem:s19+$0x19B20]  }
0x16f: {  	v19 =	vld [tilespmem:s19+$0x1BB20];
	_ =	sdelay $0x2  }
0x170: {  	v21 =	vperm.xlane v17, v1;
	_ =	sdelay $0x1  }
0x171: {  	v18 =	vadd.f32 v19, v18;
	v19 =	vmul.f32 v20, v21;
	_ =	sdelay $0x1  }
0x172: {  	v18 =	vadd.f32 v19, v18;
	_ =	sdelay $0x1  }
0x173: {  	v19 =	vmul.f32 $9.999999770e-03, v18;
	_ =	sdelay $0x1  }
0x174: {  	v18 =	vmax.f32 v18, v19;
	v19 =	vld [tilespmem:s19+$0x19B30]  }
0x175: {  	[tilespmem:s19+$0x1DB20] =	vst v18;
	v18 =	vld [tilespmem:s19+$0x1BB30]  }
0x176: {  	v59 =	vld [tilespmem:$0x18710];
	_ =	sdelay $0x4  }
0x177: {  	v18 =	vadd.f32 v18, v19;
	v19 =	vmul.f32 v59, v21;
	_ =	sdelay $0x1  }
0x178: {  	v18 =	vadd.f32 v19, v18;
	_ =	sdelay $0x1  }
0x179: {  	v19 =	vmul.f32 $9.999999770e-03, v18;
	_ =	sdelay $0x1  }
0x17a: {  	v18 =	vmax.f32 v18, v19;
	v19 =	vld [tilespmem:s19+$0x19B40]  }
0x17b: {  	[tilespmem:s19+$0x1DB30] =	vst v18;
	v18 =	vld [tilespmem:s19+$0x1BB40]  }
0x17c: {  	v60 =	vld [tilespmem:$0x18700];
	_ =	sdelay $0x2  }
0x17d: {  	v61 =	vperm.xlane v17, v2;
	_ =	sdelay $0x1  }
0x17e: {  	v18 =	vadd.f32 v18, v19;
	v19 =	vmul.f32 v60, v61;
	_ =	sdelay $0x1  }
0x17f: {  	v18 =	vadd.f32 v19, v18;
	_ =	sdelay $0x1  }
0x180: {  	v19 =	vmul.f32 $9.999999770e-03, v18;
	_ =	sdelay $0x1  }
0x181: {  	v18 =	vmax.f32 v18, v19;
	v19 =	vld [tilespmem:s19+$0x19B50]  }
0x182: {  	[tilespmem:s19+$0x1DB40] =	vst v18;
	v18 =	vld [tilespmem:s19+$0x1BB50]  }
0x183: {  	v62 =	vld [tilespmem:$0x18710];
	_ =	sdelay $0x4  }
0x184: {  	v18 =	vadd.f32 v18, v19;
	v19 =	vmul.f32 v62, v61;
	_ =	sdelay $0x1  }
0x185: {  	v18 =	vadd.f32 v19, v18;
	_ =	sdelay $0x1  }
0x186: {  	v19 =	vmul.f32 $9.999999770e-03, v18;
	_ =	sdelay $0x1  }
0x187: {  	v18 =	vmax.f32 v18, v19;
	v19 =	vld [tilespmem:s19+$0x19B60]  }
0x188: {  	[tilespmem:s19+$0x1DB50] =	vst v18;
	v18 =	vld [tilespmem:s19+$0x1BB60]  }
0x189: {  	v63 =	vld [tilespmem:$0x18700];
	_ =	sdelay $0x2  }
0x18a: {  	v24 =	vperm.xlane v17, v3;
	_ =	sdelay $0x1  }
0x18b: {  	v18 =	vadd.f32 v18, v19;
	v19 =	vmul.f32 v63, v24;
	_ =	sdelay $0x1  }
0x18c: {  	v18 =	vadd.f32 v19, v18;
	_ =	sdelay $0x1  }
0x18d: {  	v19 =	vmul.f32 $9.999999770e-03, v18;
	_ =	sdelay $0x1  }
0x18e: {  	v18 =	vmax.f32 v18, v19;
	v19 =	vld [tilespmem:s19+$0x19B70]  }
0x18f: {  	[tilespmem:s19+$0x1DB60] =	vst v18;
	v18 =	vld [tilespmem:s19+$0x1BB70]  }
0x190: {  	v25 =	vld [tilespmem:$0x18710];
	_ =	sdelay $0x4  }
0x191: {  	v18 =	vadd.f32 v18, v19;
	v19 =	vmul.f32 v25, v24;
	_ =	sdelay $0x1  }
0x192: {  	v18 =	vadd.f32 v19, v18;
	_ =	sdelay $0x1  }
0x193: {  	v19 =	vmul.f32 $9.999999770e-03, v18;
	_ =	sdelay $0x1  }
0x194: {  	v18 =	vmax.f32 v18, v19;
	v19 =	vld [tilespmem:s19+$0x19B80]  }
0x195: {  	[tilespmem:s19+$0x1DB70] =	vst v18;
	v18 =	vld [tilespmem:s19+$0x1BB80]  }
0x196: {  	v26 =	vld [tilespmem:$0x18700];
	_ =	sdelay $0x2  }
0x197: {  	v27 =	vperm.xlane v17, v4;
	_ =	sdelay $0x1  }
0x198: {  	v18 =	vadd.f32 v18, v19;
	v19 =	vmul.f32 v26, v27;
	_ =	sdelay $0x1  }
0x199: {  	v18 =	vadd.f32 v19, v18;
	_ =	sdelay $0x1  }
0x19a: {  	v19 =	vmul.f32 $9.999999770e-03, v18;
	_ =	sdelay $0x1  }
0x19b: {  	v18 =	vmax.f32 v18, v19;
	v19 =	vld [tilespmem:s19+$0x19B90]  }
0x19c: {  	[tilespmem:s19+$0x1DB80] =	vst v18;
	v18 =	vld [tilespmem:s19+$0x1BB90]  }
0x19d: {  	v28 =	vld [tilespmem:$0x18710];
	_ =	sdelay $0x4  }
0x19e: {  	v18 =	vadd.f32 v18, v19;
	v19 =	vmul.f32 v28, v27;
	_ =	sdelay $0x1  }
0x19f: {  	v18 =	vadd.f32 v19, v18;
	_ =	sdelay $0x1  }
0x1a0: {  	v19 =	vmul.f32 $9.999999770e-03, v18;
	_ =	sdelay $0x1  }
0x1a1: {  	v18 =	vmax.f32 v18, v19;
	v19 =	vld [tilespmem:s19+$0x19BA0]  }
0x1a2: {  	[tilespmem:s19+$0x1DB90] =	vst v18;
	v18 =	vld [tilespmem:s19+$0x1BBA0]  }
0x1a3: {  	v29 =	vld [tilespmem:$0x18700];
	_ =	sdelay $0x2  }
0x1a4: {  	v30 =	vperm.xlane v17, v5;
	_ =	sdelay $0x1  }
0x1a5: {  	v18 =	vadd.f32 v18, v19;
	v19 =	vmul.f32 v29, v30;
	_ =	sdelay $0x1  }
0x1a6: {  	v18 =	vadd.f32 v19, v18;
	_ =	sdelay $0x1  }
0x1a7: {  	v19 =	vmul.f32 $9.999999770e-03, v18;
	_ =	sdelay $0x1  }
0x1a8: {  	v18 =	vmax.f32 v18, v19;
	v19 =	vld [tilespmem:s19+$0x19BB0]  }
0x1a9: {  	[tilespmem:s19+$0x1DBA0] =	vst v18;
	v18 =	vld [tilespmem:s19+$0x1BBB0]  }
0x1aa: {  	v31 =	vld [tilespmem:$0x18710];
	_ =	sdelay $0x4  }
0x1ab: {  	v18 =	vadd.f32 v18, v19;
	v19 =	vmul.f32 v31, v30;
	_ =	sdelay $0x1  }
0x1ac: {  	v18 =	vadd.f32 v19, v18;
	_ =	sdelay $0x1  }
0x1ad: {  	v19 =	vmul.f32 $9.999999770e-03, v18;
	_ =	sdelay $0x1  }
0x1ae: {  	v18 =	vmax.f32 v18, v19;
	v19 =	vld [tilespmem:s19+$0x19BC0]  }
0x1af: {  	[tilespmem:s19+$0x1DBB0] =	vst v18;
	v18 =	vld [tilespmem:s19+$0x1BBC0]  }
0x1b0: {  	v32 =	vld [tilespmem:$0x18700];
	_ =	sdelay $0x2  }
0x1b1: {  	v33 =	vperm.xlane v17, v6;
	_ =	sdelay $0x1  }
0x1b2: {  	v18 =	vadd.f32 v18, v19;
	v19 =	vmul.f32 v32, v33;
	_ =	sdelay $0x1  }
0x1b3: {  	v18 =	vadd.f32 v19, v18;
	_ =	sdelay $0x1  }
0x1b4: {  	v19 =	vmul.f32 $9.999999770e-03, v18;
	_ =	sdelay $0x1  }
0x1b5: {  	v18 =	vmax.f32 v18, v19;
	v19 =	vld [tilespmem:s19+$0x19BD0]  }
0x1b6: {  	[tilespmem:s19+$0x1DBC0] =	vst v18;
	v18 =	vld [tilespmem:s19+$0x1BBD0]  }
0x1b7: {  	v34 =	vld [tilespmem:$0x18710];
	_ =	sdelay $0x4  }
0x1b8: {  	v18 =	vadd.f32 v18, v19;
	v19 =	vmul.f32 v34, v33;
	_ =	sdelay $0x1  }
0x1b9: {  	v18 =	vadd.f32 v19, v18;
	_ =	sdelay $0x1  }
0x1ba: {  	v19 =	vmul.f32 $9.999999770e-03, v18;
	_ =	sdelay $0x1  }
0x1bb: {  	v18 =	vmax.f32 v18, v19;
	v19 =	vld [tilespmem:s19+$0x19BE0]  }
0x1bc: {  	[tilespmem:s19+$0x1DBD0] =	vst v18;
	v18 =	vld [tilespmem:s19+$0x1BBE0]  }
0x1bd: {  	v35 =	vld [tilespmem:$0x18700];
	_ =	sdelay $0x2  }
0x1be: {  	v36 =	vperm.xlane v17, v7;
	_ =	sdelay $0x1  }
0x1bf: {  	v18 =	vadd.f32 v18, v19;
	v19 =	vmul.f32 v35, v36;
	_ =	sdelay $0x1  }
0x1c0: {  	v18 =	vadd.f32 v19, v18;
	_ =	sdelay $0x1  }
0x1c1: {  	v19 =	vmul.f32 $9.999999770e-03, v18;
	_ =	sdelay $0x1  }
0x1c2: {  	v18 =	vmax.f32 v18, v19;
	v19 =	vld [tilespmem:s19+$0x19BF0]  }
0x1c3: {  	[tilespmem:s19+$0x1DBE0] =	vst v18;
	v18 =	vld [tilespmem:s19+$0x1BBF0]  }
0x1c4: {  	v37 =	vld [tilespmem:$0x18710];
	_ =	sdelay $0x4  }
0x1c5: {  	v18 =	vadd.f32 v18, v19;
	v19 =	vmul.f32 v37, v36;
	_ =	sdelay $0x1  }
0x1c6: {  	v18 =	vadd.f32 v19, v18;
	_ =	sdelay $0x1  }
0x1c7: {  	v19 =	vmul.f32 $9.999999770e-03, v18;
	_ =	sdelay $0x1  }
0x1c8: {  	v18 =	vmax.f32 v18, v19;
	v19 =	vld [tilespmem:s19+$0x19C00]  }
0x1c9: {  	[tilespmem:s19+$0x1DBF0] =	vst v18;
	v18 =	vld [tilespmem:s19+$0x1BC00]  }
0x1ca: {  	v38 =	vld [tilespmem:$0x18700];
	_ =	sdelay $0x2  }
0x1cb: {  	v39 =	vperm.xlane v17, v8;
	_ =	sdelay $0x1  }
0x1cc: {  	v18 =	vadd.f32 v18, v19;
	v19 =	vmul.f32 v38, v39;
	_ =	sdelay $0x1  }
0x1cd: {  	v18 =	vadd.f32 v19, v18;
	_ =	sdelay $0x1  }
0x1ce: {  	v19 =	vmul.f32 $9.999999770e-03, v18;
	_ =	sdelay $0x1  }
0x1cf: {  	v18 =	vmax.f32 v18, v19;
	v19 =	vld [tilespmem:s19+$0x19C10]  }
0x1d0: {  	[tilespmem:s19+$0x1DC00] =	vst v18;
	v18 =	vld [tilespmem:s19+$0x1BC10]  }
0x1d1: {  	v40 =	vld [tilespmem:$0x18710];
	_ =	sdelay $0x4  }
0x1d2: {  	v18 =	vadd.f32 v18, v19;
	v19 =	vmul.f32 v40, v39;
	_ =	sdelay $0x1  }
0x1d3: {  	v18 =	vadd.f32 v19, v18;
	_ =	sdelay $0x1  }
0x1d4: {  	v19 =	vmul.f32 $9.999999770e-03, v18;
	_ =	sdelay $0x1  }
0x1d5: {  	v18 =	vmax.f32 v18, v19;
	v19 =	vld [tilespmem:s19+$0x19C20]  }
0x1d6: {  	[tilespmem:s19+$0x1DC10] =	vst v18;
	v18 =	vld [tilespmem:s19+$0x1BC20]  }
0x1d7: {  	v41 =	vld [tilespmem:$0x18700];
	_ =	sdelay $0x2  }
0x1d8: {  	v42 =	vperm.xlane v17, v9;
	_ =	sdelay $0x1  }
0x1d9: {  	v18 =	vadd.f32 v18, v19;
	v19 =	vmul.f32 v41, v42;
	_ =	sdelay $0x1  }
0x1da: {  	v18 =	vadd.f32 v19, v18;
	_ =	sdelay $0x1  }
0x1db: {  	v19 =	vmul.f32 $9.999999770e-03, v18;
	_ =	sdelay $0x1  }
0x1dc: {  	v18 =	vmax.f32 v18, v19;
	v19 =	vld [tilespmem:s19+$0x19C30]  }
0x1dd: {  	[tilespmem:s19+$0x1DC20] =	vst v18;
	v18 =	vld [tilespmem:s19+$0x1BC30]  }
0x1de: {  	v43 =	vld [tilespmem:$0x18710];
	_ =	sdelay $0x4  }
0x1df: {  	v18 =	vadd.f32 v18, v19;
	v19 =	vmul.f32 v43, v42;
	_ =	sdelay $0x1  }
0x1e0: {  	v18 =	vadd.f32 v19, v18;
	_ =	sdelay $0x1  }
0x1e1: {  	v19 =	vmul.f32 $9.999999770e-03, v18;
	_ =	sdelay $0x1  }
0x1e2: {  	v18 =	vmax.f32 v18, v19;
	v19 =	vld [tilespmem:s19+$0x19C40]  }
0x1e3: {  	[tilespmem:s19+$0x1DC30] =	vst v18;
	v18 =	vld [tilespmem:s19+$0x1BC40]  }
0x1e4: {  	v44 =	vld [tilespmem:$0x18700];
	_ =	sdelay $0x2  }
0x1e5: {  	v45 =	vperm.xlane v17, v10;
	_ =	sdelay $0x1  }
0x1e6: {  	v18 =	vadd.f32 v18, v19;
	v19 =	vmul.f32 v44, v45;
	_ =	sdelay $0x1  }
0x1e7: {  	v18 =	vadd.f32 v19, v18;
	_ =	sdelay $0x1  }
0x1e8: {  	v19 =	vmul.f32 $9.999999770e-03, v18;
	_ =	sdelay $0x1  }
0x1e9: {  	v18 =	vmax.f32 v18, v19;
	v19 =	vld [tilespmem:s19+$0x19C50]  }
0x1ea: {  	[tilespmem:s19+$0x1DC40] =	vst v18;
	v18 =	vld [tilespmem:s19+$0x1BC50]  }
0x1eb: {  	v46 =	vld [tilespmem:$0x18710];
	_ =	sdelay $0x4  }
0x1ec: {  	v18 =	vadd.f32 v18, v19;
	v19 =	vmul.f32 v46, v45;
	_ =	sdelay $0x1  }
0x1ed: {  	v18 =	vadd.f32 v19, v18;
	_ =	sdelay $0x1  }
0x1ee: {  	v19 =	vmul.f32 $9.999999770e-03, v18;
	_ =	sdelay $0x1  }
0x1ef: {  	v18 =	vmax.f32 v18, v19;
	v19 =	vld [tilespmem:s19+$0x19C60]  }
0x1f0: {  	[tilespmem:s19+$0x1DC50] =	vst v18;
	v18 =	vld [tilespmem:s19+$0x1BC60]  }
0x1f1: {  	v47 =	vld [tilespmem:$0x18700];
	_ =	sdelay $0x2  }
0x1f2: {  	v48 =	vperm.xlane v17, v11;
	_ =	sdelay $0x1  }
0x1f3: {  	v18 =	vadd.f32 v18, v19;
	v19 =	vmul.f32 v47, v48;
	_ =	sdelay $0x1  }
0x1f4: {  	v18 =	vadd.f32 v19, v18;
	_ =	sdelay $0x1  }
0x1f5: {  	v19 =	vmul.f32 $9.999999770e-03, v18;
	_ =	sdelay $0x1  }
0x1f6: {  	v18 =	vmax.f32 v18, v19;
	v19 =	vld [tilespmem:s19+$0x19C70]  }
0x1f7: {  	[tilespmem:s19+$0x1DC60] =	vst v18;
	v18 =	vld [tilespmem:s19+$0x1BC70]  }
0x1f8: {  	v49 =	vld [tilespmem:$0x18710];
	_ =	sdelay $0x4  }
0x1f9: {  	v18 =	vadd.f32 v18, v19;
	v19 =	vmul.f32 v49, v48;
	_ =	sdelay $0x1  }
0x1fa: {  	v18 =	vadd.f32 v19, v18;
	_ =	sdelay $0x1  }
0x1fb: {  	v19 =	vmul.f32 $9.999999770e-03, v18;
	_ =	sdelay $0x1  }
0x1fc: {  	v18 =	vmax.f32 v18, v19;
	v19 =	vld [tilespmem:s19+$0x19C80]  }
0x1fd: {  	[tilespmem:s19+$0x1DC70] =	vst v18;
	v18 =	vld [tilespmem:s19+$0x1BC80]  }
0x1fe: {  	v50 =	vld [tilespmem:$0x18700];
	_ =	sdelay $0x2  }
0x1ff: {  	v51 =	vperm.xlane v17, v12;
	_ =	sdelay $0x1  }
0x200: {  	v18 =	vadd.f32 v18, v19;
	v19 =	vmul.f32 v50, v51;
	_ =	sdelay $0x1  }
0x201: {  	v18 =	vadd.f32 v19, v18;
	_ =	sdelay $0x1  }
0x202: {  	v19 =	vmul.f32 $9.999999770e-03, v18;
	_ =	sdelay $0x1  }
0x203: {  	v18 =	vmax.f32 v18, v19;
	v19 =	vld [tilespmem:s19+$0x19C90]  }
0x204: {  	[tilespmem:s19+$0x1DC80] =	vst v18;
	v18 =	vld [tilespmem:s19+$0x1BC90]  }
0x205: {  	v52 =	vld [tilespmem:$0x18710];
	_ =	sdelay $0x4  }
0x206: {  	v18 =	vadd.f32 v18, v19;
	v19 =	vmul.f32 v52, v51;
	_ =	sdelay $0x1  }
0x207: {  	v18 =	vadd.f32 v19, v18;
	_ =	sdelay $0x1  }
0x208: {  	v19 =	vmul.f32 $9.999999770e-03, v18;
	_ =	sdelay $0x1  }
0x209: {  	v18 =	vmax.f32 v18, v19;
	v19 =	vld [tilespmem:s19+$0x19CA0]  }
0x20a: {  	[tilespmem:s19+$0x1DC90] =	vst v18;
	v18 =	vld [tilespmem:s19+$0x1BCA0]  }
0x20b: {  	v53 =	vld [tilespmem:$0x18700];
	_ =	sdelay $0x2  }
0x20c: {  	v54 =	vperm.xlane v17, v13;
	_ =	sdelay $0x1  }
0x20d: {  	v18 =	vadd.f32 v18, v19;
	v19 =	vmul.f32 v53, v54;
	_ =	sdelay $0x1  }
0x20e: {  	v18 =	vadd.f32 v19, v18;
	_ =	sdelay $0x1  }
0x20f: {  	v19 =	vmul.f32 $9.999999770e-03, v18;
	_ =	sdelay $0x1  }
0x210: {  	v18 =	vmax.f32 v18, v19;
	v19 =	vld [tilespmem:s19+$0x19CB0]  }
0x211: {  	[tilespmem:s19+$0x1DCA0] =	vst v18;
	v18 =	vld [tilespmem:s19+$0x1BCB0]  }
0x212: {  	v55 =	vld [tilespmem:$0x18710];
	_ =	sdelay $0x4  }
0x213: {  	v18 =	vadd.f32 v18, v19;
	v19 =	vmul.f32 v55, v54;
	_ =	sdelay $0x1  }
0x214: {  	v18 =	vadd.f32 v19, v18;
	_ =	sdelay $0x1  }
0x215: {  	v19 =	vmul.f32 $9.999999770e-03, v18;
	_ =	sdelay $0x1  }
0x216: {  	v18 =	vmax.f32 v18, v19;
	v19 =	vld [tilespmem:s19+$0x19CC0]  }
0x217: {  	[tilespmem:s19+$0x1DCB0] =	vst v18;
	v18 =	vld [tilespmem:s19+$0x1BCC0]  }
0x218: {  	v56 =	vld [tilespmem:$0x18700];
	_ =	sdelay $0x2  }
0x219: {  	v57 =	vperm.xlane v17, v14;
	_ =	sdelay $0x1  }
0x21a: {  	v18 =	vadd.f32 v18, v19;
	v19 =	vmul.f32 v56, v57;
	_ =	sdelay $0x1  }
0x21b: {  	v18 =	vadd.f32 v19, v18;
	_ =	sdelay $0x1  }
0x21c: {  	v19 =	vmul.f32 $9.999999770e-03, v18;
	_ =	sdelay $0x1  }
0x21d: {  	v18 =	vmax.f32 v18, v19;
	v19 =	vld [tilespmem:s19+$0x19CD0]  }
0x21e: {  	[tilespmem:s19+$0x1DCC0] =	vst v18;
	v18 =	vld [tilespmem:s19+$0x1BCD0]  }
0x21f: {  	v58 =	vld [tilespmem:$0x18710];
	_ =	sdelay $0x4  }
0x220: {  	v18 =	vadd.f32 v18, v19;
	v19 =	vmul.f32 v58, v57;
	_ =	sdelay $0x1  }
0x221: {  	v18 =	vadd.f32 v19, v18;
	_ =	sdelay $0x1  }
0x222: {  	v19 =	vmul.f32 $9.999999770e-03, v18;
	_ =	sdelay $0x1  }
0x223: {  	v18 =	vmax.f32 v18, v19;
	v19 =	vld [tilespmem:s19+$0x19CE0]  }
0x224: {  	[tilespmem:s19+$0x1DCD0] =	vst v18;
	v18 =	vld [tilespmem:s19+$0x1BCE0]  }
0x225: {  	v59 =	vld [tilespmem:$0x18700];
	_ =	sdelay $0x2  }
0x226: {  	v60 =	vperm.xlane v17, v15;
	_ =	sdelay $0x1  }
0x227: {  	v18 =	vadd.f32 v18, v19;
	v19 =	vmul.f32 v59, v60;
	_ =	sdelay $0x1  }
0x228: {  	v18 =	vadd.f32 v19, v18;
	_ =	sdelay $0x1  }
0x229: {  	v19 =	vmul.f32 $9.999999770e-03, v18;
	_ =	sdelay $0x1  }
0x22a: {  	v18 =	vmax.f32 v18, v19;
	v19 =	vld [tilespmem:s19+$0x19CF0]  }
0x22b: {  	[tilespmem:s19+$0x1DCE0] =	vst v18;
	v18 =	vld [tilespmem:s19+$0x1BCF0]  }
0x22c: {  	v61 =	vld [tilespmem:$0x18710];
	_ =	sdelay $0x4  }
0x22d: {  	v18 =	vadd.f32 v18, v19;
	v19 =	vmul.f32 v61, v60;
	_ =	sdelay $0x1  }
0x22e: {  	v18 =	vadd.f32 v19, v18;
	_ =	sdelay $0x1  }
0x22f: {  	v19 =	vmul.f32 $9.999999770e-03, v18;
	_ =	sdelay $0x1  }
0x230: {  	v18 =	vmax.f32 v18, v19;
	v19 =	vld [tilespmem:s19+$0x19D00]  }
0x231: {  	[tilespmem:s19+$0x1DCF0] =	vst v18;
	v18 =	vld [tilespmem:s19+$0x1BD00]  }
0x232: {  	v62 =	vld [tilespmem:$0x18700];
	_ =	sdelay $0x2  }
0x233: {  	v17 =	vperm.xlane v17, v16;
	_ =	sdelay $0x1  }
0x234: {  	v18 =	vadd.f32 v18, v19;
	v19 =	vmul.f32 v62, v17;
	_ =	sdelay $0x1  }
0x235: {  	v18 =	vadd.f32 v19, v18;
	_ =	sdelay $0x1  }
0x236: {  	v19 =	vmul.f32 $9.999999770e-03, v18;
	_ =	sdelay $0x1  }
0x237: {  	v18 =	vmax.f32 v18, v19;
	v19 =	vld [tilespmem:s19+$0x19D10]  }
0x238: {  	[tilespmem:s19+$0x1DD00] =	vst v18;
	v18 =	vld [tilespmem:s19+$0x1BD10]  }
0x239: {  	v63 =	vld [tilespmem:$0x18710];
	_ =	sdelay $0x4  }
0x23a: {  	v18 =	vadd.f32 v18, v19;
	v17 =	vmul.f32 v63, v17;
	_ =	sdelay $0x1  }
0x23b: {  	p1 =	sne.s32 s10, $0x3800;
	v17 =	vadd.f32 v17, v18  }
.Ltmp6:
0x23c: {  	_ = 	snop;
	(pc) =	sbr.rel @p1 .LBB2_7-.Ltmp6, $3  }
0x23d: {  	v18 =	vmul.f32 $9.999999770e-03, v17;
	_ =	sdelay $0x1  }
0x23e: {  	v17 =	vmax.f32 v17, v18  }
0x23f: {  	s18 =	sadd.s32 $0x10, s18;
	s10 =	sadd.s32 $0x800, s10;
	[tilespmem:s19+$0x1DD10] =	vst v17  }
.Ltmp7:
0x240: {  	s9 =	sshll.u32 @!p0 s9, $0x4;
	(pc) =	sbr.rel .LBB2_9-.Ltmp7, $4  }
0x241: {  	s10 =	simm.s32 @!p0 $0x0;
	s18 =	simm.s32 @!p0 $0x18AA0;
	s9 =	sadd.s32 @!p0 s6, s9  }
0x242: {  	[tilespmem:s18], [sflag:$0x4] =	stream.linear.gather @!p0 [hbm4b:s9+s10], $0x80, $0x38;
	[tilespmem:$0x1EB20] =	vst v63  }
0x243: {  	_ = 	snop  }
0x244: {  	[spmem:s3] =	stream.indirect.scatter.add.f32 [tilespmem:s15], [sflag:$0xA], $0x20, s14, s24, $0xb8;
	[tilespmem:$0x1EB20] =	vst v63  }
.LBB2_11:
0x245: {  	_ =	sfence.sel $0x180000  }
0x246: {  	[bflag:$0x0] =	sbarrier.arrive $0xFFFF  }
0x247: {  	_ =	strace $0x90000047  }
0x248: {  	s0 =	stileid.u32;
	[bflag:$0x2] =	sbarrier.arrive $0xFFFF  }
0x249: {  	p0 =	sne.s32 s0, $0x0;
	s0 =	rddreg [dreg:$0x4]  }
0x24a: {  	s0 =	sadd.s32 @!p0 $0x100000, s0  }
0x24b: {  	[sflag:s0] =	ssyncadd.tile.s32 @!p0 $0x1;
	_ =	shalt  }
.Lfunc_end2:
_tile_overlayer_lowered:
.L_overlay_start_2:
0x24c: {  	(tag) =	ssettag $0x2  }
0x24d: {  	s0 =	rddreg [dreg:$0x0];
	s2 =	stileid.u32  }
0x24e: {  	s1 =	rddreg [dreg:$0x1];
	p0 =	sne.s32 s2, $0x0  }
0x24f: {  	s3 =	rddreg [dreg:$0x2];
	[bflag:$0x3] =	sbarrier.arrive $0xFFFF;
	s2 =	simm.s32 @!p0 $0x1C0B  }
0x250: {  	[timem:s3], [sflag:s2] =	dma.local @!p0 [hbm:s0], s1  }
0x251: {  	s0 =	simm.s32 @!p0 $0xB  }
0x252: {  	_ =	swait.ge @!p0 [sflag:s0], s1  }
0x253: {  	s1 =	ssub.s32 @!p0 $0x0, s1;
	[sflag:s0] =	ssyncset.done @!p0 $0x0  }
0x254: {  	[sflag:s0] =	ssyncadd.s32 @!p0 s1  }
0x255: {  	[bflag:$0x3] =	sbarrier.arrive $0xFFFF  }
0x256: {  	_ =	shalt  }

// kernel: kernel.9.cloned.1.call-start
scs
__scs_entry_jumppad:
0x0: {  	(pc) =	sbr.rel $0x88, $3  }
0x1: {  	(tag) =	ssettag $0x0;
	lr =	simm.s32 $0x1  }
0x2: {  	[smem:$0x3F95] =	sst lr;
	_ =	strace $0xD0000000  }
0x3: {  	_ = 	snop  }
0x4: {  	_ = 	snop  }
0x5: {  	_ = 	snop  }
0x6: {  	_ = 	snop  }
0x7: {  	_ = 	snop  }
__scs_overlays_trampoline_lowered:
0x8: {  	[smem:$0x3FA4] =	sst s0  }
0x9: {  	[smem:$0x3FA5] =	sst s1  }
0xa: {  	[smem:$0x3FA6] =	sst s2  }
0xb: {  	[smem:$0x3FA7] =	sst s3  }
0xc: {  	[smem:$0x3FA8] =	sst s4  }
0xd: {  	[smem:$0x3FA9] =	sst s5  }
0xe: {  	[smem:$0x3FAA] =	sst s6  }
0xf: {  	[smem:$0x3FAB] =	sst s7  }
0x10: {  	[smem:$0x3FAC] =	sst s8  }
0x11: {  	[smem:$0x3FAD] =	sst s9;
	s0 =	simm.s32 @!p0 $0x0  }
0x12: {  	s1 =	sld [smem:$0x3F93];
	s0 =	simm.s32 @p0 $0x1  }
0x13: {  	[smem:$0x3FAE] =	sst s0;
	s0 =	simm.s32 @!p1 $0x0  }
0x14: {  	s2 =	sld [smem:$0x3F92];
	s0 =	simm.s32 @p1 $0x1  }
0x15: {  	[smem:$0x3FAF] =	sst s0;
	s0 =	simm.s32 @!p2 $0x0  }
0x16: {  	s3 =	sld [smem:$0x3FDB];
	s0 =	simm.s32 @p2 $0x1  }
0x17: {  	s4 =	simm.s32 $0x1BF5;
	[smem:$0x3FB1] =	sst s0  }
0x18: {  	s0 =	sld [smem:$0x3F94];
	_ =	swait.ge [sflag:s4], $0x0  }
0x19: {  	s7 =	sld [smem:$0x3F95]  }
0x1a: {  	s8 =	sadd.s32 $0xFFFFE003, lr  }
0x1b: {  	s9 =	sadd.s32 $0xFFFFFEF7, lr;
	s5 =	simm.s32 $0xFFFFFFFF;
	p2 =	slt.u32 s8, $0xFFFFF086  }
0x1c: {  	p1 =	slt.u32 s9, $0xF7A;
	s5 =	simm.s32 @!p2 $0x0  }
0x1d: {  	s5 =	simm.s32 @p1 $0x1;
	p0 =	seq.s32 s7, s2  }
0x1e: {  	s7 =	smul.u32 @!p0 $0xF7A, s2;
	p2 =	seq.s32 @!p0 s5, $0x0  }
0x1f: {  	s9 =	smul.u32 $0xF7A, s1;
	s8 =	simm.s32 @!p0 $0x1BF5;
	p2 =	por !p2, p0  }
0x20: {  	[sflag:s8] =	ssyncset.s32 @!p0 $0xFFFFF086;
	s6 =	sadd.s32 @!p0 s3, s7;
	s7 =	simm.s32 @!p0 $0x108  }
0x21: {  	s3 =	sadd.s32 s3, s9;
	s6 =	sadd.s32 @!p0 $0x88, s6;
	s7 =	simm.s32 @p2 $0x1082  }
0x22: {  	[simem:s7], [sflag:s8] =	dma.local @!p0 [hbm:s6], $0xF7A  }
0x23: {  	s9 =	sor.u32 $0xD0000000, s2;
	s6 =	simm.s32 $0x108;
	_ =	swait.ge @!p0 [sflag:s8], $0x0  }
0x24: {  	s3 =	sadd.s32 $0x88, s3;
	s6 =	simm.s32 @!p1 $0x1082;
	[sflag:s4] =	ssyncset.s32 $0xFFFFF086  }
0x25: {  	[simem:s6], [sflag:s4] =	dma.local [hbm:s3], $0xF7A  }
0x26: {  	[smem:$0x3F95] =	sst s1;
	(tag) =	ssettag s2;
	_ =	strace s9  }
0x27: {  	s1 =	sld [smem:$0x3FA5]  }
0x28: {  	s2 =	sld [smem:$0x3FA6]  }
0x29: {  	s4 =	sld [smem:$0x3FA8]  }
0x2a: {  	p0 =	seq.s32 s5, $0x0;
	s5 =	sld [smem:$0x3FA9]  }
0x2b: {  	s6 =	sld [smem:$0x3FAA]  }
0x2c: {  	s7 =	sld [smem:$0x3FAB]  }
0x2d: {  	s3 =	simm.s32 $0x108;
	s8 =	sld [smem:$0x3FAC]  }
0x2e: {  	s3 =	simm.s32 @!p0 $0x1082;
	s9 =	sld [smem:$0x3FAD]  }
0x2f: {  	lr =	sadd.s32 s0, s3;
	s0 =	sld [smem:$0x3FA4]  }
0x30: {  	s3 =	sld [smem:$0x3FA7]  }
0x31: {  	[smem:$0x3FB0] =	sst s10  }
0x32: {  	s10 =	sld [smem:$0x3FAE];
	_ =	sdelay $0x3  }
0x33: {  	p0 =	seq.s32 s10, $0x1;
	s10 =	sld [smem:$0x3FB0];
	_ =	sdelay $0x3  }
0x34: {  	[smem:$0x3FB0] =	sst s10  }
0x35: {  	s10 =	sld [smem:$0x3FAF];
	_ =	sdelay $0x3  }
0x36: {  	p1 =	seq.s32 s10, $0x1;
	s10 =	sld [smem:$0x3FB0];
	_ =	sdelay $0x3  }
0x37: {  	[smem:$0x3FB0] =	sst s10  }
0x38: {  	s10 =	sld [smem:$0x3FB1]  }
0x39: {  	_ = 	snop;
	(pc) =	sbr.ind lr, $3  }
0x3a: {  	_ = 	snop  }
0x3b: {  	_ = 	snop  }
0x3c: {  	p2 =	seq.s32 s10, $0x1;
	s10 =	sld [smem:$0x3FB0]  }
0x3d: {  	_ =	shalt  }
0x3e: {  	_ =	shalt  }
0x3f: {  	_ =	shalt  }
0x40: {  	_ =	shalt  }
0x41: {  	_ =	shalt  }
0x42: {  	_ =	shalt  }
0x43: {  	_ =	shalt  }
0x44: {  	_ =	shalt  }
0x45: {  	_ =	shalt  }
0x46: {  	_ =	shalt  }
0x47: {  	_ =	shalt  }
0x48: {  	_ =	shalt  }
0x49: {  	_ =	shalt  }
0x4a: {  	_ =	shalt  }
0x4b: {  	_ =	shalt  }
0x4c: {  	_ =	shalt  }
0x4d: {  	_ =	shalt  }
0x4e: {  	_ =	shalt  }
0x4f: {  	_ =	shalt  }
0x50: {  	_ =	shalt  }
0x51: {  	_ =	shalt  }
0x52: {  	_ =	shalt  }
0x53: {  	_ =	shalt  }
0x54: {  	_ =	shalt  }
0x55: {  	_ =	shalt  }
0x56: {  	_ =	shalt  }
0x57: {  	_ =	shalt  }
0x58: {  	_ =	shalt  }
0x59: {  	_ =	shalt  }
0x5a: {  	_ =	shalt  }
0x5b: {  	_ =	shalt  }
0x5c: {  	_ =	shalt  }
0x5d: {  	_ =	shalt  }
0x5e: {  	_ =	shalt  }
0x5f: {  	_ =	shalt  }
0x60: {  	_ =	shalt  }
0x61: {  	_ =	shalt  }
0x62: {  	_ =	shalt  }
0x63: {  	_ =	shalt  }
0x64: {  	_ =	shalt  }
0x65: {  	_ =	shalt  }
0x66: {  	_ =	shalt  }
0x67: {  	_ =	shalt  }
0x68: {  	_ =	shalt  }
0x69: {  	_ =	shalt  }
0x6a: {  	_ =	shalt  }
0x6b: {  	_ =	shalt  }
0x6c: {  	_ =	shalt  }
0x6d: {  	_ =	shalt  }
0x6e: {  	_ =	shalt  }
0x6f: {  	_ =	shalt  }
0x70: {  	_ =	shalt  }
0x71: {  	_ =	shalt  }
0x72: {  	_ =	shalt  }
0x73: {  	_ =	shalt  }
0x74: {  	_ =	shalt  }
0x75: {  	_ =	shalt  }
0x76: {  	_ =	shalt  }
0x77: {  	_ =	shalt  }
0x78: {  	_ =	shalt  }
0x79: {  	_ =	shalt  }
0x7a: {  	_ =	shalt  }
0x7b: {  	_ =	shalt  }
0x7c: {  	_ =	shalt  }
0x7d: {  	_ =	shalt  }
0x7e: {  	_ =	shalt  }
0x7f: {  	_ =	shalt  }
0x80: {  	_ =	shalt  }
0x81: {  	_ =	shalt  }
0x82: {  	_ =	shalt  }
0x83: {  	_ =	shalt  }
0x84: {  	_ =	shalt  }
0x85: {  	_ =	shalt  }
0x86: {  	_ =	shalt  }
0x87: {  	_ =	shalt  }
.Lfunc_end0:
.L_simem_size_0:
called_computation.1_lowered:
.L_overlay_start_0:
0x88: {  	s2 =	sld [smem:$0x3FD9]  }
0x89: {  	s3 =	sld [smem:$0x3FFE];
	_ =	sdelay $0x1  }
0x8a: {  	s1 =	srdreg.scid  }
0x8b: {  	s0 =	sand.u32 $0x1, s1  }
0x8c: {  	s17 =	sshll.u32 s0, $0xA;
	s2 =	sadd.s32 s3, s2  }
0x8d: {  	s2 =	sadd.s32 s2, s17  }
0x8e: {  	[smem:$0x3FBC] =	sst s2  }
0x8f: {  	_ = 	snop  }
0x90: {  	(tm) =	ssettm $0x1  }
0x91: {  	s18 =	sld [smem:$0x3FFB];
	_ =	sdelay $0x3  }
0x92: {  	_ =	strace s18  }
0x93: {  	s2 =	sld [smem:$0x3FFC];
	_ =	sdelay $0x3  }
0x94: {  	_ =	strace s2  }
0x95: {  	s2 =	sld [smem:$0x3FFD];
	_ =	sdelay $0x3  }
0x96: {  	_ =	strace s2  }
0x97: {  	_ =	strace $0x8FFFFFFF  }
0x98: {  	s19 =	sld [smem:$0x3FDB];
	_ =	sdelay $0x1  }
0x99: {  	s20 =	simm.s32 $_scs_section_size  }
0x9a: {  	s4 =	simm.s32 $_size__tile_overlayer_lowered;
	s5 =	simm.s32 $_tile_overlayer_lowered  }
0x9b: {  	s6 =	simm.s32 $0x1BFF;
	s21 =	sshll.u32 s5, $0x1;
	s3 =	sadd.s32 s20, s19  }
0x9c: {  	s22 =	simm.s32 $0x0;
	s4 =	sshll.u32 s4, $0x1;
	s5 =	sadd.s32 s21, s3  }
0x9d: {  	[timem:s22], [sflag:s6] =	dma.local [hbm:s5], s4  }
0x9e: {  	_ =	swait.ge [sflag:s6], s4  }
0x9f: {  	s4 =	ssub.s32 $0x0, s4;
	[sflag:s6] =	ssyncset.done $0x0  }
0xa0: {  	[sflag:s6] =	ssyncadd.s32 s4;
	_ =	sdelay $0x1  }
0xa1: {  	s23 =	simm.s32 $0x1B8B  }
0xa2: {  	_ =	swait.ge [sflag:s23], $0x1  }
0xa3: {  	[sflag:s23] =	ssyncset.done $0x0  }
0xa4: {  	[sflag:s23] =	ssyncadd.s32 $0xFFFFFFFF  }
0xa5: {  	s4 =	sld [smem:$0x0]  }
0xa6: {  	s5 =	sand.u32 $0xFFFFFFFE, s1  }
0xa7: {  	p0 =	sne.s32 s1, s5  }
0xa8: {  	s5 =	sshll.u32 @p0 s5, $0xE  }
0xa9: {  	s5 =	sadd.s32 @p0 $0x11B8D, s5;
	s6 =	sshll.u32 @p0 s4, $0x11  }
0xaa: {  	s5 =	sor.u32 @p0 s6, s5  }
0xab: {  	[sflag:s5] =	ssyncadd.remote.s32 @p0 $0x1;
	_ =	sdelay $0x1  }
0xac: {  	s5 =	simm.s32 @p0 $0x1B8D  }
0xad: {  	_ =	swait.eq @p0 [sflag:s5], $0x1  }
0xae: {  	[sflag:s5] =	ssyncadd.s32 @p0 $0xFFFFFFFF  }
0xaf: {  	s6 =	sshll.u32 @!p0 s1, $0xE  }
0xb0: {  	s6 =	sor.u32 @!p0 $0x4000, s6;
	s5 =	simm.s32 @!p0 $0x1B8D  }
0xb1: {  	s4 =	sshll.u32 @!p0 s4, $0x11;
	s6 =	sadd.s32 @!p0 $0x11B8D, s6;
	_ =	swait.eq @!p0 [sflag:s5], $0x1  }
0xb2: {  	s4 =	sor.u32 @!p0 s4, s6;
	[sflag:s5] =	ssyncadd.s32 @!p0 $0xFFFFFFFF  }
0xb3: {  	s25 =	simm.s32 $0x1B8E;
	s24 =	sld [smem:$0x3FFE];
	[sflag:s4] =	ssyncadd.remote.s32 @!p0 $0x1  }
0xb4: {  	s26 =	simm.s32 $execute0_lowered;
	[smem:$0x3FD2] =	sst s25  }
0xb5: {  	s5 =	sshll.u32 s26, $0x1;
	_ =	strace $0x80000049;
	[dreg:$0x1] =	wrdreg $0xFFFFFFFF  }
0xb6: {  	s28 =	simm.s32 $_size_execute0_lowered;
	s3 =	sadd.s32 s3, s5;
	[dreg:$0x0] =	wrdreg $0x0  }
0xb7: {  	s5 =	sshll.u32 s28, $0x1;
	[dreg:$0x2] =	wrdreg s3  }
0xb8: {  	[dreg:$0x3] =	wrdreg s5  }
0xb9: {  	[dreg:$0x4] =	wrdreg $0xC0  }
0xba: {  	_ =	task [dreg:s22], $0x5FFFF  }
0xbb: {  	[dreg:$0x1] =	wrdreg $0xFFFFFFFF  }
0xbc: {  	[dreg:$0x0] =	wrdreg $0x60  }
0xbd: {  	[dreg:$0x2] =	wrdreg s24  }
0xbe: {  	[dreg:$0x3] =	wrdreg $0x0  }
0xbf: {  	[dreg:$0x4] =	wrdreg $0xA  }
0xc0: {  	_ =	task.clear_ibuf [dreg:s22], $0x5FFFF;
	_ =	strace $0x90000049  }
0xc1: {  	s29 =	simm.s32 $0xA;
	_ =	strace $0x8000004B  }
0xc2: {  	_ =	swait.ge [sflag:s29], $0x1  }
0xc3: {  	[sflag:s29] =	ssyncadd.s32 $0xFFFFFFFF  }
0xc4: {  	_ =	strace $0x9000004B  }
0xc5: {  	_ =	sfence  }
0xc6: {  	s30 =	sld [smem:$0x0];
	_ =	sdelay $0x2  }
0xc7: {  	s31 =	sshll.u32 s1, $0xD;
	s1 =	sshrl.u32 s1, $0x2  }
0xc8: {  	s4 =	sand.u32 $0x4000, s31;
	s1 =	sadd.s32 s1, s30  }
0xc9: {  	s0 =	sor.u32 s4, s0;
	s1 =	sshll.u32 s1, $0x11  }
0xca: {  	s0 =	sor.u32 s1, s0  }
0xcb: {  	s0 =	sadd.s32 $0x8F2B, s0  }
0xcc: {  	[sflag:s0] =	ssyncadd.remote.s32 $0x1  }
0xcd: {  	_ =	sfence.sel $0xFFFF  }
0xce: {  	[dreg:$0x0] =	wrdreg $0xFFFFFFFF;
	(pc) =	sbr.abs _section_cstart, $3  }
0xcf: {  	[dreg:$0x1] =	wrdreg $0xFFFFFFFF  }
0xd0: {  	_ =	task.clear_ibuf [dreg:s22], $0x2FFFF;
	_ =	strace $0x9FFFFFFF  }
0xd1: {  	(tm) =	ssettm $0x7FFFFFFF  }
tec
execute0_lowered:
.L_overlay_start_1:
0x0: {  	(tag) =	ssettag $0x1  }
0x1: {  	s5 =	rddreg [dreg:$0x0]  }
0x2: {  	s2 =	rddreg [dreg:$0x1];
	s3 =	simm.s32 $0x0;
	s1 =	stileid.u32  }
0x3: {  	s4 =	srdreg.scid;
	s18 =	simm.s32 $0x61C0;
	s28 =	simm.s32 $0x0  }
0x4: {  	[smem:$0x7FF] =	sst s3;
	s6 =	smul.u32 $0x61C0, s1;
	s9 =	sand.u32 $0x1, s4  }
0x5: {  	s14 =	sadd.s32 $0x24CC00, s5;
	s8 =	smul.u32 $0xC38, s1;
	s4 =	sadd.s32 $0xBA200, s5  }
0x6: {  	s21 =	sshll.u32 s1, $0x6;
	s25 =	smul.u32 $0x6200, s1;
	_ =	strace $0x8000004A  }
0x7: {  	s7 =	sshll.u32 s9, $0x4;
	s10 =	ssub.s32 $0x2, s9;
	s22 =	smul.u32 $0xC380, s9  }
0x8: {  	s23 =	smul.u32 $0x62000, s9;
	s19 =	sshrl.u32 s6, $0x3;
	s7 =	sor.u32 s1, s7  }
0x9: {  	s12 =	sshrl.u32 s10, $0x1;
	s15 =	sadd.s32 s8, s5;
	s16 =	sadd.s32 s6, s2  }
0xa: {  	s11 =	sadd.s32 s19, s5;
	s13 =	smul.u32 $0x6200, s7;
	s10 =	ssub.s32 s10, s12  }
0xb: {  	s7 =	sor.u32 $0x1C05, s21;
	s24 =	sadd.s32 s22, s15;
	s12 =	sadd.s32 s25, s23  }
0xc: {  	s19 =	simm.s32 $0x6240;
	s21 =	simm.s32 $0x80;
	s22 =	simm.s32 $0x62C0  }
0xd: {  	s23 =	simm.s32 $0x2;
	s25 =	simm.s32 $0x3;
	s5 =	sadd.s32 $0xADE00, s11  }
0xe: {  	s9 =	sadd.s32 $0x265400, s24;
	s10 =	smax.u32 s10, $0x1;
	s15 =	sadd.s32 $0x280, s12  }
0xf: {  	s29 =	sadd.s32 $0x200, s12;
	s24 =	simm.s32 $0x6340;
	s20 =	sshrl.u32 s13, $0x3  }
0x10: {  	s17 =	sor.u32 $0x100, s13;
	s13 =	sor.u32 $0x180, s13;
	s30 =	sshrl.u32 s15, $0x3  }
.Ltmp0:
0x11: {  	s31 =	sshrl.u32 s29, $0x3;
	s15 =	sshrl.u32 s16, $0x3;
	(pc) =	sbr.rel .LBB2_1-.Ltmp0, $4  }
0x12: {  	s16 =	simm.s32 $0x5;
	s6 =	sadd.s32 s14, s20;
	s26 =	sshrl.u32 s17, $0x3  }
0x13: {  	s13 =	sshrl.u32 s13, $0x3;
	s17 =	simm.s32 $0x63C0;
	s20 =	simm.s32 $0x1  }
0x14: {  	s8 =	sadd.s32 $0x10, s6;
	s11 =	sadd.s32 s14, s26;
	s12 =	sadd.s32 s14, s13  }
0x15: {  	s13 =	sadd.s32 s30, s14;
	s14 =	sadd.s32 s31, s14;
	s26 =	simm.s32 $0x4  }
.LBB2_4:
0x16: {  	[spmem:s2] =	stream.indirect.scatter.add.f32 [tilespmem:s17], [sflag:$0x4], $0x8, s24, s21, $0xb8;
	[tilespmem:$0x67C0] =	vst v63  }
0x17: {  	_ =	swait.ge [sflag:s25], $0x400  }
0x18: {  	[sflag:s25] =	ssyncset.done $0x0  }
0x19: {  	[sflag:s25] =	ssyncadd.s32 $0xFFFFFC00  }
0x1a: {  	_ =	swait.ge [sflag:s26], $0x400  }
0x1b: {  	s28 =	sadd.s32 $0x1, s28;
	[sflag:s26] =	ssyncset.done $0x0  }
0x1c: {  	p0 =	sne.s32 s28, s10;
	[sflag:s26] =	ssyncadd.s32 $0xFFFFFC00  }
.Ltmp1:
0x1d: {  	[bflag:$0x0] =	sbarrier.arrive $0xFFFF;
	(pc) =	sbr.rel @!p0 .LBB2_5-.Ltmp1, $4  }
0x1e: {  	[hbm:s9], [sflag:s7] =	dma.local [spmem:s15], $0xC38  }
0x1f: {  	_ =	swait.ge [sflag:s16], $0xC38  }
0x20: {  	[sflag:s16] =	ssyncset.done $0x0  }
0x21: {  	[sflag:s16] =	ssyncadd.s32 $0xFFFFF3C8  }
.LBB2_1:
0x22: {  	[spmem:s15], [sflag:s7] =	dma.local [hbm:s5], $0xC38  }
0x23: {  	_ =	swait.ge [sflag:s16], $0xC38  }
0x24: {  	[sflag:s16] =	ssyncset.done $0x0  }
0x25: {  	[sflag:s16] =	ssyncadd.s32 $0xFFFFF3C8  }
0x26: {  	[tilespmem:s17], [sflag:$0x5] =	stream.linear.gather [hbm4b:s4+s3], $0x400, $0x38;
	[tilespmem:$0x67C0] =	vst v63  }
0x27: {  	_ =	swait.ge [sflag:s16], $0x400  }
0x28: {  	[sflag:s16] =	ssyncset.done $0x0  }
0x29: {  	[sflag:s16] =	ssyncadd.s32 $0xFFFFFC00  }
0x2a: {  	[bflag:$0x0] =	sbarrier.arrive $0xFFFF  }
0x2b: {  	[tilespmem:s18], [sflag:$0x1] =	stream.linear.gather [hbm4b:s6+s3], $0x80, $0x38;
	[tilespmem:$0x67C0] =	vst v63  }
0x2c: {  	_ = 	snop  }
0x2d: {  	[tilespmem:s19], [sflag:$0x2] =	stream.linear.gather [hbm4b:s8+s3], $0x80, $0x38;
	[tilespmem:$0x67C0] =	vst v63  }
0x2e: {  	_ =	swait.ge [sflag:s20], $0x80  }
0x2f: {  	[sflag:s20] =	ssyncset.done $0x0  }
0x30: {  	[sflag:s20] =	ssyncadd.s32 $0xFFFFFF80  }
0x31: {  	v0 =	vld [tilespmem:$0x61C0]  }
0x32: {  	v1 =	vld [tilespmem:$0x61D0]  }
0x33: {  	v2 =	vld [tilespmem:$0x61E0]  }
0x34: {  	v3 =	vld [tilespmem:$0x61F0]  }
0x35: {  	v4 =	vld [tilespmem:$0x6200]  }
0x36: {  	v53 =	vld [tilespmem:$0x6210];
	[tilespmem:$0x62C0] =	vst v0  }
0x37: {  	v54 =	vld [tilespmem:$0x6220];
	[tilespmem:$0x62D0] =	vst v1  }
0x38: {  	v55 =	vld [tilespmem:$0x6230];
	[tilespmem:$0x62E0] =	vst v2  }
0x39: {  	[tilespmem:$0x62F0] =	vst v3  }
0x3a: {  	[tilespmem:$0x6300] =	vst v4  }
0x3b: {  	[tilespmem:$0x6310] =	vst v53  }
0x3c: {  	[tilespmem:$0x6320] =	vst v54  }
0x3d: {  	[tilespmem:$0x6330] =	vst v55  }
0x3e: {  	[tilespmem:s18], [sflag:$0x1] =	stream.linear.gather [hbm4b:s11+s3], $0x80, $0x38;
	[tilespmem:$0x67C0] =	vst v63  }
0x3f: {  	_ = 	snop  }
0x40: {  	[spmem:s2] =	stream.indirect.scatter.add.f32 [tilespmem:s17], [sflag:$0x3], $0x8, s22, s21, $0xb8;
	[tilespmem:$0x67C0] =	vst v63  }
0x41: {  	_ =	swait.ge [sflag:s23], $0x80  }
0x42: {  	[sflag:s23] =	ssyncset.done $0x0  }
0x43: {  	[sflag:s23] =	ssyncadd.s32 $0xFFFFFF80  }
0x44: {  	v56 =	vld [tilespmem:$0x6240]  }
0x45: {  	v57 =	vld [tilespmem:$0x6250]  }
0x46: {  	v58 =	vld [tilespmem:$0x6260]  }
0x47: {  	v59 =	vld [tilespmem:$0x6270]  }
0x48: {  	v60 =	vld [tilespmem:$0x6280]  }
0x49: {  	v61 =	vld [tilespmem:$0x6290];
	[tilespmem:$0x6340] =	vst v56  }
0x4a: {  	v62 =	vld [tilespmem:$0x62A0];
	[tilespmem:$0x6350] =	vst v57  }
0x4b: {  	v63 =	vld [tilespmem:$0x62B0];
	[tilespmem:$0x6360] =	vst v58  }
0x4c: {  	[tilespmem:$0x6370] =	vst v59  }
0x4d: {  	[tilespmem:$0x6380] =	vst v60  }
0x4e: {  	[tilespmem:$0x6390] =	vst v61  }
0x4f: {  	[tilespmem:$0x63A0] =	vst v62  }
0x50: {  	[tilespmem:$0x63B0] =	vst v63  }
0x51: {  	[tilespmem:s19], [sflag:$0x2] =	stream.linear.gather [hbm4b:s12+s3], $0x80, $0x38;
	[tilespmem:$0x67C0] =	vst v63  }
0x52: {  	s29 =	simm.s32 $0x0  }
0x53: {  	[spmem:s2] =	stream.indirect.scatter.add.f32 [tilespmem:s17], [sflag:$0x4], $0x8, s24, s21, $0xb8;
	[tilespmem:$0x67C0] =	vst v63  }
.LBB2_2:
0x54: {  	_ =	swait.ge [sflag:s25], $0x400  }
0x55: {  	[sflag:s25] =	ssyncset.done $0x0  }
0x56: {  	[sflag:s25] =	ssyncadd.s32 $0xFFFFFC00  }
0x57: {  	_ =	swait.ge [sflag:s20], $0x80  }
0x58: {  	[sflag:s20] =	ssyncset.done $0x0  }
0x59: {  	[sflag:s20] =	ssyncadd.s32 $0xFFFFFF80  }
0x5a: {  	v0 =	vld [tilespmem:$0x61C0]  }
0x5b: {  	v1 =	vld [tilespmem:$0x61D0]  }
0x5c: {  	v2 =	vld [tilespmem:$0x61E0]  }
0x5d: {  	v3 =	vld [tilespmem:$0x61F0]  }
0x5e: {  	v4 =	vld [tilespmem:$0x6200]  }
0x5f: {  	v53 =	vld [tilespmem:$0x6210];
	[tilespmem:$0x62C0] =	vst v0  }
0x60: {  	v54 =	vld [tilespmem:$0x6220];
	[tilespmem:$0x62D0] =	vst v1  }
0x61: {  	v55 =	vld [tilespmem:$0x6230];
	[tilespmem:$0x62E0] =	vst v2  }
0x62: {  	[tilespmem:$0x62F0] =	vst v3  }
0x63: {  	[tilespmem:$0x6300] =	vst v4  }
0x64: {  	[tilespmem:$0x6310] =	vst v53  }
0x65: {  	p0 =	seq.s32 s29, $0xC00;
	[tilespmem:$0x6320] =	vst v54  }
0x66: {  	s30 =	sadd.s32 @!p0 s29, s14;
	s31 =	simm.s32 @!p0 $0x0;
	s0 =	simm.s32 @!p0 $0x61C0;
	[tilespmem:$0x6330] =	vst v55  }
0x67: {  	[tilespmem:s0], [sflag:$0x1] =	stream.linear.gather @!p0 [hbm4b:s30+s31], $0x80, $0x38;
	[tilespmem:$0x67C0] =	vst v63  }
0x68: {  	_ = 	snop  }
0x69: {  	[spmem:s2] =	stream.indirect.scatter.add.f32 [tilespmem:s17], [sflag:$0x3], $0x8, s22, s21, $0xb8;
	[tilespmem:$0x67C0] =	vst v63  }
0x6a: {  	_ =	swait.ge [sflag:s26], $0x400  }
0x6b: {  	[sflag:s26] =	ssyncset.done $0x0  }
0x6c: {  	[sflag:s26] =	ssyncadd.s32 $0xFFFFFC00  }
0x6d: {  	_ =	swait.ge [sflag:s23], $0x80  }
0x6e: {  	[sflag:s23] =	ssyncset.done $0x0  }
0x6f: {  	[sflag:s23] =	ssyncadd.s32 $0xFFFFFF80  }
0x70: {  	v56 =	vld [tilespmem:$0x6240]  }
0x71: {  	v57 =	vld [tilespmem:$0x6250]  }
0x72: {  	v58 =	vld [tilespmem:$0x6260]  }
0x73: {  	v59 =	vld [tilespmem:$0x6270]  }
0x74: {  	v60 =	vld [tilespmem:$0x6280]  }
0x75: {  	v61 =	vld [tilespmem:$0x6290];
	[tilespmem:$0x6340] =	vst v56  }
0x76: {  	v62 =	vld [tilespmem:$0x62A0];
	[tilespmem:$0x6350] =	vst v57  }
0x77: {  	v63 =	vld [tilespmem:$0x62B0];
	[tilespmem:$0x6360] =	vst v58  }
.Ltmp2:
0x78: {  	[tilespmem:$0x6370] =	vst v59;
	(pc) =	sbr.rel @p0 .LBB2_4-.Ltmp2, $4  }
0x79: {  	[tilespmem:$0x6380] =	vst v60  }
0x7a: {  	[tilespmem:$0x6390] =	vst v61  }
0x7b: {  	[tilespmem:$0x63A0] =	vst v62  }
0x7c: {  	[tilespmem:$0x63B0] =	vst v63  }
.Ltmp3:
0x7d: {  	(pc) =	sbr.rel .LBB2_2-.Ltmp3, $4  }
0x7e: {  	s0 =	sadd.s32 s29, s13  }
0x7f: {  	[tilespmem:s19], [sflag:$0x2] =	stream.linear.gather [hbm4b:s0+s3], $0x80, $0x38;
	[tilespmem:$0x67C0] =	vst v63  }
0x80: {  	s29 =	sadd.s32 $0x20, s29  }
0x81: {  	[spmem:s2] =	stream.indirect.scatter.add.f32 [tilespmem:s17], [sflag:$0x4], $0x8, s24, s21, $0xb8;
	[tilespmem:$0x67C0] =	vst v63  }
.LBB2_5:
0x82: {  	_ =	sfence.sel $0x180000  }
0x83: {  	[bflag:$0x0] =	sbarrier.arrive $0xFFFF  }
0x84: {  	_ =	strace $0x9000004A  }
0x85: {  	[bflag:$0x2] =	sbarrier.arrive $0xFFFF  }
0x86: {  	p0 =	sne.s32 s1, $0x0;
	s0 =	rddreg [dreg:$0x2]  }
0x87: {  	s0 =	sadd.s32 @!p0 $0x100000, s0  }
0x88: {  	[sflag:s0] =	ssyncadd.tile.s32 @!p0 $0x1;
	_ =	shalt  }
.Lfunc_end2:
_tile_overlayer_lowered:
.L_overlay_start_2:
0x89: {  	(tag) =	ssettag $0x2  }
0x8a: {  	s0 =	rddreg [dreg:$0x0];
	s2 =	stileid.u32  }
0x8b: {  	s1 =	rddreg [dreg:$0x1];
	p0 =	sne.s32 s2, $0x0  }
0x8c: {  	s3 =	rddreg [dreg:$0x2];
	[bflag:$0x3] =	sbarrier.arrive $0xFFFF;
	s2 =	simm.s32 @!p0 $0x1C05  }
0x8d: {  	[timem:s3], [sflag:s2] =	dma.local @!p0 [hbm:s0], s1  }
0x8e: {  	s0 =	simm.s32 @!p0 $0x5  }
0x8f: {  	_ =	swait.ge @!p0 [sflag:s0], s1  }
0x90: {  	s1 =	ssub.s32 @!p0 $0x0, s1;
	[sflag:s0] =	ssyncset.done @!p0 $0x0  }
0x91: {  	[sflag:s0] =	ssyncadd.s32 @!p0 s1  }
0x92: {  	[bflag:$0x3] =	sbarrier.arrive $0xFFFF  }
0x93: {  	_ =	shalt  }

</sc_bundles>
